<compile_context>
chip_gen: v7x
topology: tpu7x:2x2x1
jax: 0.10.2.dev20260603
libtpu: 0.0.44.dev20260713+nightly
codegen_flags: <defaults>
</compile_context>

<pallas_src>
import functools

import jax
import jax.numpy as jnp
from jax import lax
from jax.experimental import pallas as pl
from jax.experimental.pallas import tpu as pltpu
from jax.experimental.pallas import tpu_sc as plsc

_B = 16384
_D = 64
_U = 100000
_NC = 2
_NS = 16
_NW = _NC * _NS
_CPT = _D // _NW
_OCH = 2048


def _sc_gather_cols(uidx, iidx, tu_mlp, tu_mf, tu_v, tu_at, ti_mlp, ti_mf):
    mesh = plsc.VectorSubcoreMesh(core_axis_name="c", subcore_axis_name="s")
    out_sds = [jax.ShapeDtypeStruct((_D, _B), jnp.float32)] * 6

    @functools.partial(
        pl.kernel,
        mesh=mesh,
        out_type=out_sds,
        compiler_params=pltpu.CompilerParams(needs_layout_passes=False),
        scratch_types=[
            pltpu.VMEM((_B,), jnp.int32),
            pltpu.VMEM((_U,), jnp.float32),
            pltpu.VMEM((_OCH,), jnp.float32),
            pltpu.VMEM((_OCH,), jnp.float32),
            pltpu.SemaphoreType.DMA,
            pltpu.SemaphoreType.DMA,
            pltpu.SemaphoreType.DMA,
        ],
    )
    def k(uidx_hbm, iidx_hbm, umlp, umf, uv, uat, imlp, imf,
          o_umlp, o_umf, o_uv, o_uat, o_imlp, o_imf,
          idx_v, col_v, out_v0, out_v1, sem0, sem1, sem_c):
        wid = lax.axis_index("s") * _NC + lax.axis_index("c")
        obufs = ((out_v0, sem0), (out_v1, sem1))

        def gather_column(tbl, out, f):
            def pair(it, _):
                for b in range(2):
                    c = it * 2 + b
                    ov, sem = obufs[b]

                    @pl.when(it > 0)
                    def _():
                        pltpu.make_async_copy(
                            ov, out.at[f, pl.ds(0, _OCH)], sem).wait()

                    def grp(g, _):
                        base = g * _L4
                        for u in range(_L4 // 16):
                            idxv = idx_v[pl.ds(c * _OCH + base + u * 16, 16)]
                            ov[pl.ds(base + u * 16, 16)] = (
                                plsc.load_gather(col_v, [idxv]))
                        return 0
                    lax.fori_loop(0, _OCH // _L4, grp, 0, unroll=False)
                    pltpu.async_copy(ov, out.at[f, pl.ds(c * _OCH, _OCH)], sem)
                return 0
            lax.fori_loop(0, _B // (2 * _OCH), pair, 0, unroll=False)

        _L4 = 128

        jobs = []
        for tbl, out, phase in ((umlp, o_umlp, 0), (umf, o_umf, 0),
                                (uv, o_uv, 0), (uat, o_uat, 0),
                                (imlp, o_imlp, 1), (imf, o_imf, 1)):
            for kk in range(_CPT):
                jobs.append((tbl, out, kk, phase))

        pltpu.sync_copy(uidx_hbm, idx_v)
        csem = sem_c
        hs = pltpu.async_copy(jobs[0][0].at[wid * _CPT + jobs[0][2]],
                              col_v, csem)
        prev = None
        cur_phase = 0
        for t, (tbl, out, kk, phase) in enumerate(jobs):
            f = wid * _CPT + kk
            if phase != cur_phase:
                pltpu.sync_copy(iidx_hbm, idx_v)
                cur_phase = phase
            hs.wait()
            if prev is not None:
                pout, pf = prev
                for b in range(2):
                    ov, sem = obufs[b]
                    pltpu.make_async_copy(
                        ov, pout.at[pf, pl.ds(0, _OCH)], sem).wait()
            gather_column(tbl, out, f)
            if t + 1 < len(jobs):
                ntbl, _, nkk, _ = jobs[t + 1]
                hs = pltpu.async_copy(ntbl.at[wid * _CPT + nkk], col_v, csem)
            prev = (out, f)
        pout, pf = prev
        for b in range(2):
            ov, sem = obufs[b]
            pltpu.make_async_copy(ov, pout.at[pf, pl.ds(0, _OCH)], sem).wait()

    return k(uidx, iidx, tu_mlp, tu_mf, tu_v, tu_at, ti_mlp, ti_mf)


def _dgT(w, x):
    return lax.dot_general(w, x, (((0,), (0,)), ((), ())),
                           preferred_element_type=jnp.float32)


def _tc_poster_body(poster_ref, feW0_ref, feb0_ref, feW1_ref, feb1_ref,
                    pe_ref):
    f32 = jnp.float32
    h = jnp.maximum(
        lax.dot_general(feW0_ref[...], poster_ref[...],
                        (((0,), (1,)), ((), ())),
                        preferred_element_type=f32) + feb0_ref[...], 0.0)
    pe_ref[...] = _dgT(feW1_ref[...], h) + feb1_ref[...]


def _tc_poster(poster, feW0, feb0, feW1, feb1, bm=1024):
    return pl.pallas_call(
        _tc_poster_body,
        grid=(_B // bm,),
        in_specs=[
            pl.BlockSpec((bm, 2048), lambda i: (i, 0)),
            pl.BlockSpec(feW0.shape, lambda i: (0, 0)),
            pl.BlockSpec(feb0.shape, lambda i: (0, 0)),
            pl.BlockSpec(feW1.shape, lambda i: (0, 0)),
            pl.BlockSpec(feb1.shape, lambda i: (0, 0)),
        ],
        out_specs=pl.BlockSpec((_D, bm), lambda i: (0, i)),
        out_shape=jax.ShapeDtypeStruct((_D, _B), jnp.float32),
    )(poster, feW0, feb0, feW1, feb1)


def _tc_body(pe_ref, guml_ref, gumf_ref, guv_ref, guat_ref,
             giml_ref, gimf_ref,
             fcW0_ref, fcb0_ref, fcW1_ref, fcb1_ref,
             fvW0_ref, fvb0_ref, fvW1_ref, fvb1_ref,
             atW_ref, atb_ref, afW_ref, afb_ref, out_ref):
    f32 = jnp.float32
    pe_t = pe_ref[...]
    mlp_in = jnp.concatenate([guml_ref[...], giml_ref[...]], axis=0)
    mlp = jnp.maximum(_dgT(fcW0_ref[...], mlp_in) + fcb0_ref[...], 0.0)
    mlp = jnp.maximum(_dgT(fcW1_ref[...], mlp) + fcb1_ref[...], 0.0)

    v_in = jnp.concatenate([guv_ref[...], pe_t], axis=0)
    vv = jnp.maximum(_dgT(fvW0_ref[...], v_in) + fvb0_ref[...], 0.0)
    vv = jnp.maximum(_dgT(fvW1_ref[...], vv) + fvb1_ref[...], 0.0)

    att = jax.nn.sigmoid(
        _dgT(atW_ref[...], jnp.maximum(guat_ref[...], 0.0)) + atb_ref[...])

    mf = gumf_ref[...] * gimf_ref[...]
    vec = jnp.concatenate(
        [mlp * att[0:1, :], mf * att[1:2, :], vv * att[2:3, :]], axis=0)
    out_ref[...] = jax.nn.sigmoid(_dgT(afW_ref[...], vec) + afb_ref[...])


def _tc_dense(pe, guml, gumf, guv, guat, giml, gimf,
              fcW0, fcb0, fcW1, fcb1,
              fvW0, fvb0, fvW1, fvb1, atW, atb, afW, afb, bm=2048):
    grid = (_B // bm,)

    def col_spec(rows):
        return pl.BlockSpec((rows, bm), lambda i: (0, i))

    def full_spec(shape):
        return pl.BlockSpec(shape, lambda i: tuple(0 for _ in shape))

    in_specs = [
        col_spec(_D),
        col_spec(_D), col_spec(_D), col_spec(_D),
        col_spec(_D), col_spec(_D), col_spec(_D),
        full_spec(fcW0.shape), full_spec(fcb0.shape),
        full_spec(fcW1.shape), full_spec(fcb1.shape),
        full_spec(fvW0.shape), full_spec(fvb0.shape),
        full_spec(fvW1.shape), full_spec(fvb1.shape),
        full_spec(atW.shape), full_spec(atb.shape),
        full_spec(afW.shape), full_spec(afb.shape),
    ]
    return pl.pallas_call(
        _tc_body,
        grid=grid,
        in_specs=in_specs,
        out_specs=pl.BlockSpec((1, bm), lambda i: (0, i)),
        out_shape=jax.ShapeDtypeStruct((1, _B), jnp.float32),
    )(pe, guml, gumf, guv, guat, giml, gimf,
      fcW0, fcb0, fcW1, fcb1,
      fvW0, fvb0, fvW1, fvb1, atW, atb, afW, afb)


def kernel(user_indices, item_indices, poster_embeddings,
           emb_user_mlp, emb_item_mlp, emb_user_mf, emb_item_mf,
           emb_user_v, emb_atten,
           fe_W0, fe_b0, fe_W1, fe_b1, fc_W0, fc_b0, fc_W1, fc_b1,
           fv_W0, fv_b0, fv_W1, fv_b1, at_W, at_b, af_W, af_b):
    guml, gumf, guv, guat, giml, gimf = _sc_gather_cols(
        user_indices, item_indices,
        emb_user_mlp.T, emb_user_mf.T, emb_user_v.T, emb_atten.T,
        emb_item_mlp.T, emb_item_mf.T)
    pe = _tc_poster(poster_embeddings, fe_W0, fe_b0.reshape(-1, 1),
                    fe_W1, fe_b1.reshape(-1, 1))
    out_t = _tc_dense(
        pe, guml, gumf, guv, guat, giml, gimf,
        fc_W0, fc_b0.reshape(-1, 1), fc_W1, fc_b1.reshape(-1, 1),
        fv_W0, fv_b0.reshape(-1, 1), fv_W1, fv_b1.reshape(-1, 1),
        at_W, at_b.reshape(-1, 1), af_W, af_b.reshape(-1, 1))
    return out_t.reshape(_B, 1)

# --- scband reference (transcript-rebuilt; emitter-appended) ---
"""Pipeline reference for scband-vneu-mf-32246614458414 (READ-ONLY COPY).

The authoritative reference and input builder live on the scoring server;
editing this copy changes nothing except your own understanding.
"""

import jax, jax.numpy as jnp
import numpy as np

U = 100000
I_ = 100000
B = 16384

def setup_inputs(seed: int = 0):
    key = jax.random.key(seed)
    ks = jax.random.split(key, 32)
    def p(i, shape):
        return jax.random.normal(ks[i], shape, dtype=jnp.float32) * 0.02
    inp = {}
    inp["user_indices"] = jax.random.randint(ks[0], (B,), 0, U, dtype=jnp.int32)
    inp["item_indices"] = jax.random.randint(ks[1], (B,), 0, I_, dtype=jnp.int32)
    inp["poster_embeddings"] = jax.random.normal(ks[2], (B, 2048), dtype=jnp.float32)
    inp["emb_user_mlp"] = p(3, (U, 64))
    inp["emb_item_mlp"] = p(4, (I_, 64))
    inp["emb_user_mf"] = p(5, (U, 64))
    inp["emb_item_mf"] = p(6, (I_, 64))
    inp["emb_user_v"] = p(7, (U, 64))
    inp["emb_atten"] = p(8, (U, 64))
    inp["fe_W0"] = p(9, (2048, 512)); inp["fe_b0"] = p(10, (512,))
    inp["fe_W1"] = p(11, (512, 64)); inp["fe_b1"] = p(12, (64,))
    inp["fc_W0"] = p(13, (128, 64)); inp["fc_b0"] = p(14, (64,))
    inp["fc_W1"] = p(15, (64, 32)); inp["fc_b1"] = p(16, (32,))
    inp["fv_W0"] = p(17, (128, 64)); inp["fv_b0"] = p(18, (64,))
    inp["fv_W1"] = p(19, (64, 32)); inp["fv_b1"] = p(20, (32,))
    inp["at_W"] = p(21, (64, 3)); inp["at_b"] = p(22, (3,))
    inp["af_W"] = p(23, (128, 1)); inp["af_b"] = p(24, (1,))
    return inp

def reference(user_indices, item_indices, poster_embeddings, emb_user_mlp, emb_item_mlp, emb_user_mf, emb_item_mf, emb_user_v, emb_atten, fe_W0, fe_b0, fe_W1, fe_b1, fc_W0, fc_b0, fc_W1, fc_b1, fv_W0, fv_b0, fv_W1, fv_b1, at_W, at_b, af_W, af_b):
    ue_mf = jnp.take(emb_user_mf, user_indices, axis=0)
    ie_mf = jnp.take(emb_item_mf, item_indices, axis=0)
    ue_mlp = jnp.take(emb_user_mlp, user_indices, axis=0)
    ie_mlp = jnp.take(emb_item_mlp, item_indices, axis=0)
    ue_v = jnp.take(emb_user_v, user_indices, axis=0)
    pe = jax.nn.relu(poster_embeddings @ fe_W0 + fe_b0)
    pe = pe @ fe_W1 + fe_b1
    mf_vec = ue_mf * ie_mf
    mlp_vec = jnp.concatenate([ue_mlp, ie_mlp], axis=-1)
    mlp_vec = jax.nn.relu(mlp_vec @ fc_W0 + fc_b0)
    mlp_vec = jax.nn.relu(mlp_vec @ fc_W1 + fc_b1)
    v_vec = jnp.concatenate([ue_v, pe], axis=-1)
    v_vec = jax.nn.relu(v_vec @ fv_W0 + fv_b0)
    v_vec = jax.nn.relu(v_vec @ fv_W1 + fv_b1)
    att = jax.nn.sigmoid(jax.nn.relu(jnp.take(emb_atten, user_indices, axis=0)) @ at_W + at_b)
    mlp_vec = mlp_vec * att[:, 0:1]
    mf_vec = mf_vec * att[:, 1:2]
    v_vec = v_vec * att[:, 2:3]
    vec = jnp.concatenate([mlp_vec, mf_vec, v_vec], axis=-1)
    return jax.nn.sigmoid(vec @ af_W + af_b)

if __name__ == "__main__":
    import jax
    _d = setup_inputs()
    print(jax.jit(kernel)(*tuple(_d.values())))

</pallas_src>

<mosaic_0001>
#map = affine_map<(d0, d1) -> (0)>
#map1 = affine_map<(d0, d1) -> (0, 0)>
module attributes {stable_mosaic.version = 14 : i64} {
  func.func @k(%arg0: i32, %arg1: i32, %arg2: memref<16384xi32, #tpu.memory_space<hbm>>, %arg3: memref<16384xi32, #tpu.memory_space<hbm>>, %arg4: memref<64x100000xf32, #tpu.memory_space<hbm>>, %arg5: memref<64x100000xf32, #tpu.memory_space<hbm>>, %arg6: memref<64x100000xf32, #tpu.memory_space<hbm>>, %arg7: memref<64x100000xf32, #tpu.memory_space<hbm>>, %arg8: memref<64x100000xf32, #tpu.memory_space<hbm>>, %arg9: memref<64x100000xf32, #tpu.memory_space<hbm>>, %arg10: memref<64x16384xf32, #tpu.memory_space<hbm>>, %arg11: memref<64x16384xf32, #tpu.memory_space<hbm>>, %arg12: memref<64x16384xf32, #tpu.memory_space<hbm>>, %arg13: memref<64x16384xf32, #tpu.memory_space<hbm>>, %arg14: memref<64x16384xf32, #tpu.memory_space<hbm>>, %arg15: memref<64x16384xf32, #tpu.memory_space<hbm>>, %arg16: memref<16384xi32, #tpu.memory_space<vmem>>, %arg17: memref<100000xf32, #tpu.memory_space<vmem>>, %arg18: memref<2048xf32, #tpu.memory_space<vmem>>, %arg19: memref<2048xf32, #tpu.memory_space<vmem>>, %arg20: memref<!tpu.dma_semaphore, #tpu.memory_space<semaphore_mem>>, %arg21: memref<!tpu.dma_semaphore, #tpu.memory_space<semaphore_mem>>, %arg22: memref<!tpu.dma_semaphore, #tpu.memory_space<semaphore_mem>>) attributes {dimension_semantics = [#tpu.dimension_semantics<core_parallel>, #tpu.dimension_semantics<subcore_parallel>], iteration_bounds = array<i64: 2, 16>, scalar_prefetch = 0 : i64, scratch_operands = 7 : i64, tpu.core_type = #tpu.core_type<sc_vector_subcore>, window_params = [{transform_indices = #map}, {transform_indices = #map}, {transform_indices = #map1}, {transform_indices = #map1}, {transform_indices = #map1}, {transform_indices = #map1}, {transform_indices = #map1}, {transform_indices = #map1}, {transform_indices = #map1}, {transform_indices = #map1}, {transform_indices = #map1}, {transform_indices = #map1}, {transform_indices = #map1}, {transform_indices = #map1}]} {
    %mul3A = arith.constant 2 : i32
    %mul3A_0 = arith.muli %arg1, %mul3A : i32
    %add3A = arith.addi %mul3A_0, %arg0 : i32
    "tpu.region"() ({
      %run_scoped3A = tpu.sem_alloc : memref<!tpu.dma_semaphore, #tpu.memory_space<semaphore_mem>>
      tpu.enqueue_dma source(%arg2 : memref<16384xi32, #tpu.memory_space<hbm>>) target(%arg16 : memref<16384xi32, #tpu.memory_space<vmem>>) target_semaphore(%run_scoped3A : memref<!tpu.dma_semaphore, #tpu.memory_space<semaphore_mem>>)
      tpu.wait_dma2 semaphore(%run_scoped3A : memref<!tpu.dma_semaphore, #tpu.memory_space<semaphore_mem>>) src(%arg2 : memref<16384xi32, #tpu.memory_space<hbm>>) dst(%arg16 : memref<16384xi32, #tpu.memory_space<vmem>>)
      tpu.yield
    }) : () -> ()
    %mul3A_1 = arith.constant 2 : i32
    %mul3A_2 = arith.muli %add3A, %mul3A_1 : i32
    %add3A_3 = arith.constant 0 : i32
    %add3A_4 = arith.addi %mul3A_2, %add3A_3 : i32
    %dma_start3A = arith.constant 0 : i32
    %dma_start3A_5 = tpu.memref_slice %arg4[%add3A_4, %dma_start3A] : memref<64x100000xf32, #tpu.memory_space<hbm>> -> memref<1x100000xf32, #tpu.memory_space<hbm>>
    %dma_start3A_6 = tpu.memref_squeeze %dma_start3A_5 : memref<1x100000xf32, #tpu.memory_space<hbm>> -> memref<100000xf32, #tpu.memory_space<hbm>>
    %dma_start3A_7 = arith.constant 0 : i32
    %dma_start3A_8 = tpu.memref_slice %arg4[%add3A_4, %dma_start3A_7] : memref<64x100000xf32, #tpu.memory_space<hbm>> -> memref<1x100000xf32, #tpu.memory_space<hbm>>
    %dma_start3A_9 = tpu.memref_squeeze %dma_start3A_8 : memref<1x100000xf32, #tpu.memory_space<hbm>> -> memref<100000xf32, #tpu.memory_space<hbm>>
    tpu.enqueue_dma source(%dma_start3A_9 : memref<100000xf32, #tpu.memory_space<hbm>>) target(%arg17 : memref<100000xf32, #tpu.memory_space<vmem>>) target_semaphore(%arg22 : memref<!tpu.dma_semaphore, #tpu.memory_space<semaphore_mem>>)
    %mul3A_10 = arith.constant 2 : i32
    %mul3A_11 = arith.muli %add3A, %mul3A_10 : i32
    %add3A_12 = arith.constant 0 : i32
    %add3A_13 = arith.addi %mul3A_11, %add3A_12 : i32
    %dma_wait3A = arith.constant 0 : i32
    %dma_wait3A_14 = tpu.memref_slice %arg4[%add3A_4, %dma_wait3A] : memref<64x100000xf32, #tpu.memory_space<hbm>> -> memref<1x100000xf32, #tpu.memory_space<hbm>>
    %dma_wait3A_15 = tpu.memref_squeeze %dma_wait3A_14 : memref<1x100000xf32, #tpu.memory_space<hbm>> -> memref<100000xf32, #tpu.memory_space<hbm>>
    %dma_wait3A_16 = arith.constant 0 : i32
    %dma_wait3A_17 = tpu.memref_slice %arg4[%add3A_4, %dma_wait3A_16] : memref<64x100000xf32, #tpu.memory_space<hbm>> -> memref<1x100000xf32, #tpu.memory_space<hbm>>
    %dma_wait3A_18 = tpu.memref_squeeze %dma_wait3A_17 : memref<1x100000xf32, #tpu.memory_space<hbm>> -> memref<100000xf32, #tpu.memory_space<hbm>>
    tpu.wait_dma2 semaphore(%arg22 : memref<!tpu.dma_semaphore, #tpu.memory_space<semaphore_mem>>) src(%dma_wait3A_18 : memref<100000xf32, #tpu.memory_space<hbm>>) dst(%arg17 : memref<100000xf32, #tpu.memory_space<vmem>>)
    %scan3A = arith.constant 0 : i32
    %scan3A_19 = arith.constant 0 : i32
    %scan3A_20 = arith.constant 4 : i32
    %scan3A_21 = arith.addi %scan3A_19, %scan3A_20 : i32
    %scan3A_22 = arith.constant 1 : i32
    %scan3A_23 = scf.for %scan3A_466 = %scan3A_19 to %scan3A_21 step %scan3A_22 iter_args(%scan3A_467 = %scan3A) -> (i32)  : i32 {
      %mul3A_468 = arith.constant 2 : i32
      %mul3A_469 = arith.muli %scan3A_466, %mul3A_468 : i32
      %add3A_470 = arith.constant 0 : i32
      %add3A_471 = arith.addi %mul3A_469, %add3A_470 : i32
      %gt3A = arith.constant 0 : i32
      %gt3A_472 = arith.cmpi sgt, %scan3A_466, %gt3A : i32
      %convert_element_type3A = arith.extui %gt3A_472 : i1 to i32
      %cond3A = arith.constant 0 : i32
      %cond3A_473 = arith.cmpi ne, %convert_element_type3A, %cond3A : i32
      scf.if %cond3A_473 {
        %dma_wait3A_510 = arith.constant 0 : i32
        %dma_wait3A_511 = tpu.memref_slice %arg10[%add3A_13, %dma_wait3A_510] : memref<64x16384xf32, #tpu.memory_space<hbm>> -> memref<1x2048xf32, #tpu.memory_space<hbm>>
        %dma_wait3A_512 = tpu.memref_squeeze %dma_wait3A_511 : memref<1x2048xf32, #tpu.memory_space<hbm>> -> memref<2048xf32, #tpu.memory_space<hbm>>
        %dma_wait3A_513 = arith.constant 0 : i32
        %dma_wait3A_514 = tpu.memref_slice %arg10[%add3A_13, %dma_wait3A_513] : memref<64x16384xf32, #tpu.memory_space<hbm>> -> memref<1x2048xf32, #tpu.memory_space<hbm>>
        %dma_wait3A_515 = tpu.memref_squeeze %dma_wait3A_514 : memref<1x2048xf32, #tpu.memory_space<hbm>> -> memref<2048xf32, #tpu.memory_space<hbm>>
        tpu.wait_dma2 semaphore(%arg20 : memref<!tpu.dma_semaphore, #tpu.memory_space<semaphore_mem>>) src(%arg18 : memref<2048xf32, #tpu.memory_space<vmem>>) dst(%dma_wait3A_515 : memref<2048xf32, #tpu.memory_space<hbm>>)
      } else {
      }
      %scan3A_474 = arith.constant 0 : i32
      %scan3A_475 = arith.constant 0 : i32
      %scan3A_476 = arith.constant 16 : i32
      %scan3A_477 = arith.addi %scan3A_475, %scan3A_476 : i32
      %scan3A_478 = arith.constant 1 : i32
      %scan3A_479 = scf.for %scan3A_510 = %scan3A_475 to %scan3A_477 step %scan3A_478 iter_args(%scan3A_511 = %scan3A_474) -> (i32)  : i32 {
        %mul3A_512 = arith.constant 128 : i32
        %mul3A_513 = arith.muli %scan3A_510, %mul3A_512 : i32
        %mul3A_514 = arith.constant 2048 : i32
        %mul3A_515 = arith.muli %add3A_471, %mul3A_514 : i32
        %add3A_516 = arith.addi %mul3A_515, %mul3A_513 : i32
        %add3A_517 = arith.constant 0 : i32
        %add3A_518 = arith.addi %add3A_516, %add3A_517 : i32
        %get3A = arith.index_cast %add3A_518 : i32 to index
        %get3A_519 = tpu.vector_load %arg16[%get3A] {strides = array<i32>} : memref<16384xi32, #tpu.memory_space<vmem>>, vector<16xi32>,
        %gather3A = tpu.vector_load_idx %arg17[%get3A_519] : memref<100000xf32, #tpu.memory_space<vmem>>[vector<16xi32>], vector<16xf32>,
        %add3A_520 = arith.constant 0 : i32
        %add3A_521 = arith.addi %mul3A_513, %add3A_520 : i32
        %swap3A = arith.index_cast %add3A_521 : i32 to index
        %swap3A_522 = tpu.vector_load %arg18[%swap3A] {strides = array<i32>} : memref<2048xf32, #tpu.memory_space<vmem>>, vector<16xf32>,
        tpu.vector_store %arg18[%swap3A], %gather3A {strides = array<i32>} : memref<2048xf32, #tpu.memory_space<vmem>>, vector<16xf32>,
        %mul3A_523 = arith.constant 2048 : i32
        %mul3A_524 = arith.muli %add3A_471, %mul3A_523 : i32
        %add3A_525 = arith.addi %mul3A_524, %mul3A_513 : i32
        %add3A_526 = arith.constant 16 : i32
        %add3A_527 = arith.addi %add3A_525, %add3A_526 : i32
        %get3A_528 = arith.index_cast %add3A_527 : i32 to index
        %get3A_529 = tpu.vector_load %arg16[%get3A_528] {strides = array<i32>} : memref<16384xi32, #tpu.memory_space<vmem>>, vector<16xi32>,
        %gather3A_530 = tpu.vector_load_idx %arg17[%get3A_529] : memref<100000xf32, #tpu.memory_space<vmem>>[vector<16xi32>], vector<16xf32>,
        %add3A_531 = arith.constant 16 : i32
        %add3A_532 = arith.addi %mul3A_513, %add3A_531 : i32
        %swap3A_533 = arith.index_cast %add3A_532 : i32 to index
        %swap3A_534 = tpu.vector_load %arg18[%swap3A_533] {strides = array<i32>} : memref<2048xf32, #tpu.memory_space<vmem>>, vector<16xf32>,
        tpu.vector_store %arg18[%swap3A_533], %gather3A_530 {strides = array<i32>} : memref<2048xf32, #tpu.memory_space<vmem>>, vector<16xf32>,
        %mul3A_535 = arith.constant 2048 : i32
        %mul3A_536 = arith.muli %add3A_471, %mul3A_535 : i32
        %add3A_537 = arith.addi %mul3A_536, %mul3A_513 : i32
        %add3A_538 = arith.constant 32 : i32
        %add3A_539 = arith.addi %add3A_537, %add3A_538 : i32
        %get3A_540 = arith.index_cast %add3A_539 : i32 to index
        %get3A_541 = tpu.vector_load %arg16[%get3A_540] {strides = array<i32>} : memref<16384xi32, #tpu.memory_space<vmem>>, vector<16xi32>,
        %gather3A_542 = tpu.vector_load_idx %arg17[%get3A_541] : memref<100000xf32, #tpu.memory_space<vmem>>[vector<16xi32>], vector<16xf32>,
        %add3A_543 = arith.constant 32 : i32
        %add3A_544 = arith.addi %mul3A_513, %add3A_543 : i32
        %swap3A_545 = arith.index_cast %add3A_544 : i32 to index
        %swap3A_546 = tpu.vector_load %arg18[%swap3A_545] {strides = array<i32>} : memref<2048xf32, #tpu.memory_space<vmem>>, vector<16xf32>,
        tpu.vector_store %arg18[%swap3A_545], %gather3A_542 {strides = array<i32>} : memref<2048xf32, #tpu.memory_space<vmem>>, vector<16xf32>,
        %mul3A_547 = arith.constant 2048 : i32
        %mul3A_548 = arith.muli %add3A_471, %mul3A_547 : i32
        %add3A_549 = arith.addi %mul3A_548, %mul3A_513 : i32
        %add3A_550 = arith.constant 48 : i32
        %add3A_551 = arith.addi %add3A_549, %add3A_550 : i32
        %get3A_552 = arith.index_cast %add3A_551 : i32 to index
        %get3A_553 = tpu.vector_load %arg16[%get3A_552] {strides = array<i32>} : memref<16384xi32, #tpu.memory_space<vmem>>, vector<16xi32>,
        %gather3A_554 = tpu.vector_load_idx %arg17[%get3A_553] : memref<100000xf32, #tpu.memory_space<vmem>>[vector<16xi32>], vector<16xf32>,
        %add3A_555 = arith.constant 48 : i32
        %add3A_556 = arith.addi %mul3A_513, %add3A_555 : i32
        %swap3A_557 = arith.index_cast %add3A_556 : i32 to index
        %swap3A_558 = tpu.vector_load %arg18[%swap3A_557] {strides = array<i32>} : memref<2048xf32, #tpu.memory_space<vmem>>, vector<16xf32>,
        tpu.vector_store %arg18[%swap3A_557], %gather3A_554 {strides = array<i32>} : memref<2048xf32, #tpu.memory_space<vmem>>, vector<16xf32>,
        %mul3A_559 = arith.constant 2048 : i32
        %mul3A_560 = arith.muli %add3A_471, %mul3A_559 : i32
        %add3A_561 = arith.addi %mul3A_560, %mul3A_513 : i32
        %add3A_562 = arith.constant 64 : i32
        %add3A_563 = arith.addi %add3A_561, %add3A_562 : i32
        %get3A_564 = arith.index_cast %add3A_563 : i32 to index
        %get3A_565 = tpu.vector_load %arg16[%get3A_564] {strides = array<i32>} : memref<16384xi32, #tpu.memory_space<vmem>>, vector<16xi32>,
        %gather3A_566 = tpu.vector_load_idx %arg17[%get3A_565] : memref<100000xf32, #tpu.memory_space<vmem>>[vector<16xi32>], vector<16xf32>,
        %add3A_567 = arith.constant 64 : i32
        %add3A_568 = arith.addi %mul3A_513, %add3A_567 : i32
        %swap3A_569 = arith.index_cast %add3A_568 : i32 to index
        %swap3A_570 = tpu.vector_load %arg18[%swap3A_569] {strides = array<i32>} : memref<2048xf32, #tpu.memory_space<vmem>>, vector<16xf32>,
        tpu.vector_store %arg18[%swap3A_569], %gather3A_566 {strides = array<i32>} : memref<2048xf32, #tpu.memory_space<vmem>>, vector<16xf32>,
        %mul3A_571 = arith.constant 2048 : i32
        %mul3A_572 = arith.muli %add3A_471, %mul3A_571 : i32
        %add3A_573 = arith.addi %mul3A_572, %mul3A_513 : i32
        %add3A_574 = arith.constant 80 : i32
        %add3A_575 = arith.addi %add3A_573, %add3A_574 : i32
        %get3A_576 = arith.index_cast %add3A_575 : i32 to index
        %get3A_577 = tpu.vector_load %arg16[%get3A_576] {strides = array<i32>} : memref<16384xi32, #tpu.memory_space<vmem>>, vector<16xi32>,
        %gather3A_578 = tpu.vector_load_idx %arg17[%get3A_577] : memref<100000xf32, #tpu.memory_space<vmem>>[vector<16xi32>], vector<16xf32>,
        %add3A_579 = arith.constant 80 : i32
        %add3A_580 = arith.addi %mul3A_513, %add3A_579 : i32
        %swap3A_581 = arith.index_cast %add3A_580 : i32 to index
        %swap3A_582 = tpu.vector_load %arg18[%swap3A_581] {strides = array<i32>} : memref<2048xf32, #tpu.memory_space<vmem>>, vector<16xf32>,
        tpu.vector_store %arg18[%swap3A_581], %gather3A_578 {strides = array<i32>} : memref<2048xf32, #tpu.memory_space<vmem>>, vector<16xf32>,
        %mul3A_583 = arith.constant 2048 : i32
        %mul3A_584 = arith.muli %add3A_471, %mul3A_583 : i32
        %add3A_585 = arith.addi %mul3A_584, %mul3A_513 : i32
        %add3A_586 = arith.constant 96 : i32
        %add3A_587 = arith.addi %add3A_585, %add3A_586 : i32
        %get3A_588 = arith.index_cast %add3A_587 : i32 to index
        %get3A_589 = tpu.vector_load %arg16[%get3A_588] {strides = array<i32>} : memref<16384xi32, #tpu.memory_space<vmem>>, vector<16xi32>,
        %gather3A_590 = tpu.vector_load_idx %arg17[%get3A_589] : memref<100000xf32, #tpu.memory_space<vmem>>[vector<16xi32>], vector<16xf32>,
        %add3A_591 = arith.constant 96 : i32
        %add3A_592 = arith.addi %mul3A_513, %add3A_591 : i32
        %swap3A_593 = arith.index_cast %add3A_592 : i32 to index
        %swap3A_594 = tpu.vector_load %arg18[%swap3A_593] {strides = array<i32>} : memref<2048xf32, #tpu.memory_space<vmem>>, vector<16xf32>,
        tpu.vector_store %arg18[%swap3A_593], %gather3A_590 {strides = array<i32>} : memref<2048xf32, #tpu.memory_space<vmem>>, vector<16xf32>,
        %mul3A_595 = arith.constant 2048 : i32
        %mul3A_596 = arith.muli %add3A_471, %mul3A_595 : i32
        %add3A_597 = arith.addi %mul3A_596, %mul3A_513 : i32
        %add3A_598 = arith.constant 112 : i32
        %add3A_599 = arith.addi %add3A_597, %add3A_598 : i32
        %get3A_600 = arith.index_cast %add3A_599 : i32 to index
        %get3A_601 = tpu.vector_load %arg16[%get3A_600] {strides = array<i32>} : memref<16384xi32, #tpu.memory_space<vmem>>, vector<16xi32>,
        %gather3A_602 = tpu.vector_load_idx %arg17[%get3A_601] : memref<100000xf32, #tpu.memory_space<vmem>>[vector<16xi32>], vector<16xf32>,
        %add3A_603 = arith.constant 112 : i32
        %add3A_604 = arith.addi %mul3A_513, %add3A_603 : i32
        %swap3A_605 = arith.index_cast %add3A_604 : i32 to index
        %swap3A_606 = tpu.vector_load %arg18[%swap3A_605] {strides = array<i32>} : memref<2048xf32, #tpu.memory_space<vmem>>, vector<16xf32>,
        tpu.vector_store %arg18[%swap3A_605], %gather3A_602 {strides = array<i32>} : memref<2048xf32, #tpu.memory_space<vmem>>, vector<16xf32>,
        %scan3A_607 = arith.constant 0 : i32
        scf.yield %scan3A_607 : i32
      }
      %scan3A_480 = arith.constant 16 : i32
      %mul3A_481 = arith.constant 2048 : i32
      %mul3A_482 = arith.muli %add3A_471, %mul3A_481 : i32
      %dma_start3A_483 = tpu.memref_slice %arg10[%add3A_13, %mul3A_482] : memref<64x16384xf32, #tpu.memory_space<hbm>> -> memref<1x2048xf32, #tpu.memory_space<hbm>>
      %dma_start3A_484 = tpu.memref_squeeze %dma_start3A_483 : memref<1x2048xf32, #tpu.memory_space<hbm>> -> memref<2048xf32, #tpu.memory_space<hbm>>
      %dma_start3A_485 = tpu.memref_slice %arg10[%add3A_13, %mul3A_482] : memref<64x16384xf32, #tpu.memory_space<hbm>> -> memref<1x2048xf32, #tpu.memory_space<hbm>>
      %dma_start3A_486 = tpu.memref_squeeze %dma_start3A_485 : memref<1x2048xf32, #tpu.memory_space<hbm>> -> memref<2048xf32, #tpu.memory_space<hbm>>
      tpu.enqueue_dma source(%arg18 : memref<2048xf32, #tpu.memory_space<vmem>>) target(%dma_start3A_486 : memref<2048xf32, #tpu.memory_space<hbm>>) target_semaphore(%arg20 : memref<!tpu.dma_semaphore, #tpu.memory_space<semaphore_mem>>)
      %mul3A_487 = arith.constant 2 : i32
      %mul3A_488 = arith.muli %scan3A_466, %mul3A_487 : i32
      %add3A_489 = arith.constant 1 : i32
      %add3A_490 = arith.addi %mul3A_488, %add3A_489 : i32
      %gt3A_491 = arith.constant 0 : i32
      %gt3A_492 = arith.cmpi sgt, %scan3A_466, %gt3A_491 : i32
      %convert_element_type3A_493 = arith.extui %gt3A_492 : i1 to i32
      %cond3A_494 = arith.constant 0 : i32
      %cond3A_495 = arith.cmpi ne, %convert_element_type3A_493, %cond3A_494 : i32
      scf.if %cond3A_495 {
        %dma_wait3A_510 = arith.constant 0 : i32
        %dma_wait3A_511 = tpu.memref_slice %arg10[%add3A_13, %dma_wait3A_510] : memref<64x16384xf32, #tpu.memory_space<hbm>> -> memref<1x2048xf32, #tpu.memory_space<hbm>>
        %dma_wait3A_512 = tpu.memref_squeeze %dma_wait3A_511 : memref<1x2048xf32, #tpu.memory_space<hbm>> -> memref<2048xf32, #tpu.memory_space<hbm>>
        %dma_wait3A_513 = arith.constant 0 : i32
        %dma_wait3A_514 = tpu.memref_slice %arg10[%add3A_13, %dma_wait3A_513] : memref<64x16384xf32, #tpu.memory_space<hbm>> -> memref<1x2048xf32, #tpu.memory_space<hbm>>
        %dma_wait3A_515 = tpu.memref_squeeze %dma_wait3A_514 : memref<1x2048xf32, #tpu.memory_space<hbm>> -> memref<2048xf32, #tpu.memory_space<hbm>>
        tpu.wait_dma2 semaphore(%arg21 : memref<!tpu.dma_semaphore, #tpu.memory_space<semaphore_mem>>) src(%arg19 : memref<2048xf32, #tpu.memory_space<vmem>>) dst(%dma_wait3A_515 : memref<2048xf32, #tpu.memory_space<hbm>>)
      } else {
      }
      %scan3A_496 = arith.constant 0 : i32
      %scan3A_497 = arith.constant 0 : i32
      %scan3A_498 = arith.constant 16 : i32
      %scan3A_499 = arith.addi %scan3A_497, %scan3A_498 : i32
      %scan3A_500 = arith.constant 1 : i32
      %scan3A_501 = scf.for %scan3A_510 = %scan3A_497 to %scan3A_499 step %scan3A_500 iter_args(%scan3A_511 = %scan3A_496) -> (i32)  : i32 {
        %mul3A_512 = arith.constant 128 : i32
        %mul3A_513 = arith.muli %scan3A_510, %mul3A_512 : i32
        %mul3A_514 = arith.constant 2048 : i32
        %mul3A_515 = arith.muli %add3A_490, %mul3A_514 : i32
        %add3A_516 = arith.addi %mul3A_515, %mul3A_513 : i32
        %add3A_517 = arith.constant 0 : i32
        %add3A_518 = arith.addi %add3A_516, %add3A_517 : i32
        %get3A = arith.index_cast %add3A_518 : i32 to index
        %get3A_519 = tpu.vector_load %arg16[%get3A] {strides = array<i32>} : memref<16384xi32, #tpu.memory_space<vmem>>, vector<16xi32>,
        %gather3A = tpu.vector_load_idx %arg17[%get3A_519] : memref<100000xf32, #tpu.memory_space<vmem>>[vector<16xi32>], vector<16xf32>,
        %add3A_520 = arith.constant 0 : i32
        %add3A_521 = arith.addi %mul3A_513, %add3A_520 : i32
        %swap3A = arith.index_cast %add3A_521 : i32 to index
        %swap3A_522 = tpu.vector_load %arg19[%swap3A] {strides = array<i32>} : memref<2048xf32, #tpu.memory_space<vmem>>, vector<16xf32>,
        tpu.vector_store %arg19[%swap3A], %gather3A {strides = array<i32>} : memref<2048xf32, #tpu.memory_space<vmem>>, vector<16xf32>,
        %mul3A_523 = arith.constant 2048 : i32
        %mul3A_524 = arith.muli %add3A_490, %mul3A_523 : i32
        %add3A_525 = arith.addi %mul3A_524, %mul3A_513 : i32
        %add3A_526 = arith.constant 16 : i32
        %add3A_527 = arith.addi %add3A_525, %add3A_526 : i32
        %get3A_528 = arith.index_cast %add3A_527 : i32 to index
        %get3A_529 = tpu.vector_load %arg16[%get3A_528] {strides = array<i32>} : memref<16384xi32, #tpu.memory_space<vmem>>, vector<16xi32>,
        %gather3A_530 = tpu.vector_load_idx %arg17[%get3A_529] : memref<100000xf32, #tpu.memory_space<vmem>>[vector<16xi32>], vector<16xf32>,
        %add3A_531 = arith.constant 16 : i32
        %add3A_532 = arith.addi %mul3A_513, %add3A_531 : i32
        %swap3A_533 = arith.index_cast %add3A_532 : i32 to index
        %swap3A_534 = tpu.vector_load %arg19[%swap3A_533] {strides = array<i32>} : memref<2048xf32, #tpu.memory_space<vmem>>, vector<16xf32>,
        tpu.vector_store %arg19[%swap3A_533], %gather3A_530 {strides = array<i32>} : memref<2048xf32, #tpu.memory_space<vmem>>, vector<16xf32>,
        %mul3A_535 = arith.constant 2048 : i32
        %mul3A_536 = arith.muli %add3A_490, %mul3A_535 : i32
        %add3A_537 = arith.addi %mul3A_536, %mul3A_513 : i32
        %add3A_538 = arith.constant 32 : i32
        %add3A_539 = arith.addi %add3A_537, %add3A_538 : i32
        %get3A_540 = arith.index_cast %add3A_539 : i32 to index
        %get3A_541 = tpu.vector_load %arg16[%get3A_540] {strides = array<i32>} : memref<16384xi32, #tpu.memory_space<vmem>>, vector<16xi32>,
        %gather3A_542 = tpu.vector_load_idx %arg17[%get3A_541] : memref<100000xf32, #tpu.memory_space<vmem>>[vector<16xi32>], vector<16xf32>,
        %add3A_543 = arith.constant 32 : i32
        %add3A_544 = arith.addi %mul3A_513, %add3A_543 : i32
        %swap3A_545 = arith.index_cast %add3A_544 : i32 to index
        %swap3A_546 = tpu.vector_load %arg19[%swap3A_545] {strides = array<i32>} : memref<2048xf32, #tpu.memory_space<vmem>>, vector<16xf32>,
        tpu.vector_store %arg19[%swap3A_545], %gather3A_542 {strides = array<i32>} : memref<2048xf32, #tpu.memory_space<vmem>>, vector<16xf32>,
        %mul3A_547 = arith.constant 2048 : i32
        %mul3A_548 = arith.muli %add3A_490, %mul3A_547 : i32
        %add3A_549 = arith.addi %mul3A_548, %mul3A_513 : i32
        %add3A_550 = arith.constant 48 : i32
        %add3A_551 = arith.addi %add3A_549, %add3A_550 : i32
        %get3A_552 = arith.index_cast %add3A_551 : i32 to index
        %get3A_553 = tpu.vector_load %arg16[%get3A_552] {strides = array<i32>} : memref<16384xi32, #tpu.memory_space<vmem>>, vector<16xi32>,
        %gather3A_554 = tpu.vector_load_idx %arg17[%get3A_553] : memref<100000xf32, #tpu.memory_space<vmem>>[vector<16xi32>], vector<16xf32>,
        %add3A_555 = arith.constant 48 : i32
        %add3A_556 = arith.addi %mul3A_513, %add3A_555 : i32
        %swap3A_557 = arith.index_cast %add3A_556 : i32 to index
        %swap3A_558 = tpu.vector_load %arg19[%swap3A_557] {strides = array<i32>} : memref<2048xf32, #tpu.memory_space<vmem>>, vector<16xf32>,
        tpu.vector_store %arg19[%swap3A_557], %gather3A_554 {strides = array<i32>} : memref<2048xf32, #tpu.memory_space<vmem>>, vector<16xf32>,
        %mul3A_559 = arith.constant 2048 : i32
        %mul3A_560 = arith.muli %add3A_490, %mul3A_559 : i32
        %add3A_561 = arith.addi %mul3A_560, %mul3A_513 : i32
        %add3A_562 = arith.constant 64 : i32
        %add3A_563 = arith.addi %add3A_561, %add3A_562 : i32
        %get3A_564 = arith.index_cast %add3A_563 : i32 to index
        %get3A_565 = tpu.vector_load %arg16[%get3A_564] {strides = array<i32>} : memref<16384xi32, #tpu.memory_space<vmem>>, vector<16xi32>,
        %gather3A_566 = tpu.vector_load_idx %arg17[%get3A_565] : memref<100000xf32, #tpu.memory_space<vmem>>[vector<16xi32>], vector<16xf32>,
        %add3A_567 = arith.constant 64 : i32
        %add3A_568 = arith.addi %mul3A_513, %add3A_567 : i32
        %swap3A_569 = arith.index_cast %add3A_568 : i32 to index
        %swap3A_570 = tpu.vector_load %arg19[%swap3A_569] {strides = array<i32>} : memref<2048xf32, #tpu.memory_space<vmem>>, vector<16xf32>,
        tpu.vector_store %arg19[%swap3A_569], %gather3A_566 {strides = array<i32>} : memref<2048xf32, #tpu.memory_space<vmem>>, vector<16xf32>,
        %mul3A_571 = arith.constant 2048 : i32
        %mul3A_572 = arith.muli %add3A_490, %mul3A_571 : i32
        %add3A_573 = arith.addi %mul3A_572, %mul3A_513 : i32
        %add3A_574 = arith.constant 80 : i32
        %add3A_575 = arith.addi %add3A_573, %add3A_574 : i32
        %get3A_576 = arith.index_cast %add3A_575 : i32 to index
        %get3A_577 = tpu.vector_load %arg16[%get3A_576] {strides = array<i32>} : memref<16384xi32, #tpu.memory_space<vmem>>, vector<16xi32>,
        %gather3A_578 = tpu.vector_load_idx %arg17[%get3A_577] : memref<100000xf32, #tpu.memory_space<vmem>>[vector<16xi32>], vector<16xf32>,
        %add3A_579 = arith.constant 80 : i32
        %add3A_580 = arith.addi %mul3A_513, %add3A_579 : i32
        %swap3A_581 = arith.index_cast %add3A_580 : i32 to index
        %swap3A_582 = tpu.vector_load %arg19[%swap3A_581] {strides = array<i32>} : memref<2048xf32, #tpu.memory_space<vmem>>, vector<16xf32>,
        tpu.vector_store %arg19[%swap3A_581], %gather3A_578 {strides = array<i32>} : memref<2048xf32, #tpu.memory_space<vmem>>, vector<16xf32>,
        %mul3A_583 = arith.constant 2048 : i32
        %mul3A_584 = arith.muli %add3A_490, %mul3A_583 : i32
        %add3A_585 = arith.addi %mul3A_584, %mul3A_513 : i32
        %add3A_586 = arith.constant 96 : i32
        %add3A_587 = arith.addi %add3A_585, %add3A_586 : i32
        %get3A_588 = arith.index_cast %add3A_587 : i32 to index
        %get3A_589 = tpu.vector_load %arg16[%get3A_588] {strides = array<i32>} : memref<16384xi32, #tpu.memory_space<vmem>>, vector<16xi32>,
        %gather3A_590 = tpu.vector_load_idx %arg17[%get3A_589] : memref<100000xf32, #tpu.memory_space<vmem>>[vector<16xi32>], vector<16xf32>,
        %add3A_591 = arith.constant 96 : i32
        %add3A_592 = arith.addi %mul3A_513, %add3A_591 : i32
        %swap3A_593 = arith.index_cast %add3A_592 : i32 to index
        %swap3A_594 = tpu.vector_load %arg19[%swap3A_593] {strides = array<i32>} : memref<2048xf32, #tpu.memory_space<vmem>>, vector<16xf32>,
        tpu.vector_store %arg19[%swap3A_593], %gather3A_590 {strides = array<i32>} : memref<2048xf32, #tpu.memory_space<vmem>>, vector<16xf32>,
        %mul3A_595 = arith.constant 2048 : i32
        %mul3A_596 = arith.muli %add3A_490, %mul3A_595 : i32
        %add3A_597 = arith.addi %mul3A_596, %mul3A_513 : i32
        %add3A_598 = arith.constant 112 : i32
        %add3A_599 = arith.addi %add3A_597, %add3A_598 : i32
        %get3A_600 = arith.index_cast %add3A_599 : i32 to index
        %get3A_601 = tpu.vector_load %arg16[%get3A_600] {strides = array<i32>} : memref<16384xi32, #tpu.memory_space<vmem>>, vector<16xi32>,
        %gather3A_602 = tpu.vector_load_idx %arg17[%get3A_601] : memref<100000xf32, #tpu.memory_space<vmem>>[vector<16xi32>], vector<16xf32>,
        %add3A_603 = arith.constant 112 : i32
        %add3A_604 = arith.addi %mul3A_513, %add3A_603 : i32
        %swap3A_605 = arith.index_cast %add3A_604 : i32 to index
        %swap3A_606 = tpu.vector_load %arg19[%swap3A_605] {strides = array<i32>} : memref<2048xf32, #tpu.memory_space<vmem>>, vector<16xf32>,
        tpu.vector_store %arg19[%swap3A_605], %gather3A_602 {strides = array<i32>} : memref<2048xf32, #tpu.memory_space<vmem>>, vector<16xf32>,
        %scan3A_607 = arith.constant 0 : i32
        scf.yield %scan3A_607 : i32
      }
      %scan3A_502 = arith.constant 16 : i32
      %mul3A_503 = arith.constant 2048 : i32
      %mul3A_504 = arith.muli %add3A_490, %mul3A_503 : i32
      %dma_start3A_505 = tpu.memref_slice %arg10[%add3A_13, %mul3A_504] : memref<64x16384xf32, #tpu.memory_space<hbm>> -> memref<1x2048xf32, #tpu.memory_space<hbm>>
      %dma_start3A_506 = tpu.memref_squeeze %dma_start3A_505 : memref<1x2048xf32, #tpu.memory_space<hbm>> -> memref<2048xf32, #tpu.memory_space<hbm>>
      %dma_start3A_507 = tpu.memref_slice %arg10[%add3A_13, %mul3A_504] : memref<64x16384xf32, #tpu.memory_space<hbm>> -> memref<1x2048xf32, #tpu.memory_space<hbm>>
      %dma_start3A_508 = tpu.memref_squeeze %dma_start3A_507 : memref<1x2048xf32, #tpu.memory_space<hbm>> -> memref<2048xf32, #tpu.memory_space<hbm>>
      tpu.enqueue_dma source(%arg19 : memref<2048xf32, #tpu.memory_space<vmem>>) target(%dma_start3A_508 : memref<2048xf32, #tpu.memory_space<hbm>>) target_semaphore(%arg21 : memref<!tpu.dma_semaphore, #tpu.memory_space<semaphore_mem>>)
      %scan3A_509 = arith.constant 0 : i32
      scf.yield %scan3A_509 : i32
    }
    %scan3A_24 = arith.constant 4 : i32
    %mul3A_25 = arith.constant 2 : i32
    %mul3A_26 = arith.muli %add3A, %mul3A_25 : i32
    %add3A_27 = arith.constant 1 : i32
    %add3A_28 = arith.addi %mul3A_26, %add3A_27 : i32
    %dma_start3A_29 = arith.constant 0 : i32
    %dma_start3A_30 = tpu.memref_slice %arg4[%add3A_28, %dma_start3A_29] : memref<64x100000xf32, #tpu.memory_space<hbm>> -> memref<1x100000xf32, #tpu.memory_space<hbm>>
    %dma_start3A_31 = tpu.memref_squeeze %dma_start3A_30 : memref<1x100000xf32, #tpu.memory_space<hbm>> -> memref<100000xf32, #tpu.memory_space<hbm>>
    %dma_start3A_32 = arith.constant 0 : i32
    %dma_start3A_33 = tpu.memref_slice %arg4[%add3A_28, %dma_start3A_32] : memref<64x100000xf32, #tpu.memory_space<hbm>> -> memref<1x100000xf32, #tpu.memory_space<hbm>>
    %dma_start3A_34 = tpu.memref_squeeze %dma_start3A_33 : memref<1x100000xf32, #tpu.memory_space<hbm>> -> memref<100000xf32, #tpu.memory_space<hbm>>
    tpu.enqueue_dma source(%dma_start3A_34 : memref<100000xf32, #tpu.memory_space<hbm>>) target(%arg17 : memref<100000xf32, #tpu.memory_space<vmem>>) target_semaphore(%arg22 : memref<!tpu.dma_semaphore, #tpu.memory_space<semaphore_mem>>)
    %mul3A_35 = arith.constant 2 : i32
    %mul3A_36 = arith.muli %add3A, %mul3A_35 : i32
    %add3A_37 = arith.constant 1 : i32
    %add3A_38 = arith.addi %mul3A_36, %add3A_37 : i32
    %dma_wait3A_39 = arith.constant 0 : i32
    %dma_wait3A_40 = tpu.memref_slice %arg4[%add3A_28, %dma_wait3A_39] : memref<64x100000xf32, #tpu.memory_space<hbm>> -> memref<1x100000xf32, #tpu.memory_space<hbm>>
    %dma_wait3A_41 = tpu.memref_squeeze %dma_wait3A_40 : memref<1x100000xf32, #tpu.memory_space<hbm>> -> memref<100000xf32, #tpu.memory_space<hbm>>
    %dma_wait3A_42 = arith.constant 0 : i32
    %dma_wait3A_43 = tpu.memref_slice %arg4[%add3A_28, %dma_wait3A_42] : memref<64x100000xf32, #tpu.memory_space<hbm>> -> memref<1x100000xf32, #tpu.memory_space<hbm>>
    %dma_wait3A_44 = tpu.memref_squeeze %dma_wait3A_43 : memref<1x100000xf32, #tpu.memory_space<hbm>> -> memref<100000xf32, #tpu.memory_space<hbm>>
    tpu.wait_dma2 semaphore(%arg22 : memref<!tpu.dma_semaphore, #tpu.memory_space<semaphore_mem>>) src(%dma_wait3A_44 : memref<100000xf32, #tpu.memory_space<hbm>>) dst(%arg17 : memref<100000xf32, #tpu.memory_space<vmem>>)
    %dma_wait3A_45 = arith.constant 0 : i32
    %dma_wait3A_46 = tpu.memref_slice %arg10[%add3A_13, %dma_wait3A_45] : memref<64x16384xf32, #tpu.memory_space<hbm>> -> memref<1x2048xf32, #tpu.memory_space<hbm>>
    %dma_wait3A_47 = tpu.memref_squeeze %dma_wait3A_46 : memref<1x2048xf32, #tpu.memory_space<hbm>> -> memref<2048xf32, #tpu.memory_space<hbm>>
    %dma_wait3A_48 = arith.constant 0 : i32
    %dma_wait3A_49 = tpu.memref_slice %arg10[%add3A_13, %dma_wait3A_48] : memref<64x16384xf32, #tpu.memory_space<hbm>> -> memref<1x2048xf32, #tpu.memory_space<hbm>>
    %dma_wait3A_50 = tpu.memref_squeeze %dma_wait3A_49 : memref<1x2048xf32, #tpu.memory_space<hbm>> -> memref<2048xf32, #tpu.memory_space<hbm>>
    tpu.wait_dma2 semaphore(%arg20 : memref<!tpu.dma_semaphore, #tpu.memory_space<semaphore_mem>>) src(%arg18 : memref<2048xf32, #tpu.memory_space<vmem>>) dst(%dma_wait3A_50 : memref<2048xf32, #tpu.memory_space<hbm>>)
    %dma_wait3A_51 = arith.constant 0 : i32
    %dma_wait3A_52 = tpu.memref_slice %arg10[%add3A_13, %dma_wait3A_51] : memref<64x16384xf32, #tpu.memory_space<hbm>> -> memref<1x2048xf32, #tpu.memory_space<hbm>>
    %dma_wait3A_53 = tpu.memref_squeeze %dma_wait3A_52 : memref<1x2048xf32, #tpu.memory_space<hbm>> -> memref<2048xf32, #tpu.memory_space<hbm>>
    %dma_wait3A_54 = arith.constant 0 : i32
    %dma_wait3A_55 = tpu.memref_slice %arg10[%add3A_13, %dma_wait3A_54] : memref<64x16384xf32, #tpu.memory_space<hbm>> -> memref<1x2048xf32, #tpu.memory_space<hbm>>
    %dma_wait3A_56 = tpu.memref_squeeze %dma_wait3A_55 : memref<1x2048xf32, #tpu.memory_space<hbm>> -> memref<2048xf32, #tpu.memory_space<hbm>>
    tpu.wait_dma2 semaphore(%arg21 : memref<!tpu.dma_semaphore, #tpu.memory_space<semaphore_mem>>) src(%arg19 : memref<2048xf32, #tpu.memory_space<vmem>>) dst(%dma_wait3A_56 : memref<2048xf32, #tpu.memory_space<hbm>>)
    %scan3A_57 = arith.constant 0 : i32
    %scan3A_58 = arith.constant 0 : i32
    %scan3A_59 = arith.constant 4 : i32
    %scan3A_60 = arith.addi %scan3A_58, %scan3A_59 : i32
    %scan3A_61 = arith.constant 1 : i32
    %scan3A_62 = scf.for %scan3A_466 = %scan3A_58 to %scan3A_60 step %scan3A_61 iter_args(%scan3A_467 = %scan3A_57) -> (i32)  : i32 {
      %mul3A_468 = arith.constant 2 : i32
      %mul3A_469 = arith.muli %scan3A_466, %mul3A_468 : i32
      %add3A_470 = arith.constant 0 : i32
      %add3A_471 = arith.addi %mul3A_469, %add3A_470 : i32
      %gt3A = arith.constant 0 : i32
      %gt3A_472 = arith.cmpi sgt, %scan3A_466, %gt3A : i32
      %convert_element_type3A = arith.extui %gt3A_472 : i1 to i32
      %cond3A = arith.constant 0 : i32
      %cond3A_473 = arith.cmpi ne, %convert_element_type3A, %cond3A : i32
      scf.if %cond3A_473 {
        %dma_wait3A_510 = arith.constant 0 : i32
        %dma_wait3A_511 = tpu.memref_slice %arg10[%add3A_38, %dma_wait3A_510] : memref<64x16384xf32, #tpu.memory_space<hbm>> -> memref<1x2048xf32, #tpu.memory_space<hbm>>
        %dma_wait3A_512 = tpu.memref_squeeze %dma_wait3A_511 : memref<1x2048xf32, #tpu.memory_space<hbm>> -> memref<2048xf32, #tpu.memory_space<hbm>>
        %dma_wait3A_513 = arith.constant 0 : i32
        %dma_wait3A_514 = tpu.memref_slice %arg10[%add3A_38, %dma_wait3A_513] : memref<64x16384xf32, #tpu.memory_space<hbm>> -> memref<1x2048xf32, #tpu.memory_space<hbm>>
        %dma_wait3A_515 = tpu.memref_squeeze %dma_wait3A_514 : memref<1x2048xf32, #tpu.memory_space<hbm>> -> memref<2048xf32, #tpu.memory_space<hbm>>
        tpu.wait_dma2 semaphore(%arg20 : memref<!tpu.dma_semaphore, #tpu.memory_space<semaphore_mem>>) src(%arg18 : memref<2048xf32, #tpu.memory_space<vmem>>) dst(%dma_wait3A_515 : memref<2048xf32, #tpu.memory_space<hbm>>)
      } else {
      }
      %scan3A_474 = arith.constant 0 : i32
      %scan3A_475 = arith.constant 0 : i32
      %scan3A_476 = arith.constant 16 : i32
      %scan3A_477 = arith.addi %scan3A_475, %scan3A_476 : i32
      %scan3A_478 = arith.constant 1 : i32
      %scan3A_479 = scf.for %scan3A_510 = %scan3A_475 to %scan3A_477 step %scan3A_478 iter_args(%scan3A_511 = %scan3A_474) -> (i32)  : i32 {
        %mul3A_512 = arith.constant 128 : i32
        %mul3A_513 = arith.muli %scan3A_510, %mul3A_512 : i32
        %mul3A_514 = arith.constant 2048 : i32
        %mul3A_515 = arith.muli %add3A_471, %mul3A_514 : i32
        %add3A_516 = arith.addi %mul3A_515, %mul3A_513 : i32
        %add3A_517 = arith.constant 0 : i32
        %add3A_518 = arith.addi %add3A_516, %add3A_517 : i32
        %get3A = arith.index_cast %add3A_518 : i32 to index
        %get3A_519 = tpu.vector_load %arg16[%get3A] {strides = array<i32>} : memref<16384xi32, #tpu.memory_space<vmem>>, vector<16xi32>,
        %gather3A = tpu.vector_load_idx %arg17[%get3A_519] : memref<100000xf32, #tpu.memory_space<vmem>>[vector<16xi32>], vector<16xf32>,
        %add3A_520 = arith.constant 0 : i32
        %add3A_521 = arith.addi %mul3A_513, %add3A_520 : i32
        %swap3A = arith.index_cast %add3A_521 : i32 to index
        %swap3A_522 = tpu.vector_load %arg18[%swap3A] {strides = array<i32>} : memref<2048xf32, #tpu.memory_space<vmem>>, vector<16xf32>,
        tpu.vector_store %arg18[%swap3A], %gather3A {strides = array<i32>} : memref<2048xf32, #tpu.memory_space<vmem>>, vector<16xf32>,
        %mul3A_523 = arith.constant 2048 : i32
        %mul3A_524 = arith.muli %add3A_471, %mul3A_523 : i32
        %add3A_525 = arith.addi %mul3A_524, %mul3A_513 : i32
        %add3A_526 = arith.constant 16 : i32
        %add3A_527 = arith.addi %add3A_525, %add3A_526 : i32
        %get3A_528 = arith.index_cast %add3A_527 : i32 to index
        %get3A_529 = tpu.vector_load %arg16[%get3A_528] {strides = array<i32>} : memref<16384xi32, #tpu.memory_space<vmem>>, vector<16xi32>,
        %gather3A_530 = tpu.vector_load_idx %arg17[%get3A_529] : memref<100000xf32, #tpu.memory_space<vmem>>[vector<16xi32>], vector<16xf32>,
        %add3A_531 = arith.constant 16 : i32
        %add3A_532 = arith.addi %mul3A_513, %add3A_531 : i32
        %swap3A_533 = arith.index_cast %add3A_532 : i32 to index
        %swap3A_534 = tpu.vector_load %arg18[%swap3A_533] {strides = array<i32>} : memref<2048xf32, #tpu.memory_space<vmem>>, vector<16xf32>,
        tpu.vector_store %arg18[%swap3A_533], %gather3A_530 {strides = array<i32>} : memref<2048xf32, #tpu.memory_space<vmem>>, vector<16xf32>,
        %mul3A_535 = arith.constant 2048 : i32
        %mul3A_536 = arith.muli %add3A_471, %mul3A_535 : i32
        %add3A_537 = arith.addi %mul3A_536, %mul3A_513 : i32
        %add3A_538 = arith.constant 32 : i32
        %add3A_539 = arith.addi %add3A_537, %add3A_538 : i32
        %get3A_540 = arith.index_cast %add3A_539 : i32 to index
        %get3A_541 = tpu.vector_load %arg16[%get3A_540] {strides = array<i32>} : memref<16384xi32, #tpu.memory_space<vmem>>, vector<16xi32>,
        %gather3A_542 = tpu.vector_load_idx %arg17[%get3A_541] : memref<100000xf32, #tpu.memory_space<vmem>>[vector<16xi32>], vector<16xf32>,
        %add3A_543 = arith.constant 32 : i32
        %add3A_544 = arith.addi %mul3A_513, %add3A_543 : i32
        %swap3A_545 = arith.index_cast %add3A_544 : i32 to index
        %swap3A_546 = tpu.vector_load %arg18[%swap3A_545] {strides = array<i32>} : memref<2048xf32, #tpu.memory_space<vmem>>, vector<16xf32>,
        tpu.vector_store %arg18[%swap3A_545], %gather3A_542 {strides = array<i32>} : memref<2048xf32, #tpu.memory_space<vmem>>, vector<16xf32>,
        %mul3A_547 = arith.constant 2048 : i32
        %mul3A_548 = arith.muli %add3A_471, %mul3A_547 : i32
        %add3A_549 = arith.addi %mul3A_548, %mul3A_513 : i32
        %add3A_550 = arith.constant 48 : i32
        %add3A_551 = arith.addi %add3A_549, %add3A_550 : i32
        %get3A_552 = arith.index_cast %add3A_551 : i32 to index
        %get3A_553 = tpu.vector_load %arg16[%get3A_552] {strides = array<i32>} : memref<16384xi32, #tpu.memory_space<vmem>>, vector<16xi32>,
        %gather3A_554 = tpu.vector_load_idx %arg17[%get3A_553] : memref<100000xf32, #tpu.memory_space<vmem>>[vector<16xi32>], vector<16xf32>,
        %add3A_555 = arith.constant 48 : i32
        %add3A_556 = arith.addi %mul3A_513, %add3A_555 : i32
        %swap3A_557 = arith.index_cast %add3A_556 : i32 to index
        %swap3A_558 = tpu.vector_load %arg18[%swap3A_557] {strides = array<i32>} : memref<2048xf32, #tpu.memory_space<vmem>>, vector<16xf32>,
        tpu.vector_store %arg18[%swap3A_557], %gather3A_554 {strides = array<i32>} : memref<2048xf32, #tpu.memory_space<vmem>>, vector<16xf32>,
        %mul3A_559 = arith.constant 2048 : i32
        %mul3A_560 = arith.muli %add3A_471, %mul3A_559 : i32
        %add3A_561 = arith.addi %mul3A_560, %mul3A_513 : i32
        %add3A_562 = arith.constant 64 : i32
        %add3A_563 = arith.addi %add3A_561, %add3A_562 : i32
        %get3A_564 = arith.index_cast %add3A_563 : i32 to index
        %get3A_565 = tpu.vector_load %arg16[%get3A_564] {strides = array<i32>} : memref<16384xi32, #tpu.memory_space<vmem>>, vector<16xi32>,
        %gather3A_566 = tpu.vector_load_idx %arg17[%get3A_565] : memref<100000xf32, #tpu.memory_space<vmem>>[vector<16xi32>], vector<16xf32>,
        %add3A_567 = arith.constant 64 : i32
        %add3A_568 = arith.addi %mul3A_513, %add3A_567 : i32
        %swap3A_569 = arith.index_cast %add3A_568 : i32 to index
        %swap3A_570 = tpu.vector_load %arg18[%swap3A_569] {strides = array<i32>} : memref<2048xf32, #tpu.memory_space<vmem>>, vector<16xf32>,
        tpu.vector_store %arg18[%swap3A_569], %gather3A_566 {strides = array<i32>} : memref<2048xf32, #tpu.memory_space<vmem>>, vector<16xf32>,
        %mul3A_571 = arith.constant 2048 : i32
        %mul3A_572 = arith.muli %add3A_471, %mul3A_571 : i32
        %add3A_573 = arith.addi %mul3A_572, %mul3A_513 : i32
        %add3A_574 = arith.constant 80 : i32
        %add3A_575 = arith.addi %add3A_573, %add3A_574 : i32
        %get3A_576 = arith.index_cast %add3A_575 : i32 to index
        %get3A_577 = tpu.vector_load %arg16[%get3A_576] {strides = array<i32>} : memref<16384xi32, #tpu.memory_space<vmem>>, vector<16xi32>,
        %gather3A_578 = tpu.vector_load_idx %arg17[%get3A_577] : memref<100000xf32, #tpu.memory_space<vmem>>[vector<16xi32>], vector<16xf32>,
        %add3A_579 = arith.constant 80 : i32
        %add3A_580 = arith.addi %mul3A_513, %add3A_579 : i32
        %swap3A_581 = arith.index_cast %add3A_580 : i32 to index
        %swap3A_582 = tpu.vector_load %arg18[%swap3A_581] {strides = array<i32>} : memref<2048xf32, #tpu.memory_space<vmem>>, vector<16xf32>,
        tpu.vector_store %arg18[%swap3A_581], %gather3A_578 {strides = array<i32>} : memref<2048xf32, #tpu.memory_space<vmem>>, vector<16xf32>,
        %mul3A_583 = arith.constant 2048 : i32
        %mul3A_584 = arith.muli %add3A_471, %mul3A_583 : i32
        %add3A_585 = arith.addi %mul3A_584, %mul3A_513 : i32
        %add3A_586 = arith.constant 96 : i32
        %add3A_587 = arith.addi %add3A_585, %add3A_586 : i32
        %get3A_588 = arith.index_cast %add3A_587 : i32 to index
        %get3A_589 = tpu.vector_load %arg16[%get3A_588] {strides = array<i32>} : memref<16384xi32, #tpu.memory_space<vmem>>, vector<16xi32>,
        %gather3A_590 = tpu.vector_load_idx %arg17[%get3A_589] : memref<100000xf32, #tpu.memory_space<vmem>>[vector<16xi32>], vector<16xf32>,
        %add3A_591 = arith.constant 96 : i32
        %add3A_592 = arith.addi %mul3A_513, %add3A_591 : i32
        %swap3A_593 = arith.index_cast %add3A_592 : i32 to index
        %swap3A_594 = tpu.vector_load %arg18[%swap3A_593] {strides = array<i32>} : memref<2048xf32, #tpu.memory_space<vmem>>, vector<16xf32>,
        tpu.vector_store %arg18[%swap3A_593], %gather3A_590 {strides = array<i32>} : memref<2048xf32, #tpu.memory_space<vmem>>, vector<16xf32>,
        %mul3A_595 = arith.constant 2048 : i32
        %mul3A_596 = arith.muli %add3A_471, %mul3A_595 : i32
        %add3A_597 = arith.addi %mul3A_596, %mul3A_513 : i32
        %add3A_598 = arith.constant 112 : i32
        %add3A_599 = arith.addi %add3A_597, %add3A_598 : i32
        %get3A_600 = arith.index_cast %add3A_599 : i32 to index
        %get3A_601 = tpu.vector_load %arg16[%get3A_600] {strides = array<i32>} : memref<16384xi32, #tpu.memory_space<vmem>>, vector<16xi32>,
        %gather3A_602 = tpu.vector_load_idx %arg17[%get3A_601] : memref<100000xf32, #tpu.memory_space<vmem>>[vector<16xi32>], vector<16xf32>,
        %add3A_603 = arith.constant 112 : i32
        %add3A_604 = arith.addi %mul3A_513, %add3A_603 : i32
        %swap3A_605 = arith.index_cast %add3A_604 : i32 to index
        %swap3A_606 = tpu.vector_load %arg18[%swap3A_605] {strides = array<i32>} : memref<2048xf32, #tpu.memory_space<vmem>>, vector<16xf32>,
        tpu.vector_store %arg18[%swap3A_605], %gather3A_602 {strides = array<i32>} : memref<2048xf32, #tpu.memory_space<vmem>>, vector<16xf32>,
        %scan3A_607 = arith.constant 0 : i32
        scf.yield %scan3A_607 : i32
      }
      %scan3A_480 = arith.constant 16 : i32
      %mul3A_481 = arith.constant 2048 : i32
      %mul3A_482 = arith.muli %add3A_471, %mul3A_481 : i32
      %dma_start3A_483 = tpu.memref_slice %arg10[%add3A_38, %mul3A_482] : memref<64x16384xf32, #tpu.memory_space<hbm>> -> memref<1x2048xf32, #tpu.memory_space<hbm>>
      %dma_start3A_484 = tpu.memref_squeeze %dma_start3A_483 : memref<1x2048xf32, #tpu.memory_space<hbm>> -> memref<2048xf32, #tpu.memory_space<hbm>>
      %dma_start3A_485 = tpu.memref_slice %arg10[%add3A_38, %mul3A_482] : memref<64x16384xf32, #tpu.memory_space<hbm>> -> memref<1x2048xf32, #tpu.memory_space<hbm>>
      %dma_start3A_486 = tpu.memref_squeeze %dma_start3A_485 : memref<1x2048xf32, #tpu.memory_space<hbm>> -> memref<2048xf32, #tpu.memory_space<hbm>>
      tpu.enqueue_dma source(%arg18 : memref<2048xf32, #tpu.memory_space<vmem>>) target(%dma_start3A_486 : memref<2048xf32, #tpu.memory_space<hbm>>) target_semaphore(%arg20 : memref<!tpu.dma_semaphore, #tpu.memory_space<semaphore_mem>>)
      %mul3A_487 = arith.constant 2 : i32
      %mul3A_488 = arith.muli %scan3A_466, %mul3A_487 : i32
      %add3A_489 = arith.constant 1 : i32
      %add3A_490 = arith.addi %mul3A_488, %add3A_489 : i32
      %gt3A_491 = arith.constant 0 : i32
      %gt3A_492 = arith.cmpi sgt, %scan3A_466, %gt3A_491 : i32
      %convert_element_type3A_493 = arith.extui %gt3A_492 : i1 to i32
      %cond3A_494 = arith.constant 0 : i32
      %cond3A_495 = arith.cmpi ne, %convert_element_type3A_493, %cond3A_494 : i32
      scf.if %cond3A_495 {
        %dma_wait3A_510 = arith.constant 0 : i32
        %dma_wait3A_511 = tpu.memref_slice %arg10[%add3A_38, %dma_wait3A_510] : memref<64x16384xf32, #tpu.memory_space<hbm>> -> memref<1x2048xf32, #tpu.memory_space<hbm>>
        %dma_wait3A_512 = tpu.memref_squeeze %dma_wait3A_511 : memref<1x2048xf32, #tpu.memory_space<hbm>> -> memref<2048xf32, #tpu.memory_space<hbm>>
        %dma_wait3A_513 = arith.constant 0 : i32
        %dma_wait3A_514 = tpu.memref_slice %arg10[%add3A_38, %dma_wait3A_513] : memref<64x16384xf32, #tpu.memory_space<hbm>> -> memref<1x2048xf32, #tpu.memory_space<hbm>>
        %dma_wait3A_515 = tpu.memref_squeeze %dma_wait3A_514 : memref<1x2048xf32, #tpu.memory_space<hbm>> -> memref<2048xf32, #tpu.memory_space<hbm>>
        tpu.wait_dma2 semaphore(%arg21 : memref<!tpu.dma_semaphore, #tpu.memory_space<semaphore_mem>>) src(%arg19 : memref<2048xf32, #tpu.memory_space<vmem>>) dst(%dma_wait3A_515 : memref<2048xf32, #tpu.memory_space<hbm>>)
      } else {
      }
      %scan3A_496 = arith.constant 0 : i32
      %scan3A_497 = arith.constant 0 : i32
      %scan3A_498 = arith.constant 16 : i32
      %scan3A_499 = arith.addi %scan3A_497, %scan3A_498 : i32
      %scan3A_500 = arith.constant 1 : i32
      %scan3A_501 = scf.for %scan3A_510 = %scan3A_497 to %scan3A_499 step %scan3A_500 iter_args(%scan3A_511 = %scan3A_496) -> (i32)  : i32 {
        %mul3A_512 = arith.constant 128 : i32
        %mul3A_513 = arith.muli %scan3A_510, %mul3A_512 : i32
        %mul3A_514 = arith.constant 2048 : i32
        %mul3A_515 = arith.muli %add3A_490, %mul3A_514 : i32
        %add3A_516 = arith.addi %mul3A_515, %mul3A_513 : i32
        %add3A_517 = arith.constant 0 : i32
        %add3A_518 = arith.addi %add3A_516, %add3A_517 : i32
        %get3A = arith.index_cast %add3A_518 : i32 to index
        %get3A_519 = tpu.vector_load %arg16[%get3A] {strides = array<i32>} : memref<16384xi32, #tpu.memory_space<vmem>>, vector<16xi32>,
        %gather3A = tpu.vector_load_idx %arg17[%get3A_519] : memref<100000xf32, #tpu.memory_space<vmem>>[vector<16xi32>], vector<16xf32>,
        %add3A_520 = arith.constant 0 : i32
        %add3A_521 = arith.addi %mul3A_513, %add3A_520 : i32
        %swap3A = arith.index_cast %add3A_521 : i32 to index
        %swap3A_522 = tpu.vector_load %arg19[%swap3A] {strides = array<i32>} : memref<2048xf32, #tpu.memory_space<vmem>>, vector<16xf32>,
        tpu.vector_store %arg19[%swap3A], %gather3A {strides = array<i32>} : memref<2048xf32, #tpu.memory_space<vmem>>, vector<16xf32>,
        %mul3A_523 = arith.constant 2048 : i32
        %mul3A_524 = arith.muli %add3A_490, %mul3A_523 : i32
        %add3A_525 = arith.addi %mul3A_524, %mul3A_513 : i32
        %add3A_526 = arith.constant 16 : i32
        %add3A_527 = arith.addi %add3A_525, %add3A_526 : i32
        %get3A_528 = arith.index_cast %add3A_527 : i32 to index
        %get3A_529 = tpu.vector_load %arg16[%get3A_528] {strides = array<i32>} : memref<16384xi32, #tpu.memory_space<vmem>>, vector<16xi32>,
        %gather3A_530 = tpu.vector_load_idx %arg17[%get3A_529] : memref<100000xf32, #tpu.memory_space<vmem>>[vector<16xi32>], vector<16xf32>,
        %add3A_531 = arith.constant 16 : i32
        %add3A_532 = arith.addi %mul3A_513, %add3A_531 : i32
        %swap3A_533 = arith.index_cast %add3A_532 : i32 to index
        %swap3A_534 = tpu.vector_load %arg19[%swap3A_533] {strides = array<i32>} : memref<2048xf32, #tpu.memory_space<vmem>>, vector<16xf32>,
        tpu.vector_store %arg19[%swap3A_533], %gather3A_530 {strides = array<i32>} : memref<2048xf32, #tpu.memory_space<vmem>>, vector<16xf32>,
        %mul3A_535 = arith.constant 2048 : i32
        %mul3A_536 = arith.muli %add3A_490, %mul3A_535 : i32
        %add3A_537 = arith.addi %mul3A_536, %mul3A_513 : i32
        %add3A_538 = arith.constant 32 : i32
        %add3A_539 = arith.addi %add3A_537, %add3A_538 : i32
        %get3A_540 = arith.index_cast %add3A_539 : i32 to index
        %get3A_541 = tpu.vector_load %arg16[%get3A_540] {strides = array<i32>} : memref<16384xi32, #tpu.memory_space<vmem>>, vector<16xi32>,
        %gather3A_542 = tpu.vector_load_idx %arg17[%get3A_541] : memref<100000xf32, #tpu.memory_space<vmem>>[vector<16xi32>], vector<16xf32>,
        %add3A_543 = arith.constant 32 : i32
        %add3A_544 = arith.addi %mul3A_513, %add3A_543 : i32
        %swap3A_545 = arith.index_cast %add3A_544 : i32 to index
        %swap3A_546 = tpu.vector_load %arg19[%swap3A_545] {strides = array<i32>} : memref<2048xf32, #tpu.memory_space<vmem>>, vector<16xf32>,
        tpu.vector_store %arg19[%swap3A_545], %gather3A_542 {strides = array<i32>} : memref<2048xf32, #tpu.memory_space<vmem>>, vector<16xf32>,
        %mul3A_547 = arith.constant 2048 : i32
        %mul3A_548 = arith.muli %add3A_490, %mul3A_547 : i32
        %add3A_549 = arith.addi %mul3A_548, %mul3A_513 : i32
        %add3A_550 = arith.constant 48 : i32
        %add3A_551 = arith.addi %add3A_549, %add3A_550 : i32
        %get3A_552 = arith.index_cast %add3A_551 : i32 to index
        %get3A_553 = tpu.vector_load %arg16[%get3A_552] {strides = array<i32>} : memref<16384xi32, #tpu.memory_space<vmem>>, vector<16xi32>,
        %gather3A_554 = tpu.vector_load_idx %arg17[%get3A_553] : memref<100000xf32, #tpu.memory_space<vmem>>[vector<16xi32>], vector<16xf32>,
        %add3A_555 = arith.constant 48 : i32
        %add3A_556 = arith.addi %mul3A_513, %add3A_555 : i32
        %swap3A_557 = arith.index_cast %add3A_556 : i32 to index
        %swap3A_558 = tpu.vector_load %arg19[%swap3A_557] {strides = array<i32>} : memref<2048xf32, #tpu.memory_space<vmem>>, vector<16xf32>,
        tpu.vector_store %arg19[%swap3A_557], %gather3A_554 {strides = array<i32>} : memref<2048xf32, #tpu.memory_space<vmem>>, vector<16xf32>,
        %mul3A_559 = arith.constant 2048 : i32
        %mul3A_560 = arith.muli %add3A_490, %mul3A_559 : i32
        %add3A_561 = arith.addi %mul3A_560, %mul3A_513 : i32
        %add3A_562 = arith.constant 64 : i32
        %add3A_563 = arith.addi %add3A_561, %add3A_562 : i32
        %get3A_564 = arith.index_cast %add3A_563 : i32 to index
        %get3A_565 = tpu.vector_load %arg16[%get3A_564] {strides = array<i32>} : memref<16384xi32, #tpu.memory_space<vmem>>, vector<16xi32>,
        %gather3A_566 = tpu.vector_load_idx %arg17[%get3A_565] : memref<100000xf32, #tpu.memory_space<vmem>>[vector<16xi32>], vector<16xf32>,
        %add3A_567 = arith.constant 64 : i32
        %add3A_568 = arith.addi %mul3A_513, %add3A_567 : i32
        %swap3A_569 = arith.index_cast %add3A_568 : i32 to index
        %swap3A_570 = tpu.vector_load %arg19[%swap3A_569] {strides = array<i32>} : memref<2048xf32, #tpu.memory_space<vmem>>, vector<16xf32>,
        tpu.vector_store %arg19[%swap3A_569], %gather3A_566 {strides = array<i32>} : memref<2048xf32, #tpu.memory_space<vmem>>, vector<16xf32>,
        %mul3A_571 = arith.constant 2048 : i32
        %mul3A_572 = arith.muli %add3A_490, %mul3A_571 : i32
        %add3A_573 = arith.addi %mul3A_572, %mul3A_513 : i32
        %add3A_574 = arith.constant 80 : i32
        %add3A_575 = arith.addi %add3A_573, %add3A_574 : i32
        %get3A_576 = arith.index_cast %add3A_575 : i32 to index
        %get3A_577 = tpu.vector_load %arg16[%get3A_576] {strides = array<i32>} : memref<16384xi32, #tpu.memory_space<vmem>>, vector<16xi32>,
        %gather3A_578 = tpu.vector_load_idx %arg17[%get3A_577] : memref<100000xf32, #tpu.memory_space<vmem>>[vector<16xi32>], vector<16xf32>,
        %add3A_579 = arith.constant 80 : i32
        %add3A_580 = arith.addi %mul3A_513, %add3A_579 : i32
        %swap3A_581 = arith.index_cast %add3A_580 : i32 to index
        %swap3A_582 = tpu.vector_load %arg19[%swap3A_581] {strides = array<i32>} : memref<2048xf32, #tpu.memory_space<vmem>>, vector<16xf32>,
        tpu.vector_store %arg19[%swap3A_581], %gather3A_578 {strides = array<i32>} : memref<2048xf32, #tpu.memory_space<vmem>>, vector<16xf32>,
        %mul3A_583 = arith.constant 2048 : i32
        %mul3A_584 = arith.muli %add3A_490, %mul3A_583 : i32
        %add3A_585 = arith.addi %mul3A_584, %mul3A_513 : i32
        %add3A_586 = arith.constant 96 : i32
        %add3A_587 = arith.addi %add3A_585, %add3A_586 : i32
        %get3A_588 = arith.index_cast %add3A_587 : i32 to index
        %get3A_589 = tpu.vector_load %arg16[%get3A_588] {strides = array<i32>} : memref<16384xi32, #tpu.memory_space<vmem>>, vector<16xi32>,
        %gather3A_590 = tpu.vector_load_idx %arg17[%get3A_589] : memref<100000xf32, #tpu.memory_space<vmem>>[vector<16xi32>], vector<16xf32>,
        %add3A_591 = arith.constant 96 : i32
        %add3A_592 = arith.addi %mul3A_513, %add3A_591 : i32
        %swap3A_593 = arith.index_cast %add3A_592 : i32 to index
        %swap3A_594 = tpu.vector_load %arg19[%swap3A_593] {strides = array<i32>} : memref<2048xf32, #tpu.memory_space<vmem>>, vector<16xf32>,
        tpu.vector_store %arg19[%swap3A_593], %gather3A_590 {strides = array<i32>} : memref<2048xf32, #tpu.memory_space<vmem>>, vector<16xf32>,
        %mul3A_595 = arith.constant 2048 : i32
        %mul3A_596 = arith.muli %add3A_490, %mul3A_595 : i32
        %add3A_597 = arith.addi %mul3A_596, %mul3A_513 : i32
        %add3A_598 = arith.constant 112 : i32
        %add3A_599 = arith.addi %add3A_597, %add3A_598 : i32
        %get3A_600 = arith.index_cast %add3A_599 : i32 to index
        %get3A_601 = tpu.vector_load %arg16[%get3A_600] {strides = array<i32>} : memref<16384xi32, #tpu.memory_space<vmem>>, vector<16xi32>,
        %gather3A_602 = tpu.vector_load_idx %arg17[%get3A_601] : memref<100000xf32, #tpu.memory_space<vmem>>[vector<16xi32>], vector<16xf32>,
        %add3A_603 = arith.constant 112 : i32
        %add3A_604 = arith.addi %mul3A_513, %add3A_603 : i32
        %swap3A_605 = arith.index_cast %add3A_604 : i32 to index
        %swap3A_606 = tpu.vector_load %arg19[%swap3A_605] {strides = array<i32>} : memref<2048xf32, #tpu.memory_space<vmem>>, vector<16xf32>,
        tpu.vector_store %arg19[%swap3A_605], %gather3A_602 {strides = array<i32>} : memref<2048xf32, #tpu.memory_space<vmem>>, vector<16xf32>,
        %scan3A_607 = arith.constant 0 : i32
        scf.yield %scan3A_607 : i32
      }
      %scan3A_502 = arith.constant 16 : i32
      %mul3A_503 = arith.constant 2048 : i32
      %mul3A_504 = arith.muli %add3A_490, %mul3A_503 : i32
      %dma_start3A_505 = tpu.memref_slice %arg10[%add3A_38, %mul3A_504] : memref<64x16384xf32, #tpu.memory_space<hbm>> -> memref<1x2048xf32, #tpu.memory_space<hbm>>
      %dma_start3A_506 = tpu.memref_squeeze %dma_start3A_505 : memref<1x2048xf32, #tpu.memory_space<hbm>> -> memref<2048xf32, #tpu.memory_space<hbm>>
      %dma_start3A_507 = tpu.memref_slice %arg10[%add3A_38, %mul3A_504] : memref<64x16384xf32, #tpu.memory_space<hbm>> -> memref<1x2048xf32, #tpu.memory_space<hbm>>
      %dma_start3A_508 = tpu.memref_squeeze %dma_start3A_507 : memref<1x2048xf32, #tpu.memory_space<hbm>> -> memref<2048xf32, #tpu.memory_space<hbm>>
      tpu.enqueue_dma source(%arg19 : memref<2048xf32, #tpu.memory_space<vmem>>) target(%dma_start3A_508 : memref<2048xf32, #tpu.memory_space<hbm>>) target_semaphore(%arg21 : memref<!tpu.dma_semaphore, #tpu.memory_space<semaphore_mem>>)
      %scan3A_509 = arith.constant 0 : i32
      scf.yield %scan3A_509 : i32
    }
    %scan3A_63 = arith.constant 4 : i32
    %mul3A_64 = arith.constant 2 : i32
    %mul3A_65 = arith.muli %add3A, %mul3A_64 : i32
    %add3A_66 = arith.constant 0 : i32
    %add3A_67 = arith.addi %mul3A_65, %add3A_66 : i32
    %dma_start3A_68 = arith.constant 0 : i32
    %dma_start3A_69 = tpu.memref_slice %arg5[%add3A_67, %dma_start3A_68] : memref<64x100000xf32, #tpu.memory_space<hbm>> -> memref<1x100000xf32, #tpu.memory_space<hbm>>
    %dma_start3A_70 = tpu.memref_squeeze %dma_start3A_69 : memref<1x100000xf32, #tpu.memory_space<hbm>> -> memref<100000xf32, #tpu.memory_space<hbm>>
    %dma_start3A_71 = arith.constant 0 : i32
    %dma_start3A_72 = tpu.memref_slice %arg5[%add3A_67, %dma_start3A_71] : memref<64x100000xf32, #tpu.memory_space<hbm>> -> memref<1x100000xf32, #tpu.memory_space<hbm>>
    %dma_start3A_73 = tpu.memref_squeeze %dma_start3A_72 : memref<1x100000xf32, #tpu.memory_space<hbm>> -> memref<100000xf32, #tpu.memory_space<hbm>>
    tpu.enqueue_dma source(%dma_start3A_73 : memref<100000xf32, #tpu.memory_space<hbm>>) target(%arg17 : memref<100000xf32, #tpu.memory_space<vmem>>) target_semaphore(%arg22 : memref<!tpu.dma_semaphore, #tpu.memory_space<semaphore_mem>>)
    %mul3A_74 = arith.constant 2 : i32
    %mul3A_75 = arith.muli %add3A, %mul3A_74 : i32
    %add3A_76 = arith.constant 0 : i32
    %add3A_77 = arith.addi %mul3A_75, %add3A_76 : i32
    %dma_wait3A_78 = arith.constant 0 : i32
    %dma_wait3A_79 = tpu.memref_slice %arg5[%add3A_67, %dma_wait3A_78] : memref<64x100000xf32, #tpu.memory_space<hbm>> -> memref<1x100000xf32, #tpu.memory_space<hbm>>
    %dma_wait3A_80 = tpu.memref_squeeze %dma_wait3A_79 : memref<1x100000xf32, #tpu.memory_space<hbm>> -> memref<100000xf32, #tpu.memory_space<hbm>>
    %dma_wait3A_81 = arith.constant 0 : i32
    %dma_wait3A_82 = tpu.memref_slice %arg5[%add3A_67, %dma_wait3A_81] : memref<64x100000xf32, #tpu.memory_space<hbm>> -> memref<1x100000xf32, #tpu.memory_space<hbm>>
    %dma_wait3A_83 = tpu.memref_squeeze %dma_wait3A_82 : memref<1x100000xf32, #tpu.memory_space<hbm>> -> memref<100000xf32, #tpu.memory_space<hbm>>
    tpu.wait_dma2 semaphore(%arg22 : memref<!tpu.dma_semaphore, #tpu.memory_space<semaphore_mem>>) src(%dma_wait3A_83 : memref<100000xf32, #tpu.memory_space<hbm>>) dst(%arg17 : memref<100000xf32, #tpu.memory_space<vmem>>)
    %dma_wait3A_84 = arith.constant 0 : i32
    %dma_wait3A_85 = tpu.memref_slice %arg10[%add3A_38, %dma_wait3A_84] : memref<64x16384xf32, #tpu.memory_space<hbm>> -> memref<1x2048xf32, #tpu.memory_space<hbm>>
    %dma_wait3A_86 = tpu.memref_squeeze %dma_wait3A_85 : memref<1x2048xf32, #tpu.memory_space<hbm>> -> memref<2048xf32, #tpu.memory_space<hbm>>
    %dma_wait3A_87 = arith.constant 0 : i32
    %dma_wait3A_88 = tpu.memref_slice %arg10[%add3A_38, %dma_wait3A_87] : memref<64x16384xf32, #tpu.memory_space<hbm>> -> memref<1x2048xf32, #tpu.memory_space<hbm>>
    %dma_wait3A_89 = tpu.memref_squeeze %dma_wait3A_88 : memref<1x2048xf32, #tpu.memory_space<hbm>> -> memref<2048xf32, #tpu.memory_space<hbm>>
    tpu.wait_dma2 semaphore(%arg20 : memref<!tpu.dma_semaphore, #tpu.memory_space<semaphore_mem>>) src(%arg18 : memref<2048xf32, #tpu.memory_space<vmem>>) dst(%dma_wait3A_89 : memref<2048xf32, #tpu.memory_space<hbm>>)
    %dma_wait3A_90 = arith.constant 0 : i32
    %dma_wait3A_91 = tpu.memref_slice %arg10[%add3A_38, %dma_wait3A_90] : memref<64x16384xf32, #tpu.memory_space<hbm>> -> memref<1x2048xf32, #tpu.memory_space<hbm>>
    %dma_wait3A_92 = tpu.memref_squeeze %dma_wait3A_91 : memref<1x2048xf32, #tpu.memory_space<hbm>> -> memref<2048xf32, #tpu.memory_space<hbm>>
    %dma_wait3A_93 = arith.constant 0 : i32
    %dma_wait3A_94 = tpu.memref_slice %arg10[%add3A_38, %dma_wait3A_93] : memref<64x16384xf32, #tpu.memory_space<hbm>> -> memref<1x2048xf32, #tpu.memory_space<hbm>>
    %dma_wait3A_95 = tpu.memref_squeeze %dma_wait3A_94 : memref<1x2048xf32, #tpu.memory_space<hbm>> -> memref<2048xf32, #tpu.memory_space<hbm>>
    tpu.wait_dma2 semaphore(%arg21 : memref<!tpu.dma_semaphore, #tpu.memory_space<semaphore_mem>>) src(%arg19 : memref<2048xf32, #tpu.memory_space<vmem>>) dst(%dma_wait3A_95 : memref<2048xf32, #tpu.memory_space<hbm>>)
    %scan3A_96 = arith.constant 0 : i32
    %scan3A_97 = arith.constant 0 : i32
    %scan3A_98 = arith.constant 4 : i32
    %scan3A_99 = arith.addi %scan3A_97, %scan3A_98 : i32
    %scan3A_100 = arith.constant 1 : i32
    %scan3A_101 = scf.for %scan3A_466 = %scan3A_97 to %scan3A_99 step %scan3A_100 iter_args(%scan3A_467 = %scan3A_96) -> (i32)  : i32 {
      %mul3A_468 = arith.constant 2 : i32
      %mul3A_469 = arith.muli %scan3A_466, %mul3A_468 : i32
      %add3A_470 = arith.constant 0 : i32
      %add3A_471 = arith.addi %mul3A_469, %add3A_470 : i32
      %gt3A = arith.constant 0 : i32
      %gt3A_472 = arith.cmpi sgt, %scan3A_466, %gt3A : i32
      %convert_element_type3A = arith.extui %gt3A_472 : i1 to i32
      %cond3A = arith.constant 0 : i32
      %cond3A_473 = arith.cmpi ne, %convert_element_type3A, %cond3A : i32
      scf.if %cond3A_473 {
        %dma_wait3A_510 = arith.constant 0 : i32
        %dma_wait3A_511 = tpu.memref_slice %arg11[%add3A_77, %dma_wait3A_510] : memref<64x16384xf32, #tpu.memory_space<hbm>> -> memref<1x2048xf32, #tpu.memory_space<hbm>>
        %dma_wait3A_512 = tpu.memref_squeeze %dma_wait3A_511 : memref<1x2048xf32, #tpu.memory_space<hbm>> -> memref<2048xf32, #tpu.memory_space<hbm>>
        %dma_wait3A_513 = arith.constant 0 : i32
        %dma_wait3A_514 = tpu.memref_slice %arg11[%add3A_77, %dma_wait3A_513] : memref<64x16384xf32, #tpu.memory_space<hbm>> -> memref<1x2048xf32, #tpu.memory_space<hbm>>
        %dma_wait3A_515 = tpu.memref_squeeze %dma_wait3A_514 : memref<1x2048xf32, #tpu.memory_space<hbm>> -> memref<2048xf32, #tpu.memory_space<hbm>>
        tpu.wait_dma2 semaphore(%arg20 : memref<!tpu.dma_semaphore, #tpu.memory_space<semaphore_mem>>) src(%arg18 : memref<2048xf32, #tpu.memory_space<vmem>>) dst(%dma_wait3A_515 : memref<2048xf32, #tpu.memory_space<hbm>>)
      } else {
      }
      %scan3A_474 = arith.constant 0 : i32
      %scan3A_475 = arith.constant 0 : i32
      %scan3A_476 = arith.constant 16 : i32
      %scan3A_477 = arith.addi %scan3A_475, %scan3A_476 : i32
      %scan3A_478 = arith.constant 1 : i32
      %scan3A_479 = scf.for %scan3A_510 = %scan3A_475 to %scan3A_477 step %scan3A_478 iter_args(%scan3A_511 = %scan3A_474) -> (i32)  : i32 {
        %mul3A_512 = arith.constant 128 : i32
        %mul3A_513 = arith.muli %scan3A_510, %mul3A_512 : i32
        %mul3A_514 = arith.constant 2048 : i32
        %mul3A_515 = arith.muli %add3A_471, %mul3A_514 : i32
        %add3A_516 = arith.addi %mul3A_515, %mul3A_513 : i32
        %add3A_517 = arith.constant 0 : i32
        %add3A_518 = arith.addi %add3A_516, %add3A_517 : i32
        %get3A = arith.index_cast %add3A_518 : i32 to index
        %get3A_519 = tpu.vector_load %arg16[%get3A] {strides = array<i32>} : memref<16384xi32, #tpu.memory_space<vmem>>, vector<16xi32>,
        %gather3A = tpu.vector_load_idx %arg17[%get3A_519] : memref<100000xf32, #tpu.memory_space<vmem>>[vector<16xi32>], vector<16xf32>,
        %add3A_520 = arith.constant 0 : i32
        %add3A_521 = arith.addi %mul3A_513, %add3A_520 : i32
        %swap3A = arith.index_cast %add3A_521 : i32 to index
        %swap3A_522 = tpu.vector_load %arg18[%swap3A] {strides = array<i32>} : memref<2048xf32, #tpu.memory_space<vmem>>, vector<16xf32>,
        tpu.vector_store %arg18[%swap3A], %gather3A {strides = array<i32>} : memref<2048xf32, #tpu.memory_space<vmem>>, vector<16xf32>,
        %mul3A_523 = arith.constant 2048 : i32
        %mul3A_524 = arith.muli %add3A_471, %mul3A_523 : i32
        %add3A_525 = arith.addi %mul3A_524, %mul3A_513 : i32
        %add3A_526 = arith.constant 16 : i32
        %add3A_527 = arith.addi %add3A_525, %add3A_526 : i32
        %get3A_528 = arith.index_cast %add3A_527 : i32 to index
        %get3A_529 = tpu.vector_load %arg16[%get3A_528] {strides = array<i32>} : memref<16384xi32, #tpu.memory_space<vmem>>, vector<16xi32>,
        %gather3A_530 = tpu.vector_load_idx %arg17[%get3A_529] : memref<100000xf32, #tpu.memory_space<vmem>>[vector<16xi32>], vector<16xf32>,
        %add3A_531 = arith.constant 16 : i32
        %add3A_532 = arith.addi %mul3A_513, %add3A_531 : i32
        %swap3A_533 = arith.index_cast %add3A_532 : i32 to index
        %swap3A_534 = tpu.vector_load %arg18[%swap3A_533] {strides = array<i32>} : memref<2048xf32, #tpu.memory_space<vmem>>, vector<16xf32>,
        tpu.vector_store %arg18[%swap3A_533], %gather3A_530 {strides = array<i32>} : memref<2048xf32, #tpu.memory_space<vmem>>, vector<16xf32>,
        %mul3A_535 = arith.constant 2048 : i32
        %mul3A_536 = arith.muli %add3A_471, %mul3A_535 : i32
        %add3A_537 = arith.addi %mul3A_536, %mul3A_513 : i32
        %add3A_538 = arith.constant 32 : i32
        %add3A_539 = arith.addi %add3A_537, %add3A_538 : i32
        %get3A_540 = arith.index_cast %add3A_539 : i32 to index
        %get3A_541 = tpu.vector_load %arg16[%get3A_540] {strides = array<i32>} : memref<16384xi32, #tpu.memory_space<vmem>>, vector<16xi32>,
        %gather3A_542 = tpu.vector_load_idx %arg17[%get3A_541] : memref<100000xf32, #tpu.memory_space<vmem>>[vector<16xi32>], vector<16xf32>,
        %add3A_543 = arith.constant 32 : i32
        %add3A_544 = arith.addi %mul3A_513, %add3A_543 : i32
        %swap3A_545 = arith.index_cast %add3A_544 : i32 to index
        %swap3A_546 = tpu.vector_load %arg18[%swap3A_545] {strides = array<i32>} : memref<2048xf32, #tpu.memory_space<vmem>>, vector<16xf32>,
        tpu.vector_store %arg18[%swap3A_545], %gather3A_542 {strides = array<i32>} : memref<2048xf32, #tpu.memory_space<vmem>>, vector<16xf32>,
        %mul3A_547 = arith.constant 2048 : i32
        %mul3A_548 = arith.muli %add3A_471, %mul3A_547 : i32
        %add3A_549 = arith.addi %mul3A_548, %mul3A_513 : i32
        %add3A_550 = arith.constant 48 : i32
        %add3A_551 = arith.addi %add3A_549, %add3A_550 : i32
        %get3A_552 = arith.index_cast %add3A_551 : i32 to index
        %get3A_553 = tpu.vector_load %arg16[%get3A_552] {strides = array<i32>} : memref<16384xi32, #tpu.memory_space<vmem>>, vector<16xi32>,
        %gather3A_554 = tpu.vector_load_idx %arg17[%get3A_553] : memref<100000xf32, #tpu.memory_space<vmem>>[vector<16xi32>], vector<16xf32>,
        %add3A_555 = arith.constant 48 : i32
        %add3A_556 = arith.addi %mul3A_513, %add3A_555 : i32
        %swap3A_557 = arith.index_cast %add3A_556 : i32 to index
        %swap3A_558 = tpu.vector_load %arg18[%swap3A_557] {strides = array<i32>} : memref<2048xf32, #tpu.memory_space<vmem>>, vector<16xf32>,
        tpu.vector_store %arg18[%swap3A_557], %gather3A_554 {strides = array<i32>} : memref<2048xf32, #tpu.memory_space<vmem>>, vector<16xf32>,
        %mul3A_559 = arith.constant 2048 : i32
        %mul3A_560 = arith.muli %add3A_471, %mul3A_559 : i32
        %add3A_561 = arith.addi %mul3A_560, %mul3A_513 : i32
        %add3A_562 = arith.constant 64 : i32
        %add3A_563 = arith.addi %add3A_561, %add3A_562 : i32
        %get3A_564 = arith.index_cast %add3A_563 : i32 to index
        %get3A_565 = tpu.vector_load %arg16[%get3A_564] {strides = array<i32>} : memref<16384xi32, #tpu.memory_space<vmem>>, vector<16xi32>,
        %gather3A_566 = tpu.vector_load_idx %arg17[%get3A_565] : memref<100000xf32, #tpu.memory_space<vmem>>[vector<16xi32>], vector<16xf32>,
        %add3A_567 = arith.constant 64 : i32
        %add3A_568 = arith.addi %mul3A_513, %add3A_567 : i32
        %swap3A_569 = arith.index_cast %add3A_568 : i32 to index
        %swap3A_570 = tpu.vector_load %arg18[%swap3A_569] {strides = array<i32>} : memref<2048xf32, #tpu.memory_space<vmem>>, vector<16xf32>,
        tpu.vector_store %arg18[%swap3A_569], %gather3A_566 {strides = array<i32>} : memref<2048xf32, #tpu.memory_space<vmem>>, vector<16xf32>,
        %mul3A_571 = arith.constant 2048 : i32
        %mul3A_572 = arith.muli %add3A_471, %mul3A_571 : i32
        %add3A_573 = arith.addi %mul3A_572, %mul3A_513 : i32
        %add3A_574 = arith.constant 80 : i32
        %add3A_575 = arith.addi %add3A_573, %add3A_574 : i32
        %get3A_576 = arith.index_cast %add3A_575 : i32 to index
        %get3A_577 = tpu.vector_load %arg16[%get3A_576] {strides = array<i32>} : memref<16384xi32, #tpu.memory_space<vmem>>, vector<16xi32>,
        %gather3A_578 = tpu.vector_load_idx %arg17[%get3A_577] : memref<100000xf32, #tpu.memory_space<vmem>>[vector<16xi32>], vector<16xf32>,
        %add3A_579 = arith.constant 80 : i32
        %add3A_580 = arith.addi %mul3A_513, %add3A_579 : i32
        %swap3A_581 = arith.index_cast %add3A_580 : i32 to index
        %swap3A_582 = tpu.vector_load %arg18[%swap3A_581] {strides = array<i32>} : memref<2048xf32, #tpu.memory_space<vmem>>, vector<16xf32>,
        tpu.vector_store %arg18[%swap3A_581], %gather3A_578 {strides = array<i32>} : memref<2048xf32, #tpu.memory_space<vmem>>, vector<16xf32>,
        %mul3A_583 = arith.constant 2048 : i32
        %mul3A_584 = arith.muli %add3A_471, %mul3A_583 : i32
        %add3A_585 = arith.addi %mul3A_584, %mul3A_513 : i32
        %add3A_586 = arith.constant 96 : i32
        %add3A_587 = arith.addi %add3A_585, %add3A_586 : i32
        %get3A_588 = arith.index_cast %add3A_587 : i32 to index
        %get3A_589 = tpu.vector_load %arg16[%get3A_588] {strides = array<i32>} : memref<16384xi32, #tpu.memory_space<vmem>>, vector<16xi32>,
        %gather3A_590 = tpu.vector_load_idx %arg17[%get3A_589] : memref<100000xf32, #tpu.memory_space<vmem>>[vector<16xi32>], vector<16xf32>,
        %add3A_591 = arith.constant 96 : i32
        %add3A_592 = arith.addi %mul3A_513, %add3A_591 : i32
        %swap3A_593 = arith.index_cast %add3A_592 : i32 to index
        %swap3A_594 = tpu.vector_load %arg18[%swap3A_593] {strides = array<i32>} : memref<2048xf32, #tpu.memory_space<vmem>>, vector<16xf32>,
        tpu.vector_store %arg18[%swap3A_593], %gather3A_590 {strides = array<i32>} : memref<2048xf32, #tpu.memory_space<vmem>>, vector<16xf32>,
        %mul3A_595 = arith.constant 2048 : i32
        %mul3A_596 = arith.muli %add3A_471, %mul3A_595 : i32
        %add3A_597 = arith.addi %mul3A_596, %mul3A_513 : i32
        %add3A_598 = arith.constant 112 : i32
        %add3A_599 = arith.addi %add3A_597, %add3A_598 : i32
        %get3A_600 = arith.index_cast %add3A_599 : i32 to index
        %get3A_601 = tpu.vector_load %arg16[%get3A_600] {strides = array<i32>} : memref<16384xi32, #tpu.memory_space<vmem>>, vector<16xi32>,
        %gather3A_602 = tpu.vector_load_idx %arg17[%get3A_601] : memref<100000xf32, #tpu.memory_space<vmem>>[vector<16xi32>], vector<16xf32>,
        %add3A_603 = arith.constant 112 : i32
        %add3A_604 = arith.addi %mul3A_513, %add3A_603 : i32
        %swap3A_605 = arith.index_cast %add3A_604 : i32 to index
        %swap3A_606 = tpu.vector_load %arg18[%swap3A_605] {strides = array<i32>} : memref<2048xf32, #tpu.memory_space<vmem>>, vector<16xf32>,
        tpu.vector_store %arg18[%swap3A_605], %gather3A_602 {strides = array<i32>} : memref<2048xf32, #tpu.memory_space<vmem>>, vector<16xf32>,
        %scan3A_607 = arith.constant 0 : i32
        scf.yield %scan3A_607 : i32
      }
      %scan3A_480 = arith.constant 16 : i32
      %mul3A_481 = arith.constant 2048 : i32
      %mul3A_482 = arith.muli %add3A_471, %mul3A_481 : i32
      %dma_start3A_483 = tpu.memref_slice %arg11[%add3A_77, %mul3A_482] : memref<64x16384xf32, #tpu.memory_space<hbm>> -> memref<1x2048xf32, #tpu.memory_space<hbm>>
      %dma_start3A_484 = tpu.memref_squeeze %dma_start3A_483 : memref<1x2048xf32, #tpu.memory_space<hbm>> -> memref<2048xf32, #tpu.memory_space<hbm>>
      %dma_start3A_485 = tpu.memref_slice %arg11[%add3A_77, %mul3A_482] : memref<64x16384xf32, #tpu.memory_space<hbm>> -> memref<1x2048xf32, #tpu.memory_space<hbm>>
      %dma_start3A_486 = tpu.memref_squeeze %dma_start3A_485 : memref<1x2048xf32, #tpu.memory_space<hbm>> -> memref<2048xf32, #tpu.memory_space<hbm>>
      tpu.enqueue_dma source(%arg18 : memref<2048xf32, #tpu.memory_space<vmem>>) target(%dma_start3A_486 : memref<2048xf32, #tpu.memory_space<hbm>>) target_semaphore(%arg20 : memref<!tpu.dma_semaphore, #tpu.memory_space<semaphore_mem>>)
      %mul3A_487 = arith.constant 2 : i32
      %mul3A_488 = arith.muli %scan3A_466, %mul3A_487 : i32
      %add3A_489 = arith.constant 1 : i32
      %add3A_490 = arith.addi %mul3A_488, %add3A_489 : i32
      %gt3A_491 = arith.constant 0 : i32
      %gt3A_492 = arith.cmpi sgt, %scan3A_466, %gt3A_491 : i32
      %convert_element_type3A_493 = arith.extui %gt3A_492 : i1 to i32
      %cond3A_494 = arith.constant 0 : i32
      %cond3A_495 = arith.cmpi ne, %convert_element_type3A_493, %cond3A_494 : i32
      scf.if %cond3A_495 {
        %dma_wait3A_510 = arith.constant 0 : i32
        %dma_wait3A_511 = tpu.memref_slice %arg11[%add3A_77, %dma_wait3A_510] : memref<64x16384xf32, #tpu.memory_space<hbm>> -> memref<1x2048xf32, #tpu.memory_space<hbm>>
        %dma_wait3A_512 = tpu.memref_squeeze %dma_wait3A_511 : memref<1x2048xf32, #tpu.memory_space<hbm>> -> memref<2048xf32, #tpu.memory_space<hbm>>
        %dma_wait3A_513 = arith.constant 0 : i32
        %dma_wait3A_514 = tpu.memref_slice %arg11[%add3A_77, %dma_wait3A_513] : memref<64x16384xf32, #tpu.memory_space<hbm>> -> memref<1x2048xf32, #tpu.memory_space<hbm>>
        %dma_wait3A_515 = tpu.memref_squeeze %dma_wait3A_514 : memref<1x2048xf32, #tpu.memory_space<hbm>> -> memref<2048xf32, #tpu.memory_space<hbm>>
        tpu.wait_dma2 semaphore(%arg21 : memref<!tpu.dma_semaphore, #tpu.memory_space<semaphore_mem>>) src(%arg19 : memref<2048xf32, #tpu.memory_space<vmem>>) dst(%dma_wait3A_515 : memref<2048xf32, #tpu.memory_space<hbm>>)
      } else {
      }
      %scan3A_496 = arith.constant 0 : i32
      %scan3A_497 = arith.constant 0 : i32
      %scan3A_498 = arith.constant 16 : i32
      %scan3A_499 = arith.addi %scan3A_497, %scan3A_498 : i32
      %scan3A_500 = arith.constant 1 : i32
      %scan3A_501 = scf.for %scan3A_510 = %scan3A_497 to %scan3A_499 step %scan3A_500 iter_args(%scan3A_511 = %scan3A_496) -> (i32)  : i32 {
        %mul3A_512 = arith.constant 128 : i32
        %mul3A_513 = arith.muli %scan3A_510, %mul3A_512 : i32
        %mul3A_514 = arith.constant 2048 : i32
        %mul3A_515 = arith.muli %add3A_490, %mul3A_514 : i32
        %add3A_516 = arith.addi %mul3A_515, %mul3A_513 : i32
        %add3A_517 = arith.constant 0 : i32
        %add3A_518 = arith.addi %add3A_516, %add3A_517 : i32
        %get3A = arith.index_cast %add3A_518 : i32 to index
        %get3A_519 = tpu.vector_load %arg16[%get3A] {strides = array<i32>} : memref<16384xi32, #tpu.memory_space<vmem>>, vector<16xi32>,
        %gather3A = tpu.vector_load_idx %arg17[%get3A_519] : memref<100000xf32, #tpu.memory_space<vmem>>[vector<16xi32>], vector<16xf32>,
        %add3A_520 = arith.constant 0 : i32
        %add3A_521 = arith.addi %mul3A_513, %add3A_520 : i32
        %swap3A = arith.index_cast %add3A_521 : i32 to index
        %swap3A_522 = tpu.vector_load %arg19[%swap3A] {strides = array<i32>} : memref<2048xf32, #tpu.memory_space<vmem>>, vector<16xf32>,
        tpu.vector_store %arg19[%swap3A], %gather3A {strides = array<i32>} : memref<2048xf32, #tpu.memory_space<vmem>>, vector<16xf32>,
        %mul3A_523 = arith.constant 2048 : i32
        %mul3A_524 = arith.muli %add3A_490, %mul3A_523 : i32
        %add3A_525 = arith.addi %mul3A_524, %mul3A_513 : i32
        %add3A_526 = arith.constant 16 : i32
        %add3A_527 = arith.addi %add3A_525, %add3A_526 : i32
        %get3A_528 = arith.index_cast %add3A_527 : i32 to index
        %get3A_529 = tpu.vector_load %arg16[%get3A_528] {strides = array<i32>} : memref<16384xi32, #tpu.memory_space<vmem>>, vector<16xi32>,
        %gather3A_530 = tpu.vector_load_idx %arg17[%get3A_529] : memref<100000xf32, #tpu.memory_space<vmem>>[vector<16xi32>], vector<16xf32>,
        %add3A_531 = arith.constant 16 : i32
        %add3A_532 = arith.addi %mul3A_513, %add3A_531 : i32
        %swap3A_533 = arith.index_cast %add3A_532 : i32 to index
        %swap3A_534 = tpu.vector_load %arg19[%swap3A_533] {strides = array<i32>} : memref<2048xf32, #tpu.memory_space<vmem>>, vector<16xf32>,
        tpu.vector_store %arg19[%swap3A_533], %gather3A_530 {strides = array<i32>} : memref<2048xf32, #tpu.memory_space<vmem>>, vector<16xf32>,
        %mul3A_535 = arith.constant 2048 : i32
        %mul3A_536 = arith.muli %add3A_490, %mul3A_535 : i32
        %add3A_537 = arith.addi %mul3A_536, %mul3A_513 : i32
        %add3A_538 = arith.constant 32 : i32
        %add3A_539 = arith.addi %add3A_537, %add3A_538 : i32
        %get3A_540 = arith.index_cast %add3A_539 : i32 to index
        %get3A_541 = tpu.vector_load %arg16[%get3A_540] {strides = array<i32>} : memref<16384xi32, #tpu.memory_space<vmem>>, vector<16xi32>,
        %gather3A_542 = tpu.vector_load_idx %arg17[%get3A_541] : memref<100000xf32, #tpu.memory_space<vmem>>[vector<16xi32>], vector<16xf32>,
        %add3A_543 = arith.constant 32 : i32
        %add3A_544 = arith.addi %mul3A_513, %add3A_543 : i32
        %swap3A_545 = arith.index_cast %add3A_544 : i32 to index
        %swap3A_546 = tpu.vector_load %arg19[%swap3A_545] {strides = array<i32>} : memref<2048xf32, #tpu.memory_space<vmem>>, vector<16xf32>,
        tpu.vector_store %arg19[%swap3A_545], %gather3A_542 {strides = array<i32>} : memref<2048xf32, #tpu.memory_space<vmem>>, vector<16xf32>,
        %mul3A_547 = arith.constant 2048 : i32
        %mul3A_548 = arith.muli %add3A_490, %mul3A_547 : i32
        %add3A_549 = arith.addi %mul3A_548, %mul3A_513 : i32
        %add3A_550 = arith.constant 48 : i32
        %add3A_551 = arith.addi %add3A_549, %add3A_550 : i32
        %get3A_552 = arith.index_cast %add3A_551 : i32 to index
        %get3A_553 = tpu.vector_load %arg16[%get3A_552] {strides = array<i32>} : memref<16384xi32, #tpu.memory_space<vmem>>, vector<16xi32>,
        %gather3A_554 = tpu.vector_load_idx %arg17[%get3A_553] : memref<100000xf32, #tpu.memory_space<vmem>>[vector<16xi32>], vector<16xf32>,
        %add3A_555 = arith.constant 48 : i32
        %add3A_556 = arith.addi %mul3A_513, %add3A_555 : i32
        %swap3A_557 = arith.index_cast %add3A_556 : i32 to index
        %swap3A_558 = tpu.vector_load %arg19[%swap3A_557] {strides = array<i32>} : memref<2048xf32, #tpu.memory_space<vmem>>, vector<16xf32>,
        tpu.vector_store %arg19[%swap3A_557], %gather3A_554 {strides = array<i32>} : memref<2048xf32, #tpu.memory_space<vmem>>, vector<16xf32>,
        %mul3A_559 = arith.constant 2048 : i32
        %mul3A_560 = arith.muli %add3A_490, %mul3A_559 : i32
        %add3A_561 = arith.addi %mul3A_560, %mul3A_513 : i32
        %add3A_562 = arith.constant 64 : i32
        %add3A_563 = arith.addi %add3A_561, %add3A_562 : i32
        %get3A_564 = arith.index_cast %add3A_563 : i32 to index
        %get3A_565 = tpu.vector_load %arg16[%get3A_564] {strides = array<i32>} : memref<16384xi32, #tpu.memory_space<vmem>>, vector<16xi32>,
        %gather3A_566 = tpu.vector_load_idx %arg17[%get3A_565] : memref<100000xf32, #tpu.memory_space<vmem>>[vector<16xi32>], vector<16xf32>,
        %add3A_567 = arith.constant 64 : i32
        %add3A_568 = arith.addi %mul3A_513, %add3A_567 : i32
        %swap3A_569 = arith.index_cast %add3A_568 : i32 to index
        %swap3A_570 = tpu.vector_load %arg19[%swap3A_569] {strides = array<i32>} : memref<2048xf32, #tpu.memory_space<vmem>>, vector<16xf32>,
        tpu.vector_store %arg19[%swap3A_569], %gather3A_566 {strides = array<i32>} : memref<2048xf32, #tpu.memory_space<vmem>>, vector<16xf32>,
        %mul3A_571 = arith.constant 2048 : i32
        %mul3A_572 = arith.muli %add3A_490, %mul3A_571 : i32
        %add3A_573 = arith.addi %mul3A_572, %mul3A_513 : i32
        %add3A_574 = arith.constant 80 : i32
        %add3A_575 = arith.addi %add3A_573, %add3A_574 : i32
        %get3A_576 = arith.index_cast %add3A_575 : i32 to index
        %get3A_577 = tpu.vector_load %arg16[%get3A_576] {strides = array<i32>} : memref<16384xi32, #tpu.memory_space<vmem>>, vector<16xi32>,
        %gather3A_578 = tpu.vector_load_idx %arg17[%get3A_577] : memref<100000xf32, #tpu.memory_space<vmem>>[vector<16xi32>], vector<16xf32>,
        %add3A_579 = arith.constant 80 : i32
        %add3A_580 = arith.addi %mul3A_513, %add3A_579 : i32
        %swap3A_581 = arith.index_cast %add3A_580 : i32 to index
        %swap3A_582 = tpu.vector_load %arg19[%swap3A_581] {strides = array<i32>} : memref<2048xf32, #tpu.memory_space<vmem>>, vector<16xf32>,
        tpu.vector_store %arg19[%swap3A_581], %gather3A_578 {strides = array<i32>} : memref<2048xf32, #tpu.memory_space<vmem>>, vector<16xf32>,
        %mul3A_583 = arith.constant 2048 : i32
        %mul3A_584 = arith.muli %add3A_490, %mul3A_583 : i32
        %add3A_585 = arith.addi %mul3A_584, %mul3A_513 : i32
        %add3A_586 = arith.constant 96 : i32
        %add3A_587 = arith.addi %add3A_585, %add3A_586 : i32
        %get3A_588 = arith.index_cast %add3A_587 : i32 to index
        %get3A_589 = tpu.vector_load %arg16[%get3A_588] {strides = array<i32>} : memref<16384xi32, #tpu.memory_space<vmem>>, vector<16xi32>,
        %gather3A_590 = tpu.vector_load_idx %arg17[%get3A_589] : memref<100000xf32, #tpu.memory_space<vmem>>[vector<16xi32>], vector<16xf32>,
        %add3A_591 = arith.constant 96 : i32
        %add3A_592 = arith.addi %mul3A_513, %add3A_591 : i32
        %swap3A_593 = arith.index_cast %add3A_592 : i32 to index
        %swap3A_594 = tpu.vector_load %arg19[%swap3A_593] {strides = array<i32>} : memref<2048xf32, #tpu.memory_space<vmem>>, vector<16xf32>,
        tpu.vector_store %arg19[%swap3A_593], %gather3A_590 {strides = array<i32>} : memref<2048xf32, #tpu.memory_space<vmem>>, vector<16xf32>,
        %mul3A_595 = arith.constant 2048 : i32
        %mul3A_596 = arith.muli %add3A_490, %mul3A_595 : i32
        %add3A_597 = arith.addi %mul3A_596, %mul3A_513 : i32
        %add3A_598 = arith.constant 112 : i32
        %add3A_599 = arith.addi %add3A_597, %add3A_598 : i32
        %get3A_600 = arith.index_cast %add3A_599 : i32 to index
        %get3A_601 = tpu.vector_load %arg16[%get3A_600] {strides = array<i32>} : memref<16384xi32, #tpu.memory_space<vmem>>, vector<16xi32>,
        %gather3A_602 = tpu.vector_load_idx %arg17[%get3A_601] : memref<100000xf32, #tpu.memory_space<vmem>>[vector<16xi32>], vector<16xf32>,
        %add3A_603 = arith.constant 112 : i32
        %add3A_604 = arith.addi %mul3A_513, %add3A_603 : i32
        %swap3A_605 = arith.index_cast %add3A_604 : i32 to index
        %swap3A_606 = tpu.vector_load %arg19[%swap3A_605] {strides = array<i32>} : memref<2048xf32, #tpu.memory_space<vmem>>, vector<16xf32>,
        tpu.vector_store %arg19[%swap3A_605], %gather3A_602 {strides = array<i32>} : memref<2048xf32, #tpu.memory_space<vmem>>, vector<16xf32>,
        %scan3A_607 = arith.constant 0 : i32
        scf.yield %scan3A_607 : i32
      }
      %scan3A_502 = arith.constant 16 : i32
      %mul3A_503 = arith.constant 2048 : i32
      %mul3A_504 = arith.muli %add3A_490, %mul3A_503 : i32
      %dma_start3A_505 = tpu.memref_slice %arg11[%add3A_77, %mul3A_504] : memref<64x16384xf32, #tpu.memory_space<hbm>> -> memref<1x2048xf32, #tpu.memory_space<hbm>>
      %dma_start3A_506 = tpu.memref_squeeze %dma_start3A_505 : memref<1x2048xf32, #tpu.memory_space<hbm>> -> memref<2048xf32, #tpu.memory_space<hbm>>
      %dma_start3A_507 = tpu.memref_slice %arg11[%add3A_77, %mul3A_504] : memref<64x16384xf32, #tpu.memory_space<hbm>> -> memref<1x2048xf32, #tpu.memory_space<hbm>>
      %dma_start3A_508 = tpu.memref_squeeze %dma_start3A_507 : memref<1x2048xf32, #tpu.memory_space<hbm>> -> memref<2048xf32, #tpu.memory_space<hbm>>
      tpu.enqueue_dma source(%arg19 : memref<2048xf32, #tpu.memory_space<vmem>>) target(%dma_start3A_508 : memref<2048xf32, #tpu.memory_space<hbm>>) target_semaphore(%arg21 : memref<!tpu.dma_semaphore, #tpu.memory_space<semaphore_mem>>)
      %scan3A_509 = arith.constant 0 : i32
      scf.yield %scan3A_509 : i32
    }
    %scan3A_102 = arith.constant 4 : i32
    %mul3A_103 = arith.constant 2 : i32
    %mul3A_104 = arith.muli %add3A, %mul3A_103 : i32
    %add3A_105 = arith.constant 1 : i32
    %add3A_106 = arith.addi %mul3A_104, %add3A_105 : i32
    %dma_start3A_107 = arith.constant 0 : i32
    %dma_start3A_108 = tpu.memref_slice %arg5[%add3A_106, %dma_start3A_107] : memref<64x100000xf32, #tpu.memory_space<hbm>> -> memref<1x100000xf32, #tpu.memory_space<hbm>>
    %dma_start3A_109 = tpu.memref_squeeze %dma_start3A_108 : memref<1x100000xf32, #tpu.memory_space<hbm>> -> memref<100000xf32, #tpu.memory_space<hbm>>
    %dma_start3A_110 = arith.constant 0 : i32
    %dma_start3A_111 = tpu.memref_slice %arg5[%add3A_106, %dma_start3A_110] : memref<64x100000xf32, #tpu.memory_space<hbm>> -> memref<1x100000xf32, #tpu.memory_space<hbm>>
    %dma_start3A_112 = tpu.memref_squeeze %dma_start3A_111 : memref<1x100000xf32, #tpu.memory_space<hbm>> -> memref<100000xf32, #tpu.memory_space<hbm>>
    tpu.enqueue_dma source(%dma_start3A_112 : memref<100000xf32, #tpu.memory_space<hbm>>) target(%arg17 : memref<100000xf32, #tpu.memory_space<vmem>>) target_semaphore(%arg22 : memref<!tpu.dma_semaphore, #tpu.memory_space<semaphore_mem>>)
    %mul3A_113 = arith.constant 2 : i32
    %mul3A_114 = arith.muli %add3A, %mul3A_113 : i32
    %add3A_115 = arith.constant 1 : i32
    %add3A_116 = arith.addi %mul3A_114, %add3A_115 : i32
    %dma_wait3A_117 = arith.constant 0 : i32
    %dma_wait3A_118 = tpu.memref_slice %arg5[%add3A_106, %dma_wait3A_117] : memref<64x100000xf32, #tpu.memory_space<hbm>> -> memref<1x100000xf32, #tpu.memory_space<hbm>>
    %dma_wait3A_119 = tpu.memref_squeeze %dma_wait3A_118 : memref<1x100000xf32, #tpu.memory_space<hbm>> -> memref<100000xf32, #tpu.memory_space<hbm>>
    %dma_wait3A_120 = arith.constant 0 : i32
    %dma_wait3A_121 = tpu.memref_slice %arg5[%add3A_106, %dma_wait3A_120] : memref<64x100000xf32, #tpu.memory_space<hbm>> -> memref<1x100000xf32, #tpu.memory_space<hbm>>
    %dma_wait3A_122 = tpu.memref_squeeze %dma_wait3A_121 : memref<1x100000xf32, #tpu.memory_space<hbm>> -> memref<100000xf32, #tpu.memory_space<hbm>>
    tpu.wait_dma2 semaphore(%arg22 : memref<!tpu.dma_semaphore, #tpu.memory_space<semaphore_mem>>) src(%dma_wait3A_122 : memref<100000xf32, #tpu.memory_space<hbm>>) dst(%arg17 : memref<100000xf32, #tpu.memory_space<vmem>>)
    %dma_wait3A_123 = arith.constant 0 : i32
    %dma_wait3A_124 = tpu.memref_slice %arg11[%add3A_77, %dma_wait3A_123] : memref<64x16384xf32, #tpu.memory_space<hbm>> -> memref<1x2048xf32, #tpu.memory_space<hbm>>
    %dma_wait3A_125 = tpu.memref_squeeze %dma_wait3A_124 : memref<1x2048xf32, #tpu.memory_space<hbm>> -> memref<2048xf32, #tpu.memory_space<hbm>>
    %dma_wait3A_126 = arith.constant 0 : i32
    %dma_wait3A_127 = tpu.memref_slice %arg11[%add3A_77, %dma_wait3A_126] : memref<64x16384xf32, #tpu.memory_space<hbm>> -> memref<1x2048xf32, #tpu.memory_space<hbm>>
    %dma_wait3A_128 = tpu.memref_squeeze %dma_wait3A_127 : memref<1x2048xf32, #tpu.memory_space<hbm>> -> memref<2048xf32, #tpu.memory_space<hbm>>
    tpu.wait_dma2 semaphore(%arg20 : memref<!tpu.dma_semaphore, #tpu.memory_space<semaphore_mem>>) src(%arg18 : memref<2048xf32, #tpu.memory_space<vmem>>) dst(%dma_wait3A_128 : memref<2048xf32, #tpu.memory_space<hbm>>)
    %dma_wait3A_129 = arith.constant 0 : i32
    %dma_wait3A_130 = tpu.memref_slice %arg11[%add3A_77, %dma_wait3A_129] : memref<64x16384xf32, #tpu.memory_space<hbm>> -> memref<1x2048xf32, #tpu.memory_space<hbm>>
    %dma_wait3A_131 = tpu.memref_squeeze %dma_wait3A_130 : memref<1x2048xf32, #tpu.memory_space<hbm>> -> memref<2048xf32, #tpu.memory_space<hbm>>
    %dma_wait3A_132 = arith.constant 0 : i32
    %dma_wait3A_133 = tpu.memref_slice %arg11[%add3A_77, %dma_wait3A_132] : memref<64x16384xf32, #tpu.memory_space<hbm>> -> memref<1x2048xf32, #tpu.memory_space<hbm>>
    %dma_wait3A_134 = tpu.memref_squeeze %dma_wait3A_133 : memref<1x2048xf32, #tpu.memory_space<hbm>> -> memref<2048xf32, #tpu.memory_space<hbm>>
    tpu.wait_dma2 semaphore(%arg21 : memref<!tpu.dma_semaphore, #tpu.memory_space<semaphore_mem>>) src(%arg19 : memref<2048xf32, #tpu.memory_space<vmem>>) dst(%dma_wait3A_134 : memref<2048xf32, #tpu.memory_space<hbm>>)
    %scan3A_135 = arith.constant 0 : i32
    %scan3A_136 = arith.constant 0 : i32
    %scan3A_137 = arith.constant 4 : i32
    %scan3A_138 = arith.addi %scan3A_136, %scan3A_137 : i32
    %scan3A_139 = arith.constant 1 : i32
    %scan3A_140 = scf.for %scan3A_466 = %scan3A_136 to %scan3A_138 step %scan3A_139 iter_args(%scan3A_467 = %scan3A_135) -> (i32)  : i32 {
      %mul3A_468 = arith.constant 2 : i32
      %mul3A_469 = arith.muli %scan3A_466, %mul3A_468 : i32
      %add3A_470 = arith.constant 0 : i32
      %add3A_471 = arith.addi %mul3A_469, %add3A_470 : i32
      %gt3A = arith.constant 0 : i32
      %gt3A_472 = arith.cmpi sgt, %scan3A_466, %gt3A : i32
      %convert_element_type3A = arith.extui %gt3A_472 : i1 to i32
      %cond3A = arith.constant 0 : i32
      %cond3A_473 = arith.cmpi ne, %convert_element_type3A, %cond3A : i32
      scf.if %cond3A_473 {
        %dma_wait3A_510 = arith.constant 0 : i32
        %dma_wait3A_511 = tpu.memref_slice %arg11[%add3A_116, %dma_wait3A_510] : memref<64x16384xf32, #tpu.memory_space<hbm>> -> memref<1x2048xf32, #tpu.memory_space<hbm>>
        %dma_wait3A_512 = tpu.memref_squeeze %dma_wait3A_511 : memref<1x2048xf32, #tpu.memory_space<hbm>> -> memref<2048xf32, #tpu.memory_space<hbm>>
        %dma_wait3A_513 = arith.constant 0 : i32
        %dma_wait3A_514 = tpu.memref_slice %arg11[%add3A_116, %dma_wait3A_513] : memref<64x16384xf32, #tpu.memory_space<hbm>> -> memref<1x2048xf32, #tpu.memory_space<hbm>>
        %dma_wait3A_515 = tpu.memref_squeeze %dma_wait3A_514 : memref<1x2048xf32, #tpu.memory_space<hbm>> -> memref<2048xf32, #tpu.memory_space<hbm>>
        tpu.wait_dma2 semaphore(%arg20 : memref<!tpu.dma_semaphore, #tpu.memory_space<semaphore_mem>>) src(%arg18 : memref<2048xf32, #tpu.memory_space<vmem>>) dst(%dma_wait3A_515 : memref<2048xf32, #tpu.memory_space<hbm>>)
      } else {
      }
      %scan3A_474 = arith.constant 0 : i32
      %scan3A_475 = arith.constant 0 : i32
      %scan3A_476 = arith.constant 16 : i32
      %scan3A_477 = arith.addi %scan3A_475, %scan3A_476 : i32
      %scan3A_478 = arith.constant 1 : i32
      %scan3A_479 = scf.for %scan3A_510 = %scan3A_475 to %scan3A_477 step %scan3A_478 iter_args(%scan3A_511 = %scan3A_474) -> (i32)  : i32 {
        %mul3A_512 = arith.constant 128 : i32
        %mul3A_513 = arith.muli %scan3A_510, %mul3A_512 : i32
        %mul3A_514 = arith.constant 2048 : i32
        %mul3A_515 = arith.muli %add3A_471, %mul3A_514 : i32
        %add3A_516 = arith.addi %mul3A_515, %mul3A_513 : i32
        %add3A_517 = arith.constant 0 : i32
        %add3A_518 = arith.addi %add3A_516, %add3A_517 : i32
        %get3A = arith.index_cast %add3A_518 : i32 to index
        %get3A_519 = tpu.vector_load %arg16[%get3A] {strides = array<i32>} : memref<16384xi32, #tpu.memory_space<vmem>>, vector<16xi32>,
        %gather3A = tpu.vector_load_idx %arg17[%get3A_519] : memref<100000xf32, #tpu.memory_space<vmem>>[vector<16xi32>], vector<16xf32>,
        %add3A_520 = arith.constant 0 : i32
        %add3A_521 = arith.addi %mul3A_513, %add3A_520 : i32
        %swap3A = arith.index_cast %add3A_521 : i32 to index
        %swap3A_522 = tpu.vector_load %arg18[%swap3A] {strides = array<i32>} : memref<2048xf32, #tpu.memory_space<vmem>>, vector<16xf32>,
        tpu.vector_store %arg18[%swap3A], %gather3A {strides = array<i32>} : memref<2048xf32, #tpu.memory_space<vmem>>, vector<16xf32>,
        %mul3A_523 = arith.constant 2048 : i32
        %mul3A_524 = arith.muli %add3A_471, %mul3A_523 : i32
        %add3A_525 = arith.addi %mul3A_524, %mul3A_513 : i32
        %add3A_526 = arith.constant 16 : i32
        %add3A_527 = arith.addi %add3A_525, %add3A_526 : i32
        %get3A_528 = arith.index_cast %add3A_527 : i32 to index
        %get3A_529 = tpu.vector_load %arg16[%get3A_528] {strides = array<i32>} : memref<16384xi32, #tpu.memory_space<vmem>>, vector<16xi32>,
        %gather3A_530 = tpu.vector_load_idx %arg17[%get3A_529] : memref<100000xf32, #tpu.memory_space<vmem>>[vector<16xi32>], vector<16xf32>,
        %add3A_531 = arith.constant 16 : i32
        %add3A_532 = arith.addi %mul3A_513, %add3A_531 : i32
        %swap3A_533 = arith.index_cast %add3A_532 : i32 to index
        %swap3A_534 = tpu.vector_load %arg18[%swap3A_533] {strides = array<i32>} : memref<2048xf32, #tpu.memory_space<vmem>>, vector<16xf32>,
        tpu.vector_store %arg18[%swap3A_533], %gather3A_530 {strides = array<i32>} : memref<2048xf32, #tpu.memory_space<vmem>>, vector<16xf32>,
        %mul3A_535 = arith.constant 2048 : i32
        %mul3A_536 = arith.muli %add3A_471, %mul3A_535 : i32
        %add3A_537 = arith.addi %mul3A_536, %mul3A_513 : i32
        %add3A_538 = arith.constant 32 : i32
        %add3A_539 = arith.addi %add3A_537, %add3A_538 : i32
        %get3A_540 = arith.index_cast %add3A_539 : i32 to index
        %get3A_541 = tpu.vector_load %arg16[%get3A_540] {strides = array<i32>} : memref<16384xi32, #tpu.memory_space<vmem>>, vector<16xi32>,
        %gather3A_542 = tpu.vector_load_idx %arg17[%get3A_541] : memref<100000xf32, #tpu.memory_space<vmem>>[vector<16xi32>], vector<16xf32>,
        %add3A_543 = arith.constant 32 : i32
        %add3A_544 = arith.addi %mul3A_513, %add3A_543 : i32
        %swap3A_545 = arith.index_cast %add3A_544 : i32 to index
        %swap3A_546 = tpu.vector_load %arg18[%swap3A_545] {strides = array<i32>} : memref<2048xf32, #tpu.memory_space<vmem>>, vector<16xf32>,
        tpu.vector_store %arg18[%swap3A_545], %gather3A_542 {strides = array<i32>} : memref<2048xf32, #tpu.memory_space<vmem>>, vector<16xf32>,
        %mul3A_547 = arith.constant 2048 : i32
        %mul3A_548 = arith.muli %add3A_471, %mul3A_547 : i32
        %add3A_549 = arith.addi %mul3A_548, %mul3A_513 : i32
        %add3A_550 = arith.constant 48 : i32
        %add3A_551 = arith.addi %add3A_549, %add3A_550 : i32
        %get3A_552 = arith.index_cast %add3A_551 : i32 to index
        %get3A_553 = tpu.vector_load %arg16[%get3A_552] {strides = array<i32>} : memref<16384xi32, #tpu.memory_space<vmem>>, vector<16xi32>,
        %gather3A_554 = tpu.vector_load_idx %arg17[%get3A_553] : memref<100000xf32, #tpu.memory_space<vmem>>[vector<16xi32>], vector<16xf32>,
        %add3A_555 = arith.constant 48 : i32
        %add3A_556 = arith.addi %mul3A_513, %add3A_555 : i32
        %swap3A_557 = arith.index_cast %add3A_556 : i32 to index
        %swap3A_558 = tpu.vector_load %arg18[%swap3A_557] {strides = array<i32>} : memref<2048xf32, #tpu.memory_space<vmem>>, vector<16xf32>,
        tpu.vector_store %arg18[%swap3A_557], %gather3A_554 {strides = array<i32>} : memref<2048xf32, #tpu.memory_space<vmem>>, vector<16xf32>,
        %mul3A_559 = arith.constant 2048 : i32
        %mul3A_560 = arith.muli %add3A_471, %mul3A_559 : i32
        %add3A_561 = arith.addi %mul3A_560, %mul3A_513 : i32
        %add3A_562 = arith.constant 64 : i32
        %add3A_563 = arith.addi %add3A_561, %add3A_562 : i32
        %get3A_564 = arith.index_cast %add3A_563 : i32 to index
        %get3A_565 = tpu.vector_load %arg16[%get3A_564] {strides = array<i32>} : memref<16384xi32, #tpu.memory_space<vmem>>, vector<16xi32>,
        %gather3A_566 = tpu.vector_load_idx %arg17[%get3A_565] : memref<100000xf32, #tpu.memory_space<vmem>>[vector<16xi32>], vector<16xf32>,
        %add3A_567 = arith.constant 64 : i32
        %add3A_568 = arith.addi %mul3A_513, %add3A_567 : i32
        %swap3A_569 = arith.index_cast %add3A_568 : i32 to index
        %swap3A_570 = tpu.vector_load %arg18[%swap3A_569] {strides = array<i32>} : memref<2048xf32, #tpu.memory_space<vmem>>, vector<16xf32>,
        tpu.vector_store %arg18[%swap3A_569], %gather3A_566 {strides = array<i32>} : memref<2048xf32, #tpu.memory_space<vmem>>, vector<16xf32>,
        %mul3A_571 = arith.constant 2048 : i32
        %mul3A_572 = arith.muli %add3A_471, %mul3A_571 : i32
        %add3A_573 = arith.addi %mul3A_572, %mul3A_513 : i32
        %add3A_574 = arith.constant 80 : i32
        %add3A_575 = arith.addi %add3A_573, %add3A_574 : i32
        %get3A_576 = arith.index_cast %add3A_575 : i32 to index
        %get3A_577 = tpu.vector_load %arg16[%get3A_576] {strides = array<i32>} : memref<16384xi32, #tpu.memory_space<vmem>>, vector<16xi32>,
        %gather3A_578 = tpu.vector_load_idx %arg17[%get3A_577] : memref<100000xf32, #tpu.memory_space<vmem>>[vector<16xi32>], vector<16xf32>,
        %add3A_579 = arith.constant 80 : i32
        %add3A_580 = arith.addi %mul3A_513, %add3A_579 : i32
        %swap3A_581 = arith.index_cast %add3A_580 : i32 to index
        %swap3A_582 = tpu.vector_load %arg18[%swap3A_581] {strides = array<i32>} : memref<2048xf32, #tpu.memory_space<vmem>>, vector<16xf32>,
        tpu.vector_store %arg18[%swap3A_581], %gather3A_578 {strides = array<i32>} : memref<2048xf32, #tpu.memory_space<vmem>>, vector<16xf32>,
        %mul3A_583 = arith.constant 2048 : i32
        %mul3A_584 = arith.muli %add3A_471, %mul3A_583 : i32
        %add3A_585 = arith.addi %mul3A_584, %mul3A_513 : i32
        %add3A_586 = arith.constant 96 : i32
        %add3A_587 = arith.addi %add3A_585, %add3A_586 : i32
        %get3A_588 = arith.index_cast %add3A_587 : i32 to index
        %get3A_589 = tpu.vector_load %arg16[%get3A_588] {strides = array<i32>} : memref<16384xi32, #tpu.memory_space<vmem>>, vector<16xi32>,
        %gather3A_590 = tpu.vector_load_idx %arg17[%get3A_589] : memref<100000xf32, #tpu.memory_space<vmem>>[vector<16xi32>], vector<16xf32>,
        %add3A_591 = arith.constant 96 : i32
        %add3A_592 = arith.addi %mul3A_513, %add3A_591 : i32
        %swap3A_593 = arith.index_cast %add3A_592 : i32 to index
        %swap3A_594 = tpu.vector_load %arg18[%swap3A_593] {strides = array<i32>} : memref<2048xf32, #tpu.memory_space<vmem>>, vector<16xf32>,
        tpu.vector_store %arg18[%swap3A_593], %gather3A_590 {strides = array<i32>} : memref<2048xf32, #tpu.memory_space<vmem>>, vector<16xf32>,
        %mul3A_595 = arith.constant 2048 : i32
        %mul3A_596 = arith.muli %add3A_471, %mul3A_595 : i32
        %add3A_597 = arith.addi %mul3A_596, %mul3A_513 : i32
        %add3A_598 = arith.constant 112 : i32
        %add3A_599 = arith.addi %add3A_597, %add3A_598 : i32
        %get3A_600 = arith.index_cast %add3A_599 : i32 to index
        %get3A_601 = tpu.vector_load %arg16[%get3A_600] {strides = array<i32>} : memref<16384xi32, #tpu.memory_space<vmem>>, vector<16xi32>,
        %gather3A_602 = tpu.vector_load_idx %arg17[%get3A_601] : memref<100000xf32, #tpu.memory_space<vmem>>[vector<16xi32>], vector<16xf32>,
        %add3A_603 = arith.constant 112 : i32
        %add3A_604 = arith.addi %mul3A_513, %add3A_603 : i32
        %swap3A_605 = arith.index_cast %add3A_604 : i32 to index
        %swap3A_606 = tpu.vector_load %arg18[%swap3A_605] {strides = array<i32>} : memref<2048xf32, #tpu.memory_space<vmem>>, vector<16xf32>,
        tpu.vector_store %arg18[%swap3A_605], %gather3A_602 {strides = array<i32>} : memref<2048xf32, #tpu.memory_space<vmem>>, vector<16xf32>,
        %scan3A_607 = arith.constant 0 : i32
        scf.yield %scan3A_607 : i32
      }
      %scan3A_480 = arith.constant 16 : i32
      %mul3A_481 = arith.constant 2048 : i32
      %mul3A_482 = arith.muli %add3A_471, %mul3A_481 : i32
      %dma_start3A_483 = tpu.memref_slice %arg11[%add3A_116, %mul3A_482] : memref<64x16384xf32, #tpu.memory_space<hbm>> -> memref<1x2048xf32, #tpu.memory_space<hbm>>
      %dma_start3A_484 = tpu.memref_squeeze %dma_start3A_483 : memref<1x2048xf32, #tpu.memory_space<hbm>> -> memref<2048xf32, #tpu.memory_space<hbm>>
      %dma_start3A_485 = tpu.memref_slice %arg11[%add3A_116, %mul3A_482] : memref<64x16384xf32, #tpu.memory_space<hbm>> -> memref<1x2048xf32, #tpu.memory_space<hbm>>
      %dma_start3A_486 = tpu.memref_squeeze %dma_start3A_485 : memref<1x2048xf32, #tpu.memory_space<hbm>> -> memref<2048xf32, #tpu.memory_space<hbm>>
      tpu.enqueue_dma source(%arg18 : memref<2048xf32, #tpu.memory_space<vmem>>) target(%dma_start3A_486 : memref<2048xf32, #tpu.memory_space<hbm>>) target_semaphore(%arg20 : memref<!tpu.dma_semaphore, #tpu.memory_space<semaphore_mem>>)
      %mul3A_487 = arith.constant 2 : i32
      %mul3A_488 = arith.muli %scan3A_466, %mul3A_487 : i32
      %add3A_489 = arith.constant 1 : i32
      %add3A_490 = arith.addi %mul3A_488, %add3A_489 : i32
      %gt3A_491 = arith.constant 0 : i32
      %gt3A_492 = arith.cmpi sgt, %scan3A_466, %gt3A_491 : i32
      %convert_element_type3A_493 = arith.extui %gt3A_492 : i1 to i32
      %cond3A_494 = arith.constant 0 : i32
      %cond3A_495 = arith.cmpi ne, %convert_element_type3A_493, %cond3A_494 : i32
      scf.if %cond3A_495 {
        %dma_wait3A_510 = arith.constant 0 : i32
        %dma_wait3A_511 = tpu.memref_slice %arg11[%add3A_116, %dma_wait3A_510] : memref<64x16384xf32, #tpu.memory_space<hbm>> -> memref<1x2048xf32, #tpu.memory_space<hbm>>
        %dma_wait3A_512 = tpu.memref_squeeze %dma_wait3A_511 : memref<1x2048xf32, #tpu.memory_space<hbm>> -> memref<2048xf32, #tpu.memory_space<hbm>>
        %dma_wait3A_513 = arith.constant 0 : i32
        %dma_wait3A_514 = tpu.memref_slice %arg11[%add3A_116, %dma_wait3A_513] : memref<64x16384xf32, #tpu.memory_space<hbm>> -> memref<1x2048xf32, #tpu.memory_space<hbm>>
        %dma_wait3A_515 = tpu.memref_squeeze %dma_wait3A_514 : memref<1x2048xf32, #tpu.memory_space<hbm>> -> memref<2048xf32, #tpu.memory_space<hbm>>
        tpu.wait_dma2 semaphore(%arg21 : memref<!tpu.dma_semaphore, #tpu.memory_space<semaphore_mem>>) src(%arg19 : memref<2048xf32, #tpu.memory_space<vmem>>) dst(%dma_wait3A_515 : memref<2048xf32, #tpu.memory_space<hbm>>)
      } else {
      }
      %scan3A_496 = arith.constant 0 : i32
      %scan3A_497 = arith.constant 0 : i32
      %scan3A_498 = arith.constant 16 : i32
      %scan3A_499 = arith.addi %scan3A_497, %scan3A_498 : i32
      %scan3A_500 = arith.constant 1 : i32
      %scan3A_501 = scf.for %scan3A_510 = %scan3A_497 to %scan3A_499 step %scan3A_500 iter_args(%scan3A_511 = %scan3A_496) -> (i32)  : i32 {
        %mul3A_512 = arith.constant 128 : i32
        %mul3A_513 = arith.muli %scan3A_510, %mul3A_512 : i32
        %mul3A_514 = arith.constant 2048 : i32
        %mul3A_515 = arith.muli %add3A_490, %mul3A_514 : i32
        %add3A_516 = arith.addi %mul3A_515, %mul3A_513 : i32
        %add3A_517 = arith.constant 0 : i32
        %add3A_518 = arith.addi %add3A_516, %add3A_517 : i32
        %get3A = arith.index_cast %add3A_518 : i32 to index
        %get3A_519 = tpu.vector_load %arg16[%get3A] {strides = array<i32>} : memref<16384xi32, #tpu.memory_space<vmem>>, vector<16xi32>,
        %gather3A = tpu.vector_load_idx %arg17[%get3A_519] : memref<100000xf32, #tpu.memory_space<vmem>>[vector<16xi32>], vector<16xf32>,
        %add3A_520 = arith.constant 0 : i32
        %add3A_521 = arith.addi %mul3A_513, %add3A_520 : i32
        %swap3A = arith.index_cast %add3A_521 : i32 to index
        %swap3A_522 = tpu.vector_load %arg19[%swap3A] {strides = array<i32>} : memref<2048xf32, #tpu.memory_space<vmem>>, vector<16xf32>,
        tpu.vector_store %arg19[%swap3A], %gather3A {strides = array<i32>} : memref<2048xf32, #tpu.memory_space<vmem>>, vector<16xf32>,
        %mul3A_523 = arith.constant 2048 : i32
        %mul3A_524 = arith.muli %add3A_490, %mul3A_523 : i32
        %add3A_525 = arith.addi %mul3A_524, %mul3A_513 : i32
        %add3A_526 = arith.constant 16 : i32
        %add3A_527 = arith.addi %add3A_525, %add3A_526 : i32
        %get3A_528 = arith.index_cast %add3A_527 : i32 to index
        %get3A_529 = tpu.vector_load %arg16[%get3A_528] {strides = array<i32>} : memref<16384xi32, #tpu.memory_space<vmem>>, vector<16xi32>,
        %gather3A_530 = tpu.vector_load_idx %arg17[%get3A_529] : memref<100000xf32, #tpu.memory_space<vmem>>[vector<16xi32>], vector<16xf32>,
        %add3A_531 = arith.constant 16 : i32
        %add3A_532 = arith.addi %mul3A_513, %add3A_531 : i32
        %swap3A_533 = arith.index_cast %add3A_532 : i32 to index
        %swap3A_534 = tpu.vector_load %arg19[%swap3A_533] {strides = array<i32>} : memref<2048xf32, #tpu.memory_space<vmem>>, vector<16xf32>,
        tpu.vector_store %arg19[%swap3A_533], %gather3A_530 {strides = array<i32>} : memref<2048xf32, #tpu.memory_space<vmem>>, vector<16xf32>,
        %mul3A_535 = arith.constant 2048 : i32
        %mul3A_536 = arith.muli %add3A_490, %mul3A_535 : i32
        %add3A_537 = arith.addi %mul3A_536, %mul3A_513 : i32
        %add3A_538 = arith.constant 32 : i32
        %add3A_539 = arith.addi %add3A_537, %add3A_538 : i32
        %get3A_540 = arith.index_cast %add3A_539 : i32 to index
        %get3A_541 = tpu.vector_load %arg16[%get3A_540] {strides = array<i32>} : memref<16384xi32, #tpu.memory_space<vmem>>, vector<16xi32>,
        %gather3A_542 = tpu.vector_load_idx %arg17[%get3A_541] : memref<100000xf32, #tpu.memory_space<vmem>>[vector<16xi32>], vector<16xf32>,
        %add3A_543 = arith.constant 32 : i32
        %add3A_544 = arith.addi %mul3A_513, %add3A_543 : i32
        %swap3A_545 = arith.index_cast %add3A_544 : i32 to index
        %swap3A_546 = tpu.vector_load %arg19[%swap3A_545] {strides = array<i32>} : memref<2048xf32, #tpu.memory_space<vmem>>, vector<16xf32>,
        tpu.vector_store %arg19[%swap3A_545], %gather3A_542 {strides = array<i32>} : memref<2048xf32, #tpu.memory_space<vmem>>, vector<16xf32>,
        %mul3A_547 = arith.constant 2048 : i32
        %mul3A_548 = arith.muli %add3A_490, %mul3A_547 : i32
        %add3A_549 = arith.addi %mul3A_548, %mul3A_513 : i32
        %add3A_550 = arith.constant 48 : i32
        %add3A_551 = arith.addi %add3A_549, %add3A_550 : i32
        %get3A_552 = arith.index_cast %add3A_551 : i32 to index
        %get3A_553 = tpu.vector_load %arg16[%get3A_552] {strides = array<i32>} : memref<16384xi32, #tpu.memory_space<vmem>>, vector<16xi32>,
        %gather3A_554 = tpu.vector_load_idx %arg17[%get3A_553] : memref<100000xf32, #tpu.memory_space<vmem>>[vector<16xi32>], vector<16xf32>,
        %add3A_555 = arith.constant 48 : i32
        %add3A_556 = arith.addi %mul3A_513, %add3A_555 : i32
        %swap3A_557 = arith.index_cast %add3A_556 : i32 to index
        %swap3A_558 = tpu.vector_load %arg19[%swap3A_557] {strides = array<i32>} : memref<2048xf32, #tpu.memory_space<vmem>>, vector<16xf32>,
        tpu.vector_store %arg19[%swap3A_557], %gather3A_554 {strides = array<i32>} : memref<2048xf32, #tpu.memory_space<vmem>>, vector<16xf32>,
        %mul3A_559 = arith.constant 2048 : i32
        %mul3A_560 = arith.muli %add3A_490, %mul3A_559 : i32
        %add3A_561 = arith.addi %mul3A_560, %mul3A_513 : i32
        %add3A_562 = arith.constant 64 : i32
        %add3A_563 = arith.addi %add3A_561, %add3A_562 : i32
        %get3A_564 = arith.index_cast %add3A_563 : i32 to index
        %get3A_565 = tpu.vector_load %arg16[%get3A_564] {strides = array<i32>} : memref<16384xi32, #tpu.memory_space<vmem>>, vector<16xi32>,
        %gather3A_566 = tpu.vector_load_idx %arg17[%get3A_565] : memref<100000xf32, #tpu.memory_space<vmem>>[vector<16xi32>], vector<16xf32>,
        %add3A_567 = arith.constant 64 : i32
        %add3A_568 = arith.addi %mul3A_513, %add3A_567 : i32
        %swap3A_569 = arith.index_cast %add3A_568 : i32 to index
        %swap3A_570 = tpu.vector_load %arg19[%swap3A_569] {strides = array<i32>} : memref<2048xf32, #tpu.memory_space<vmem>>, vector<16xf32>,
        tpu.vector_store %arg19[%swap3A_569], %gather3A_566 {strides = array<i32>} : memref<2048xf32, #tpu.memory_space<vmem>>, vector<16xf32>,
        %mul3A_571 = arith.constant 2048 : i32
        %mul3A_572 = arith.muli %add3A_490, %mul3A_571 : i32
        %add3A_573 = arith.addi %mul3A_572, %mul3A_513 : i32
        %add3A_574 = arith.constant 80 : i32
        %add3A_575 = arith.addi %add3A_573, %add3A_574 : i32
        %get3A_576 = arith.index_cast %add3A_575 : i32 to index
        %get3A_577 = tpu.vector_load %arg16[%get3A_576] {strides = array<i32>} : memref<16384xi32, #tpu.memory_space<vmem>>, vector<16xi32>,
        %gather3A_578 = tpu.vector_load_idx %arg17[%get3A_577] : memref<100000xf32, #tpu.memory_space<vmem>>[vector<16xi32>], vector<16xf32>,
        %add3A_579 = arith.constant 80 : i32
        %add3A_580 = arith.addi %mul3A_513, %add3A_579 : i32
        %swap3A_581 = arith.index_cast %add3A_580 : i32 to index
        %swap3A_582 = tpu.vector_load %arg19[%swap3A_581] {strides = array<i32>} : memref<2048xf32, #tpu.memory_space<vmem>>, vector<16xf32>,
        tpu.vector_store %arg19[%swap3A_581], %gather3A_578 {strides = array<i32>} : memref<2048xf32, #tpu.memory_space<vmem>>, vector<16xf32>,
        %mul3A_583 = arith.constant 2048 : i32
        %mul3A_584 = arith.muli %add3A_490, %mul3A_583 : i32
        %add3A_585 = arith.addi %mul3A_584, %mul3A_513 : i32
        %add3A_586 = arith.constant 96 : i32
        %add3A_587 = arith.addi %add3A_585, %add3A_586 : i32
        %get3A_588 = arith.index_cast %add3A_587 : i32 to index
        %get3A_589 = tpu.vector_load %arg16[%get3A_588] {strides = array<i32>} : memref<16384xi32, #tpu.memory_space<vmem>>, vector<16xi32>,
        %gather3A_590 = tpu.vector_load_idx %arg17[%get3A_589] : memref<100000xf32, #tpu.memory_space<vmem>>[vector<16xi32>], vector<16xf32>,
        %add3A_591 = arith.constant 96 : i32
        %add3A_592 = arith.addi %mul3A_513, %add3A_591 : i32
        %swap3A_593 = arith.index_cast %add3A_592 : i32 to index
        %swap3A_594 = tpu.vector_load %arg19[%swap3A_593] {strides = array<i32>} : memref<2048xf32, #tpu.memory_space<vmem>>, vector<16xf32>,
        tpu.vector_store %arg19[%swap3A_593], %gather3A_590 {strides = array<i32>} : memref<2048xf32, #tpu.memory_space<vmem>>, vector<16xf32>,
        %mul3A_595 = arith.constant 2048 : i32
        %mul3A_596 = arith.muli %add3A_490, %mul3A_595 : i32
        %add3A_597 = arith.addi %mul3A_596, %mul3A_513 : i32
        %add3A_598 = arith.constant 112 : i32
        %add3A_599 = arith.addi %add3A_597, %add3A_598 : i32
        %get3A_600 = arith.index_cast %add3A_599 : i32 to index
        %get3A_601 = tpu.vector_load %arg16[%get3A_600] {strides = array<i32>} : memref<16384xi32, #tpu.memory_space<vmem>>, vector<16xi32>,
        %gather3A_602 = tpu.vector_load_idx %arg17[%get3A_601] : memref<100000xf32, #tpu.memory_space<vmem>>[vector<16xi32>], vector<16xf32>,
        %add3A_603 = arith.constant 112 : i32
        %add3A_604 = arith.addi %mul3A_513, %add3A_603 : i32
        %swap3A_605 = arith.index_cast %add3A_604 : i32 to index
        %swap3A_606 = tpu.vector_load %arg19[%swap3A_605] {strides = array<i32>} : memref<2048xf32, #tpu.memory_space<vmem>>, vector<16xf32>,
        tpu.vector_store %arg19[%swap3A_605], %gather3A_602 {strides = array<i32>} : memref<2048xf32, #tpu.memory_space<vmem>>, vector<16xf32>,
        %scan3A_607 = arith.constant 0 : i32
        scf.yield %scan3A_607 : i32
      }
      %scan3A_502 = arith.constant 16 : i32
      %mul3A_503 = arith.constant 2048 : i32
      %mul3A_504 = arith.muli %add3A_490, %mul3A_503 : i32
      %dma_start3A_505 = tpu.memref_slice %arg11[%add3A_116, %mul3A_504] : memref<64x16384xf32, #tpu.memory_space<hbm>> -> memref<1x2048xf32, #tpu.memory_space<hbm>>
      %dma_start3A_506 = tpu.memref_squeeze %dma_start3A_505 : memref<1x2048xf32, #tpu.memory_space<hbm>> -> memref<2048xf32, #tpu.memory_space<hbm>>
      %dma_start3A_507 = tpu.memref_slice %arg11[%add3A_116, %mul3A_504] : memref<64x16384xf32, #tpu.memory_space<hbm>> -> memref<1x2048xf32, #tpu.memory_space<hbm>>
      %dma_start3A_508 = tpu.memref_squeeze %dma_start3A_507 : memref<1x2048xf32, #tpu.memory_space<hbm>> -> memref<2048xf32, #tpu.memory_space<hbm>>
      tpu.enqueue_dma source(%arg19 : memref<2048xf32, #tpu.memory_space<vmem>>) target(%dma_start3A_508 : memref<2048xf32, #tpu.memory_space<hbm>>) target_semaphore(%arg21 : memref<!tpu.dma_semaphore, #tpu.memory_space<semaphore_mem>>)
      %scan3A_509 = arith.constant 0 : i32
      scf.yield %scan3A_509 : i32
    }
    %scan3A_141 = arith.constant 4 : i32
    %mul3A_142 = arith.constant 2 : i32
    %mul3A_143 = arith.muli %add3A, %mul3A_142 : i32
    %add3A_144 = arith.constant 0 : i32
    %add3A_145 = arith.addi %mul3A_143, %add3A_144 : i32
    %dma_start3A_146 = arith.constant 0 : i32
    %dma_start3A_147 = tpu.memref_slice %arg6[%add3A_145, %dma_start3A_146] : memref<64x100000xf32, #tpu.memory_space<hbm>> -> memref<1x100000xf32, #tpu.memory_space<hbm>>
    %dma_start3A_148 = tpu.memref_squeeze %dma_start3A_147 : memref<1x100000xf32, #tpu.memory_space<hbm>> -> memref<100000xf32, #tpu.memory_space<hbm>>
    %dma_start3A_149 = arith.constant 0 : i32
    %dma_start3A_150 = tpu.memref_slice %arg6[%add3A_145, %dma_start3A_149] : memref<64x100000xf32, #tpu.memory_space<hbm>> -> memref<1x100000xf32, #tpu.memory_space<hbm>>
    %dma_start3A_151 = tpu.memref_squeeze %dma_start3A_150 : memref<1x100000xf32, #tpu.memory_space<hbm>> -> memref<100000xf32, #tpu.memory_space<hbm>>
    tpu.enqueue_dma source(%dma_start3A_151 : memref<100000xf32, #tpu.memory_space<hbm>>) target(%arg17 : memref<100000xf32, #tpu.memory_space<vmem>>) target_semaphore(%arg22 : memref<!tpu.dma_semaphore, #tpu.memory_space<semaphore_mem>>)
    %mul3A_152 = arith.constant 2 : i32
    %mul3A_153 = arith.muli %add3A, %mul3A_152 : i32
    %add3A_154 = arith.constant 0 : i32
    %add3A_155 = arith.addi %mul3A_153, %add3A_154 : i32
    %dma_wait3A_156 = arith.constant 0 : i32
    %dma_wait3A_157 = tpu.memref_slice %arg6[%add3A_145, %dma_wait3A_156] : memref<64x100000xf32, #tpu.memory_space<hbm>> -> memref<1x100000xf32, #tpu.memory_space<hbm>>
    %dma_wait3A_158 = tpu.memref_squeeze %dma_wait3A_157 : memref<1x100000xf32, #tpu.memory_space<hbm>> -> memref<100000xf32, #tpu.memory_space<hbm>>
    %dma_wait3A_159 = arith.constant 0 : i32
    %dma_wait3A_160 = tpu.memref_slice %arg6[%add3A_145, %dma_wait3A_159] : memref<64x100000xf32, #tpu.memory_space<hbm>> -> memref<1x100000xf32, #tpu.memory_space<hbm>>
    %dma_wait3A_161 = tpu.memref_squeeze %dma_wait3A_160 : memref<1x100000xf32, #tpu.memory_space<hbm>> -> memref<100000xf32, #tpu.memory_space<hbm>>
    tpu.wait_dma2 semaphore(%arg22 : memref<!tpu.dma_semaphore, #tpu.memory_space<semaphore_mem>>) src(%dma_wait3A_161 : memref<100000xf32, #tpu.memory_space<hbm>>) dst(%arg17 : memref<100000xf32, #tpu.memory_space<vmem>>)
    %dma_wait3A_162 = arith.constant 0 : i32
    %dma_wait3A_163 = tpu.memref_slice %arg11[%add3A_116, %dma_wait3A_162] : memref<64x16384xf32, #tpu.memory_space<hbm>> -> memref<1x2048xf32, #tpu.memory_space<hbm>>
    %dma_wait3A_164 = tpu.memref_squeeze %dma_wait3A_163 : memref<1x2048xf32, #tpu.memory_space<hbm>> -> memref<2048xf32, #tpu.memory_space<hbm>>
    %dma_wait3A_165 = arith.constant 0 : i32
    %dma_wait3A_166 = tpu.memref_slice %arg11[%add3A_116, %dma_wait3A_165] : memref<64x16384xf32, #tpu.memory_space<hbm>> -> memref<1x2048xf32, #tpu.memory_space<hbm>>
    %dma_wait3A_167 = tpu.memref_squeeze %dma_wait3A_166 : memref<1x2048xf32, #tpu.memory_space<hbm>> -> memref<2048xf32, #tpu.memory_space<hbm>>
    tpu.wait_dma2 semaphore(%arg20 : memref<!tpu.dma_semaphore, #tpu.memory_space<semaphore_mem>>) src(%arg18 : memref<2048xf32, #tpu.memory_space<vmem>>) dst(%dma_wait3A_167 : memref<2048xf32, #tpu.memory_space<hbm>>)
    %dma_wait3A_168 = arith.constant 0 : i32
    %dma_wait3A_169 = tpu.memref_slice %arg11[%add3A_116, %dma_wait3A_168] : memref<64x16384xf32, #tpu.memory_space<hbm>> -> memref<1x2048xf32, #tpu.memory_space<hbm>>
    %dma_wait3A_170 = tpu.memref_squeeze %dma_wait3A_169 : memref<1x2048xf32, #tpu.memory_space<hbm>> -> memref<2048xf32, #tpu.memory_space<hbm>>
    %dma_wait3A_171 = arith.constant 0 : i32
    %dma_wait3A_172 = tpu.memref_slice %arg11[%add3A_116, %dma_wait3A_171] : memref<64x16384xf32, #tpu.memory_space<hbm>> -> memref<1x2048xf32, #tpu.memory_space<hbm>>
    %dma_wait3A_173 = tpu.memref_squeeze %dma_wait3A_172 : memref<1x2048xf32, #tpu.memory_space<hbm>> -> memref<2048xf32, #tpu.memory_space<hbm>>
    tpu.wait_dma2 semaphore(%arg21 : memref<!tpu.dma_semaphore, #tpu.memory_space<semaphore_mem>>) src(%arg19 : memref<2048xf32, #tpu.memory_space<vmem>>) dst(%dma_wait3A_173 : memref<2048xf32, #tpu.memory_space<hbm>>)
    %scan3A_174 = arith.constant 0 : i32
    %scan3A_175 = arith.constant 0 : i32
    %scan3A_176 = arith.constant 4 : i32
    %scan3A_177 = arith.addi %scan3A_175, %scan3A_176 : i32
    %scan3A_178 = arith.constant 1 : i32
    %scan3A_179 = scf.for %scan3A_466 = %scan3A_175 to %scan3A_177 step %scan3A_178 iter_args(%scan3A_467 = %scan3A_174) -> (i32)  : i32 {
      %mul3A_468 = arith.constant 2 : i32
      %mul3A_469 = arith.muli %scan3A_466, %mul3A_468 : i32
      %add3A_470 = arith.constant 0 : i32
      %add3A_471 = arith.addi %mul3A_469, %add3A_470 : i32
      %gt3A = arith.constant 0 : i32
      %gt3A_472 = arith.cmpi sgt, %scan3A_466, %gt3A : i32
      %convert_element_type3A = arith.extui %gt3A_472 : i1 to i32
      %cond3A = arith.constant 0 : i32
      %cond3A_473 = arith.cmpi ne, %convert_element_type3A, %cond3A : i32
      scf.if %cond3A_473 {
        %dma_wait3A_510 = arith.constant 0 : i32
        %dma_wait3A_511 = tpu.memref_slice %arg12[%add3A_155, %dma_wait3A_510] : memref<64x16384xf32, #tpu.memory_space<hbm>> -> memref<1x2048xf32, #tpu.memory_space<hbm>>
        %dma_wait3A_512 = tpu.memref_squeeze %dma_wait3A_511 : memref<1x2048xf32, #tpu.memory_space<hbm>> -> memref<2048xf32, #tpu.memory_space<hbm>>
        %dma_wait3A_513 = arith.constant 0 : i32
        %dma_wait3A_514 = tpu.memref_slice %arg12[%add3A_155, %dma_wait3A_513] : memref<64x16384xf32, #tpu.memory_space<hbm>> -> memref<1x2048xf32, #tpu.memory_space<hbm>>
        %dma_wait3A_515 = tpu.memref_squeeze %dma_wait3A_514 : memref<1x2048xf32, #tpu.memory_space<hbm>> -> memref<2048xf32, #tpu.memory_space<hbm>>
        tpu.wait_dma2 semaphore(%arg20 : memref<!tpu.dma_semaphore, #tpu.memory_space<semaphore_mem>>) src(%arg18 : memref<2048xf32, #tpu.memory_space<vmem>>) dst(%dma_wait3A_515 : memref<2048xf32, #tpu.memory_space<hbm>>)
      } else {
      }
      %scan3A_474 = arith.constant 0 : i32
      %scan3A_475 = arith.constant 0 : i32
      %scan3A_476 = arith.constant 16 : i32
      %scan3A_477 = arith.addi %scan3A_475, %scan3A_476 : i32
      %scan3A_478 = arith.constant 1 : i32
      %scan3A_479 = scf.for %scan3A_510 = %scan3A_475 to %scan3A_477 step %scan3A_478 iter_args(%scan3A_511 = %scan3A_474) -> (i32)  : i32 {
        %mul3A_512 = arith.constant 128 : i32
        %mul3A_513 = arith.muli %scan3A_510, %mul3A_512 : i32
        %mul3A_514 = arith.constant 2048 : i32
        %mul3A_515 = arith.muli %add3A_471, %mul3A_514 : i32
        %add3A_516 = arith.addi %mul3A_515, %mul3A_513 : i32
        %add3A_517 = arith.constant 0 : i32
        %add3A_518 = arith.addi %add3A_516, %add3A_517 : i32
        %get3A = arith.index_cast %add3A_518 : i32 to index
        %get3A_519 = tpu.vector_load %arg16[%get3A] {strides = array<i32>} : memref<16384xi32, #tpu.memory_space<vmem>>, vector<16xi32>,
        %gather3A = tpu.vector_load_idx %arg17[%get3A_519] : memref<100000xf32, #tpu.memory_space<vmem>>[vector<16xi32>], vector<16xf32>,
        %add3A_520 = arith.constant 0 : i32
        %add3A_521 = arith.addi %mul3A_513, %add3A_520 : i32
        %swap3A = arith.index_cast %add3A_521 : i32 to index
        %swap3A_522 = tpu.vector_load %arg18[%swap3A] {strides = array<i32>} : memref<2048xf32, #tpu.memory_space<vmem>>, vector<16xf32>,
        tpu.vector_store %arg18[%swap3A], %gather3A {strides = array<i32>} : memref<2048xf32, #tpu.memory_space<vmem>>, vector<16xf32>,
        %mul3A_523 = arith.constant 2048 : i32
        %mul3A_524 = arith.muli %add3A_471, %mul3A_523 : i32
        %add3A_525 = arith.addi %mul3A_524, %mul3A_513 : i32
        %add3A_526 = arith.constant 16 : i32
        %add3A_527 = arith.addi %add3A_525, %add3A_526 : i32
        %get3A_528 = arith.index_cast %add3A_527 : i32 to index
        %get3A_529 = tpu.vector_load %arg16[%get3A_528] {strides = array<i32>} : memref<16384xi32, #tpu.memory_space<vmem>>, vector<16xi32>,
        %gather3A_530 = tpu.vector_load_idx %arg17[%get3A_529] : memref<100000xf32, #tpu.memory_space<vmem>>[vector<16xi32>], vector<16xf32>,
        %add3A_531 = arith.constant 16 : i32
        %add3A_532 = arith.addi %mul3A_513, %add3A_531 : i32
        %swap3A_533 = arith.index_cast %add3A_532 : i32 to index
        %swap3A_534 = tpu.vector_load %arg18[%swap3A_533] {strides = array<i32>} : memref<2048xf32, #tpu.memory_space<vmem>>, vector<16xf32>,
        tpu.vector_store %arg18[%swap3A_533], %gather3A_530 {strides = array<i32>} : memref<2048xf32, #tpu.memory_space<vmem>>, vector<16xf32>,
        %mul3A_535 = arith.constant 2048 : i32
        %mul3A_536 = arith.muli %add3A_471, %mul3A_535 : i32
        %add3A_537 = arith.addi %mul3A_536, %mul3A_513 : i32
        %add3A_538 = arith.constant 32 : i32
        %add3A_539 = arith.addi %add3A_537, %add3A_538 : i32
        %get3A_540 = arith.index_cast %add3A_539 : i32 to index
        %get3A_541 = tpu.vector_load %arg16[%get3A_540] {strides = array<i32>} : memref<16384xi32, #tpu.memory_space<vmem>>, vector<16xi32>,
        %gather3A_542 = tpu.vector_load_idx %arg17[%get3A_541] : memref<100000xf32, #tpu.memory_space<vmem>>[vector<16xi32>], vector<16xf32>,
        %add3A_543 = arith.constant 32 : i32
        %add3A_544 = arith.addi %mul3A_513, %add3A_543 : i32
        %swap3A_545 = arith.index_cast %add3A_544 : i32 to index
        %swap3A_546 = tpu.vector_load %arg18[%swap3A_545] {strides = array<i32>} : memref<2048xf32, #tpu.memory_space<vmem>>, vector<16xf32>,
        tpu.vector_store %arg18[%swap3A_545], %gather3A_542 {strides = array<i32>} : memref<2048xf32, #tpu.memory_space<vmem>>, vector<16xf32>,
        %mul3A_547 = arith.constant 2048 : i32
        %mul3A_548 = arith.muli %add3A_471, %mul3A_547 : i32
        %add3A_549 = arith.addi %mul3A_548, %mul3A_513 : i32
        %add3A_550 = arith.constant 48 : i32
        %add3A_551 = arith.addi %add3A_549, %add3A_550 : i32
        %get3A_552 = arith.index_cast %add3A_551 : i32 to index
        %get3A_553 = tpu.vector_load %arg16[%get3A_552] {strides = array<i32>} : memref<16384xi32, #tpu.memory_space<vmem>>, vector<16xi32>,
        %gather3A_554 = tpu.vector_load_idx %arg17[%get3A_553] : memref<100000xf32, #tpu.memory_space<vmem>>[vector<16xi32>], vector<16xf32>,
        %add3A_555 = arith.constant 48 : i32
        %add3A_556 = arith.addi %mul3A_513, %add3A_555 : i32
        %swap3A_557 = arith.index_cast %add3A_556 : i32 to index
        %swap3A_558 = tpu.vector_load %arg18[%swap3A_557] {strides = array<i32>} : memref<2048xf32, #tpu.memory_space<vmem>>, vector<16xf32>,
        tpu.vector_store %arg18[%swap3A_557], %gather3A_554 {strides = array<i32>} : memref<2048xf32, #tpu.memory_space<vmem>>, vector<16xf32>,
        %mul3A_559 = arith.constant 2048 : i32
        %mul3A_560 = arith.muli %add3A_471, %mul3A_559 : i32
        %add3A_561 = arith.addi %mul3A_560, %mul3A_513 : i32
        %add3A_562 = arith.constant 64 : i32
        %add3A_563 = arith.addi %add3A_561, %add3A_562 : i32
        %get3A_564 = arith.index_cast %add3A_563 : i32 to index
        %get3A_565 = tpu.vector_load %arg16[%get3A_564] {strides = array<i32>} : memref<16384xi32, #tpu.memory_space<vmem>>, vector<16xi32>,
        %gather3A_566 = tpu.vector_load_idx %arg17[%get3A_565] : memref<100000xf32, #tpu.memory_space<vmem>>[vector<16xi32>], vector<16xf32>,
        %add3A_567 = arith.constant 64 : i32
        %add3A_568 = arith.addi %mul3A_513, %add3A_567 : i32
        %swap3A_569 = arith.index_cast %add3A_568 : i32 to index
        %swap3A_570 = tpu.vector_load %arg18[%swap3A_569] {strides = array<i32>} : memref<2048xf32, #tpu.memory_space<vmem>>, vector<16xf32>,
        tpu.vector_store %arg18[%swap3A_569], %gather3A_566 {strides = array<i32>} : memref<2048xf32, #tpu.memory_space<vmem>>, vector<16xf32>,
        %mul3A_571 = arith.constant 2048 : i32
        %mul3A_572 = arith.muli %add3A_471, %mul3A_571 : i32
        %add3A_573 = arith.addi %mul3A_572, %mul3A_513 : i32
        %add3A_574 = arith.constant 80 : i32
        %add3A_575 = arith.addi %add3A_573, %add3A_574 : i32
        %get3A_576 = arith.index_cast %add3A_575 : i32 to index
        %get3A_577 = tpu.vector_load %arg16[%get3A_576] {strides = array<i32>} : memref<16384xi32, #tpu.memory_space<vmem>>, vector<16xi32>,
        %gather3A_578 = tpu.vector_load_idx %arg17[%get3A_577] : memref<100000xf32, #tpu.memory_space<vmem>>[vector<16xi32>], vector<16xf32>,
        %add3A_579 = arith.constant 80 : i32
        %add3A_580 = arith.addi %mul3A_513, %add3A_579 : i32
        %swap3A_581 = arith.index_cast %add3A_580 : i32 to index
        %swap3A_582 = tpu.vector_load %arg18[%swap3A_581] {strides = array<i32>} : memref<2048xf32, #tpu.memory_space<vmem>>, vector<16xf32>,
        tpu.vector_store %arg18[%swap3A_581], %gather3A_578 {strides = array<i32>} : memref<2048xf32, #tpu.memory_space<vmem>>, vector<16xf32>,
        %mul3A_583 = arith.constant 2048 : i32
        %mul3A_584 = arith.muli %add3A_471, %mul3A_583 : i32
        %add3A_585 = arith.addi %mul3A_584, %mul3A_513 : i32
        %add3A_586 = arith.constant 96 : i32
        %add3A_587 = arith.addi %add3A_585, %add3A_586 : i32
        %get3A_588 = arith.index_cast %add3A_587 : i32 to index
        %get3A_589 = tpu.vector_load %arg16[%get3A_588] {strides = array<i32>} : memref<16384xi32, #tpu.memory_space<vmem>>, vector<16xi32>,
        %gather3A_590 = tpu.vector_load_idx %arg17[%get3A_589] : memref<100000xf32, #tpu.memory_space<vmem>>[vector<16xi32>], vector<16xf32>,
        %add3A_591 = arith.constant 96 : i32
        %add3A_592 = arith.addi %mul3A_513, %add3A_591 : i32
        %swap3A_593 = arith.index_cast %add3A_592 : i32 to index
        %swap3A_594 = tpu.vector_load %arg18[%swap3A_593] {strides = array<i32>} : memref<2048xf32, #tpu.memory_space<vmem>>, vector<16xf32>,
        tpu.vector_store %arg18[%swap3A_593], %gather3A_590 {strides = array<i32>} : memref<2048xf32, #tpu.memory_space<vmem>>, vector<16xf32>,
        %mul3A_595 = arith.constant 2048 : i32
        %mul3A_596 = arith.muli %add3A_471, %mul3A_595 : i32
        %add3A_597 = arith.addi %mul3A_596, %mul3A_513 : i32
        %add3A_598 = arith.constant 112 : i32
        %add3A_599 = arith.addi %add3A_597, %add3A_598 : i32
        %get3A_600 = arith.index_cast %add3A_599 : i32 to index
        %get3A_601 = tpu.vector_load %arg16[%get3A_600] {strides = array<i32>} : memref<16384xi32, #tpu.memory_space<vmem>>, vector<16xi32>,
        %gather3A_602 = tpu.vector_load_idx %arg17[%get3A_601] : memref<100000xf32, #tpu.memory_space<vmem>>[vector<16xi32>], vector<16xf32>,
        %add3A_603 = arith.constant 112 : i32
        %add3A_604 = arith.addi %mul3A_513, %add3A_603 : i32
        %swap3A_605 = arith.index_cast %add3A_604 : i32 to index
        %swap3A_606 = tpu.vector_load %arg18[%swap3A_605] {strides = array<i32>} : memref<2048xf32, #tpu.memory_space<vmem>>, vector<16xf32>,
        tpu.vector_store %arg18[%swap3A_605], %gather3A_602 {strides = array<i32>} : memref<2048xf32, #tpu.memory_space<vmem>>, vector<16xf32>,
        %scan3A_607 = arith.constant 0 : i32
        scf.yield %scan3A_607 : i32
      }
      %scan3A_480 = arith.constant 16 : i32
      %mul3A_481 = arith.constant 2048 : i32
      %mul3A_482 = arith.muli %add3A_471, %mul3A_481 : i32
      %dma_start3A_483 = tpu.memref_slice %arg12[%add3A_155, %mul3A_482] : memref<64x16384xf32, #tpu.memory_space<hbm>> -> memref<1x2048xf32, #tpu.memory_space<hbm>>
      %dma_start3A_484 = tpu.memref_squeeze %dma_start3A_483 : memref<1x2048xf32, #tpu.memory_space<hbm>> -> memref<2048xf32, #tpu.memory_space<hbm>>
      %dma_start3A_485 = tpu.memref_slice %arg12[%add3A_155, %mul3A_482] : memref<64x16384xf32, #tpu.memory_space<hbm>> -> memref<1x2048xf32, #tpu.memory_space<hbm>>
      %dma_start3A_486 = tpu.memref_squeeze %dma_start3A_485 : memref<1x2048xf32, #tpu.memory_space<hbm>> -> memref<2048xf32, #tpu.memory_space<hbm>>
      tpu.enqueue_dma source(%arg18 : memref<2048xf32, #tpu.memory_space<vmem>>) target(%dma_start3A_486 : memref<2048xf32, #tpu.memory_space<hbm>>) target_semaphore(%arg20 : memref<!tpu.dma_semaphore, #tpu.memory_space<semaphore_mem>>)
      %mul3A_487 = arith.constant 2 : i32
      %mul3A_488 = arith.muli %scan3A_466, %mul3A_487 : i32
      %add3A_489 = arith.constant 1 : i32
      %add3A_490 = arith.addi %mul3A_488, %add3A_489 : i32
      %gt3A_491 = arith.constant 0 : i32
      %gt3A_492 = arith.cmpi sgt, %scan3A_466, %gt3A_491 : i32
      %convert_element_type3A_493 = arith.extui %gt3A_492 : i1 to i32
      %cond3A_494 = arith.constant 0 : i32
      %cond3A_495 = arith.cmpi ne, %convert_element_type3A_493, %cond3A_494 : i32
      scf.if %cond3A_495 {
        %dma_wait3A_510 = arith.constant 0 : i32
        %dma_wait3A_511 = tpu.memref_slice %arg12[%add3A_155, %dma_wait3A_510] : memref<64x16384xf32, #tpu.memory_space<hbm>> -> memref<1x2048xf32, #tpu.memory_space<hbm>>
        %dma_wait3A_512 = tpu.memref_squeeze %dma_wait3A_511 : memref<1x2048xf32, #tpu.memory_space<hbm>> -> memref<2048xf32, #tpu.memory_space<hbm>>
        %dma_wait3A_513 = arith.constant 0 : i32
        %dma_wait3A_514 = tpu.memref_slice %arg12[%add3A_155, %dma_wait3A_513] : memref<64x16384xf32, #tpu.memory_space<hbm>> -> memref<1x2048xf32, #tpu.memory_space<hbm>>
        %dma_wait3A_515 = tpu.memref_squeeze %dma_wait3A_514 : memref<1x2048xf32, #tpu.memory_space<hbm>> -> memref<2048xf32, #tpu.memory_space<hbm>>
        tpu.wait_dma2 semaphore(%arg21 : memref<!tpu.dma_semaphore, #tpu.memory_space<semaphore_mem>>) src(%arg19 : memref<2048xf32, #tpu.memory_space<vmem>>) dst(%dma_wait3A_515 : memref<2048xf32, #tpu.memory_space<hbm>>)
      } else {
      }
      %scan3A_496 = arith.constant 0 : i32
      %scan3A_497 = arith.constant 0 : i32
      %scan3A_498 = arith.constant 16 : i32
      %scan3A_499 = arith.addi %scan3A_497, %scan3A_498 : i32
      %scan3A_500 = arith.constant 1 : i32
      %scan3A_501 = scf.for %scan3A_510 = %scan3A_497 to %scan3A_499 step %scan3A_500 iter_args(%scan3A_511 = %scan3A_496) -> (i32)  : i32 {
        %mul3A_512 = arith.constant 128 : i32
        %mul3A_513 = arith.muli %scan3A_510, %mul3A_512 : i32
        %mul3A_514 = arith.constant 2048 : i32
        %mul3A_515 = arith.muli %add3A_490, %mul3A_514 : i32
        %add3A_516 = arith.addi %mul3A_515, %mul3A_513 : i32
        %add3A_517 = arith.constant 0 : i32
        %add3A_518 = arith.addi %add3A_516, %add3A_517 : i32
        %get3A = arith.index_cast %add3A_518 : i32 to index
        %get3A_519 = tpu.vector_load %arg16[%get3A] {strides = array<i32>} : memref<16384xi32, #tpu.memory_space<vmem>>, vector<16xi32>,
        %gather3A = tpu.vector_load_idx %arg17[%get3A_519] : memref<100000xf32, #tpu.memory_space<vmem>>[vector<16xi32>], vector<16xf32>,
        %add3A_520 = arith.constant 0 : i32
        %add3A_521 = arith.addi %mul3A_513, %add3A_520 : i32
        %swap3A = arith.index_cast %add3A_521 : i32 to index
        %swap3A_522 = tpu.vector_load %arg19[%swap3A] {strides = array<i32>} : memref<2048xf32, #tpu.memory_space<vmem>>, vector<16xf32>,
        tpu.vector_store %arg19[%swap3A], %gather3A {strides = array<i32>} : memref<2048xf32, #tpu.memory_space<vmem>>, vector<16xf32>,
        %mul3A_523 = arith.constant 2048 : i32
        %mul3A_524 = arith.muli %add3A_490, %mul3A_523 : i32
        %add3A_525 = arith.addi %mul3A_524, %mul3A_513 : i32
        %add3A_526 = arith.constant 16 : i32
        %add3A_527 = arith.addi %add3A_525, %add3A_526 : i32
        %get3A_528 = arith.index_cast %add3A_527 : i32 to index
        %get3A_529 = tpu.vector_load %arg16[%get3A_528] {strides = array<i32>} : memref<16384xi32, #tpu.memory_space<vmem>>, vector<16xi32>,
        %gather3A_530 = tpu.vector_load_idx %arg17[%get3A_529] : memref<100000xf32, #tpu.memory_space<vmem>>[vector<16xi32>], vector<16xf32>,
        %add3A_531 = arith.constant 16 : i32
        %add3A_532 = arith.addi %mul3A_513, %add3A_531 : i32
        %swap3A_533 = arith.index_cast %add3A_532 : i32 to index
        %swap3A_534 = tpu.vector_load %arg19[%swap3A_533] {strides = array<i32>} : memref<2048xf32, #tpu.memory_space<vmem>>, vector<16xf32>,
        tpu.vector_store %arg19[%swap3A_533], %gather3A_530 {strides = array<i32>} : memref<2048xf32, #tpu.memory_space<vmem>>, vector<16xf32>,
        %mul3A_535 = arith.constant 2048 : i32
        %mul3A_536 = arith.muli %add3A_490, %mul3A_535 : i32
        %add3A_537 = arith.addi %mul3A_536, %mul3A_513 : i32
        %add3A_538 = arith.constant 32 : i32
        %add3A_539 = arith.addi %add3A_537, %add3A_538 : i32
        %get3A_540 = arith.index_cast %add3A_539 : i32 to index
        %get3A_541 = tpu.vector_load %arg16[%get3A_540] {strides = array<i32>} : memref<16384xi32, #tpu.memory_space<vmem>>, vector<16xi32>,
        %gather3A_542 = tpu.vector_load_idx %arg17[%get3A_541] : memref<100000xf32, #tpu.memory_space<vmem>>[vector<16xi32>], vector<16xf32>,
        %add3A_543 = arith.constant 32 : i32
        %add3A_544 = arith.addi %mul3A_513, %add3A_543 : i32
        %swap3A_545 = arith.index_cast %add3A_544 : i32 to index
        %swap3A_546 = tpu.vector_load %arg19[%swap3A_545] {strides = array<i32>} : memref<2048xf32, #tpu.memory_space<vmem>>, vector<16xf32>,
        tpu.vector_store %arg19[%swap3A_545], %gather3A_542 {strides = array<i32>} : memref<2048xf32, #tpu.memory_space<vmem>>, vector<16xf32>,
        %mul3A_547 = arith.constant 2048 : i32
        %mul3A_548 = arith.muli %add3A_490, %mul3A_547 : i32
        %add3A_549 = arith.addi %mul3A_548, %mul3A_513 : i32
        %add3A_550 = arith.constant 48 : i32
        %add3A_551 = arith.addi %add3A_549, %add3A_550 : i32
        %get3A_552 = arith.index_cast %add3A_551 : i32 to index
        %get3A_553 = tpu.vector_load %arg16[%get3A_552] {strides = array<i32>} : memref<16384xi32, #tpu.memory_space<vmem>>, vector<16xi32>,
        %gather3A_554 = tpu.vector_load_idx %arg17[%get3A_553] : memref<100000xf32, #tpu.memory_space<vmem>>[vector<16xi32>], vector<16xf32>,
        %add3A_555 = arith.constant 48 : i32
        %add3A_556 = arith.addi %mul3A_513, %add3A_555 : i32
        %swap3A_557 = arith.index_cast %add3A_556 : i32 to index
        %swap3A_558 = tpu.vector_load %arg19[%swap3A_557] {strides = array<i32>} : memref<2048xf32, #tpu.memory_space<vmem>>, vector<16xf32>,
        tpu.vector_store %arg19[%swap3A_557], %gather3A_554 {strides = array<i32>} : memref<2048xf32, #tpu.memory_space<vmem>>, vector<16xf32>,
        %mul3A_559 = arith.constant 2048 : i32
        %mul3A_560 = arith.muli %add3A_490, %mul3A_559 : i32
        %add3A_561 = arith.addi %mul3A_560, %mul3A_513 : i32
        %add3A_562 = arith.constant 64 : i32
        %add3A_563 = arith.addi %add3A_561, %add3A_562 : i32
        %get3A_564 = arith.index_cast %add3A_563 : i32 to index
        %get3A_565 = tpu.vector_load %arg16[%get3A_564] {strides = array<i32>} : memref<16384xi32, #tpu.memory_space<vmem>>, vector<16xi32>,
        %gather3A_566 = tpu.vector_load_idx %arg17[%get3A_565] : memref<100000xf32, #tpu.memory_space<vmem>>[vector<16xi32>], vector<16xf32>,
        %add3A_567 = arith.constant 64 : i32
        %add3A_568 = arith.addi %mul3A_513, %add3A_567 : i32
        %swap3A_569 = arith.index_cast %add3A_568 : i32 to index
        %swap3A_570 = tpu.vector_load %arg19[%swap3A_569] {strides = array<i32>} : memref<2048xf32, #tpu.memory_space<vmem>>, vector<16xf32>,
        tpu.vector_store %arg19[%swap3A_569], %gather3A_566 {strides = array<i32>} : memref<2048xf32, #tpu.memory_space<vmem>>, vector<16xf32>,
        %mul3A_571 = arith.constant 2048 : i32
        %mul3A_572 = arith.muli %add3A_490, %mul3A_571 : i32
        %add3A_573 = arith.addi %mul3A_572, %mul3A_513 : i32
        %add3A_574 = arith.constant 80 : i32
        %add3A_575 = arith.addi %add3A_573, %add3A_574 : i32
        %get3A_576 = arith.index_cast %add3A_575 : i32 to index
        %get3A_577 = tpu.vector_load %arg16[%get3A_576] {strides = array<i32>} : memref<16384xi32, #tpu.memory_space<vmem>>, vector<16xi32>,
        %gather3A_578 = tpu.vector_load_idx %arg17[%get3A_577] : memref<100000xf32, #tpu.memory_space<vmem>>[vector<16xi32>], vector<16xf32>,
        %add3A_579 = arith.constant 80 : i32
        %add3A_580 = arith.addi %mul3A_513, %add3A_579 : i32
        %swap3A_581 = arith.index_cast %add3A_580 : i32 to index
        %swap3A_582 = tpu.vector_load %arg19[%swap3A_581] {strides = array<i32>} : memref<2048xf32, #tpu.memory_space<vmem>>, vector<16xf32>,
        tpu.vector_store %arg19[%swap3A_581], %gather3A_578 {strides = array<i32>} : memref<2048xf32, #tpu.memory_space<vmem>>, vector<16xf32>,
        %mul3A_583 = arith.constant 2048 : i32
        %mul3A_584 = arith.muli %add3A_490, %mul3A_583 : i32
        %add3A_585 = arith.addi %mul3A_584, %mul3A_513 : i32
        %add3A_586 = arith.constant 96 : i32
        %add3A_587 = arith.addi %add3A_585, %add3A_586 : i32
        %get3A_588 = arith.index_cast %add3A_587 : i32 to index
        %get3A_589 = tpu.vector_load %arg16[%get3A_588] {strides = array<i32>} : memref<16384xi32, #tpu.memory_space<vmem>>, vector<16xi32>,
        %gather3A_590 = tpu.vector_load_idx %arg17[%get3A_589] : memref<100000xf32, #tpu.memory_space<vmem>>[vector<16xi32>], vector<16xf32>,
        %add3A_591 = arith.constant 96 : i32
        %add3A_592 = arith.addi %mul3A_513, %add3A_591 : i32
        %swap3A_593 = arith.index_cast %add3A_592 : i32 to index
        %swap3A_594 = tpu.vector_load %arg19[%swap3A_593] {strides = array<i32>} : memref<2048xf32, #tpu.memory_space<vmem>>, vector<16xf32>,
        tpu.vector_store %arg19[%swap3A_593], %gather3A_590 {strides = array<i32>} : memref<2048xf32, #tpu.memory_space<vmem>>, vector<16xf32>,
        %mul3A_595 = arith.constant 2048 : i32
        %mul3A_596 = arith.muli %add3A_490, %mul3A_595 : i32
        %add3A_597 = arith.addi %mul3A_596, %mul3A_513 : i32
        %add3A_598 = arith.constant 112 : i32
        %add3A_599 = arith.addi %add3A_597, %add3A_598 : i32
        %get3A_600 = arith.index_cast %add3A_599 : i32 to index
        %get3A_601 = tpu.vector_load %arg16[%get3A_600] {strides = array<i32>} : memref<16384xi32, #tpu.memory_space<vmem>>, vector<16xi32>,
        %gather3A_602 = tpu.vector_load_idx %arg17[%get3A_601] : memref<100000xf32, #tpu.memory_space<vmem>>[vector<16xi32>], vector<16xf32>,
        %add3A_603 = arith.constant 112 : i32
        %add3A_604 = arith.addi %mul3A_513, %add3A_603 : i32
        %swap3A_605 = arith.index_cast %add3A_604 : i32 to index
        %swap3A_606 = tpu.vector_load %arg19[%swap3A_605] {strides = array<i32>} : memref<2048xf32, #tpu.memory_space<vmem>>, vector<16xf32>,
        tpu.vector_store %arg19[%swap3A_605], %gather3A_602 {strides = array<i32>} : memref<2048xf32, #tpu.memory_space<vmem>>, vector<16xf32>,
        %scan3A_607 = arith.constant 0 : i32
        scf.yield %scan3A_607 : i32
      }
      %scan3A_502 = arith.constant 16 : i32
      %mul3A_503 = arith.constant 2048 : i32
      %mul3A_504 = arith.muli %add3A_490, %mul3A_503 : i32
      %dma_start3A_505 = tpu.memref_slice %arg12[%add3A_155, %mul3A_504] : memref<64x16384xf32, #tpu.memory_space<hbm>> -> memref<1x2048xf32, #tpu.memory_space<hbm>>
      %dma_start3A_506 = tpu.memref_squeeze %dma_start3A_505 : memref<1x2048xf32, #tpu.memory_space<hbm>> -> memref<2048xf32, #tpu.memory_space<hbm>>
      %dma_start3A_507 = tpu.memref_slice %arg12[%add3A_155, %mul3A_504] : memref<64x16384xf32, #tpu.memory_space<hbm>> -> memref<1x2048xf32, #tpu.memory_space<hbm>>
      %dma_start3A_508 = tpu.memref_squeeze %dma_start3A_507 : memref<1x2048xf32, #tpu.memory_space<hbm>> -> memref<2048xf32, #tpu.memory_space<hbm>>
      tpu.enqueue_dma source(%arg19 : memref<2048xf32, #tpu.memory_space<vmem>>) target(%dma_start3A_508 : memref<2048xf32, #tpu.memory_space<hbm>>) target_semaphore(%arg21 : memref<!tpu.dma_semaphore, #tpu.memory_space<semaphore_mem>>)
      %scan3A_509 = arith.constant 0 : i32
      scf.yield %scan3A_509 : i32
    }
    %scan3A_180 = arith.constant 4 : i32
    %mul3A_181 = arith.constant 2 : i32
    %mul3A_182 = arith.muli %add3A, %mul3A_181 : i32
    %add3A_183 = arith.constant 1 : i32
    %add3A_184 = arith.addi %mul3A_182, %add3A_183 : i32
    %dma_start3A_185 = arith.constant 0 : i32
    %dma_start3A_186 = tpu.memref_slice %arg6[%add3A_184, %dma_start3A_185] : memref<64x100000xf32, #tpu.memory_space<hbm>> -> memref<1x100000xf32, #tpu.memory_space<hbm>>
    %dma_start3A_187 = tpu.memref_squeeze %dma_start3A_186 : memref<1x100000xf32, #tpu.memory_space<hbm>> -> memref<100000xf32, #tpu.memory_space<hbm>>
    %dma_start3A_188 = arith.constant 0 : i32
    %dma_start3A_189 = tpu.memref_slice %arg6[%add3A_184, %dma_start3A_188] : memref<64x100000xf32, #tpu.memory_space<hbm>> -> memref<1x100000xf32, #tpu.memory_space<hbm>>
    %dma_start3A_190 = tpu.memref_squeeze %dma_start3A_189 : memref<1x100000xf32, #tpu.memory_space<hbm>> -> memref<100000xf32, #tpu.memory_space<hbm>>
    tpu.enqueue_dma source(%dma_start3A_190 : memref<100000xf32, #tpu.memory_space<hbm>>) target(%arg17 : memref<100000xf32, #tpu.memory_space<vmem>>) target_semaphore(%arg22 : memref<!tpu.dma_semaphore, #tpu.memory_space<semaphore_mem>>)
    %mul3A_191 = arith.constant 2 : i32
    %mul3A_192 = arith.muli %add3A, %mul3A_191 : i32
    %add3A_193 = arith.constant 1 : i32
    %add3A_194 = arith.addi %mul3A_192, %add3A_193 : i32
    %dma_wait3A_195 = arith.constant 0 : i32
    %dma_wait3A_196 = tpu.memref_slice %arg6[%add3A_184, %dma_wait3A_195] : memref<64x100000xf32, #tpu.memory_space<hbm>> -> memref<1x100000xf32, #tpu.memory_space<hbm>>
    %dma_wait3A_197 = tpu.memref_squeeze %dma_wait3A_196 : memref<1x100000xf32, #tpu.memory_space<hbm>> -> memref<100000xf32, #tpu.memory_space<hbm>>
    %dma_wait3A_198 = arith.constant 0 : i32
    %dma_wait3A_199 = tpu.memref_slice %arg6[%add3A_184, %dma_wait3A_198] : memref<64x100000xf32, #tpu.memory_space<hbm>> -> memref<1x100000xf32, #tpu.memory_space<hbm>>
    %dma_wait3A_200 = tpu.memref_squeeze %dma_wait3A_199 : memref<1x100000xf32, #tpu.memory_space<hbm>> -> memref<100000xf32, #tpu.memory_space<hbm>>
    tpu.wait_dma2 semaphore(%arg22 : memref<!tpu.dma_semaphore, #tpu.memory_space<semaphore_mem>>) src(%dma_wait3A_200 : memref<100000xf32, #tpu.memory_space<hbm>>) dst(%arg17 : memref<100000xf32, #tpu.memory_space<vmem>>)
    %dma_wait3A_201 = arith.constant 0 : i32
    %dma_wait3A_202 = tpu.memref_slice %arg12[%add3A_155, %dma_wait3A_201] : memref<64x16384xf32, #tpu.memory_space<hbm>> -> memref<1x2048xf32, #tpu.memory_space<hbm>>
    %dma_wait3A_203 = tpu.memref_squeeze %dma_wait3A_202 : memref<1x2048xf32, #tpu.memory_space<hbm>> -> memref<2048xf32, #tpu.memory_space<hbm>>
    %dma_wait3A_204 = arith.constant 0 : i32
    %dma_wait3A_205 = tpu.memref_slice %arg12[%add3A_155, %dma_wait3A_204] : memref<64x16384xf32, #tpu.memory_space<hbm>> -> memref<1x2048xf32, #tpu.memory_space<hbm>>
    %dma_wait3A_206 = tpu.memref_squeeze %dma_wait3A_205 : memref<1x2048xf32, #tpu.memory_space<hbm>> -> memref<2048xf32, #tpu.memory_space<hbm>>
    tpu.wait_dma2 semaphore(%arg20 : memref<!tpu.dma_semaphore, #tpu.memory_space<semaphore_mem>>) src(%arg18 : memref<2048xf32, #tpu.memory_space<vmem>>) dst(%dma_wait3A_206 : memref<2048xf32, #tpu.memory_space<hbm>>)
    %dma_wait3A_207 = arith.constant 0 : i32
    %dma_wait3A_208 = tpu.memref_slice %arg12[%add3A_155, %dma_wait3A_207] : memref<64x16384xf32, #tpu.memory_space<hbm>> -> memref<1x2048xf32, #tpu.memory_space<hbm>>
    %dma_wait3A_209 = tpu.memref_squeeze %dma_wait3A_208 : memref<1x2048xf32, #tpu.memory_space<hbm>> -> memref<2048xf32, #tpu.memory_space<hbm>>
    %dma_wait3A_210 = arith.constant 0 : i32
    %dma_wait3A_211 = tpu.memref_slice %arg12[%add3A_155, %dma_wait3A_210] : memref<64x16384xf32, #tpu.memory_space<hbm>> -> memref<1x2048xf32, #tpu.memory_space<hbm>>
    %dma_wait3A_212 = tpu.memref_squeeze %dma_wait3A_211 : memref<1x2048xf32, #tpu.memory_space<hbm>> -> memref<2048xf32, #tpu.memory_space<hbm>>
    tpu.wait_dma2 semaphore(%arg21 : memref<!tpu.dma_semaphore, #tpu.memory_space<semaphore_mem>>) src(%arg19 : memref<2048xf32, #tpu.memory_space<vmem>>) dst(%dma_wait3A_212 : memref<2048xf32, #tpu.memory_space<hbm>>)
    %scan3A_213 = arith.constant 0 : i32
    %scan3A_214 = arith.constant 0 : i32
    %scan3A_215 = arith.constant 4 : i32
    %scan3A_216 = arith.addi %scan3A_214, %scan3A_215 : i32
    %scan3A_217 = arith.constant 1 : i32
    %scan3A_218 = scf.for %scan3A_466 = %scan3A_214 to %scan3A_216 step %scan3A_217 iter_args(%scan3A_467 = %scan3A_213) -> (i32)  : i32 {
      %mul3A_468 = arith.constant 2 : i32
      %mul3A_469 = arith.muli %scan3A_466, %mul3A_468 : i32
      %add3A_470 = arith.constant 0 : i32
      %add3A_471 = arith.addi %mul3A_469, %add3A_470 : i32
      %gt3A = arith.constant 0 : i32
      %gt3A_472 = arith.cmpi sgt, %scan3A_466, %gt3A : i32
      %convert_element_type3A = arith.extui %gt3A_472 : i1 to i32
      %cond3A = arith.constant 0 : i32
      %cond3A_473 = arith.cmpi ne, %convert_element_type3A, %cond3A : i32
      scf.if %cond3A_473 {
        %dma_wait3A_510 = arith.constant 0 : i32
        %dma_wait3A_511 = tpu.memref_slice %arg12[%add3A_194, %dma_wait3A_510] : memref<64x16384xf32, #tpu.memory_space<hbm>> -> memref<1x2048xf32, #tpu.memory_space<hbm>>
        %dma_wait3A_512 = tpu.memref_squeeze %dma_wait3A_511 : memref<1x2048xf32, #tpu.memory_space<hbm>> -> memref<2048xf32, #tpu.memory_space<hbm>>
        %dma_wait3A_513 = arith.constant 0 : i32
        %dma_wait3A_514 = tpu.memref_slice %arg12[%add3A_194, %dma_wait3A_513] : memref<64x16384xf32, #tpu.memory_space<hbm>> -> memref<1x2048xf32, #tpu.memory_space<hbm>>
        %dma_wait3A_515 = tpu.memref_squeeze %dma_wait3A_514 : memref<1x2048xf32, #tpu.memory_space<hbm>> -> memref<2048xf32, #tpu.memory_space<hbm>>
        tpu.wait_dma2 semaphore(%arg20 : memref<!tpu.dma_semaphore, #tpu.memory_space<semaphore_mem>>) src(%arg18 : memref<2048xf32, #tpu.memory_space<vmem>>) dst(%dma_wait3A_515 : memref<2048xf32, #tpu.memory_space<hbm>>)
      } else {
      }
      %scan3A_474 = arith.constant 0 : i32
      %scan3A_475 = arith.constant 0 : i32
      %scan3A_476 = arith.constant 16 : i32
      %scan3A_477 = arith.addi %scan3A_475, %scan3A_476 : i32
      %scan3A_478 = arith.constant 1 : i32
      %scan3A_479 = scf.for %scan3A_510 = %scan3A_475 to %scan3A_477 step %scan3A_478 iter_args(%scan3A_511 = %scan3A_474) -> (i32)  : i32 {
        %mul3A_512 = arith.constant 128 : i32
        %mul3A_513 = arith.muli %scan3A_510, %mul3A_512 : i32
        %mul3A_514 = arith.constant 2048 : i32
        %mul3A_515 = arith.muli %add3A_471, %mul3A_514 : i32
        %add3A_516 = arith.addi %mul3A_515, %mul3A_513 : i32
        %add3A_517 = arith.constant 0 : i32
        %add3A_518 = arith.addi %add3A_516, %add3A_517 : i32
        %get3A = arith.index_cast %add3A_518 : i32 to index
        %get3A_519 = tpu.vector_load %arg16[%get3A] {strides = array<i32>} : memref<16384xi32, #tpu.memory_space<vmem>>, vector<16xi32>,
        %gather3A = tpu.vector_load_idx %arg17[%get3A_519] : memref<100000xf32, #tpu.memory_space<vmem>>[vector<16xi32>], vector<16xf32>,
        %add3A_520 = arith.constant 0 : i32
        %add3A_521 = arith.addi %mul3A_513, %add3A_520 : i32
        %swap3A = arith.index_cast %add3A_521 : i32 to index
        %swap3A_522 = tpu.vector_load %arg18[%swap3A] {strides = array<i32>} : memref<2048xf32, #tpu.memory_space<vmem>>, vector<16xf32>,
        tpu.vector_store %arg18[%swap3A], %gather3A {strides = array<i32>} : memref<2048xf32, #tpu.memory_space<vmem>>, vector<16xf32>,
        %mul3A_523 = arith.constant 2048 : i32
        %mul3A_524 = arith.muli %add3A_471, %mul3A_523 : i32
        %add3A_525 = arith.addi %mul3A_524, %mul3A_513 : i32
        %add3A_526 = arith.constant 16 : i32
        %add3A_527 = arith.addi %add3A_525, %add3A_526 : i32
        %get3A_528 = arith.index_cast %add3A_527 : i32 to index
        %get3A_529 = tpu.vector_load %arg16[%get3A_528] {strides = array<i32>} : memref<16384xi32, #tpu.memory_space<vmem>>, vector<16xi32>,
        %gather3A_530 = tpu.vector_load_idx %arg17[%get3A_529] : memref<100000xf32, #tpu.memory_space<vmem>>[vector<16xi32>], vector<16xf32>,
        %add3A_531 = arith.constant 16 : i32
        %add3A_532 = arith.addi %mul3A_513, %add3A_531 : i32
        %swap3A_533 = arith.index_cast %add3A_532 : i32 to index
        %swap3A_534 = tpu.vector_load %arg18[%swap3A_533] {strides = array<i32>} : memref<2048xf32, #tpu.memory_space<vmem>>, vector<16xf32>,
        tpu.vector_store %arg18[%swap3A_533], %gather3A_530 {strides = array<i32>} : memref<2048xf32, #tpu.memory_space<vmem>>, vector<16xf32>,
        %mul3A_535 = arith.constant 2048 : i32
        %mul3A_536 = arith.muli %add3A_471, %mul3A_535 : i32
        %add3A_537 = arith.addi %mul3A_536, %mul3A_513 : i32
        %add3A_538 = arith.constant 32 : i32
        %add3A_539 = arith.addi %add3A_537, %add3A_538 : i32
        %get3A_540 = arith.index_cast %add3A_539 : i32 to index
        %get3A_541 = tpu.vector_load %arg16[%get3A_540] {strides = array<i32>} : memref<16384xi32, #tpu.memory_space<vmem>>, vector<16xi32>,
        %gather3A_542 = tpu.vector_load_idx %arg17[%get3A_541] : memref<100000xf32, #tpu.memory_space<vmem>>[vector<16xi32>], vector<16xf32>,
        %add3A_543 = arith.constant 32 : i32
        %add3A_544 = arith.addi %mul3A_513, %add3A_543 : i32
        %swap3A_545 = arith.index_cast %add3A_544 : i32 to index
        %swap3A_546 = tpu.vector_load %arg18[%swap3A_545] {strides = array<i32>} : memref<2048xf32, #tpu.memory_space<vmem>>, vector<16xf32>,
        tpu.vector_store %arg18[%swap3A_545], %gather3A_542 {strides = array<i32>} : memref<2048xf32, #tpu.memory_space<vmem>>, vector<16xf32>,
        %mul3A_547 = arith.constant 2048 : i32
        %mul3A_548 = arith.muli %add3A_471, %mul3A_547 : i32
        %add3A_549 = arith.addi %mul3A_548, %mul3A_513 : i32
        %add3A_550 = arith.constant 48 : i32
        %add3A_551 = arith.addi %add3A_549, %add3A_550 : i32
        %get3A_552 = arith.index_cast %add3A_551 : i32 to index
        %get3A_553 = tpu.vector_load %arg16[%get3A_552] {strides = array<i32>} : memref<16384xi32, #tpu.memory_space<vmem>>, vector<16xi32>,
        %gather3A_554 = tpu.vector_load_idx %arg17[%get3A_553] : memref<100000xf32, #tpu.memory_space<vmem>>[vector<16xi32>], vector<16xf32>,
        %add3A_555 = arith.constant 48 : i32
        %add3A_556 = arith.addi %mul3A_513, %add3A_555 : i32
        %swap3A_557 = arith.index_cast %add3A_556 : i32 to index
        %swap3A_558 = tpu.vector_load %arg18[%swap3A_557] {strides = array<i32>} : memref<2048xf32, #tpu.memory_space<vmem>>, vector<16xf32>,
        tpu.vector_store %arg18[%swap3A_557], %gather3A_554 {strides = array<i32>} : memref<2048xf32, #tpu.memory_space<vmem>>, vector<16xf32>,
        %mul3A_559 = arith.constant 2048 : i32
        %mul3A_560 = arith.muli %add3A_471, %mul3A_559 : i32
        %add3A_561 = arith.addi %mul3A_560, %mul3A_513 : i32
        %add3A_562 = arith.constant 64 : i32
        %add3A_563 = arith.addi %add3A_561, %add3A_562 : i32
        %get3A_564 = arith.index_cast %add3A_563 : i32 to index
        %get3A_565 = tpu.vector_load %arg16[%get3A_564] {strides = array<i32>} : memref<16384xi32, #tpu.memory_space<vmem>>, vector<16xi32>,
        %gather3A_566 = tpu.vector_load_idx %arg17[%get3A_565] : memref<100000xf32, #tpu.memory_space<vmem>>[vector<16xi32>], vector<16xf32>,
        %add3A_567 = arith.constant 64 : i32
        %add3A_568 = arith.addi %mul3A_513, %add3A_567 : i32
        %swap3A_569 = arith.index_cast %add3A_568 : i32 to index
        %swap3A_570 = tpu.vector_load %arg18[%swap3A_569] {strides = array<i32>} : memref<2048xf32, #tpu.memory_space<vmem>>, vector<16xf32>,
        tpu.vector_store %arg18[%swap3A_569], %gather3A_566 {strides = array<i32>} : memref<2048xf32, #tpu.memory_space<vmem>>, vector<16xf32>,
        %mul3A_571 = arith.constant 2048 : i32
        %mul3A_572 = arith.muli %add3A_471, %mul3A_571 : i32
        %add3A_573 = arith.addi %mul3A_572, %mul3A_513 : i32
        %add3A_574 = arith.constant 80 : i32
        %add3A_575 = arith.addi %add3A_573, %add3A_574 : i32
        %get3A_576 = arith.index_cast %add3A_575 : i32 to index
        %get3A_577 = tpu.vector_load %arg16[%get3A_576] {strides = array<i32>} : memref<16384xi32, #tpu.memory_space<vmem>>, vector<16xi32>,
        %gather3A_578 = tpu.vector_load_idx %arg17[%get3A_577] : memref<100000xf32, #tpu.memory_space<vmem>>[vector<16xi32>], vector<16xf32>,
        %add3A_579 = arith.constant 80 : i32
        %add3A_580 = arith.addi %mul3A_513, %add3A_579 : i32
        %swap3A_581 = arith.index_cast %add3A_580 : i32 to index
        %swap3A_582 = tpu.vector_load %arg18[%swap3A_581] {strides = array<i32>} : memref<2048xf32, #tpu.memory_space<vmem>>, vector<16xf32>,
        tpu.vector_store %arg18[%swap3A_581], %gather3A_578 {strides = array<i32>} : memref<2048xf32, #tpu.memory_space<vmem>>, vector<16xf32>,
        %mul3A_583 = arith.constant 2048 : i32
        %mul3A_584 = arith.muli %add3A_471, %mul3A_583 : i32
        %add3A_585 = arith.addi %mul3A_584, %mul3A_513 : i32
        %add3A_586 = arith.constant 96 : i32
        %add3A_587 = arith.addi %add3A_585, %add3A_586 : i32
        %get3A_588 = arith.index_cast %add3A_587 : i32 to index
        %get3A_589 = tpu.vector_load %arg16[%get3A_588] {strides = array<i32>} : memref<16384xi32, #tpu.memory_space<vmem>>, vector<16xi32>,
        %gather3A_590 = tpu.vector_load_idx %arg17[%get3A_589] : memref<100000xf32, #tpu.memory_space<vmem>>[vector<16xi32>], vector<16xf32>,
        %add3A_591 = arith.constant 96 : i32
        %add3A_592 = arith.addi %mul3A_513, %add3A_591 : i32
        %swap3A_593 = arith.index_cast %add3A_592 : i32 to index
        %swap3A_594 = tpu.vector_load %arg18[%swap3A_593] {strides = array<i32>} : memref<2048xf32, #tpu.memory_space<vmem>>, vector<16xf32>,
        tpu.vector_store %arg18[%swap3A_593], %gather3A_590 {strides = array<i32>} : memref<2048xf32, #tpu.memory_space<vmem>>, vector<16xf32>,
        %mul3A_595 = arith.constant 2048 : i32
        %mul3A_596 = arith.muli %add3A_471, %mul3A_595 : i32
        %add3A_597 = arith.addi %mul3A_596, %mul3A_513 : i32
        %add3A_598 = arith.constant 112 : i32
        %add3A_599 = arith.addi %add3A_597, %add3A_598 : i32
        %get3A_600 = arith.index_cast %add3A_599 : i32 to index
        %get3A_601 = tpu.vector_load %arg16[%get3A_600] {strides = array<i32>} : memref<16384xi32, #tpu.memory_space<vmem>>, vector<16xi32>,
        %gather3A_602 = tpu.vector_load_idx %arg17[%get3A_601] : memref<100000xf32, #tpu.memory_space<vmem>>[vector<16xi32>], vector<16xf32>,
        %add3A_603 = arith.constant 112 : i32
        %add3A_604 = arith.addi %mul3A_513, %add3A_603 : i32
        %swap3A_605 = arith.index_cast %add3A_604 : i32 to index
        %swap3A_606 = tpu.vector_load %arg18[%swap3A_605] {strides = array<i32>} : memref<2048xf32, #tpu.memory_space<vmem>>, vector<16xf32>,
        tpu.vector_store %arg18[%swap3A_605], %gather3A_602 {strides = array<i32>} : memref<2048xf32, #tpu.memory_space<vmem>>, vector<16xf32>,
        %scan3A_607 = arith.constant 0 : i32
        scf.yield %scan3A_607 : i32
      }
      %scan3A_480 = arith.constant 16 : i32
      %mul3A_481 = arith.constant 2048 : i32
      %mul3A_482 = arith.muli %add3A_471, %mul3A_481 : i32
      %dma_start3A_483 = tpu.memref_slice %arg12[%add3A_194, %mul3A_482] : memref<64x16384xf32, #tpu.memory_space<hbm>> -> memref<1x2048xf32, #tpu.memory_space<hbm>>
      %dma_start3A_484 = tpu.memref_squeeze %dma_start3A_483 : memref<1x2048xf32, #tpu.memory_space<hbm>> -> memref<2048xf32, #tpu.memory_space<hbm>>
      %dma_start3A_485 = tpu.memref_slice %arg12[%add3A_194, %mul3A_482] : memref<64x16384xf32, #tpu.memory_space<hbm>> -> memref<1x2048xf32, #tpu.memory_space<hbm>>
      %dma_start3A_486 = tpu.memref_squeeze %dma_start3A_485 : memref<1x2048xf32, #tpu.memory_space<hbm>> -> memref<2048xf32, #tpu.memory_space<hbm>>
      tpu.enqueue_dma source(%arg18 : memref<2048xf32, #tpu.memory_space<vmem>>) target(%dma_start3A_486 : memref<2048xf32, #tpu.memory_space<hbm>>) target_semaphore(%arg20 : memref<!tpu.dma_semaphore, #tpu.memory_space<semaphore_mem>>)
      %mul3A_487 = arith.constant 2 : i32
      %mul3A_488 = arith.muli %scan3A_466, %mul3A_487 : i32
      %add3A_489 = arith.constant 1 : i32
      %add3A_490 = arith.addi %mul3A_488, %add3A_489 : i32
      %gt3A_491 = arith.constant 0 : i32
      %gt3A_492 = arith.cmpi sgt, %scan3A_466, %gt3A_491 : i32
      %convert_element_type3A_493 = arith.extui %gt3A_492 : i1 to i32
      %cond3A_494 = arith.constant 0 : i32
      %cond3A_495 = arith.cmpi ne, %convert_element_type3A_493, %cond3A_494 : i32
      scf.if %cond3A_495 {
        %dma_wait3A_510 = arith.constant 0 : i32
        %dma_wait3A_511 = tpu.memref_slice %arg12[%add3A_194, %dma_wait3A_510] : memref<64x16384xf32, #tpu.memory_space<hbm>> -> memref<1x2048xf32, #tpu.memory_space<hbm>>
        %dma_wait3A_512 = tpu.memref_squeeze %dma_wait3A_511 : memref<1x2048xf32, #tpu.memory_space<hbm>> -> memref<2048xf32, #tpu.memory_space<hbm>>
        %dma_wait3A_513 = arith.constant 0 : i32
        %dma_wait3A_514 = tpu.memref_slice %arg12[%add3A_194, %dma_wait3A_513] : memref<64x16384xf32, #tpu.memory_space<hbm>> -> memref<1x2048xf32, #tpu.memory_space<hbm>>
        %dma_wait3A_515 = tpu.memref_squeeze %dma_wait3A_514 : memref<1x2048xf32, #tpu.memory_space<hbm>> -> memref<2048xf32, #tpu.memory_space<hbm>>
        tpu.wait_dma2 semaphore(%arg21 : memref<!tpu.dma_semaphore, #tpu.memory_space<semaphore_mem>>) src(%arg19 : memref<2048xf32, #tpu.memory_space<vmem>>) dst(%dma_wait3A_515 : memref<2048xf32, #tpu.memory_space<hbm>>)
      } else {
      }
      %scan3A_496 = arith.constant 0 : i32
      %scan3A_497 = arith.constant 0 : i32
      %scan3A_498 = arith.constant 16 : i32
      %scan3A_499 = arith.addi %scan3A_497, %scan3A_498 : i32
      %scan3A_500 = arith.constant 1 : i32
      %scan3A_501 = scf.for %scan3A_510 = %scan3A_497 to %scan3A_499 step %scan3A_500 iter_args(%scan3A_511 = %scan3A_496) -> (i32)  : i32 {
        %mul3A_512 = arith.constant 128 : i32
        %mul3A_513 = arith.muli %scan3A_510, %mul3A_512 : i32
        %mul3A_514 = arith.constant 2048 : i32
        %mul3A_515 = arith.muli %add3A_490, %mul3A_514 : i32
        %add3A_516 = arith.addi %mul3A_515, %mul3A_513 : i32
        %add3A_517 = arith.constant 0 : i32
        %add3A_518 = arith.addi %add3A_516, %add3A_517 : i32
        %get3A = arith.index_cast %add3A_518 : i32 to index
        %get3A_519 = tpu.vector_load %arg16[%get3A] {strides = array<i32>} : memref<16384xi32, #tpu.memory_space<vmem>>, vector<16xi32>,
        %gather3A = tpu.vector_load_idx %arg17[%get3A_519] : memref<100000xf32, #tpu.memory_space<vmem>>[vector<16xi32>], vector<16xf32>,
        %add3A_520 = arith.constant 0 : i32
        %add3A_521 = arith.addi %mul3A_513, %add3A_520 : i32
        %swap3A = arith.index_cast %add3A_521 : i32 to index
        %swap3A_522 = tpu.vector_load %arg19[%swap3A] {strides = array<i32>} : memref<2048xf32, #tpu.memory_space<vmem>>, vector<16xf32>,
        tpu.vector_store %arg19[%swap3A], %gather3A {strides = array<i32>} : memref<2048xf32, #tpu.memory_space<vmem>>, vector<16xf32>,
        %mul3A_523 = arith.constant 2048 : i32
        %mul3A_524 = arith.muli %add3A_490, %mul3A_523 : i32
        %add3A_525 = arith.addi %mul3A_524, %mul3A_513 : i32
        %add3A_526 = arith.constant 16 : i32
        %add3A_527 = arith.addi %add3A_525, %add3A_526 : i32
        %get3A_528 = arith.index_cast %add3A_527 : i32 to index
        %get3A_529 = tpu.vector_load %arg16[%get3A_528] {strides = array<i32>} : memref<16384xi32, #tpu.memory_space<vmem>>, vector<16xi32>,
        %gather3A_530 = tpu.vector_load_idx %arg17[%get3A_529] : memref<100000xf32, #tpu.memory_space<vmem>>[vector<16xi32>], vector<16xf32>,
        %add3A_531 = arith.constant 16 : i32
        %add3A_532 = arith.addi %mul3A_513, %add3A_531 : i32
        %swap3A_533 = arith.index_cast %add3A_532 : i32 to index
        %swap3A_534 = tpu.vector_load %arg19[%swap3A_533] {strides = array<i32>} : memref<2048xf32, #tpu.memory_space<vmem>>, vector<16xf32>,
        tpu.vector_store %arg19[%swap3A_533], %gather3A_530 {strides = array<i32>} : memref<2048xf32, #tpu.memory_space<vmem>>, vector<16xf32>,
        %mul3A_535 = arith.constant 2048 : i32
        %mul3A_536 = arith.muli %add3A_490, %mul3A_535 : i32
        %add3A_537 = arith.addi %mul3A_536, %mul3A_513 : i32
        %add3A_538 = arith.constant 32 : i32
        %add3A_539 = arith.addi %add3A_537, %add3A_538 : i32
        %get3A_540 = arith.index_cast %add3A_539 : i32 to index
        %get3A_541 = tpu.vector_load %arg16[%get3A_540] {strides = array<i32>} : memref<16384xi32, #tpu.memory_space<vmem>>, vector<16xi32>,
        %gather3A_542 = tpu.vector_load_idx %arg17[%get3A_541] : memref<100000xf32, #tpu.memory_space<vmem>>[vector<16xi32>], vector<16xf32>,
        %add3A_543 = arith.constant 32 : i32
        %add3A_544 = arith.addi %mul3A_513, %add3A_543 : i32
        %swap3A_545 = arith.index_cast %add3A_544 : i32 to index
        %swap3A_546 = tpu.vector_load %arg19[%swap3A_545] {strides = array<i32>} : memref<2048xf32, #tpu.memory_space<vmem>>, vector<16xf32>,
        tpu.vector_store %arg19[%swap3A_545], %gather3A_542 {strides = array<i32>} : memref<2048xf32, #tpu.memory_space<vmem>>, vector<16xf32>,
        %mul3A_547 = arith.constant 2048 : i32
        %mul3A_548 = arith.muli %add3A_490, %mul3A_547 : i32
        %add3A_549 = arith.addi %mul3A_548, %mul3A_513 : i32
        %add3A_550 = arith.constant 48 : i32
        %add3A_551 = arith.addi %add3A_549, %add3A_550 : i32
        %get3A_552 = arith.index_cast %add3A_551 : i32 to index
        %get3A_553 = tpu.vector_load %arg16[%get3A_552] {strides = array<i32>} : memref<16384xi32, #tpu.memory_space<vmem>>, vector<16xi32>,
        %gather3A_554 = tpu.vector_load_idx %arg17[%get3A_553] : memref<100000xf32, #tpu.memory_space<vmem>>[vector<16xi32>], vector<16xf32>,
        %add3A_555 = arith.constant 48 : i32
        %add3A_556 = arith.addi %mul3A_513, %add3A_555 : i32
        %swap3A_557 = arith.index_cast %add3A_556 : i32 to index
        %swap3A_558 = tpu.vector_load %arg19[%swap3A_557] {strides = array<i32>} : memref<2048xf32, #tpu.memory_space<vmem>>, vector<16xf32>,
        tpu.vector_store %arg19[%swap3A_557], %gather3A_554 {strides = array<i32>} : memref<2048xf32, #tpu.memory_space<vmem>>, vector<16xf32>,
        %mul3A_559 = arith.constant 2048 : i32
        %mul3A_560 = arith.muli %add3A_490, %mul3A_559 : i32
        %add3A_561 = arith.addi %mul3A_560, %mul3A_513 : i32
        %add3A_562 = arith.constant 64 : i32
        %add3A_563 = arith.addi %add3A_561, %add3A_562 : i32
        %get3A_564 = arith.index_cast %add3A_563 : i32 to index
        %get3A_565 = tpu.vector_load %arg16[%get3A_564] {strides = array<i32>} : memref<16384xi32, #tpu.memory_space<vmem>>, vector<16xi32>,
        %gather3A_566 = tpu.vector_load_idx %arg17[%get3A_565] : memref<100000xf32, #tpu.memory_space<vmem>>[vector<16xi32>], vector<16xf32>,
        %add3A_567 = arith.constant 64 : i32
        %add3A_568 = arith.addi %mul3A_513, %add3A_567 : i32
        %swap3A_569 = arith.index_cast %add3A_568 : i32 to index
        %swap3A_570 = tpu.vector_load %arg19[%swap3A_569] {strides = array<i32>} : memref<2048xf32, #tpu.memory_space<vmem>>, vector<16xf32>,
        tpu.vector_store %arg19[%swap3A_569], %gather3A_566 {strides = array<i32>} : memref<2048xf32, #tpu.memory_space<vmem>>, vector<16xf32>,
        %mul3A_571 = arith.constant 2048 : i32
        %mul3A_572 = arith.muli %add3A_490, %mul3A_571 : i32
        %add3A_573 = arith.addi %mul3A_572, %mul3A_513 : i32
        %add3A_574 = arith.constant 80 : i32
        %add3A_575 = arith.addi %add3A_573, %add3A_574 : i32
        %get3A_576 = arith.index_cast %add3A_575 : i32 to index
        %get3A_577 = tpu.vector_load %arg16[%get3A_576] {strides = array<i32>} : memref<16384xi32, #tpu.memory_space<vmem>>, vector<16xi32>,
        %gather3A_578 = tpu.vector_load_idx %arg17[%get3A_577] : memref<100000xf32, #tpu.memory_space<vmem>>[vector<16xi32>], vector<16xf32>,
        %add3A_579 = arith.constant 80 : i32
        %add3A_580 = arith.addi %mul3A_513, %add3A_579 : i32
        %swap3A_581 = arith.index_cast %add3A_580 : i32 to index
        %swap3A_582 = tpu.vector_load %arg19[%swap3A_581] {strides = array<i32>} : memref<2048xf32, #tpu.memory_space<vmem>>, vector<16xf32>,
        tpu.vector_store %arg19[%swap3A_581], %gather3A_578 {strides = array<i32>} : memref<2048xf32, #tpu.memory_space<vmem>>, vector<16xf32>,
        %mul3A_583 = arith.constant 2048 : i32
        %mul3A_584 = arith.muli %add3A_490, %mul3A_583 : i32
        %add3A_585 = arith.addi %mul3A_584, %mul3A_513 : i32
        %add3A_586 = arith.constant 96 : i32
        %add3A_587 = arith.addi %add3A_585, %add3A_586 : i32
        %get3A_588 = arith.index_cast %add3A_587 : i32 to index
        %get3A_589 = tpu.vector_load %arg16[%get3A_588] {strides = array<i32>} : memref<16384xi32, #tpu.memory_space<vmem>>, vector<16xi32>,
        %gather3A_590 = tpu.vector_load_idx %arg17[%get3A_589] : memref<100000xf32, #tpu.memory_space<vmem>>[vector<16xi32>], vector<16xf32>,
        %add3A_591 = arith.constant 96 : i32
        %add3A_592 = arith.addi %mul3A_513, %add3A_591 : i32
        %swap3A_593 = arith.index_cast %add3A_592 : i32 to index
        %swap3A_594 = tpu.vector_load %arg19[%swap3A_593] {strides = array<i32>} : memref<2048xf32, #tpu.memory_space<vmem>>, vector<16xf32>,
        tpu.vector_store %arg19[%swap3A_593], %gather3A_590 {strides = array<i32>} : memref<2048xf32, #tpu.memory_space<vmem>>, vector<16xf32>,
        %mul3A_595 = arith.constant 2048 : i32
        %mul3A_596 = arith.muli %add3A_490, %mul3A_595 : i32
        %add3A_597 = arith.addi %mul3A_596, %mul3A_513 : i32
        %add3A_598 = arith.constant 112 : i32
        %add3A_599 = arith.addi %add3A_597, %add3A_598 : i32
        %get3A_600 = arith.index_cast %add3A_599 : i32 to index
        %get3A_601 = tpu.vector_load %arg16[%get3A_600] {strides = array<i32>} : memref<16384xi32, #tpu.memory_space<vmem>>, vector<16xi32>,
        %gather3A_602 = tpu.vector_load_idx %arg17[%get3A_601] : memref<100000xf32, #tpu.memory_space<vmem>>[vector<16xi32>], vector<16xf32>,
        %add3A_603 = arith.constant 112 : i32
        %add3A_604 = arith.addi %mul3A_513, %add3A_603 : i32
        %swap3A_605 = arith.index_cast %add3A_604 : i32 to index
        %swap3A_606 = tpu.vector_load %arg19[%swap3A_605] {strides = array<i32>} : memref<2048xf32, #tpu.memory_space<vmem>>, vector<16xf32>,
        tpu.vector_store %arg19[%swap3A_605], %gather3A_602 {strides = array<i32>} : memref<2048xf32, #tpu.memory_space<vmem>>, vector<16xf32>,
        %scan3A_607 = arith.constant 0 : i32
        scf.yield %scan3A_607 : i32
      }
      %scan3A_502 = arith.constant 16 : i32
      %mul3A_503 = arith.constant 2048 : i32
      %mul3A_504 = arith.muli %add3A_490, %mul3A_503 : i32
      %dma_start3A_505 = tpu.memref_slice %arg12[%add3A_194, %mul3A_504] : memref<64x16384xf32, #tpu.memory_space<hbm>> -> memref<1x2048xf32, #tpu.memory_space<hbm>>
      %dma_start3A_506 = tpu.memref_squeeze %dma_start3A_505 : memref<1x2048xf32, #tpu.memory_space<hbm>> -> memref<2048xf32, #tpu.memory_space<hbm>>
      %dma_start3A_507 = tpu.memref_slice %arg12[%add3A_194, %mul3A_504] : memref<64x16384xf32, #tpu.memory_space<hbm>> -> memref<1x2048xf32, #tpu.memory_space<hbm>>
      %dma_start3A_508 = tpu.memref_squeeze %dma_start3A_507 : memref<1x2048xf32, #tpu.memory_space<hbm>> -> memref<2048xf32, #tpu.memory_space<hbm>>
      tpu.enqueue_dma source(%arg19 : memref<2048xf32, #tpu.memory_space<vmem>>) target(%dma_start3A_508 : memref<2048xf32, #tpu.memory_space<hbm>>) target_semaphore(%arg21 : memref<!tpu.dma_semaphore, #tpu.memory_space<semaphore_mem>>)
      %scan3A_509 = arith.constant 0 : i32
      scf.yield %scan3A_509 : i32
    }
    %scan3A_219 = arith.constant 4 : i32
    %mul3A_220 = arith.constant 2 : i32
    %mul3A_221 = arith.muli %add3A, %mul3A_220 : i32
    %add3A_222 = arith.constant 0 : i32
    %add3A_223 = arith.addi %mul3A_221, %add3A_222 : i32
    %dma_start3A_224 = arith.constant 0 : i32
    %dma_start3A_225 = tpu.memref_slice %arg7[%add3A_223, %dma_start3A_224] : memref<64x100000xf32, #tpu.memory_space<hbm>> -> memref<1x100000xf32, #tpu.memory_space<hbm>>
    %dma_start3A_226 = tpu.memref_squeeze %dma_start3A_225 : memref<1x100000xf32, #tpu.memory_space<hbm>> -> memref<100000xf32, #tpu.memory_space<hbm>>
    %dma_start3A_227 = arith.constant 0 : i32
    %dma_start3A_228 = tpu.memref_slice %arg7[%add3A_223, %dma_start3A_227] : memref<64x100000xf32, #tpu.memory_space<hbm>> -> memref<1x100000xf32, #tpu.memory_space<hbm>>
    %dma_start3A_229 = tpu.memref_squeeze %dma_start3A_228 : memref<1x100000xf32, #tpu.memory_space<hbm>> -> memref<100000xf32, #tpu.memory_space<hbm>>
    tpu.enqueue_dma source(%dma_start3A_229 : memref<100000xf32, #tpu.memory_space<hbm>>) target(%arg17 : memref<100000xf32, #tpu.memory_space<vmem>>) target_semaphore(%arg22 : memref<!tpu.dma_semaphore, #tpu.memory_space<semaphore_mem>>)
    %mul3A_230 = arith.constant 2 : i32
    %mul3A_231 = arith.muli %add3A, %mul3A_230 : i32
    %add3A_232 = arith.constant 0 : i32
    %add3A_233 = arith.addi %mul3A_231, %add3A_232 : i32
    %dma_wait3A_234 = arith.constant 0 : i32
    %dma_wait3A_235 = tpu.memref_slice %arg7[%add3A_223, %dma_wait3A_234] : memref<64x100000xf32, #tpu.memory_space<hbm>> -> memref<1x100000xf32, #tpu.memory_space<hbm>>
    %dma_wait3A_236 = tpu.memref_squeeze %dma_wait3A_235 : memref<1x100000xf32, #tpu.memory_space<hbm>> -> memref<100000xf32, #tpu.memory_space<hbm>>
    %dma_wait3A_237 = arith.constant 0 : i32
    %dma_wait3A_238 = tpu.memref_slice %arg7[%add3A_223, %dma_wait3A_237] : memref<64x100000xf32, #tpu.memory_space<hbm>> -> memref<1x100000xf32, #tpu.memory_space<hbm>>
    %dma_wait3A_239 = tpu.memref_squeeze %dma_wait3A_238 : memref<1x100000xf32, #tpu.memory_space<hbm>> -> memref<100000xf32, #tpu.memory_space<hbm>>
    tpu.wait_dma2 semaphore(%arg22 : memref<!tpu.dma_semaphore, #tpu.memory_space<semaphore_mem>>) src(%dma_wait3A_239 : memref<100000xf32, #tpu.memory_space<hbm>>) dst(%arg17 : memref<100000xf32, #tpu.memory_space<vmem>>)
    %dma_wait3A_240 = arith.constant 0 : i32
    %dma_wait3A_241 = tpu.memref_slice %arg12[%add3A_194, %dma_wait3A_240] : memref<64x16384xf32, #tpu.memory_space<hbm>> -> memref<1x2048xf32, #tpu.memory_space<hbm>>
    %dma_wait3A_242 = tpu.memref_squeeze %dma_wait3A_241 : memref<1x2048xf32, #tpu.memory_space<hbm>> -> memref<2048xf32, #tpu.memory_space<hbm>>
    %dma_wait3A_243 = arith.constant 0 : i32
    %dma_wait3A_244 = tpu.memref_slice %arg12[%add3A_194, %dma_wait3A_243] : memref<64x16384xf32, #tpu.memory_space<hbm>> -> memref<1x2048xf32, #tpu.memory_space<hbm>>
    %dma_wait3A_245 = tpu.memref_squeeze %dma_wait3A_244 : memref<1x2048xf32, #tpu.memory_space<hbm>> -> memref<2048xf32, #tpu.memory_space<hbm>>
    tpu.wait_dma2 semaphore(%arg20 : memref<!tpu.dma_semaphore, #tpu.memory_space<semaphore_mem>>) src(%arg18 : memref<2048xf32, #tpu.memory_space<vmem>>) dst(%dma_wait3A_245 : memref<2048xf32, #tpu.memory_space<hbm>>)
    %dma_wait3A_246 = arith.constant 0 : i32
    %dma_wait3A_247 = tpu.memref_slice %arg12[%add3A_194, %dma_wait3A_246] : memref<64x16384xf32, #tpu.memory_space<hbm>> -> memref<1x2048xf32, #tpu.memory_space<hbm>>
    %dma_wait3A_248 = tpu.memref_squeeze %dma_wait3A_247 : memref<1x2048xf32, #tpu.memory_space<hbm>> -> memref<2048xf32, #tpu.memory_space<hbm>>
    %dma_wait3A_249 = arith.constant 0 : i32
    %dma_wait3A_250 = tpu.memref_slice %arg12[%add3A_194, %dma_wait3A_249] : memref<64x16384xf32, #tpu.memory_space<hbm>> -> memref<1x2048xf32, #tpu.memory_space<hbm>>
    %dma_wait3A_251 = tpu.memref_squeeze %dma_wait3A_250 : memref<1x2048xf32, #tpu.memory_space<hbm>> -> memref<2048xf32, #tpu.memory_space<hbm>>
    tpu.wait_dma2 semaphore(%arg21 : memref<!tpu.dma_semaphore, #tpu.memory_space<semaphore_mem>>) src(%arg19 : memref<2048xf32, #tpu.memory_space<vmem>>) dst(%dma_wait3A_251 : memref<2048xf32, #tpu.memory_space<hbm>>)
    %scan3A_252 = arith.constant 0 : i32
    %scan3A_253 = arith.constant 0 : i32
    %scan3A_254 = arith.constant 4 : i32
    %scan3A_255 = arith.addi %scan3A_253, %scan3A_254 : i32
    %scan3A_256 = arith.constant 1 : i32
    %scan3A_257 = scf.for %scan3A_466 = %scan3A_253 to %scan3A_255 step %scan3A_256 iter_args(%scan3A_467 = %scan3A_252) -> (i32)  : i32 {
      %mul3A_468 = arith.constant 2 : i32
      %mul3A_469 = arith.muli %scan3A_466, %mul3A_468 : i32
      %add3A_470 = arith.constant 0 : i32
      %add3A_471 = arith.addi %mul3A_469, %add3A_470 : i32
      %gt3A = arith.constant 0 : i32
      %gt3A_472 = arith.cmpi sgt, %scan3A_466, %gt3A : i32
      %convert_element_type3A = arith.extui %gt3A_472 : i1 to i32
      %cond3A = arith.constant 0 : i32
      %cond3A_473 = arith.cmpi ne, %convert_element_type3A, %cond3A : i32
      scf.if %cond3A_473 {
        %dma_wait3A_510 = arith.constant 0 : i32
        %dma_wait3A_511 = tpu.memref_slice %arg13[%add3A_233, %dma_wait3A_510] : memref<64x16384xf32, #tpu.memory_space<hbm>> -> memref<1x2048xf32, #tpu.memory_space<hbm>>
        %dma_wait3A_512 = tpu.memref_squeeze %dma_wait3A_511 : memref<1x2048xf32, #tpu.memory_space<hbm>> -> memref<2048xf32, #tpu.memory_space<hbm>>
        %dma_wait3A_513 = arith.constant 0 : i32
        %dma_wait3A_514 = tpu.memref_slice %arg13[%add3A_233, %dma_wait3A_513] : memref<64x16384xf32, #tpu.memory_space<hbm>> -> memref<1x2048xf32, #tpu.memory_space<hbm>>
        %dma_wait3A_515 = tpu.memref_squeeze %dma_wait3A_514 : memref<1x2048xf32, #tpu.memory_space<hbm>> -> memref<2048xf32, #tpu.memory_space<hbm>>
        tpu.wait_dma2 semaphore(%arg20 : memref<!tpu.dma_semaphore, #tpu.memory_space<semaphore_mem>>) src(%arg18 : memref<2048xf32, #tpu.memory_space<vmem>>) dst(%dma_wait3A_515 : memref<2048xf32, #tpu.memory_space<hbm>>)
      } else {
      }
      %scan3A_474 = arith.constant 0 : i32
      %scan3A_475 = arith.constant 0 : i32
      %scan3A_476 = arith.constant 16 : i32
      %scan3A_477 = arith.addi %scan3A_475, %scan3A_476 : i32
      %scan3A_478 = arith.constant 1 : i32
      %scan3A_479 = scf.for %scan3A_510 = %scan3A_475 to %scan3A_477 step %scan3A_478 iter_args(%scan3A_511 = %scan3A_474) -> (i32)  : i32 {
        %mul3A_512 = arith.constant 128 : i32
        %mul3A_513 = arith.muli %scan3A_510, %mul3A_512 : i32
        %mul3A_514 = arith.constant 2048 : i32
        %mul3A_515 = arith.muli %add3A_471, %mul3A_514 : i32
        %add3A_516 = arith.addi %mul3A_515, %mul3A_513 : i32
        %add3A_517 = arith.constant 0 : i32
        %add3A_518 = arith.addi %add3A_516, %add3A_517 : i32
        %get3A = arith.index_cast %add3A_518 : i32 to index
        %get3A_519 = tpu.vector_load %arg16[%get3A] {strides = array<i32>} : memref<16384xi32, #tpu.memory_space<vmem>>, vector<16xi32>,
        %gather3A = tpu.vector_load_idx %arg17[%get3A_519] : memref<100000xf32, #tpu.memory_space<vmem>>[vector<16xi32>], vector<16xf32>,
        %add3A_520 = arith.constant 0 : i32
        %add3A_521 = arith.addi %mul3A_513, %add3A_520 : i32
        %swap3A = arith.index_cast %add3A_521 : i32 to index
        %swap3A_522 = tpu.vector_load %arg18[%swap3A] {strides = array<i32>} : memref<2048xf32, #tpu.memory_space<vmem>>, vector<16xf32>,
        tpu.vector_store %arg18[%swap3A], %gather3A {strides = array<i32>} : memref<2048xf32, #tpu.memory_space<vmem>>, vector<16xf32>,
        %mul3A_523 = arith.constant 2048 : i32
        %mul3A_524 = arith.muli %add3A_471, %mul3A_523 : i32
        %add3A_525 = arith.addi %mul3A_524, %mul3A_513 : i32
        %add3A_526 = arith.constant 16 : i32
        %add3A_527 = arith.addi %add3A_525, %add3A_526 : i32
        %get3A_528 = arith.index_cast %add3A_527 : i32 to index
        %get3A_529 = tpu.vector_load %arg16[%get3A_528] {strides = array<i32>} : memref<16384xi32, #tpu.memory_space<vmem>>, vector<16xi32>,
        %gather3A_530 = tpu.vector_load_idx %arg17[%get3A_529] : memref<100000xf32, #tpu.memory_space<vmem>>[vector<16xi32>], vector<16xf32>,
        %add3A_531 = arith.constant 16 : i32
        %add3A_532 = arith.addi %mul3A_513, %add3A_531 : i32
        %swap3A_533 = arith.index_cast %add3A_532 : i32 to index
        %swap3A_534 = tpu.vector_load %arg18[%swap3A_533] {strides = array<i32>} : memref<2048xf32, #tpu.memory_space<vmem>>, vector<16xf32>,
        tpu.vector_store %arg18[%swap3A_533], %gather3A_530 {strides = array<i32>} : memref<2048xf32, #tpu.memory_space<vmem>>, vector<16xf32>,
        %mul3A_535 = arith.constant 2048 : i32
        %mul3A_536 = arith.muli %add3A_471, %mul3A_535 : i32
        %add3A_537 = arith.addi %mul3A_536, %mul3A_513 : i32
        %add3A_538 = arith.constant 32 : i32
        %add3A_539 = arith.addi %add3A_537, %add3A_538 : i32
        %get3A_540 = arith.index_cast %add3A_539 : i32 to index
        %get3A_541 = tpu.vector_load %arg16[%get3A_540] {strides = array<i32>} : memref<16384xi32, #tpu.memory_space<vmem>>, vector<16xi32>,
        %gather3A_542 = tpu.vector_load_idx %arg17[%get3A_541] : memref<100000xf32, #tpu.memory_space<vmem>>[vector<16xi32>], vector<16xf32>,
        %add3A_543 = arith.constant 32 : i32
        %add3A_544 = arith.addi %mul3A_513, %add3A_543 : i32
        %swap3A_545 = arith.index_cast %add3A_544 : i32 to index
        %swap3A_546 = tpu.vector_load %arg18[%swap3A_545] {strides = array<i32>} : memref<2048xf32, #tpu.memory_space<vmem>>, vector<16xf32>,
        tpu.vector_store %arg18[%swap3A_545], %gather3A_542 {strides = array<i32>} : memref<2048xf32, #tpu.memory_space<vmem>>, vector<16xf32>,
        %mul3A_547 = arith.constant 2048 : i32
        %mul3A_548 = arith.muli %add3A_471, %mul3A_547 : i32
        %add3A_549 = arith.addi %mul3A_548, %mul3A_513 : i32
        %add3A_550 = arith.constant 48 : i32
        %add3A_551 = arith.addi %add3A_549, %add3A_550 : i32
        %get3A_552 = arith.index_cast %add3A_551 : i32 to index
        %get3A_553 = tpu.vector_load %arg16[%get3A_552] {strides = array<i32>} : memref<16384xi32, #tpu.memory_space<vmem>>, vector<16xi32>,
        %gather3A_554 = tpu.vector_load_idx %arg17[%get3A_553] : memref<100000xf32, #tpu.memory_space<vmem>>[vector<16xi32>], vector<16xf32>,
        %add3A_555 = arith.constant 48 : i32
        %add3A_556 = arith.addi %mul3A_513, %add3A_555 : i32
        %swap3A_557 = arith.index_cast %add3A_556 : i32 to index
        %swap3A_558 = tpu.vector_load %arg18[%swap3A_557] {strides = array<i32>} : memref<2048xf32, #tpu.memory_space<vmem>>, vector<16xf32>,
        tpu.vector_store %arg18[%swap3A_557], %gather3A_554 {strides = array<i32>} : memref<2048xf32, #tpu.memory_space<vmem>>, vector<16xf32>,
        %mul3A_559 = arith.constant 2048 : i32
        %mul3A_560 = arith.muli %add3A_471, %mul3A_559 : i32
        %add3A_561 = arith.addi %mul3A_560, %mul3A_513 : i32
        %add3A_562 = arith.constant 64 : i32
        %add3A_563 = arith.addi %add3A_561, %add3A_562 : i32
        %get3A_564 = arith.index_cast %add3A_563 : i32 to index
        %get3A_565 = tpu.vector_load %arg16[%get3A_564] {strides = array<i32>} : memref<16384xi32, #tpu.memory_space<vmem>>, vector<16xi32>,
        %gather3A_566 = tpu.vector_load_idx %arg17[%get3A_565] : memref<100000xf32, #tpu.memory_space<vmem>>[vector<16xi32>], vector<16xf32>,
        %add3A_567 = arith.constant 64 : i32
        %add3A_568 = arith.addi %mul3A_513, %add3A_567 : i32
        %swap3A_569 = arith.index_cast %add3A_568 : i32 to index
        %swap3A_570 = tpu.vector_load %arg18[%swap3A_569] {strides = array<i32>} : memref<2048xf32, #tpu.memory_space<vmem>>, vector<16xf32>,
        tpu.vector_store %arg18[%swap3A_569], %gather3A_566 {strides = array<i32>} : memref<2048xf32, #tpu.memory_space<vmem>>, vector<16xf32>,
        %mul3A_571 = arith.constant 2048 : i32
        %mul3A_572 = arith.muli %add3A_471, %mul3A_571 : i32
        %add3A_573 = arith.addi %mul3A_572, %mul3A_513 : i32
        %add3A_574 = arith.constant 80 : i32
        %add3A_575 = arith.addi %add3A_573, %add3A_574 : i32
        %get3A_576 = arith.index_cast %add3A_575 : i32 to index
        %get3A_577 = tpu.vector_load %arg16[%get3A_576] {strides = array<i32>} : memref<16384xi32, #tpu.memory_space<vmem>>, vector<16xi32>,
        %gather3A_578 = tpu.vector_load_idx %arg17[%get3A_577] : memref<100000xf32, #tpu.memory_space<vmem>>[vector<16xi32>], vector<16xf32>,
        %add3A_579 = arith.constant 80 : i32
        %add3A_580 = arith.addi %mul3A_513, %add3A_579 : i32
        %swap3A_581 = arith.index_cast %add3A_580 : i32 to index
        %swap3A_582 = tpu.vector_load %arg18[%swap3A_581] {strides = array<i32>} : memref<2048xf32, #tpu.memory_space<vmem>>, vector<16xf32>,
        tpu.vector_store %arg18[%swap3A_581], %gather3A_578 {strides = array<i32>} : memref<2048xf32, #tpu.memory_space<vmem>>, vector<16xf32>,
        %mul3A_583 = arith.constant 2048 : i32
        %mul3A_584 = arith.muli %add3A_471, %mul3A_583 : i32
        %add3A_585 = arith.addi %mul3A_584, %mul3A_513 : i32
        %add3A_586 = arith.constant 96 : i32
        %add3A_587 = arith.addi %add3A_585, %add3A_586 : i32
        %get3A_588 = arith.index_cast %add3A_587 : i32 to index
        %get3A_589 = tpu.vector_load %arg16[%get3A_588] {strides = array<i32>} : memref<16384xi32, #tpu.memory_space<vmem>>, vector<16xi32>,
        %gather3A_590 = tpu.vector_load_idx %arg17[%get3A_589] : memref<100000xf32, #tpu.memory_space<vmem>>[vector<16xi32>], vector<16xf32>,
        %add3A_591 = arith.constant 96 : i32
        %add3A_592 = arith.addi %mul3A_513, %add3A_591 : i32
        %swap3A_593 = arith.index_cast %add3A_592 : i32 to index
        %swap3A_594 = tpu.vector_load %arg18[%swap3A_593] {strides = array<i32>} : memref<2048xf32, #tpu.memory_space<vmem>>, vector<16xf32>,
        tpu.vector_store %arg18[%swap3A_593], %gather3A_590 {strides = array<i32>} : memref<2048xf32, #tpu.memory_space<vmem>>, vector<16xf32>,
        %mul3A_595 = arith.constant 2048 : i32
        %mul3A_596 = arith.muli %add3A_471, %mul3A_595 : i32
        %add3A_597 = arith.addi %mul3A_596, %mul3A_513 : i32
        %add3A_598 = arith.constant 112 : i32
        %add3A_599 = arith.addi %add3A_597, %add3A_598 : i32
        %get3A_600 = arith.index_cast %add3A_599 : i32 to index
        %get3A_601 = tpu.vector_load %arg16[%get3A_600] {strides = array<i32>} : memref<16384xi32, #tpu.memory_space<vmem>>, vector<16xi32>,
        %gather3A_602 = tpu.vector_load_idx %arg17[%get3A_601] : memref<100000xf32, #tpu.memory_space<vmem>>[vector<16xi32>], vector<16xf32>,
        %add3A_603 = arith.constant 112 : i32
        %add3A_604 = arith.addi %mul3A_513, %add3A_603 : i32
        %swap3A_605 = arith.index_cast %add3A_604 : i32 to index
        %swap3A_606 = tpu.vector_load %arg18[%swap3A_605] {strides = array<i32>} : memref<2048xf32, #tpu.memory_space<vmem>>, vector<16xf32>,
        tpu.vector_store %arg18[%swap3A_605], %gather3A_602 {strides = array<i32>} : memref<2048xf32, #tpu.memory_space<vmem>>, vector<16xf32>,
        %scan3A_607 = arith.constant 0 : i32
        scf.yield %scan3A_607 : i32
      }
      %scan3A_480 = arith.constant 16 : i32
      %mul3A_481 = arith.constant 2048 : i32
      %mul3A_482 = arith.muli %add3A_471, %mul3A_481 : i32
      %dma_start3A_483 = tpu.memref_slice %arg13[%add3A_233, %mul3A_482] : memref<64x16384xf32, #tpu.memory_space<hbm>> -> memref<1x2048xf32, #tpu.memory_space<hbm>>
      %dma_start3A_484 = tpu.memref_squeeze %dma_start3A_483 : memref<1x2048xf32, #tpu.memory_space<hbm>> -> memref<2048xf32, #tpu.memory_space<hbm>>
      %dma_start3A_485 = tpu.memref_slice %arg13[%add3A_233, %mul3A_482] : memref<64x16384xf32, #tpu.memory_space<hbm>> -> memref<1x2048xf32, #tpu.memory_space<hbm>>
      %dma_start3A_486 = tpu.memref_squeeze %dma_start3A_485 : memref<1x2048xf32, #tpu.memory_space<hbm>> -> memref<2048xf32, #tpu.memory_space<hbm>>
      tpu.enqueue_dma source(%arg18 : memref<2048xf32, #tpu.memory_space<vmem>>) target(%dma_start3A_486 : memref<2048xf32, #tpu.memory_space<hbm>>) target_semaphore(%arg20 : memref<!tpu.dma_semaphore, #tpu.memory_space<semaphore_mem>>)
      %mul3A_487 = arith.constant 2 : i32
      %mul3A_488 = arith.muli %scan3A_466, %mul3A_487 : i32
      %add3A_489 = arith.constant 1 : i32
      %add3A_490 = arith.addi %mul3A_488, %add3A_489 : i32
      %gt3A_491 = arith.constant 0 : i32
      %gt3A_492 = arith.cmpi sgt, %scan3A_466, %gt3A_491 : i32
      %convert_element_type3A_493 = arith.extui %gt3A_492 : i1 to i32
      %cond3A_494 = arith.constant 0 : i32
      %cond3A_495 = arith.cmpi ne, %convert_element_type3A_493, %cond3A_494 : i32
      scf.if %cond3A_495 {
        %dma_wait3A_510 = arith.constant 0 : i32
        %dma_wait3A_511 = tpu.memref_slice %arg13[%add3A_233, %dma_wait3A_510] : memref<64x16384xf32, #tpu.memory_space<hbm>> -> memref<1x2048xf32, #tpu.memory_space<hbm>>
        %dma_wait3A_512 = tpu.memref_squeeze %dma_wait3A_511 : memref<1x2048xf32, #tpu.memory_space<hbm>> -> memref<2048xf32, #tpu.memory_space<hbm>>
        %dma_wait3A_513 = arith.constant 0 : i32
        %dma_wait3A_514 = tpu.memref_slice %arg13[%add3A_233, %dma_wait3A_513] : memref<64x16384xf32, #tpu.memory_space<hbm>> -> memref<1x2048xf32, #tpu.memory_space<hbm>>
        %dma_wait3A_515 = tpu.memref_squeeze %dma_wait3A_514 : memref<1x2048xf32, #tpu.memory_space<hbm>> -> memref<2048xf32, #tpu.memory_space<hbm>>
        tpu.wait_dma2 semaphore(%arg21 : memref<!tpu.dma_semaphore, #tpu.memory_space<semaphore_mem>>) src(%arg19 : memref<2048xf32, #tpu.memory_space<vmem>>) dst(%dma_wait3A_515 : memref<2048xf32, #tpu.memory_space<hbm>>)
      } else {
      }
      %scan3A_496 = arith.constant 0 : i32
      %scan3A_497 = arith.constant 0 : i32
      %scan3A_498 = arith.constant 16 : i32
      %scan3A_499 = arith.addi %scan3A_497, %scan3A_498 : i32
      %scan3A_500 = arith.constant 1 : i32
      %scan3A_501 = scf.for %scan3A_510 = %scan3A_497 to %scan3A_499 step %scan3A_500 iter_args(%scan3A_511 = %scan3A_496) -> (i32)  : i32 {
        %mul3A_512 = arith.constant 128 : i32
        %mul3A_513 = arith.muli %scan3A_510, %mul3A_512 : i32
        %mul3A_514 = arith.constant 2048 : i32
        %mul3A_515 = arith.muli %add3A_490, %mul3A_514 : i32
        %add3A_516 = arith.addi %mul3A_515, %mul3A_513 : i32
        %add3A_517 = arith.constant 0 : i32
        %add3A_518 = arith.addi %add3A_516, %add3A_517 : i32
        %get3A = arith.index_cast %add3A_518 : i32 to index
        %get3A_519 = tpu.vector_load %arg16[%get3A] {strides = array<i32>} : memref<16384xi32, #tpu.memory_space<vmem>>, vector<16xi32>,
        %gather3A = tpu.vector_load_idx %arg17[%get3A_519] : memref<100000xf32, #tpu.memory_space<vmem>>[vector<16xi32>], vector<16xf32>,
        %add3A_520 = arith.constant 0 : i32
        %add3A_521 = arith.addi %mul3A_513, %add3A_520 : i32
        %swap3A = arith.index_cast %add3A_521 : i32 to index
        %swap3A_522 = tpu.vector_load %arg19[%swap3A] {strides = array<i32>} : memref<2048xf32, #tpu.memory_space<vmem>>, vector<16xf32>,
        tpu.vector_store %arg19[%swap3A], %gather3A {strides = array<i32>} : memref<2048xf32, #tpu.memory_space<vmem>>, vector<16xf32>,
        %mul3A_523 = arith.constant 2048 : i32
        %mul3A_524 = arith.muli %add3A_490, %mul3A_523 : i32
        %add3A_525 = arith.addi %mul3A_524, %mul3A_513 : i32
        %add3A_526 = arith.constant 16 : i32
        %add3A_527 = arith.addi %add3A_525, %add3A_526 : i32
        %get3A_528 = arith.index_cast %add3A_527 : i32 to index
        %get3A_529 = tpu.vector_load %arg16[%get3A_528] {strides = array<i32>} : memref<16384xi32, #tpu.memory_space<vmem>>, vector<16xi32>,
        %gather3A_530 = tpu.vector_load_idx %arg17[%get3A_529] : memref<100000xf32, #tpu.memory_space<vmem>>[vector<16xi32>], vector<16xf32>,
        %add3A_531 = arith.constant 16 : i32
        %add3A_532 = arith.addi %mul3A_513, %add3A_531 : i32
        %swap3A_533 = arith.index_cast %add3A_532 : i32 to index
        %swap3A_534 = tpu.vector_load %arg19[%swap3A_533] {strides = array<i32>} : memref<2048xf32, #tpu.memory_space<vmem>>, vector<16xf32>,
        tpu.vector_store %arg19[%swap3A_533], %gather3A_530 {strides = array<i32>} : memref<2048xf32, #tpu.memory_space<vmem>>, vector<16xf32>,
        %mul3A_535 = arith.constant 2048 : i32
        %mul3A_536 = arith.muli %add3A_490, %mul3A_535 : i32
        %add3A_537 = arith.addi %mul3A_536, %mul3A_513 : i32
        %add3A_538 = arith.constant 32 : i32
        %add3A_539 = arith.addi %add3A_537, %add3A_538 : i32
        %get3A_540 = arith.index_cast %add3A_539 : i32 to index
        %get3A_541 = tpu.vector_load %arg16[%get3A_540] {strides = array<i32>} : memref<16384xi32, #tpu.memory_space<vmem>>, vector<16xi32>,
        %gather3A_542 = tpu.vector_load_idx %arg17[%get3A_541] : memref<100000xf32, #tpu.memory_space<vmem>>[vector<16xi32>], vector<16xf32>,
        %add3A_543 = arith.constant 32 : i32
        %add3A_544 = arith.addi %mul3A_513, %add3A_543 : i32
        %swap3A_545 = arith.index_cast %add3A_544 : i32 to index
        %swap3A_546 = tpu.vector_load %arg19[%swap3A_545] {strides = array<i32>} : memref<2048xf32, #tpu.memory_space<vmem>>, vector<16xf32>,
        tpu.vector_store %arg19[%swap3A_545], %gather3A_542 {strides = array<i32>} : memref<2048xf32, #tpu.memory_space<vmem>>, vector<16xf32>,
        %mul3A_547 = arith.constant 2048 : i32
        %mul3A_548 = arith.muli %add3A_490, %mul3A_547 : i32
        %add3A_549 = arith.addi %mul3A_548, %mul3A_513 : i32
        %add3A_550 = arith.constant 48 : i32
        %add3A_551 = arith.addi %add3A_549, %add3A_550 : i32
        %get3A_552 = arith.index_cast %add3A_551 : i32 to index
        %get3A_553 = tpu.vector_load %arg16[%get3A_552] {strides = array<i32>} : memref<16384xi32, #tpu.memory_space<vmem>>, vector<16xi32>,
        %gather3A_554 = tpu.vector_load_idx %arg17[%get3A_553] : memref<100000xf32, #tpu.memory_space<vmem>>[vector<16xi32>], vector<16xf32>,
        %add3A_555 = arith.constant 48 : i32
        %add3A_556 = arith.addi %mul3A_513, %add3A_555 : i32
        %swap3A_557 = arith.index_cast %add3A_556 : i32 to index
        %swap3A_558 = tpu.vector_load %arg19[%swap3A_557] {strides = array<i32>} : memref<2048xf32, #tpu.memory_space<vmem>>, vector<16xf32>,
        tpu.vector_store %arg19[%swap3A_557], %gather3A_554 {strides = array<i32>} : memref<2048xf32, #tpu.memory_space<vmem>>, vector<16xf32>,
        %mul3A_559 = arith.constant 2048 : i32
        %mul3A_560 = arith.muli %add3A_490, %mul3A_559 : i32
        %add3A_561 = arith.addi %mul3A_560, %mul3A_513 : i32
        %add3A_562 = arith.constant 64 : i32
        %add3A_563 = arith.addi %add3A_561, %add3A_562 : i32
        %get3A_564 = arith.index_cast %add3A_563 : i32 to index
        %get3A_565 = tpu.vector_load %arg16[%get3A_564] {strides = array<i32>} : memref<16384xi32, #tpu.memory_space<vmem>>, vector<16xi32>,
        %gather3A_566 = tpu.vector_load_idx %arg17[%get3A_565] : memref<100000xf32, #tpu.memory_space<vmem>>[vector<16xi32>], vector<16xf32>,
        %add3A_567 = arith.constant 64 : i32
        %add3A_568 = arith.addi %mul3A_513, %add3A_567 : i32
        %swap3A_569 = arith.index_cast %add3A_568 : i32 to index
        %swap3A_570 = tpu.vector_load %arg19[%swap3A_569] {strides = array<i32>} : memref<2048xf32, #tpu.memory_space<vmem>>, vector<16xf32>,
        tpu.vector_store %arg19[%swap3A_569], %gather3A_566 {strides = array<i32>} : memref<2048xf32, #tpu.memory_space<vmem>>, vector<16xf32>,
        %mul3A_571 = arith.constant 2048 : i32
        %mul3A_572 = arith.muli %add3A_490, %mul3A_571 : i32
        %add3A_573 = arith.addi %mul3A_572, %mul3A_513 : i32
        %add3A_574 = arith.constant 80 : i32
        %add3A_575 = arith.addi %add3A_573, %add3A_574 : i32
        %get3A_576 = arith.index_cast %add3A_575 : i32 to index
        %get3A_577 = tpu.vector_load %arg16[%get3A_576] {strides = array<i32>} : memref<16384xi32, #tpu.memory_space<vmem>>, vector<16xi32>,
        %gather3A_578 = tpu.vector_load_idx %arg17[%get3A_577] : memref<100000xf32, #tpu.memory_space<vmem>>[vector<16xi32>], vector<16xf32>,
        %add3A_579 = arith.constant 80 : i32
        %add3A_580 = arith.addi %mul3A_513, %add3A_579 : i32
        %swap3A_581 = arith.index_cast %add3A_580 : i32 to index
        %swap3A_582 = tpu.vector_load %arg19[%swap3A_581] {strides = array<i32>} : memref<2048xf32, #tpu.memory_space<vmem>>, vector<16xf32>,
        tpu.vector_store %arg19[%swap3A_581], %gather3A_578 {strides = array<i32>} : memref<2048xf32, #tpu.memory_space<vmem>>, vector<16xf32>,
        %mul3A_583 = arith.constant 2048 : i32
        %mul3A_584 = arith.muli %add3A_490, %mul3A_583 : i32
        %add3A_585 = arith.addi %mul3A_584, %mul3A_513 : i32
        %add3A_586 = arith.constant 96 : i32
        %add3A_587 = arith.addi %add3A_585, %add3A_586 : i32
        %get3A_588 = arith.index_cast %add3A_587 : i32 to index
        %get3A_589 = tpu.vector_load %arg16[%get3A_588] {strides = array<i32>} : memref<16384xi32, #tpu.memory_space<vmem>>, vector<16xi32>,
        %gather3A_590 = tpu.vector_load_idx %arg17[%get3A_589] : memref<100000xf32, #tpu.memory_space<vmem>>[vector<16xi32>], vector<16xf32>,
        %add3A_591 = arith.constant 96 : i32
        %add3A_592 = arith.addi %mul3A_513, %add3A_591 : i32
        %swap3A_593 = arith.index_cast %add3A_592 : i32 to index
        %swap3A_594 = tpu.vector_load %arg19[%swap3A_593] {strides = array<i32>} : memref<2048xf32, #tpu.memory_space<vmem>>, vector<16xf32>,
        tpu.vector_store %arg19[%swap3A_593], %gather3A_590 {strides = array<i32>} : memref<2048xf32, #tpu.memory_space<vmem>>, vector<16xf32>,
        %mul3A_595 = arith.constant 2048 : i32
        %mul3A_596 = arith.muli %add3A_490, %mul3A_595 : i32
        %add3A_597 = arith.addi %mul3A_596, %mul3A_513 : i32
        %add3A_598 = arith.constant 112 : i32
        %add3A_599 = arith.addi %add3A_597, %add3A_598 : i32
        %get3A_600 = arith.index_cast %add3A_599 : i32 to index
        %get3A_601 = tpu.vector_load %arg16[%get3A_600] {strides = array<i32>} : memref<16384xi32, #tpu.memory_space<vmem>>, vector<16xi32>,
        %gather3A_602 = tpu.vector_load_idx %arg17[%get3A_601] : memref<100000xf32, #tpu.memory_space<vmem>>[vector<16xi32>], vector<16xf32>,
        %add3A_603 = arith.constant 112 : i32
        %add3A_604 = arith.addi %mul3A_513, %add3A_603 : i32
        %swap3A_605 = arith.index_cast %add3A_604 : i32 to index
        %swap3A_606 = tpu.vector_load %arg19[%swap3A_605] {strides = array<i32>} : memref<2048xf32, #tpu.memory_space<vmem>>, vector<16xf32>,
        tpu.vector_store %arg19[%swap3A_605], %gather3A_602 {strides = array<i32>} : memref<2048xf32, #tpu.memory_space<vmem>>, vector<16xf32>,
        %scan3A_607 = arith.constant 0 : i32
        scf.yield %scan3A_607 : i32
      }
      %scan3A_502 = arith.constant 16 : i32
      %mul3A_503 = arith.constant 2048 : i32
      %mul3A_504 = arith.muli %add3A_490, %mul3A_503 : i32
      %dma_start3A_505 = tpu.memref_slice %arg13[%add3A_233, %mul3A_504] : memref<64x16384xf32, #tpu.memory_space<hbm>> -> memref<1x2048xf32, #tpu.memory_space<hbm>>
      %dma_start3A_506 = tpu.memref_squeeze %dma_start3A_505 : memref<1x2048xf32, #tpu.memory_space<hbm>> -> memref<2048xf32, #tpu.memory_space<hbm>>
      %dma_start3A_507 = tpu.memref_slice %arg13[%add3A_233, %mul3A_504] : memref<64x16384xf32, #tpu.memory_space<hbm>> -> memref<1x2048xf32, #tpu.memory_space<hbm>>
      %dma_start3A_508 = tpu.memref_squeeze %dma_start3A_507 : memref<1x2048xf32, #tpu.memory_space<hbm>> -> memref<2048xf32, #tpu.memory_space<hbm>>
      tpu.enqueue_dma source(%arg19 : memref<2048xf32, #tpu.memory_space<vmem>>) target(%dma_start3A_508 : memref<2048xf32, #tpu.memory_space<hbm>>) target_semaphore(%arg21 : memref<!tpu.dma_semaphore, #tpu.memory_space<semaphore_mem>>)
      %scan3A_509 = arith.constant 0 : i32
      scf.yield %scan3A_509 : i32
    }
    %scan3A_258 = arith.constant 4 : i32
    %mul3A_259 = arith.constant 2 : i32
    %mul3A_260 = arith.muli %add3A, %mul3A_259 : i32
    %add3A_261 = arith.constant 1 : i32
    %add3A_262 = arith.addi %mul3A_260, %add3A_261 : i32
    %dma_start3A_263 = arith.constant 0 : i32
    %dma_start3A_264 = tpu.memref_slice %arg7[%add3A_262, %dma_start3A_263] : memref<64x100000xf32, #tpu.memory_space<hbm>> -> memref<1x100000xf32, #tpu.memory_space<hbm>>
    %dma_start3A_265 = tpu.memref_squeeze %dma_start3A_264 : memref<1x100000xf32, #tpu.memory_space<hbm>> -> memref<100000xf32, #tpu.memory_space<hbm>>
    %dma_start3A_266 = arith.constant 0 : i32
    %dma_start3A_267 = tpu.memref_slice %arg7[%add3A_262, %dma_start3A_266] : memref<64x100000xf32, #tpu.memory_space<hbm>> -> memref<1x100000xf32, #tpu.memory_space<hbm>>
    %dma_start3A_268 = tpu.memref_squeeze %dma_start3A_267 : memref<1x100000xf32, #tpu.memory_space<hbm>> -> memref<100000xf32, #tpu.memory_space<hbm>>
    tpu.enqueue_dma source(%dma_start3A_268 : memref<100000xf32, #tpu.memory_space<hbm>>) target(%arg17 : memref<100000xf32, #tpu.memory_space<vmem>>) target_semaphore(%arg22 : memref<!tpu.dma_semaphore, #tpu.memory_space<semaphore_mem>>)
    %mul3A_269 = arith.constant 2 : i32
    %mul3A_270 = arith.muli %add3A, %mul3A_269 : i32
    %add3A_271 = arith.constant 1 : i32
    %add3A_272 = arith.addi %mul3A_270, %add3A_271 : i32
    %dma_wait3A_273 = arith.constant 0 : i32
    %dma_wait3A_274 = tpu.memref_slice %arg7[%add3A_262, %dma_wait3A_273] : memref<64x100000xf32, #tpu.memory_space<hbm>> -> memref<1x100000xf32, #tpu.memory_space<hbm>>
    %dma_wait3A_275 = tpu.memref_squeeze %dma_wait3A_274 : memref<1x100000xf32, #tpu.memory_space<hbm>> -> memref<100000xf32, #tpu.memory_space<hbm>>
    %dma_wait3A_276 = arith.constant 0 : i32
    %dma_wait3A_277 = tpu.memref_slice %arg7[%add3A_262, %dma_wait3A_276] : memref<64x100000xf32, #tpu.memory_space<hbm>> -> memref<1x100000xf32, #tpu.memory_space<hbm>>
    %dma_wait3A_278 = tpu.memref_squeeze %dma_wait3A_277 : memref<1x100000xf32, #tpu.memory_space<hbm>> -> memref<100000xf32, #tpu.memory_space<hbm>>
    tpu.wait_dma2 semaphore(%arg22 : memref<!tpu.dma_semaphore, #tpu.memory_space<semaphore_mem>>) src(%dma_wait3A_278 : memref<100000xf32, #tpu.memory_space<hbm>>) dst(%arg17 : memref<100000xf32, #tpu.memory_space<vmem>>)
    %dma_wait3A_279 = arith.constant 0 : i32
    %dma_wait3A_280 = tpu.memref_slice %arg13[%add3A_233, %dma_wait3A_279] : memref<64x16384xf32, #tpu.memory_space<hbm>> -> memref<1x2048xf32, #tpu.memory_space<hbm>>
    %dma_wait3A_281 = tpu.memref_squeeze %dma_wait3A_280 : memref<1x2048xf32, #tpu.memory_space<hbm>> -> memref<2048xf32, #tpu.memory_space<hbm>>
    %dma_wait3A_282 = arith.constant 0 : i32
    %dma_wait3A_283 = tpu.memref_slice %arg13[%add3A_233, %dma_wait3A_282] : memref<64x16384xf32, #tpu.memory_space<hbm>> -> memref<1x2048xf32, #tpu.memory_space<hbm>>
    %dma_wait3A_284 = tpu.memref_squeeze %dma_wait3A_283 : memref<1x2048xf32, #tpu.memory_space<hbm>> -> memref<2048xf32, #tpu.memory_space<hbm>>
    tpu.wait_dma2 semaphore(%arg20 : memref<!tpu.dma_semaphore, #tpu.memory_space<semaphore_mem>>) src(%arg18 : memref<2048xf32, #tpu.memory_space<vmem>>) dst(%dma_wait3A_284 : memref<2048xf32, #tpu.memory_space<hbm>>)
    %dma_wait3A_285 = arith.constant 0 : i32
    %dma_wait3A_286 = tpu.memref_slice %arg13[%add3A_233, %dma_wait3A_285] : memref<64x16384xf32, #tpu.memory_space<hbm>> -> memref<1x2048xf32, #tpu.memory_space<hbm>>
    %dma_wait3A_287 = tpu.memref_squeeze %dma_wait3A_286 : memref<1x2048xf32, #tpu.memory_space<hbm>> -> memref<2048xf32, #tpu.memory_space<hbm>>
    %dma_wait3A_288 = arith.constant 0 : i32
    %dma_wait3A_289 = tpu.memref_slice %arg13[%add3A_233, %dma_wait3A_288] : memref<64x16384xf32, #tpu.memory_space<hbm>> -> memref<1x2048xf32, #tpu.memory_space<hbm>>
    %dma_wait3A_290 = tpu.memref_squeeze %dma_wait3A_289 : memref<1x2048xf32, #tpu.memory_space<hbm>> -> memref<2048xf32, #tpu.memory_space<hbm>>
    tpu.wait_dma2 semaphore(%arg21 : memref<!tpu.dma_semaphore, #tpu.memory_space<semaphore_mem>>) src(%arg19 : memref<2048xf32, #tpu.memory_space<vmem>>) dst(%dma_wait3A_290 : memref<2048xf32, #tpu.memory_space<hbm>>)
    %scan3A_291 = arith.constant 0 : i32
    %scan3A_292 = arith.constant 0 : i32
    %scan3A_293 = arith.constant 4 : i32
    %scan3A_294 = arith.addi %scan3A_292, %scan3A_293 : i32
    %scan3A_295 = arith.constant 1 : i32
    %scan3A_296 = scf.for %scan3A_466 = %scan3A_292 to %scan3A_294 step %scan3A_295 iter_args(%scan3A_467 = %scan3A_291) -> (i32)  : i32 {
      %mul3A_468 = arith.constant 2 : i32
      %mul3A_469 = arith.muli %scan3A_466, %mul3A_468 : i32
      %add3A_470 = arith.constant 0 : i32
      %add3A_471 = arith.addi %mul3A_469, %add3A_470 : i32
      %gt3A = arith.constant 0 : i32
      %gt3A_472 = arith.cmpi sgt, %scan3A_466, %gt3A : i32
      %convert_element_type3A = arith.extui %gt3A_472 : i1 to i32
      %cond3A = arith.constant 0 : i32
      %cond3A_473 = arith.cmpi ne, %convert_element_type3A, %cond3A : i32
      scf.if %cond3A_473 {
        %dma_wait3A_510 = arith.constant 0 : i32
        %dma_wait3A_511 = tpu.memref_slice %arg13[%add3A_272, %dma_wait3A_510] : memref<64x16384xf32, #tpu.memory_space<hbm>> -> memref<1x2048xf32, #tpu.memory_space<hbm>>
        %dma_wait3A_512 = tpu.memref_squeeze %dma_wait3A_511 : memref<1x2048xf32, #tpu.memory_space<hbm>> -> memref<2048xf32, #tpu.memory_space<hbm>>
        %dma_wait3A_513 = arith.constant 0 : i32
        %dma_wait3A_514 = tpu.memref_slice %arg13[%add3A_272, %dma_wait3A_513] : memref<64x16384xf32, #tpu.memory_space<hbm>> -> memref<1x2048xf32, #tpu.memory_space<hbm>>
        %dma_wait3A_515 = tpu.memref_squeeze %dma_wait3A_514 : memref<1x2048xf32, #tpu.memory_space<hbm>> -> memref<2048xf32, #tpu.memory_space<hbm>>
        tpu.wait_dma2 semaphore(%arg20 : memref<!tpu.dma_semaphore, #tpu.memory_space<semaphore_mem>>) src(%arg18 : memref<2048xf32, #tpu.memory_space<vmem>>) dst(%dma_wait3A_515 : memref<2048xf32, #tpu.memory_space<hbm>>)
      } else {
      }
      %scan3A_474 = arith.constant 0 : i32
      %scan3A_475 = arith.constant 0 : i32
      %scan3A_476 = arith.constant 16 : i32
      %scan3A_477 = arith.addi %scan3A_475, %scan3A_476 : i32
      %scan3A_478 = arith.constant 1 : i32
      %scan3A_479 = scf.for %scan3A_510 = %scan3A_475 to %scan3A_477 step %scan3A_478 iter_args(%scan3A_511 = %scan3A_474) -> (i32)  : i32 {
        %mul3A_512 = arith.constant 128 : i32
        %mul3A_513 = arith.muli %scan3A_510, %mul3A_512 : i32
        %mul3A_514 = arith.constant 2048 : i32
        %mul3A_515 = arith.muli %add3A_471, %mul3A_514 : i32
        %add3A_516 = arith.addi %mul3A_515, %mul3A_513 : i32
        %add3A_517 = arith.constant 0 : i32
        %add3A_518 = arith.addi %add3A_516, %add3A_517 : i32
        %get3A = arith.index_cast %add3A_518 : i32 to index
        %get3A_519 = tpu.vector_load %arg16[%get3A] {strides = array<i32>} : memref<16384xi32, #tpu.memory_space<vmem>>, vector<16xi32>,
        %gather3A = tpu.vector_load_idx %arg17[%get3A_519] : memref<100000xf32, #tpu.memory_space<vmem>>[vector<16xi32>], vector<16xf32>,
        %add3A_520 = arith.constant 0 : i32
        %add3A_521 = arith.addi %mul3A_513, %add3A_520 : i32
        %swap3A = arith.index_cast %add3A_521 : i32 to index
        %swap3A_522 = tpu.vector_load %arg18[%swap3A] {strides = array<i32>} : memref<2048xf32, #tpu.memory_space<vmem>>, vector<16xf32>,
        tpu.vector_store %arg18[%swap3A], %gather3A {strides = array<i32>} : memref<2048xf32, #tpu.memory_space<vmem>>, vector<16xf32>,
        %mul3A_523 = arith.constant 2048 : i32
        %mul3A_524 = arith.muli %add3A_471, %mul3A_523 : i32
        %add3A_525 = arith.addi %mul3A_524, %mul3A_513 : i32
        %add3A_526 = arith.constant 16 : i32
        %add3A_527 = arith.addi %add3A_525, %add3A_526 : i32
        %get3A_528 = arith.index_cast %add3A_527 : i32 to index
        %get3A_529 = tpu.vector_load %arg16[%get3A_528] {strides = array<i32>} : memref<16384xi32, #tpu.memory_space<vmem>>, vector<16xi32>,
        %gather3A_530 = tpu.vector_load_idx %arg17[%get3A_529] : memref<100000xf32, #tpu.memory_space<vmem>>[vector<16xi32>], vector<16xf32>,
        %add3A_531 = arith.constant 16 : i32
        %add3A_532 = arith.addi %mul3A_513, %add3A_531 : i32
        %swap3A_533 = arith.index_cast %add3A_532 : i32 to index
        %swap3A_534 = tpu.vector_load %arg18[%swap3A_533] {strides = array<i32>} : memref<2048xf32, #tpu.memory_space<vmem>>, vector<16xf32>,
        tpu.vector_store %arg18[%swap3A_533], %gather3A_530 {strides = array<i32>} : memref<2048xf32, #tpu.memory_space<vmem>>, vector<16xf32>,
        %mul3A_535 = arith.constant 2048 : i32
        %mul3A_536 = arith.muli %add3A_471, %mul3A_535 : i32
        %add3A_537 = arith.addi %mul3A_536, %mul3A_513 : i32
        %add3A_538 = arith.constant 32 : i32
        %add3A_539 = arith.addi %add3A_537, %add3A_538 : i32
        %get3A_540 = arith.index_cast %add3A_539 : i32 to index
        %get3A_541 = tpu.vector_load %arg16[%get3A_540] {strides = array<i32>} : memref<16384xi32, #tpu.memory_space<vmem>>, vector<16xi32>,
        %gather3A_542 = tpu.vector_load_idx %arg17[%get3A_541] : memref<100000xf32, #tpu.memory_space<vmem>>[vector<16xi32>], vector<16xf32>,
        %add3A_543 = arith.constant 32 : i32
        %add3A_544 = arith.addi %mul3A_513, %add3A_543 : i32
        %swap3A_545 = arith.index_cast %add3A_544 : i32 to index
        %swap3A_546 = tpu.vector_load %arg18[%swap3A_545] {strides = array<i32>} : memref<2048xf32, #tpu.memory_space<vmem>>, vector<16xf32>,
        tpu.vector_store %arg18[%swap3A_545], %gather3A_542 {strides = array<i32>} : memref<2048xf32, #tpu.memory_space<vmem>>, vector<16xf32>,
        %mul3A_547 = arith.constant 2048 : i32
        %mul3A_548 = arith.muli %add3A_471, %mul3A_547 : i32
        %add3A_549 = arith.addi %mul3A_548, %mul3A_513 : i32
        %add3A_550 = arith.constant 48 : i32
        %add3A_551 = arith.addi %add3A_549, %add3A_550 : i32
        %get3A_552 = arith.index_cast %add3A_551 : i32 to index
        %get3A_553 = tpu.vector_load %arg16[%get3A_552] {strides = array<i32>} : memref<16384xi32, #tpu.memory_space<vmem>>, vector<16xi32>,
        %gather3A_554 = tpu.vector_load_idx %arg17[%get3A_553] : memref<100000xf32, #tpu.memory_space<vmem>>[vector<16xi32>], vector<16xf32>,
        %add3A_555 = arith.constant 48 : i32
        %add3A_556 = arith.addi %mul3A_513, %add3A_555 : i32
        %swap3A_557 = arith.index_cast %add3A_556 : i32 to index
        %swap3A_558 = tpu.vector_load %arg18[%swap3A_557] {strides = array<i32>} : memref<2048xf32, #tpu.memory_space<vmem>>, vector<16xf32>,
        tpu.vector_store %arg18[%swap3A_557], %gather3A_554 {strides = array<i32>} : memref<2048xf32, #tpu.memory_space<vmem>>, vector<16xf32>,
        %mul3A_559 = arith.constant 2048 : i32
        %mul3A_560 = arith.muli %add3A_471, %mul3A_559 : i32
        %add3A_561 = arith.addi %mul3A_560, %mul3A_513 : i32
        %add3A_562 = arith.constant 64 : i32
        %add3A_563 = arith.addi %add3A_561, %add3A_562 : i32
        %get3A_564 = arith.index_cast %add3A_563 : i32 to index
        %get3A_565 = tpu.vector_load %arg16[%get3A_564] {strides = array<i32>} : memref<16384xi32, #tpu.memory_space<vmem>>, vector<16xi32>,
        %gather3A_566 = tpu.vector_load_idx %arg17[%get3A_565] : memref<100000xf32, #tpu.memory_space<vmem>>[vector<16xi32>], vector<16xf32>,
        %add3A_567 = arith.constant 64 : i32
        %add3A_568 = arith.addi %mul3A_513, %add3A_567 : i32
        %swap3A_569 = arith.index_cast %add3A_568 : i32 to index
        %swap3A_570 = tpu.vector_load %arg18[%swap3A_569] {strides = array<i32>} : memref<2048xf32, #tpu.memory_space<vmem>>, vector<16xf32>,
        tpu.vector_store %arg18[%swap3A_569], %gather3A_566 {strides = array<i32>} : memref<2048xf32, #tpu.memory_space<vmem>>, vector<16xf32>,
        %mul3A_571 = arith.constant 2048 : i32
        %mul3A_572 = arith.muli %add3A_471, %mul3A_571 : i32
        %add3A_573 = arith.addi %mul3A_572, %mul3A_513 : i32
        %add3A_574 = arith.constant 80 : i32
        %add3A_575 = arith.addi %add3A_573, %add3A_574 : i32
        %get3A_576 = arith.index_cast %add3A_575 : i32 to index
        %get3A_577 = tpu.vector_load %arg16[%get3A_576] {strides = array<i32>} : memref<16384xi32, #tpu.memory_space<vmem>>, vector<16xi32>,
        %gather3A_578 = tpu.vector_load_idx %arg17[%get3A_577] : memref<100000xf32, #tpu.memory_space<vmem>>[vector<16xi32>], vector<16xf32>,
        %add3A_579 = arith.constant 80 : i32
        %add3A_580 = arith.addi %mul3A_513, %add3A_579 : i32
        %swap3A_581 = arith.index_cast %add3A_580 : i32 to index
        %swap3A_582 = tpu.vector_load %arg18[%swap3A_581] {strides = array<i32>} : memref<2048xf32, #tpu.memory_space<vmem>>, vector<16xf32>,
        tpu.vector_store %arg18[%swap3A_581], %gather3A_578 {strides = array<i32>} : memref<2048xf32, #tpu.memory_space<vmem>>, vector<16xf32>,
        %mul3A_583 = arith.constant 2048 : i32
        %mul3A_584 = arith.muli %add3A_471, %mul3A_583 : i32
        %add3A_585 = arith.addi %mul3A_584, %mul3A_513 : i32
        %add3A_586 = arith.constant 96 : i32
        %add3A_587 = arith.addi %add3A_585, %add3A_586 : i32
        %get3A_588 = arith.index_cast %add3A_587 : i32 to index
        %get3A_589 = tpu.vector_load %arg16[%get3A_588] {strides = array<i32>} : memref<16384xi32, #tpu.memory_space<vmem>>, vector<16xi32>,
        %gather3A_590 = tpu.vector_load_idx %arg17[%get3A_589] : memref<100000xf32, #tpu.memory_space<vmem>>[vector<16xi32>], vector<16xf32>,
        %add3A_591 = arith.constant 96 : i32
        %add3A_592 = arith.addi %mul3A_513, %add3A_591 : i32
        %swap3A_593 = arith.index_cast %add3A_592 : i32 to index
        %swap3A_594 = tpu.vector_load %arg18[%swap3A_593] {strides = array<i32>} : memref<2048xf32, #tpu.memory_space<vmem>>, vector<16xf32>,
        tpu.vector_store %arg18[%swap3A_593], %gather3A_590 {strides = array<i32>} : memref<2048xf32, #tpu.memory_space<vmem>>, vector<16xf32>,
        %mul3A_595 = arith.constant 2048 : i32
        %mul3A_596 = arith.muli %add3A_471, %mul3A_595 : i32
        %add3A_597 = arith.addi %mul3A_596, %mul3A_513 : i32
        %add3A_598 = arith.constant 112 : i32
        %add3A_599 = arith.addi %add3A_597, %add3A_598 : i32
        %get3A_600 = arith.index_cast %add3A_599 : i32 to index
        %get3A_601 = tpu.vector_load %arg16[%get3A_600] {strides = array<i32>} : memref<16384xi32, #tpu.memory_space<vmem>>, vector<16xi32>,
        %gather3A_602 = tpu.vector_load_idx %arg17[%get3A_601] : memref<100000xf32, #tpu.memory_space<vmem>>[vector<16xi32>], vector<16xf32>,
        %add3A_603 = arith.constant 112 : i32
        %add3A_604 = arith.addi %mul3A_513, %add3A_603 : i32
        %swap3A_605 = arith.index_cast %add3A_604 : i32 to index
        %swap3A_606 = tpu.vector_load %arg18[%swap3A_605] {strides = array<i32>} : memref<2048xf32, #tpu.memory_space<vmem>>, vector<16xf32>,
        tpu.vector_store %arg18[%swap3A_605], %gather3A_602 {strides = array<i32>} : memref<2048xf32, #tpu.memory_space<vmem>>, vector<16xf32>,
        %scan3A_607 = arith.constant 0 : i32
        scf.yield %scan3A_607 : i32
      }
      %scan3A_480 = arith.constant 16 : i32
      %mul3A_481 = arith.constant 2048 : i32
      %mul3A_482 = arith.muli %add3A_471, %mul3A_481 : i32
      %dma_start3A_483 = tpu.memref_slice %arg13[%add3A_272, %mul3A_482] : memref<64x16384xf32, #tpu.memory_space<hbm>> -> memref<1x2048xf32, #tpu.memory_space<hbm>>
      %dma_start3A_484 = tpu.memref_squeeze %dma_start3A_483 : memref<1x2048xf32, #tpu.memory_space<hbm>> -> memref<2048xf32, #tpu.memory_space<hbm>>
      %dma_start3A_485 = tpu.memref_slice %arg13[%add3A_272, %mul3A_482] : memref<64x16384xf32, #tpu.memory_space<hbm>> -> memref<1x2048xf32, #tpu.memory_space<hbm>>
      %dma_start3A_486 = tpu.memref_squeeze %dma_start3A_485 : memref<1x2048xf32, #tpu.memory_space<hbm>> -> memref<2048xf32, #tpu.memory_space<hbm>>
      tpu.enqueue_dma source(%arg18 : memref<2048xf32, #tpu.memory_space<vmem>>) target(%dma_start3A_486 : memref<2048xf32, #tpu.memory_space<hbm>>) target_semaphore(%arg20 : memref<!tpu.dma_semaphore, #tpu.memory_space<semaphore_mem>>)
      %mul3A_487 = arith.constant 2 : i32
      %mul3A_488 = arith.muli %scan3A_466, %mul3A_487 : i32
      %add3A_489 = arith.constant 1 : i32
      %add3A_490 = arith.addi %mul3A_488, %add3A_489 : i32
      %gt3A_491 = arith.constant 0 : i32
      %gt3A_492 = arith.cmpi sgt, %scan3A_466, %gt3A_491 : i32
      %convert_element_type3A_493 = arith.extui %gt3A_492 : i1 to i32
      %cond3A_494 = arith.constant 0 : i32
      %cond3A_495 = arith.cmpi ne, %convert_element_type3A_493, %cond3A_494 : i32
      scf.if %cond3A_495 {
        %dma_wait3A_510 = arith.constant 0 : i32
        %dma_wait3A_511 = tpu.memref_slice %arg13[%add3A_272, %dma_wait3A_510] : memref<64x16384xf32, #tpu.memory_space<hbm>> -> memref<1x2048xf32, #tpu.memory_space<hbm>>
        %dma_wait3A_512 = tpu.memref_squeeze %dma_wait3A_511 : memref<1x2048xf32, #tpu.memory_space<hbm>> -> memref<2048xf32, #tpu.memory_space<hbm>>
        %dma_wait3A_513 = arith.constant 0 : i32
        %dma_wait3A_514 = tpu.memref_slice %arg13[%add3A_272, %dma_wait3A_513] : memref<64x16384xf32, #tpu.memory_space<hbm>> -> memref<1x2048xf32, #tpu.memory_space<hbm>>
        %dma_wait3A_515 = tpu.memref_squeeze %dma_wait3A_514 : memref<1x2048xf32, #tpu.memory_space<hbm>> -> memref<2048xf32, #tpu.memory_space<hbm>>
        tpu.wait_dma2 semaphore(%arg21 : memref<!tpu.dma_semaphore, #tpu.memory_space<semaphore_mem>>) src(%arg19 : memref<2048xf32, #tpu.memory_space<vmem>>) dst(%dma_wait3A_515 : memref<2048xf32, #tpu.memory_space<hbm>>)
      } else {
      }
      %scan3A_496 = arith.constant 0 : i32
      %scan3A_497 = arith.constant 0 : i32
      %scan3A_498 = arith.constant 16 : i32
      %scan3A_499 = arith.addi %scan3A_497, %scan3A_498 : i32
      %scan3A_500 = arith.constant 1 : i32
      %scan3A_501 = scf.for %scan3A_510 = %scan3A_497 to %scan3A_499 step %scan3A_500 iter_args(%scan3A_511 = %scan3A_496) -> (i32)  : i32 {
        %mul3A_512 = arith.constant 128 : i32
        %mul3A_513 = arith.muli %scan3A_510, %mul3A_512 : i32
        %mul3A_514 = arith.constant 2048 : i32
        %mul3A_515 = arith.muli %add3A_490, %mul3A_514 : i32
        %add3A_516 = arith.addi %mul3A_515, %mul3A_513 : i32
        %add3A_517 = arith.constant 0 : i32
        %add3A_518 = arith.addi %add3A_516, %add3A_517 : i32
        %get3A = arith.index_cast %add3A_518 : i32 to index
        %get3A_519 = tpu.vector_load %arg16[%get3A] {strides = array<i32>} : memref<16384xi32, #tpu.memory_space<vmem>>, vector<16xi32>,
        %gather3A = tpu.vector_load_idx %arg17[%get3A_519] : memref<100000xf32, #tpu.memory_space<vmem>>[vector<16xi32>], vector<16xf32>,
        %add3A_520 = arith.constant 0 : i32
        %add3A_521 = arith.addi %mul3A_513, %add3A_520 : i32
        %swap3A = arith.index_cast %add3A_521 : i32 to index
        %swap3A_522 = tpu.vector_load %arg19[%swap3A] {strides = array<i32>} : memref<2048xf32, #tpu.memory_space<vmem>>, vector<16xf32>,
        tpu.vector_store %arg19[%swap3A], %gather3A {strides = array<i32>} : memref<2048xf32, #tpu.memory_space<vmem>>, vector<16xf32>,
        %mul3A_523 = arith.constant 2048 : i32
        %mul3A_524 = arith.muli %add3A_490, %mul3A_523 : i32
        %add3A_525 = arith.addi %mul3A_524, %mul3A_513 : i32
        %add3A_526 = arith.constant 16 : i32
        %add3A_527 = arith.addi %add3A_525, %add3A_526 : i32
        %get3A_528 = arith.index_cast %add3A_527 : i32 to index
        %get3A_529 = tpu.vector_load %arg16[%get3A_528] {strides = array<i32>} : memref<16384xi32, #tpu.memory_space<vmem>>, vector<16xi32>,
        %gather3A_530 = tpu.vector_load_idx %arg17[%get3A_529] : memref<100000xf32, #tpu.memory_space<vmem>>[vector<16xi32>], vector<16xf32>,
        %add3A_531 = arith.constant 16 : i32
        %add3A_532 = arith.addi %mul3A_513, %add3A_531 : i32
        %swap3A_533 = arith.index_cast %add3A_532 : i32 to index
        %swap3A_534 = tpu.vector_load %arg19[%swap3A_533] {strides = array<i32>} : memref<2048xf32, #tpu.memory_space<vmem>>, vector<16xf32>,
        tpu.vector_store %arg19[%swap3A_533], %gather3A_530 {strides = array<i32>} : memref<2048xf32, #tpu.memory_space<vmem>>, vector<16xf32>,
        %mul3A_535 = arith.constant 2048 : i32
        %mul3A_536 = arith.muli %add3A_490, %mul3A_535 : i32
        %add3A_537 = arith.addi %mul3A_536, %mul3A_513 : i32
        %add3A_538 = arith.constant 32 : i32
        %add3A_539 = arith.addi %add3A_537, %add3A_538 : i32
        %get3A_540 = arith.index_cast %add3A_539 : i32 to index
        %get3A_541 = tpu.vector_load %arg16[%get3A_540] {strides = array<i32>} : memref<16384xi32, #tpu.memory_space<vmem>>, vector<16xi32>,
        %gather3A_542 = tpu.vector_load_idx %arg17[%get3A_541] : memref<100000xf32, #tpu.memory_space<vmem>>[vector<16xi32>], vector<16xf32>,
        %add3A_543 = arith.constant 32 : i32
        %add3A_544 = arith.addi %mul3A_513, %add3A_543 : i32
        %swap3A_545 = arith.index_cast %add3A_544 : i32 to index
        %swap3A_546 = tpu.vector_load %arg19[%swap3A_545] {strides = array<i32>} : memref<2048xf32, #tpu.memory_space<vmem>>, vector<16xf32>,
        tpu.vector_store %arg19[%swap3A_545], %gather3A_542 {strides = array<i32>} : memref<2048xf32, #tpu.memory_space<vmem>>, vector<16xf32>,
        %mul3A_547 = arith.constant 2048 : i32
        %mul3A_548 = arith.muli %add3A_490, %mul3A_547 : i32
        %add3A_549 = arith.addi %mul3A_548, %mul3A_513 : i32
        %add3A_550 = arith.constant 48 : i32
        %add3A_551 = arith.addi %add3A_549, %add3A_550 : i32
        %get3A_552 = arith.index_cast %add3A_551 : i32 to index
        %get3A_553 = tpu.vector_load %arg16[%get3A_552] {strides = array<i32>} : memref<16384xi32, #tpu.memory_space<vmem>>, vector<16xi32>,
        %gather3A_554 = tpu.vector_load_idx %arg17[%get3A_553] : memref<100000xf32, #tpu.memory_space<vmem>>[vector<16xi32>], vector<16xf32>,
        %add3A_555 = arith.constant 48 : i32
        %add3A_556 = arith.addi %mul3A_513, %add3A_555 : i32
        %swap3A_557 = arith.index_cast %add3A_556 : i32 to index
        %swap3A_558 = tpu.vector_load %arg19[%swap3A_557] {strides = array<i32>} : memref<2048xf32, #tpu.memory_space<vmem>>, vector<16xf32>,
        tpu.vector_store %arg19[%swap3A_557], %gather3A_554 {strides = array<i32>} : memref<2048xf32, #tpu.memory_space<vmem>>, vector<16xf32>,
        %mul3A_559 = arith.constant 2048 : i32
        %mul3A_560 = arith.muli %add3A_490, %mul3A_559 : i32
        %add3A_561 = arith.addi %mul3A_560, %mul3A_513 : i32
        %add3A_562 = arith.constant 64 : i32
        %add3A_563 = arith.addi %add3A_561, %add3A_562 : i32
        %get3A_564 = arith.index_cast %add3A_563 : i32 to index
        %get3A_565 = tpu.vector_load %arg16[%get3A_564] {strides = array<i32>} : memref<16384xi32, #tpu.memory_space<vmem>>, vector<16xi32>,
        %gather3A_566 = tpu.vector_load_idx %arg17[%get3A_565] : memref<100000xf32, #tpu.memory_space<vmem>>[vector<16xi32>], vector<16xf32>,
        %add3A_567 = arith.constant 64 : i32
        %add3A_568 = arith.addi %mul3A_513, %add3A_567 : i32
        %swap3A_569 = arith.index_cast %add3A_568 : i32 to index
        %swap3A_570 = tpu.vector_load %arg19[%swap3A_569] {strides = array<i32>} : memref<2048xf32, #tpu.memory_space<vmem>>, vector<16xf32>,
        tpu.vector_store %arg19[%swap3A_569], %gather3A_566 {strides = array<i32>} : memref<2048xf32, #tpu.memory_space<vmem>>, vector<16xf32>,
        %mul3A_571 = arith.constant 2048 : i32
        %mul3A_572 = arith.muli %add3A_490, %mul3A_571 : i32
        %add3A_573 = arith.addi %mul3A_572, %mul3A_513 : i32
        %add3A_574 = arith.constant 80 : i32
        %add3A_575 = arith.addi %add3A_573, %add3A_574 : i32
        %get3A_576 = arith.index_cast %add3A_575 : i32 to index
        %get3A_577 = tpu.vector_load %arg16[%get3A_576] {strides = array<i32>} : memref<16384xi32, #tpu.memory_space<vmem>>, vector<16xi32>,
        %gather3A_578 = tpu.vector_load_idx %arg17[%get3A_577] : memref<100000xf32, #tpu.memory_space<vmem>>[vector<16xi32>], vector<16xf32>,
        %add3A_579 = arith.constant 80 : i32
        %add3A_580 = arith.addi %mul3A_513, %add3A_579 : i32
        %swap3A_581 = arith.index_cast %add3A_580 : i32 to index
        %swap3A_582 = tpu.vector_load %arg19[%swap3A_581] {strides = array<i32>} : memref<2048xf32, #tpu.memory_space<vmem>>, vector<16xf32>,
        tpu.vector_store %arg19[%swap3A_581], %gather3A_578 {strides = array<i32>} : memref<2048xf32, #tpu.memory_space<vmem>>, vector<16xf32>,
        %mul3A_583 = arith.constant 2048 : i32
        %mul3A_584 = arith.muli %add3A_490, %mul3A_583 : i32
        %add3A_585 = arith.addi %mul3A_584, %mul3A_513 : i32
        %add3A_586 = arith.constant 96 : i32
        %add3A_587 = arith.addi %add3A_585, %add3A_586 : i32
        %get3A_588 = arith.index_cast %add3A_587 : i32 to index
        %get3A_589 = tpu.vector_load %arg16[%get3A_588] {strides = array<i32>} : memref<16384xi32, #tpu.memory_space<vmem>>, vector<16xi32>,
        %gather3A_590 = tpu.vector_load_idx %arg17[%get3A_589] : memref<100000xf32, #tpu.memory_space<vmem>>[vector<16xi32>], vector<16xf32>,
        %add3A_591 = arith.constant 96 : i32
        %add3A_592 = arith.addi %mul3A_513, %add3A_591 : i32
        %swap3A_593 = arith.index_cast %add3A_592 : i32 to index
        %swap3A_594 = tpu.vector_load %arg19[%swap3A_593] {strides = array<i32>} : memref<2048xf32, #tpu.memory_space<vmem>>, vector<16xf32>,
        tpu.vector_store %arg19[%swap3A_593], %gather3A_590 {strides = array<i32>} : memref<2048xf32, #tpu.memory_space<vmem>>, vector<16xf32>,
        %mul3A_595 = arith.constant 2048 : i32
        %mul3A_596 = arith.muli %add3A_490, %mul3A_595 : i32
        %add3A_597 = arith.addi %mul3A_596, %mul3A_513 : i32
        %add3A_598 = arith.constant 112 : i32
        %add3A_599 = arith.addi %add3A_597, %add3A_598 : i32
        %get3A_600 = arith.index_cast %add3A_599 : i32 to index
        %get3A_601 = tpu.vector_load %arg16[%get3A_600] {strides = array<i32>} : memref<16384xi32, #tpu.memory_space<vmem>>, vector<16xi32>,
        %gather3A_602 = tpu.vector_load_idx %arg17[%get3A_601] : memref<100000xf32, #tpu.memory_space<vmem>>[vector<16xi32>], vector<16xf32>,
        %add3A_603 = arith.constant 112 : i32
        %add3A_604 = arith.addi %mul3A_513, %add3A_603 : i32
        %swap3A_605 = arith.index_cast %add3A_604 : i32 to index
        %swap3A_606 = tpu.vector_load %arg19[%swap3A_605] {strides = array<i32>} : memref<2048xf32, #tpu.memory_space<vmem>>, vector<16xf32>,
        tpu.vector_store %arg19[%swap3A_605], %gather3A_602 {strides = array<i32>} : memref<2048xf32, #tpu.memory_space<vmem>>, vector<16xf32>,
        %scan3A_607 = arith.constant 0 : i32
        scf.yield %scan3A_607 : i32
      }
      %scan3A_502 = arith.constant 16 : i32
      %mul3A_503 = arith.constant 2048 : i32
      %mul3A_504 = arith.muli %add3A_490, %mul3A_503 : i32
      %dma_start3A_505 = tpu.memref_slice %arg13[%add3A_272, %mul3A_504] : memref<64x16384xf32, #tpu.memory_space<hbm>> -> memref<1x2048xf32, #tpu.memory_space<hbm>>
      %dma_start3A_506 = tpu.memref_squeeze %dma_start3A_505 : memref<1x2048xf32, #tpu.memory_space<hbm>> -> memref<2048xf32, #tpu.memory_space<hbm>>
      %dma_start3A_507 = tpu.memref_slice %arg13[%add3A_272, %mul3A_504] : memref<64x16384xf32, #tpu.memory_space<hbm>> -> memref<1x2048xf32, #tpu.memory_space<hbm>>
      %dma_start3A_508 = tpu.memref_squeeze %dma_start3A_507 : memref<1x2048xf32, #tpu.memory_space<hbm>> -> memref<2048xf32, #tpu.memory_space<hbm>>
      tpu.enqueue_dma source(%arg19 : memref<2048xf32, #tpu.memory_space<vmem>>) target(%dma_start3A_508 : memref<2048xf32, #tpu.memory_space<hbm>>) target_semaphore(%arg21 : memref<!tpu.dma_semaphore, #tpu.memory_space<semaphore_mem>>)
      %scan3A_509 = arith.constant 0 : i32
      scf.yield %scan3A_509 : i32
    }
    %scan3A_297 = arith.constant 4 : i32
    %mul3A_298 = arith.constant 2 : i32
    %mul3A_299 = arith.muli %add3A, %mul3A_298 : i32
    %add3A_300 = arith.constant 0 : i32
    %add3A_301 = arith.addi %mul3A_299, %add3A_300 : i32
    %dma_start3A_302 = arith.constant 0 : i32
    %dma_start3A_303 = tpu.memref_slice %arg8[%add3A_301, %dma_start3A_302] : memref<64x100000xf32, #tpu.memory_space<hbm>> -> memref<1x100000xf32, #tpu.memory_space<hbm>>
    %dma_start3A_304 = tpu.memref_squeeze %dma_start3A_303 : memref<1x100000xf32, #tpu.memory_space<hbm>> -> memref<100000xf32, #tpu.memory_space<hbm>>
    %dma_start3A_305 = arith.constant 0 : i32
    %dma_start3A_306 = tpu.memref_slice %arg8[%add3A_301, %dma_start3A_305] : memref<64x100000xf32, #tpu.memory_space<hbm>> -> memref<1x100000xf32, #tpu.memory_space<hbm>>
    %dma_start3A_307 = tpu.memref_squeeze %dma_start3A_306 : memref<1x100000xf32, #tpu.memory_space<hbm>> -> memref<100000xf32, #tpu.memory_space<hbm>>
    tpu.enqueue_dma source(%dma_start3A_307 : memref<100000xf32, #tpu.memory_space<hbm>>) target(%arg17 : memref<100000xf32, #tpu.memory_space<vmem>>) target_semaphore(%arg22 : memref<!tpu.dma_semaphore, #tpu.memory_space<semaphore_mem>>)
    %mul3A_308 = arith.constant 2 : i32
    %mul3A_309 = arith.muli %add3A, %mul3A_308 : i32
    %add3A_310 = arith.constant 0 : i32
    %add3A_311 = arith.addi %mul3A_309, %add3A_310 : i32
    "tpu.region"() ({
      %run_scoped3A = tpu.sem_alloc : memref<!tpu.dma_semaphore, #tpu.memory_space<semaphore_mem>>
      tpu.enqueue_dma source(%arg3 : memref<16384xi32, #tpu.memory_space<hbm>>) target(%arg16 : memref<16384xi32, #tpu.memory_space<vmem>>) target_semaphore(%run_scoped3A : memref<!tpu.dma_semaphore, #tpu.memory_space<semaphore_mem>>)
      tpu.wait_dma2 semaphore(%run_scoped3A : memref<!tpu.dma_semaphore, #tpu.memory_space<semaphore_mem>>) src(%arg3 : memref<16384xi32, #tpu.memory_space<hbm>>) dst(%arg16 : memref<16384xi32, #tpu.memory_space<vmem>>)
      tpu.yield
    }) : () -> ()
    %dma_wait3A_312 = arith.constant 0 : i32
    %dma_wait3A_313 = tpu.memref_slice %arg8[%add3A_301, %dma_wait3A_312] : memref<64x100000xf32, #tpu.memory_space<hbm>> -> memref<1x100000xf32, #tpu.memory_space<hbm>>
    %dma_wait3A_314 = tpu.memref_squeeze %dma_wait3A_313 : memref<1x100000xf32, #tpu.memory_space<hbm>> -> memref<100000xf32, #tpu.memory_space<hbm>>
    %dma_wait3A_315 = arith.constant 0 : i32
    %dma_wait3A_316 = tpu.memref_slice %arg8[%add3A_301, %dma_wait3A_315] : memref<64x100000xf32, #tpu.memory_space<hbm>> -> memref<1x100000xf32, #tpu.memory_space<hbm>>
    %dma_wait3A_317 = tpu.memref_squeeze %dma_wait3A_316 : memref<1x100000xf32, #tpu.memory_space<hbm>> -> memref<100000xf32, #tpu.memory_space<hbm>>
    tpu.wait_dma2 semaphore(%arg22 : memref<!tpu.dma_semaphore, #tpu.memory_space<semaphore_mem>>) src(%dma_wait3A_317 : memref<100000xf32, #tpu.memory_space<hbm>>) dst(%arg17 : memref<100000xf32, #tpu.memory_space<vmem>>)
    %dma_wait3A_318 = arith.constant 0 : i32
    %dma_wait3A_319 = tpu.memref_slice %arg13[%add3A_272, %dma_wait3A_318] : memref<64x16384xf32, #tpu.memory_space<hbm>> -> memref<1x2048xf32, #tpu.memory_space<hbm>>
    %dma_wait3A_320 = tpu.memref_squeeze %dma_wait3A_319 : memref<1x2048xf32, #tpu.memory_space<hbm>> -> memref<2048xf32, #tpu.memory_space<hbm>>
    %dma_wait3A_321 = arith.constant 0 : i32
    %dma_wait3A_322 = tpu.memref_slice %arg13[%add3A_272, %dma_wait3A_321] : memref<64x16384xf32, #tpu.memory_space<hbm>> -> memref<1x2048xf32, #tpu.memory_space<hbm>>
    %dma_wait3A_323 = tpu.memref_squeeze %dma_wait3A_322 : memref<1x2048xf32, #tpu.memory_space<hbm>> -> memref<2048xf32, #tpu.memory_space<hbm>>
    tpu.wait_dma2 semaphore(%arg20 : memref<!tpu.dma_semaphore, #tpu.memory_space<semaphore_mem>>) src(%arg18 : memref<2048xf32, #tpu.memory_space<vmem>>) dst(%dma_wait3A_323 : memref<2048xf32, #tpu.memory_space<hbm>>)
    %dma_wait3A_324 = arith.constant 0 : i32
    %dma_wait3A_325 = tpu.memref_slice %arg13[%add3A_272, %dma_wait3A_324] : memref<64x16384xf32, #tpu.memory_space<hbm>> -> memref<1x2048xf32, #tpu.memory_space<hbm>>
    %dma_wait3A_326 = tpu.memref_squeeze %dma_wait3A_325 : memref<1x2048xf32, #tpu.memory_space<hbm>> -> memref<2048xf32, #tpu.memory_space<hbm>>
    %dma_wait3A_327 = arith.constant 0 : i32
    %dma_wait3A_328 = tpu.memref_slice %arg13[%add3A_272, %dma_wait3A_327] : memref<64x16384xf32, #tpu.memory_space<hbm>> -> memref<1x2048xf32, #tpu.memory_space<hbm>>
    %dma_wait3A_329 = tpu.memref_squeeze %dma_wait3A_328 : memref<1x2048xf32, #tpu.memory_space<hbm>> -> memref<2048xf32, #tpu.memory_space<hbm>>
    tpu.wait_dma2 semaphore(%arg21 : memref<!tpu.dma_semaphore, #tpu.memory_space<semaphore_mem>>) src(%arg19 : memref<2048xf32, #tpu.memory_space<vmem>>) dst(%dma_wait3A_329 : memref<2048xf32, #tpu.memory_space<hbm>>)
    %scan3A_330 = arith.constant 0 : i32
    %scan3A_331 = arith.constant 0 : i32
    %scan3A_332 = arith.constant 4 : i32
    %scan3A_333 = arith.addi %scan3A_331, %scan3A_332 : i32
    %scan3A_334 = arith.constant 1 : i32
    %scan3A_335 = scf.for %scan3A_466 = %scan3A_331 to %scan3A_333 step %scan3A_334 iter_args(%scan3A_467 = %scan3A_330) -> (i32)  : i32 {
      %mul3A_468 = arith.constant 2 : i32
      %mul3A_469 = arith.muli %scan3A_466, %mul3A_468 : i32
      %add3A_470 = arith.constant 0 : i32
      %add3A_471 = arith.addi %mul3A_469, %add3A_470 : i32
      %gt3A = arith.constant 0 : i32
      %gt3A_472 = arith.cmpi sgt, %scan3A_466, %gt3A : i32
      %convert_element_type3A = arith.extui %gt3A_472 : i1 to i32
      %cond3A = arith.constant 0 : i32
      %cond3A_473 = arith.cmpi ne, %convert_element_type3A, %cond3A : i32
      scf.if %cond3A_473 {
        %dma_wait3A_510 = arith.constant 0 : i32
        %dma_wait3A_511 = tpu.memref_slice %arg14[%add3A_311, %dma_wait3A_510] : memref<64x16384xf32, #tpu.memory_space<hbm>> -> memref<1x2048xf32, #tpu.memory_space<hbm>>
        %dma_wait3A_512 = tpu.memref_squeeze %dma_wait3A_511 : memref<1x2048xf32, #tpu.memory_space<hbm>> -> memref<2048xf32, #tpu.memory_space<hbm>>
        %dma_wait3A_513 = arith.constant 0 : i32
        %dma_wait3A_514 = tpu.memref_slice %arg14[%add3A_311, %dma_wait3A_513] : memref<64x16384xf32, #tpu.memory_space<hbm>> -> memref<1x2048xf32, #tpu.memory_space<hbm>>
        %dma_wait3A_515 = tpu.memref_squeeze %dma_wait3A_514 : memref<1x2048xf32, #tpu.memory_space<hbm>> -> memref<2048xf32, #tpu.memory_space<hbm>>
        tpu.wait_dma2 semaphore(%arg20 : memref<!tpu.dma_semaphore, #tpu.memory_space<semaphore_mem>>) src(%arg18 : memref<2048xf32, #tpu.memory_space<vmem>>) dst(%dma_wait3A_515 : memref<2048xf32, #tpu.memory_space<hbm>>)
      } else {
      }
      %scan3A_474 = arith.constant 0 : i32
      %scan3A_475 = arith.constant 0 : i32
      %scan3A_476 = arith.constant 16 : i32
      %scan3A_477 = arith.addi %scan3A_475, %scan3A_476 : i32
      %scan3A_478 = arith.constant 1 : i32
      %scan3A_479 = scf.for %scan3A_510 = %scan3A_475 to %scan3A_477 step %scan3A_478 iter_args(%scan3A_511 = %scan3A_474) -> (i32)  : i32 {
        %mul3A_512 = arith.constant 128 : i32
        %mul3A_513 = arith.muli %scan3A_510, %mul3A_512 : i32
        %mul3A_514 = arith.constant 2048 : i32
        %mul3A_515 = arith.muli %add3A_471, %mul3A_514 : i32
        %add3A_516 = arith.addi %mul3A_515, %mul3A_513 : i32
        %add3A_517 = arith.constant 0 : i32
        %add3A_518 = arith.addi %add3A_516, %add3A_517 : i32
        %get3A = arith.index_cast %add3A_518 : i32 to index
        %get3A_519 = tpu.vector_load %arg16[%get3A] {strides = array<i32>} : memref<16384xi32, #tpu.memory_space<vmem>>, vector<16xi32>,
        %gather3A = tpu.vector_load_idx %arg17[%get3A_519] : memref<100000xf32, #tpu.memory_space<vmem>>[vector<16xi32>], vector<16xf32>,
        %add3A_520 = arith.constant 0 : i32
        %add3A_521 = arith.addi %mul3A_513, %add3A_520 : i32
        %swap3A = arith.index_cast %add3A_521 : i32 to index
        %swap3A_522 = tpu.vector_load %arg18[%swap3A] {strides = array<i32>} : memref<2048xf32, #tpu.memory_space<vmem>>, vector<16xf32>,
        tpu.vector_store %arg18[%swap3A], %gather3A {strides = array<i32>} : memref<2048xf32, #tpu.memory_space<vmem>>, vector<16xf32>,
        %mul3A_523 = arith.constant 2048 : i32
        %mul3A_524 = arith.muli %add3A_471, %mul3A_523 : i32
        %add3A_525 = arith.addi %mul3A_524, %mul3A_513 : i32
        %add3A_526 = arith.constant 16 : i32
        %add3A_527 = arith.addi %add3A_525, %add3A_526 : i32
        %get3A_528 = arith.index_cast %add3A_527 : i32 to index
        %get3A_529 = tpu.vector_load %arg16[%get3A_528] {strides = array<i32>} : memref<16384xi32, #tpu.memory_space<vmem>>, vector<16xi32>,
        %gather3A_530 = tpu.vector_load_idx %arg17[%get3A_529] : memref<100000xf32, #tpu.memory_space<vmem>>[vector<16xi32>], vector<16xf32>,
        %add3A_531 = arith.constant 16 : i32
        %add3A_532 = arith.addi %mul3A_513, %add3A_531 : i32
        %swap3A_533 = arith.index_cast %add3A_532 : i32 to index
        %swap3A_534 = tpu.vector_load %arg18[%swap3A_533] {strides = array<i32>} : memref<2048xf32, #tpu.memory_space<vmem>>, vector<16xf32>,
        tpu.vector_store %arg18[%swap3A_533], %gather3A_530 {strides = array<i32>} : memref<2048xf32, #tpu.memory_space<vmem>>, vector<16xf32>,
        %mul3A_535 = arith.constant 2048 : i32
        %mul3A_536 = arith.muli %add3A_471, %mul3A_535 : i32
        %add3A_537 = arith.addi %mul3A_536, %mul3A_513 : i32
        %add3A_538 = arith.constant 32 : i32
        %add3A_539 = arith.addi %add3A_537, %add3A_538 : i32
        %get3A_540 = arith.index_cast %add3A_539 : i32 to index
        %get3A_541 = tpu.vector_load %arg16[%get3A_540] {strides = array<i32>} : memref<16384xi32, #tpu.memory_space<vmem>>, vector<16xi32>,
        %gather3A_542 = tpu.vector_load_idx %arg17[%get3A_541] : memref<100000xf32, #tpu.memory_space<vmem>>[vector<16xi32>], vector<16xf32>,
        %add3A_543 = arith.constant 32 : i32
        %add3A_544 = arith.addi %mul3A_513, %add3A_543 : i32
        %swap3A_545 = arith.index_cast %add3A_544 : i32 to index
        %swap3A_546 = tpu.vector_load %arg18[%swap3A_545] {strides = array<i32>} : memref<2048xf32, #tpu.memory_space<vmem>>, vector<16xf32>,
        tpu.vector_store %arg18[%swap3A_545], %gather3A_542 {strides = array<i32>} : memref<2048xf32, #tpu.memory_space<vmem>>, vector<16xf32>,
        %mul3A_547 = arith.constant 2048 : i32
        %mul3A_548 = arith.muli %add3A_471, %mul3A_547 : i32
        %add3A_549 = arith.addi %mul3A_548, %mul3A_513 : i32
        %add3A_550 = arith.constant 48 : i32
        %add3A_551 = arith.addi %add3A_549, %add3A_550 : i32
        %get3A_552 = arith.index_cast %add3A_551 : i32 to index
        %get3A_553 = tpu.vector_load %arg16[%get3A_552] {strides = array<i32>} : memref<16384xi32, #tpu.memory_space<vmem>>, vector<16xi32>,
        %gather3A_554 = tpu.vector_load_idx %arg17[%get3A_553] : memref<100000xf32, #tpu.memory_space<vmem>>[vector<16xi32>], vector<16xf32>,
        %add3A_555 = arith.constant 48 : i32
        %add3A_556 = arith.addi %mul3A_513, %add3A_555 : i32
        %swap3A_557 = arith.index_cast %add3A_556 : i32 to index
        %swap3A_558 = tpu.vector_load %arg18[%swap3A_557] {strides = array<i32>} : memref<2048xf32, #tpu.memory_space<vmem>>, vector<16xf32>,
        tpu.vector_store %arg18[%swap3A_557], %gather3A_554 {strides = array<i32>} : memref<2048xf32, #tpu.memory_space<vmem>>, vector<16xf32>,
        %mul3A_559 = arith.constant 2048 : i32
        %mul3A_560 = arith.muli %add3A_471, %mul3A_559 : i32
        %add3A_561 = arith.addi %mul3A_560, %mul3A_513 : i32
        %add3A_562 = arith.constant 64 : i32
        %add3A_563 = arith.addi %add3A_561, %add3A_562 : i32
        %get3A_564 = arith.index_cast %add3A_563 : i32 to index
        %get3A_565 = tpu.vector_load %arg16[%get3A_564] {strides = array<i32>} : memref<16384xi32, #tpu.memory_space<vmem>>, vector<16xi32>,
        %gather3A_566 = tpu.vector_load_idx %arg17[%get3A_565] : memref<100000xf32, #tpu.memory_space<vmem>>[vector<16xi32>], vector<16xf32>,
        %add3A_567 = arith.constant 64 : i32
        %add3A_568 = arith.addi %mul3A_513, %add3A_567 : i32
        %swap3A_569 = arith.index_cast %add3A_568 : i32 to index
        %swap3A_570 = tpu.vector_load %arg18[%swap3A_569] {strides = array<i32>} : memref<2048xf32, #tpu.memory_space<vmem>>, vector<16xf32>,
        tpu.vector_store %arg18[%swap3A_569], %gather3A_566 {strides = array<i32>} : memref<2048xf32, #tpu.memory_space<vmem>>, vector<16xf32>,
        %mul3A_571 = arith.constant 2048 : i32
        %mul3A_572 = arith.muli %add3A_471, %mul3A_571 : i32
        %add3A_573 = arith.addi %mul3A_572, %mul3A_513 : i32
        %add3A_574 = arith.constant 80 : i32
        %add3A_575 = arith.addi %add3A_573, %add3A_574 : i32
        %get3A_576 = arith.index_cast %add3A_575 : i32 to index
        %get3A_577 = tpu.vector_load %arg16[%get3A_576] {strides = array<i32>} : memref<16384xi32, #tpu.memory_space<vmem>>, vector<16xi32>,
        %gather3A_578 = tpu.vector_load_idx %arg17[%get3A_577] : memref<100000xf32, #tpu.memory_space<vmem>>[vector<16xi32>], vector<16xf32>,
        %add3A_579 = arith.constant 80 : i32
        %add3A_580 = arith.addi %mul3A_513, %add3A_579 : i32
        %swap3A_581 = arith.index_cast %add3A_580 : i32 to index
        %swap3A_582 = tpu.vector_load %arg18[%swap3A_581] {strides = array<i32>} : memref<2048xf32, #tpu.memory_space<vmem>>, vector<16xf32>,
        tpu.vector_store %arg18[%swap3A_581], %gather3A_578 {strides = array<i32>} : memref<2048xf32, #tpu.memory_space<vmem>>, vector<16xf32>,
        %mul3A_583 = arith.constant 2048 : i32
        %mul3A_584 = arith.muli %add3A_471, %mul3A_583 : i32
        %add3A_585 = arith.addi %mul3A_584, %mul3A_513 : i32
        %add3A_586 = arith.constant 96 : i32
        %add3A_587 = arith.addi %add3A_585, %add3A_586 : i32
        %get3A_588 = arith.index_cast %add3A_587 : i32 to index
        %get3A_589 = tpu.vector_load %arg16[%get3A_588] {strides = array<i32>} : memref<16384xi32, #tpu.memory_space<vmem>>, vector<16xi32>,
        %gather3A_590 = tpu.vector_load_idx %arg17[%get3A_589] : memref<100000xf32, #tpu.memory_space<vmem>>[vector<16xi32>], vector<16xf32>,
        %add3A_591 = arith.constant 96 : i32
        %add3A_592 = arith.addi %mul3A_513, %add3A_591 : i32
        %swap3A_593 = arith.index_cast %add3A_592 : i32 to index
        %swap3A_594 = tpu.vector_load %arg18[%swap3A_593] {strides = array<i32>} : memref<2048xf32, #tpu.memory_space<vmem>>, vector<16xf32>,
        tpu.vector_store %arg18[%swap3A_593], %gather3A_590 {strides = array<i32>} : memref<2048xf32, #tpu.memory_space<vmem>>, vector<16xf32>,
        %mul3A_595 = arith.constant 2048 : i32
        %mul3A_596 = arith.muli %add3A_471, %mul3A_595 : i32
        %add3A_597 = arith.addi %mul3A_596, %mul3A_513 : i32
        %add3A_598 = arith.constant 112 : i32
        %add3A_599 = arith.addi %add3A_597, %add3A_598 : i32
        %get3A_600 = arith.index_cast %add3A_599 : i32 to index
        %get3A_601 = tpu.vector_load %arg16[%get3A_600] {strides = array<i32>} : memref<16384xi32, #tpu.memory_space<vmem>>, vector<16xi32>,
        %gather3A_602 = tpu.vector_load_idx %arg17[%get3A_601] : memref<100000xf32, #tpu.memory_space<vmem>>[vector<16xi32>], vector<16xf32>,
        %add3A_603 = arith.constant 112 : i32
        %add3A_604 = arith.addi %mul3A_513, %add3A_603 : i32
        %swap3A_605 = arith.index_cast %add3A_604 : i32 to index
        %swap3A_606 = tpu.vector_load %arg18[%swap3A_605] {strides = array<i32>} : memref<2048xf32, #tpu.memory_space<vmem>>, vector<16xf32>,
        tpu.vector_store %arg18[%swap3A_605], %gather3A_602 {strides = array<i32>} : memref<2048xf32, #tpu.memory_space<vmem>>, vector<16xf32>,
        %scan3A_607 = arith.constant 0 : i32
        scf.yield %scan3A_607 : i32
      }
      %scan3A_480 = arith.constant 16 : i32
      %mul3A_481 = arith.constant 2048 : i32
      %mul3A_482 = arith.muli %add3A_471, %mul3A_481 : i32
      %dma_start3A_483 = tpu.memref_slice %arg14[%add3A_311, %mul3A_482] : memref<64x16384xf32, #tpu.memory_space<hbm>> -> memref<1x2048xf32, #tpu.memory_space<hbm>>
      %dma_start3A_484 = tpu.memref_squeeze %dma_start3A_483 : memref<1x2048xf32, #tpu.memory_space<hbm>> -> memref<2048xf32, #tpu.memory_space<hbm>>
      %dma_start3A_485 = tpu.memref_slice %arg14[%add3A_311, %mul3A_482] : memref<64x16384xf32, #tpu.memory_space<hbm>> -> memref<1x2048xf32, #tpu.memory_space<hbm>>
      %dma_start3A_486 = tpu.memref_squeeze %dma_start3A_485 : memref<1x2048xf32, #tpu.memory_space<hbm>> -> memref<2048xf32, #tpu.memory_space<hbm>>
      tpu.enqueue_dma source(%arg18 : memref<2048xf32, #tpu.memory_space<vmem>>) target(%dma_start3A_486 : memref<2048xf32, #tpu.memory_space<hbm>>) target_semaphore(%arg20 : memref<!tpu.dma_semaphore, #tpu.memory_space<semaphore_mem>>)
      %mul3A_487 = arith.constant 2 : i32
      %mul3A_488 = arith.muli %scan3A_466, %mul3A_487 : i32
      %add3A_489 = arith.constant 1 : i32
      %add3A_490 = arith.addi %mul3A_488, %add3A_489 : i32
      %gt3A_491 = arith.constant 0 : i32
      %gt3A_492 = arith.cmpi sgt, %scan3A_466, %gt3A_491 : i32
      %convert_element_type3A_493 = arith.extui %gt3A_492 : i1 to i32
      %cond3A_494 = arith.constant 0 : i32
      %cond3A_495 = arith.cmpi ne, %convert_element_type3A_493, %cond3A_494 : i32
      scf.if %cond3A_495 {
        %dma_wait3A_510 = arith.constant 0 : i32
        %dma_wait3A_511 = tpu.memref_slice %arg14[%add3A_311, %dma_wait3A_510] : memref<64x16384xf32, #tpu.memory_space<hbm>> -> memref<1x2048xf32, #tpu.memory_space<hbm>>
        %dma_wait3A_512 = tpu.memref_squeeze %dma_wait3A_511 : memref<1x2048xf32, #tpu.memory_space<hbm>> -> memref<2048xf32, #tpu.memory_space<hbm>>
        %dma_wait3A_513 = arith.constant 0 : i32
        %dma_wait3A_514 = tpu.memref_slice %arg14[%add3A_311, %dma_wait3A_513] : memref<64x16384xf32, #tpu.memory_space<hbm>> -> memref<1x2048xf32, #tpu.memory_space<hbm>>
        %dma_wait3A_515 = tpu.memref_squeeze %dma_wait3A_514 : memref<1x2048xf32, #tpu.memory_space<hbm>> -> memref<2048xf32, #tpu.memory_space<hbm>>
        tpu.wait_dma2 semaphore(%arg21 : memref<!tpu.dma_semaphore, #tpu.memory_space<semaphore_mem>>) src(%arg19 : memref<2048xf32, #tpu.memory_space<vmem>>) dst(%dma_wait3A_515 : memref<2048xf32, #tpu.memory_space<hbm>>)
      } else {
      }
      %scan3A_496 = arith.constant 0 : i32
      %scan3A_497 = arith.constant 0 : i32
      %scan3A_498 = arith.constant 16 : i32
      %scan3A_499 = arith.addi %scan3A_497, %scan3A_498 : i32
      %scan3A_500 = arith.constant 1 : i32
      %scan3A_501 = scf.for %scan3A_510 = %scan3A_497 to %scan3A_499 step %scan3A_500 iter_args(%scan3A_511 = %scan3A_496) -> (i32)  : i32 {
        %mul3A_512 = arith.constant 128 : i32
        %mul3A_513 = arith.muli %scan3A_510, %mul3A_512 : i32
        %mul3A_514 = arith.constant 2048 : i32
        %mul3A_515 = arith.muli %add3A_490, %mul3A_514 : i32
        %add3A_516 = arith.addi %mul3A_515, %mul3A_513 : i32
        %add3A_517 = arith.constant 0 : i32
        %add3A_518 = arith.addi %add3A_516, %add3A_517 : i32
        %get3A = arith.index_cast %add3A_518 : i32 to index
        %get3A_519 = tpu.vector_load %arg16[%get3A] {strides = array<i32>} : memref<16384xi32, #tpu.memory_space<vmem>>, vector<16xi32>,
        %gather3A = tpu.vector_load_idx %arg17[%get3A_519] : memref<100000xf32, #tpu.memory_space<vmem>>[vector<16xi32>], vector<16xf32>,
        %add3A_520 = arith.constant 0 : i32
        %add3A_521 = arith.addi %mul3A_513, %add3A_520 : i32
        %swap3A = arith.index_cast %add3A_521 : i32 to index
        %swap3A_522 = tpu.vector_load %arg19[%swap3A] {strides = array<i32>} : memref<2048xf32, #tpu.memory_space<vmem>>, vector<16xf32>,
        tpu.vector_store %arg19[%swap3A], %gather3A {strides = array<i32>} : memref<2048xf32, #tpu.memory_space<vmem>>, vector<16xf32>,
        %mul3A_523 = arith.constant 2048 : i32
        %mul3A_524 = arith.muli %add3A_490, %mul3A_523 : i32
        %add3A_525 = arith.addi %mul3A_524, %mul3A_513 : i32
        %add3A_526 = arith.constant 16 : i32
        %add3A_527 = arith.addi %add3A_525, %add3A_526 : i32
        %get3A_528 = arith.index_cast %add3A_527 : i32 to index
        %get3A_529 = tpu.vector_load %arg16[%get3A_528] {strides = array<i32>} : memref<16384xi32, #tpu.memory_space<vmem>>, vector<16xi32>,
        %gather3A_530 = tpu.vector_load_idx %arg17[%get3A_529] : memref<100000xf32, #tpu.memory_space<vmem>>[vector<16xi32>], vector<16xf32>,
        %add3A_531 = arith.constant 16 : i32
        %add3A_532 = arith.addi %mul3A_513, %add3A_531 : i32
        %swap3A_533 = arith.index_cast %add3A_532 : i32 to index
        %swap3A_534 = tpu.vector_load %arg19[%swap3A_533] {strides = array<i32>} : memref<2048xf32, #tpu.memory_space<vmem>>, vector<16xf32>,
        tpu.vector_store %arg19[%swap3A_533], %gather3A_530 {strides = array<i32>} : memref<2048xf32, #tpu.memory_space<vmem>>, vector<16xf32>,
        %mul3A_535 = arith.constant 2048 : i32
        %mul3A_536 = arith.muli %add3A_490, %mul3A_535 : i32
        %add3A_537 = arith.addi %mul3A_536, %mul3A_513 : i32
        %add3A_538 = arith.constant 32 : i32
        %add3A_539 = arith.addi %add3A_537, %add3A_538 : i32
        %get3A_540 = arith.index_cast %add3A_539 : i32 to index
        %get3A_541 = tpu.vector_load %arg16[%get3A_540] {strides = array<i32>} : memref<16384xi32, #tpu.memory_space<vmem>>, vector<16xi32>,
        %gather3A_542 = tpu.vector_load_idx %arg17[%get3A_541] : memref<100000xf32, #tpu.memory_space<vmem>>[vector<16xi32>], vector<16xf32>,
        %add3A_543 = arith.constant 32 : i32
        %add3A_544 = arith.addi %mul3A_513, %add3A_543 : i32
        %swap3A_545 = arith.index_cast %add3A_544 : i32 to index
        %swap3A_546 = tpu.vector_load %arg19[%swap3A_545] {strides = array<i32>} : memref<2048xf32, #tpu.memory_space<vmem>>, vector<16xf32>,
        tpu.vector_store %arg19[%swap3A_545], %gather3A_542 {strides = array<i32>} : memref<2048xf32, #tpu.memory_space<vmem>>, vector<16xf32>,
        %mul3A_547 = arith.constant 2048 : i32
        %mul3A_548 = arith.muli %add3A_490, %mul3A_547 : i32
        %add3A_549 = arith.addi %mul3A_548, %mul3A_513 : i32
        %add3A_550 = arith.constant 48 : i32
        %add3A_551 = arith.addi %add3A_549, %add3A_550 : i32
        %get3A_552 = arith.index_cast %add3A_551 : i32 to index
        %get3A_553 = tpu.vector_load %arg16[%get3A_552] {strides = array<i32>} : memref<16384xi32, #tpu.memory_space<vmem>>, vector<16xi32>,
        %gather3A_554 = tpu.vector_load_idx %arg17[%get3A_553] : memref<100000xf32, #tpu.memory_space<vmem>>[vector<16xi32>], vector<16xf32>,
        %add3A_555 = arith.constant 48 : i32
        %add3A_556 = arith.addi %mul3A_513, %add3A_555 : i32
        %swap3A_557 = arith.index_cast %add3A_556 : i32 to index
        %swap3A_558 = tpu.vector_load %arg19[%swap3A_557] {strides = array<i32>} : memref<2048xf32, #tpu.memory_space<vmem>>, vector<16xf32>,
        tpu.vector_store %arg19[%swap3A_557], %gather3A_554 {strides = array<i32>} : memref<2048xf32, #tpu.memory_space<vmem>>, vector<16xf32>,
        %mul3A_559 = arith.constant 2048 : i32
        %mul3A_560 = arith.muli %add3A_490, %mul3A_559 : i32
        %add3A_561 = arith.addi %mul3A_560, %mul3A_513 : i32
        %add3A_562 = arith.constant 64 : i32
        %add3A_563 = arith.addi %add3A_561, %add3A_562 : i32
        %get3A_564 = arith.index_cast %add3A_563 : i32 to index
        %get3A_565 = tpu.vector_load %arg16[%get3A_564] {strides = array<i32>} : memref<16384xi32, #tpu.memory_space<vmem>>, vector<16xi32>,
        %gather3A_566 = tpu.vector_load_idx %arg17[%get3A_565] : memref<100000xf32, #tpu.memory_space<vmem>>[vector<16xi32>], vector<16xf32>,
        %add3A_567 = arith.constant 64 : i32
        %add3A_568 = arith.addi %mul3A_513, %add3A_567 : i32
        %swap3A_569 = arith.index_cast %add3A_568 : i32 to index
        %swap3A_570 = tpu.vector_load %arg19[%swap3A_569] {strides = array<i32>} : memref<2048xf32, #tpu.memory_space<vmem>>, vector<16xf32>,
        tpu.vector_store %arg19[%swap3A_569], %gather3A_566 {strides = array<i32>} : memref<2048xf32, #tpu.memory_space<vmem>>, vector<16xf32>,
        %mul3A_571 = arith.constant 2048 : i32
        %mul3A_572 = arith.muli %add3A_490, %mul3A_571 : i32
        %add3A_573 = arith.addi %mul3A_572, %mul3A_513 : i32
        %add3A_574 = arith.constant 80 : i32
        %add3A_575 = arith.addi %add3A_573, %add3A_574 : i32
        %get3A_576 = arith.index_cast %add3A_575 : i32 to index
        %get3A_577 = tpu.vector_load %arg16[%get3A_576] {strides = array<i32>} : memref<16384xi32, #tpu.memory_space<vmem>>, vector<16xi32>,
        %gather3A_578 = tpu.vector_load_idx %arg17[%get3A_577] : memref<100000xf32, #tpu.memory_space<vmem>>[vector<16xi32>], vector<16xf32>,
        %add3A_579 = arith.constant 80 : i32
        %add3A_580 = arith.addi %mul3A_513, %add3A_579 : i32
        %swap3A_581 = arith.index_cast %add3A_580 : i32 to index
        %swap3A_582 = tpu.vector_load %arg19[%swap3A_581] {strides = array<i32>} : memref<2048xf32, #tpu.memory_space<vmem>>, vector<16xf32>,
        tpu.vector_store %arg19[%swap3A_581], %gather3A_578 {strides = array<i32>} : memref<2048xf32, #tpu.memory_space<vmem>>, vector<16xf32>,
        %mul3A_583 = arith.constant 2048 : i32
        %mul3A_584 = arith.muli %add3A_490, %mul3A_583 : i32
        %add3A_585 = arith.addi %mul3A_584, %mul3A_513 : i32
        %add3A_586 = arith.constant 96 : i32
        %add3A_587 = arith.addi %add3A_585, %add3A_586 : i32
        %get3A_588 = arith.index_cast %add3A_587 : i32 to index
        %get3A_589 = tpu.vector_load %arg16[%get3A_588] {strides = array<i32>} : memref<16384xi32, #tpu.memory_space<vmem>>, vector<16xi32>,
        %gather3A_590 = tpu.vector_load_idx %arg17[%get3A_589] : memref<100000xf32, #tpu.memory_space<vmem>>[vector<16xi32>], vector<16xf32>,
        %add3A_591 = arith.constant 96 : i32
        %add3A_592 = arith.addi %mul3A_513, %add3A_591 : i32
        %swap3A_593 = arith.index_cast %add3A_592 : i32 to index
        %swap3A_594 = tpu.vector_load %arg19[%swap3A_593] {strides = array<i32>} : memref<2048xf32, #tpu.memory_space<vmem>>, vector<16xf32>,
        tpu.vector_store %arg19[%swap3A_593], %gather3A_590 {strides = array<i32>} : memref<2048xf32, #tpu.memory_space<vmem>>, vector<16xf32>,
        %mul3A_595 = arith.constant 2048 : i32
        %mul3A_596 = arith.muli %add3A_490, %mul3A_595 : i32
        %add3A_597 = arith.addi %mul3A_596, %mul3A_513 : i32
        %add3A_598 = arith.constant 112 : i32
        %add3A_599 = arith.addi %add3A_597, %add3A_598 : i32
        %get3A_600 = arith.index_cast %add3A_599 : i32 to index
        %get3A_601 = tpu.vector_load %arg16[%get3A_600] {strides = array<i32>} : memref<16384xi32, #tpu.memory_space<vmem>>, vector<16xi32>,
        %gather3A_602 = tpu.vector_load_idx %arg17[%get3A_601] : memref<100000xf32, #tpu.memory_space<vmem>>[vector<16xi32>], vector<16xf32>,
        %add3A_603 = arith.constant 112 : i32
        %add3A_604 = arith.addi %mul3A_513, %add3A_603 : i32
        %swap3A_605 = arith.index_cast %add3A_604 : i32 to index
        %swap3A_606 = tpu.vector_load %arg19[%swap3A_605] {strides = array<i32>} : memref<2048xf32, #tpu.memory_space<vmem>>, vector<16xf32>,
        tpu.vector_store %arg19[%swap3A_605], %gather3A_602 {strides = array<i32>} : memref<2048xf32, #tpu.memory_space<vmem>>, vector<16xf32>,
        %scan3A_607 = arith.constant 0 : i32
        scf.yield %scan3A_607 : i32
      }
      %scan3A_502 = arith.constant 16 : i32
      %mul3A_503 = arith.constant 2048 : i32
      %mul3A_504 = arith.muli %add3A_490, %mul3A_503 : i32
      %dma_start3A_505 = tpu.memref_slice %arg14[%add3A_311, %mul3A_504] : memref<64x16384xf32, #tpu.memory_space<hbm>> -> memref<1x2048xf32, #tpu.memory_space<hbm>>
      %dma_start3A_506 = tpu.memref_squeeze %dma_start3A_505 : memref<1x2048xf32, #tpu.memory_space<hbm>> -> memref<2048xf32, #tpu.memory_space<hbm>>
      %dma_start3A_507 = tpu.memref_slice %arg14[%add3A_311, %mul3A_504] : memref<64x16384xf32, #tpu.memory_space<hbm>> -> memref<1x2048xf32, #tpu.memory_space<hbm>>
      %dma_start3A_508 = tpu.memref_squeeze %dma_start3A_507 : memref<1x2048xf32, #tpu.memory_space<hbm>> -> memref<2048xf32, #tpu.memory_space<hbm>>
      tpu.enqueue_dma source(%arg19 : memref<2048xf32, #tpu.memory_space<vmem>>) target(%dma_start3A_508 : memref<2048xf32, #tpu.memory_space<hbm>>) target_semaphore(%arg21 : memref<!tpu.dma_semaphore, #tpu.memory_space<semaphore_mem>>)
      %scan3A_509 = arith.constant 0 : i32
      scf.yield %scan3A_509 : i32
    }
    %scan3A_336 = arith.constant 4 : i32
    %mul3A_337 = arith.constant 2 : i32
    %mul3A_338 = arith.muli %add3A, %mul3A_337 : i32
    %add3A_339 = arith.constant 1 : i32
    %add3A_340 = arith.addi %mul3A_338, %add3A_339 : i32
    %dma_start3A_341 = arith.constant 0 : i32
    %dma_start3A_342 = tpu.memref_slice %arg8[%add3A_340, %dma_start3A_341] : memref<64x100000xf32, #tpu.memory_space<hbm>> -> memref<1x100000xf32, #tpu.memory_space<hbm>>
    %dma_start3A_343 = tpu.memref_squeeze %dma_start3A_342 : memref<1x100000xf32, #tpu.memory_space<hbm>> -> memref<100000xf32, #tpu.memory_space<hbm>>
    %dma_start3A_344 = arith.constant 0 : i32
    %dma_start3A_345 = tpu.memref_slice %arg8[%add3A_340, %dma_start3A_344] : memref<64x100000xf32, #tpu.memory_space<hbm>> -> memref<1x100000xf32, #tpu.memory_space<hbm>>
    %dma_start3A_346 = tpu.memref_squeeze %dma_start3A_345 : memref<1x100000xf32, #tpu.memory_space<hbm>> -> memref<100000xf32, #tpu.memory_space<hbm>>
    tpu.enqueue_dma source(%dma_start3A_346 : memref<100000xf32, #tpu.memory_space<hbm>>) target(%arg17 : memref<100000xf32, #tpu.memory_space<vmem>>) target_semaphore(%arg22 : memref<!tpu.dma_semaphore, #tpu.memory_space<semaphore_mem>>)
    %mul3A_347 = arith.constant 2 : i32
    %mul3A_348 = arith.muli %add3A, %mul3A_347 : i32
    %add3A_349 = arith.constant 1 : i32
    %add3A_350 = arith.addi %mul3A_348, %add3A_349 : i32
    %dma_wait3A_351 = arith.constant 0 : i32
    %dma_wait3A_352 = tpu.memref_slice %arg8[%add3A_340, %dma_wait3A_351] : memref<64x100000xf32, #tpu.memory_space<hbm>> -> memref<1x100000xf32, #tpu.memory_space<hbm>>
    %dma_wait3A_353 = tpu.memref_squeeze %dma_wait3A_352 : memref<1x100000xf32, #tpu.memory_space<hbm>> -> memref<100000xf32, #tpu.memory_space<hbm>>
    %dma_wait3A_354 = arith.constant 0 : i32
    %dma_wait3A_355 = tpu.memref_slice %arg8[%add3A_340, %dma_wait3A_354] : memref<64x100000xf32, #tpu.memory_space<hbm>> -> memref<1x100000xf32, #tpu.memory_space<hbm>>
    %dma_wait3A_356 = tpu.memref_squeeze %dma_wait3A_355 : memref<1x100000xf32, #tpu.memory_space<hbm>> -> memref<100000xf32, #tpu.memory_space<hbm>>
    tpu.wait_dma2 semaphore(%arg22 : memref<!tpu.dma_semaphore, #tpu.memory_space<semaphore_mem>>) src(%dma_wait3A_356 : memref<100000xf32, #tpu.memory_space<hbm>>) dst(%arg17 : memref<100000xf32, #tpu.memory_space<vmem>>)
    %dma_wait3A_357 = arith.constant 0 : i32
    %dma_wait3A_358 = tpu.memref_slice %arg14[%add3A_311, %dma_wait3A_357] : memref<64x16384xf32, #tpu.memory_space<hbm>> -> memref<1x2048xf32, #tpu.memory_space<hbm>>
    %dma_wait3A_359 = tpu.memref_squeeze %dma_wait3A_358 : memref<1x2048xf32, #tpu.memory_space<hbm>> -> memref<2048xf32, #tpu.memory_space<hbm>>
    %dma_wait3A_360 = arith.constant 0 : i32
    %dma_wait3A_361 = tpu.memref_slice %arg14[%add3A_311, %dma_wait3A_360] : memref<64x16384xf32, #tpu.memory_space<hbm>> -> memref<1x2048xf32, #tpu.memory_space<hbm>>
    %dma_wait3A_362 = tpu.memref_squeeze %dma_wait3A_361 : memref<1x2048xf32, #tpu.memory_space<hbm>> -> memref<2048xf32, #tpu.memory_space<hbm>>
    tpu.wait_dma2 semaphore(%arg20 : memref<!tpu.dma_semaphore, #tpu.memory_space<semaphore_mem>>) src(%arg18 : memref<2048xf32, #tpu.memory_space<vmem>>) dst(%dma_wait3A_362 : memref<2048xf32, #tpu.memory_space<hbm>>)
    %dma_wait3A_363 = arith.constant 0 : i32
    %dma_wait3A_364 = tpu.memref_slice %arg14[%add3A_311, %dma_wait3A_363] : memref<64x16384xf32, #tpu.memory_space<hbm>> -> memref<1x2048xf32, #tpu.memory_space<hbm>>
    %dma_wait3A_365 = tpu.memref_squeeze %dma_wait3A_364 : memref<1x2048xf32, #tpu.memory_space<hbm>> -> memref<2048xf32, #tpu.memory_space<hbm>>
    %dma_wait3A_366 = arith.constant 0 : i32
    %dma_wait3A_367 = tpu.memref_slice %arg14[%add3A_311, %dma_wait3A_366] : memref<64x16384xf32, #tpu.memory_space<hbm>> -> memref<1x2048xf32, #tpu.memory_space<hbm>>
    %dma_wait3A_368 = tpu.memref_squeeze %dma_wait3A_367 : memref<1x2048xf32, #tpu.memory_space<hbm>> -> memref<2048xf32, #tpu.memory_space<hbm>>
    tpu.wait_dma2 semaphore(%arg21 : memref<!tpu.dma_semaphore, #tpu.memory_space<semaphore_mem>>) src(%arg19 : memref<2048xf32, #tpu.memory_space<vmem>>) dst(%dma_wait3A_368 : memref<2048xf32, #tpu.memory_space<hbm>>)
    %scan3A_369 = arith.constant 0 : i32
    %scan3A_370 = arith.constant 0 : i32
    %scan3A_371 = arith.constant 4 : i32
    %scan3A_372 = arith.addi %scan3A_370, %scan3A_371 : i32
    %scan3A_373 = arith.constant 1 : i32
    %scan3A_374 = scf.for %scan3A_466 = %scan3A_370 to %scan3A_372 step %scan3A_373 iter_args(%scan3A_467 = %scan3A_369) -> (i32)  : i32 {
      %mul3A_468 = arith.constant 2 : i32
      %mul3A_469 = arith.muli %scan3A_466, %mul3A_468 : i32
      %add3A_470 = arith.constant 0 : i32
      %add3A_471 = arith.addi %mul3A_469, %add3A_470 : i32
      %gt3A = arith.constant 0 : i32
      %gt3A_472 = arith.cmpi sgt, %scan3A_466, %gt3A : i32
      %convert_element_type3A = arith.extui %gt3A_472 : i1 to i32
      %cond3A = arith.constant 0 : i32
      %cond3A_473 = arith.cmpi ne, %convert_element_type3A, %cond3A : i32
      scf.if %cond3A_473 {
        %dma_wait3A_510 = arith.constant 0 : i32
        %dma_wait3A_511 = tpu.memref_slice %arg14[%add3A_350, %dma_wait3A_510] : memref<64x16384xf32, #tpu.memory_space<hbm>> -> memref<1x2048xf32, #tpu.memory_space<hbm>>
        %dma_wait3A_512 = tpu.memref_squeeze %dma_wait3A_511 : memref<1x2048xf32, #tpu.memory_space<hbm>> -> memref<2048xf32, #tpu.memory_space<hbm>>
        %dma_wait3A_513 = arith.constant 0 : i32
        %dma_wait3A_514 = tpu.memref_slice %arg14[%add3A_350, %dma_wait3A_513] : memref<64x16384xf32, #tpu.memory_space<hbm>> -> memref<1x2048xf32, #tpu.memory_space<hbm>>
        %dma_wait3A_515 = tpu.memref_squeeze %dma_wait3A_514 : memref<1x2048xf32, #tpu.memory_space<hbm>> -> memref<2048xf32, #tpu.memory_space<hbm>>
        tpu.wait_dma2 semaphore(%arg20 : memref<!tpu.dma_semaphore, #tpu.memory_space<semaphore_mem>>) src(%arg18 : memref<2048xf32, #tpu.memory_space<vmem>>) dst(%dma_wait3A_515 : memref<2048xf32, #tpu.memory_space<hbm>>)
      } else {
      }
      %scan3A_474 = arith.constant 0 : i32
      %scan3A_475 = arith.constant 0 : i32
      %scan3A_476 = arith.constant 16 : i32
      %scan3A_477 = arith.addi %scan3A_475, %scan3A_476 : i32
      %scan3A_478 = arith.constant 1 : i32
      %scan3A_479 = scf.for %scan3A_510 = %scan3A_475 to %scan3A_477 step %scan3A_478 iter_args(%scan3A_511 = %scan3A_474) -> (i32)  : i32 {
        %mul3A_512 = arith.constant 128 : i32
        %mul3A_513 = arith.muli %scan3A_510, %mul3A_512 : i32
        %mul3A_514 = arith.constant 2048 : i32
        %mul3A_515 = arith.muli %add3A_471, %mul3A_514 : i32
        %add3A_516 = arith.addi %mul3A_515, %mul3A_513 : i32
        %add3A_517 = arith.constant 0 : i32
        %add3A_518 = arith.addi %add3A_516, %add3A_517 : i32
        %get3A = arith.index_cast %add3A_518 : i32 to index
        %get3A_519 = tpu.vector_load %arg16[%get3A] {strides = array<i32>} : memref<16384xi32, #tpu.memory_space<vmem>>, vector<16xi32>,
        %gather3A = tpu.vector_load_idx %arg17[%get3A_519] : memref<100000xf32, #tpu.memory_space<vmem>>[vector<16xi32>], vector<16xf32>,
        %add3A_520 = arith.constant 0 : i32
        %add3A_521 = arith.addi %mul3A_513, %add3A_520 : i32
        %swap3A = arith.index_cast %add3A_521 : i32 to index
        %swap3A_522 = tpu.vector_load %arg18[%swap3A] {strides = array<i32>} : memref<2048xf32, #tpu.memory_space<vmem>>, vector<16xf32>,
        tpu.vector_store %arg18[%swap3A], %gather3A {strides = array<i32>} : memref<2048xf32, #tpu.memory_space<vmem>>, vector<16xf32>,
        %mul3A_523 = arith.constant 2048 : i32
        %mul3A_524 = arith.muli %add3A_471, %mul3A_523 : i32
        %add3A_525 = arith.addi %mul3A_524, %mul3A_513 : i32
        %add3A_526 = arith.constant 16 : i32
        %add3A_527 = arith.addi %add3A_525, %add3A_526 : i32
        %get3A_528 = arith.index_cast %add3A_527 : i32 to index
        %get3A_529 = tpu.vector_load %arg16[%get3A_528] {strides = array<i32>} : memref<16384xi32, #tpu.memory_space<vmem>>, vector<16xi32>,
        %gather3A_530 = tpu.vector_load_idx %arg17[%get3A_529] : memref<100000xf32, #tpu.memory_space<vmem>>[vector<16xi32>], vector<16xf32>,
        %add3A_531 = arith.constant 16 : i32
        %add3A_532 = arith.addi %mul3A_513, %add3A_531 : i32
        %swap3A_533 = arith.index_cast %add3A_532 : i32 to index
        %swap3A_534 = tpu.vector_load %arg18[%swap3A_533] {strides = array<i32>} : memref<2048xf32, #tpu.memory_space<vmem>>, vector<16xf32>,
        tpu.vector_store %arg18[%swap3A_533], %gather3A_530 {strides = array<i32>} : memref<2048xf32, #tpu.memory_space<vmem>>, vector<16xf32>,
        %mul3A_535 = arith.constant 2048 : i32
        %mul3A_536 = arith.muli %add3A_471, %mul3A_535 : i32
        %add3A_537 = arith.addi %mul3A_536, %mul3A_513 : i32
        %add3A_538 = arith.constant 32 : i32
        %add3A_539 = arith.addi %add3A_537, %add3A_538 : i32
        %get3A_540 = arith.index_cast %add3A_539 : i32 to index
        %get3A_541 = tpu.vector_load %arg16[%get3A_540] {strides = array<i32>} : memref<16384xi32, #tpu.memory_space<vmem>>, vector<16xi32>,
        %gather3A_542 = tpu.vector_load_idx %arg17[%get3A_541] : memref<100000xf32, #tpu.memory_space<vmem>>[vector<16xi32>], vector<16xf32>,
        %add3A_543 = arith.constant 32 : i32
        %add3A_544 = arith.addi %mul3A_513, %add3A_543 : i32
        %swap3A_545 = arith.index_cast %add3A_544 : i32 to index
        %swap3A_546 = tpu.vector_load %arg18[%swap3A_545] {strides = array<i32>} : memref<2048xf32, #tpu.memory_space<vmem>>, vector<16xf32>,
        tpu.vector_store %arg18[%swap3A_545], %gather3A_542 {strides = array<i32>} : memref<2048xf32, #tpu.memory_space<vmem>>, vector<16xf32>,
        %mul3A_547 = arith.constant 2048 : i32
        %mul3A_548 = arith.muli %add3A_471, %mul3A_547 : i32
        %add3A_549 = arith.addi %mul3A_548, %mul3A_513 : i32
        %add3A_550 = arith.constant 48 : i32
        %add3A_551 = arith.addi %add3A_549, %add3A_550 : i32
        %get3A_552 = arith.index_cast %add3A_551 : i32 to index
        %get3A_553 = tpu.vector_load %arg16[%get3A_552] {strides = array<i32>} : memref<16384xi32, #tpu.memory_space<vmem>>, vector<16xi32>,
        %gather3A_554 = tpu.vector_load_idx %arg17[%get3A_553] : memref<100000xf32, #tpu.memory_space<vmem>>[vector<16xi32>], vector<16xf32>,
        %add3A_555 = arith.constant 48 : i32
        %add3A_556 = arith.addi %mul3A_513, %add3A_555 : i32
        %swap3A_557 = arith.index_cast %add3A_556 : i32 to index
        %swap3A_558 = tpu.vector_load %arg18[%swap3A_557] {strides = array<i32>} : memref<2048xf32, #tpu.memory_space<vmem>>, vector<16xf32>,
        tpu.vector_store %arg18[%swap3A_557], %gather3A_554 {strides = array<i32>} : memref<2048xf32, #tpu.memory_space<vmem>>, vector<16xf32>,
        %mul3A_559 = arith.constant 2048 : i32
        %mul3A_560 = arith.muli %add3A_471, %mul3A_559 : i32
        %add3A_561 = arith.addi %mul3A_560, %mul3A_513 : i32
        %add3A_562 = arith.constant 64 : i32
        %add3A_563 = arith.addi %add3A_561, %add3A_562 : i32
        %get3A_564 = arith.index_cast %add3A_563 : i32 to index
        %get3A_565 = tpu.vector_load %arg16[%get3A_564] {strides = array<i32>} : memref<16384xi32, #tpu.memory_space<vmem>>, vector<16xi32>,
        %gather3A_566 = tpu.vector_load_idx %arg17[%get3A_565] : memref<100000xf32, #tpu.memory_space<vmem>>[vector<16xi32>], vector<16xf32>,
        %add3A_567 = arith.constant 64 : i32
        %add3A_568 = arith.addi %mul3A_513, %add3A_567 : i32
        %swap3A_569 = arith.index_cast %add3A_568 : i32 to index
        %swap3A_570 = tpu.vector_load %arg18[%swap3A_569] {strides = array<i32>} : memref<2048xf32, #tpu.memory_space<vmem>>, vector<16xf32>,
        tpu.vector_store %arg18[%swap3A_569], %gather3A_566 {strides = array<i32>} : memref<2048xf32, #tpu.memory_space<vmem>>, vector<16xf32>,
        %mul3A_571 = arith.constant 2048 : i32
        %mul3A_572 = arith.muli %add3A_471, %mul3A_571 : i32
        %add3A_573 = arith.addi %mul3A_572, %mul3A_513 : i32
        %add3A_574 = arith.constant 80 : i32
        %add3A_575 = arith.addi %add3A_573, %add3A_574 : i32
        %get3A_576 = arith.index_cast %add3A_575 : i32 to index
        %get3A_577 = tpu.vector_load %arg16[%get3A_576] {strides = array<i32>} : memref<16384xi32, #tpu.memory_space<vmem>>, vector<16xi32>,
        %gather3A_578 = tpu.vector_load_idx %arg17[%get3A_577] : memref<100000xf32, #tpu.memory_space<vmem>>[vector<16xi32>], vector<16xf32>,
        %add3A_579 = arith.constant 80 : i32
        %add3A_580 = arith.addi %mul3A_513, %add3A_579 : i32
        %swap3A_581 = arith.index_cast %add3A_580 : i32 to index
        %swap3A_582 = tpu.vector_load %arg18[%swap3A_581] {strides = array<i32>} : memref<2048xf32, #tpu.memory_space<vmem>>, vector<16xf32>,
        tpu.vector_store %arg18[%swap3A_581], %gather3A_578 {strides = array<i32>} : memref<2048xf32, #tpu.memory_space<vmem>>, vector<16xf32>,
        %mul3A_583 = arith.constant 2048 : i32
        %mul3A_584 = arith.muli %add3A_471, %mul3A_583 : i32
        %add3A_585 = arith.addi %mul3A_584, %mul3A_513 : i32
        %add3A_586 = arith.constant 96 : i32
        %add3A_587 = arith.addi %add3A_585, %add3A_586 : i32
        %get3A_588 = arith.index_cast %add3A_587 : i32 to index
        %get3A_589 = tpu.vector_load %arg16[%get3A_588] {strides = array<i32>} : memref<16384xi32, #tpu.memory_space<vmem>>, vector<16xi32>,
        %gather3A_590 = tpu.vector_load_idx %arg17[%get3A_589] : memref<100000xf32, #tpu.memory_space<vmem>>[vector<16xi32>], vector<16xf32>,
        %add3A_591 = arith.constant 96 : i32
        %add3A_592 = arith.addi %mul3A_513, %add3A_591 : i32
        %swap3A_593 = arith.index_cast %add3A_592 : i32 to index
        %swap3A_594 = tpu.vector_load %arg18[%swap3A_593] {strides = array<i32>} : memref<2048xf32, #tpu.memory_space<vmem>>, vector<16xf32>,
        tpu.vector_store %arg18[%swap3A_593], %gather3A_590 {strides = array<i32>} : memref<2048xf32, #tpu.memory_space<vmem>>, vector<16xf32>,
        %mul3A_595 = arith.constant 2048 : i32
        %mul3A_596 = arith.muli %add3A_471, %mul3A_595 : i32
        %add3A_597 = arith.addi %mul3A_596, %mul3A_513 : i32
        %add3A_598 = arith.constant 112 : i32
        %add3A_599 = arith.addi %add3A_597, %add3A_598 : i32
        %get3A_600 = arith.index_cast %add3A_599 : i32 to index
        %get3A_601 = tpu.vector_load %arg16[%get3A_600] {strides = array<i32>} : memref<16384xi32, #tpu.memory_space<vmem>>, vector<16xi32>,
        %gather3A_602 = tpu.vector_load_idx %arg17[%get3A_601] : memref<100000xf32, #tpu.memory_space<vmem>>[vector<16xi32>], vector<16xf32>,
        %add3A_603 = arith.constant 112 : i32
        %add3A_604 = arith.addi %mul3A_513, %add3A_603 : i32
        %swap3A_605 = arith.index_cast %add3A_604 : i32 to index
        %swap3A_606 = tpu.vector_load %arg18[%swap3A_605] {strides = array<i32>} : memref<2048xf32, #tpu.memory_space<vmem>>, vector<16xf32>,
        tpu.vector_store %arg18[%swap3A_605], %gather3A_602 {strides = array<i32>} : memref<2048xf32, #tpu.memory_space<vmem>>, vector<16xf32>,
        %scan3A_607 = arith.constant 0 : i32
        scf.yield %scan3A_607 : i32
      }
      %scan3A_480 = arith.constant 16 : i32
      %mul3A_481 = arith.constant 2048 : i32
      %mul3A_482 = arith.muli %add3A_471, %mul3A_481 : i32
      %dma_start3A_483 = tpu.memref_slice %arg14[%add3A_350, %mul3A_482] : memref<64x16384xf32, #tpu.memory_space<hbm>> -> memref<1x2048xf32, #tpu.memory_space<hbm>>
      %dma_start3A_484 = tpu.memref_squeeze %dma_start3A_483 : memref<1x2048xf32, #tpu.memory_space<hbm>> -> memref<2048xf32, #tpu.memory_space<hbm>>
      %dma_start3A_485 = tpu.memref_slice %arg14[%add3A_350, %mul3A_482] : memref<64x16384xf32, #tpu.memory_space<hbm>> -> memref<1x2048xf32, #tpu.memory_space<hbm>>
      %dma_start3A_486 = tpu.memref_squeeze %dma_start3A_485 : memref<1x2048xf32, #tpu.memory_space<hbm>> -> memref<2048xf32, #tpu.memory_space<hbm>>
      tpu.enqueue_dma source(%arg18 : memref<2048xf32, #tpu.memory_space<vmem>>) target(%dma_start3A_486 : memref<2048xf32, #tpu.memory_space<hbm>>) target_semaphore(%arg20 : memref<!tpu.dma_semaphore, #tpu.memory_space<semaphore_mem>>)
      %mul3A_487 = arith.constant 2 : i32
      %mul3A_488 = arith.muli %scan3A_466, %mul3A_487 : i32
      %add3A_489 = arith.constant 1 : i32
      %add3A_490 = arith.addi %mul3A_488, %add3A_489 : i32
      %gt3A_491 = arith.constant 0 : i32
      %gt3A_492 = arith.cmpi sgt, %scan3A_466, %gt3A_491 : i32
      %convert_element_type3A_493 = arith.extui %gt3A_492 : i1 to i32
      %cond3A_494 = arith.constant 0 : i32
      %cond3A_495 = arith.cmpi ne, %convert_element_type3A_493, %cond3A_494 : i32
      scf.if %cond3A_495 {
        %dma_wait3A_510 = arith.constant 0 : i32
        %dma_wait3A_511 = tpu.memref_slice %arg14[%add3A_350, %dma_wait3A_510] : memref<64x16384xf32, #tpu.memory_space<hbm>> -> memref<1x2048xf32, #tpu.memory_space<hbm>>
        %dma_wait3A_512 = tpu.memref_squeeze %dma_wait3A_511 : memref<1x2048xf32, #tpu.memory_space<hbm>> -> memref<2048xf32, #tpu.memory_space<hbm>>
        %dma_wait3A_513 = arith.constant 0 : i32
        %dma_wait3A_514 = tpu.memref_slice %arg14[%add3A_350, %dma_wait3A_513] : memref<64x16384xf32, #tpu.memory_space<hbm>> -> memref<1x2048xf32, #tpu.memory_space<hbm>>
        %dma_wait3A_515 = tpu.memref_squeeze %dma_wait3A_514 : memref<1x2048xf32, #tpu.memory_space<hbm>> -> memref<2048xf32, #tpu.memory_space<hbm>>
        tpu.wait_dma2 semaphore(%arg21 : memref<!tpu.dma_semaphore, #tpu.memory_space<semaphore_mem>>) src(%arg19 : memref<2048xf32, #tpu.memory_space<vmem>>) dst(%dma_wait3A_515 : memref<2048xf32, #tpu.memory_space<hbm>>)
      } else {
      }
      %scan3A_496 = arith.constant 0 : i32
      %scan3A_497 = arith.constant 0 : i32
      %scan3A_498 = arith.constant 16 : i32
      %scan3A_499 = arith.addi %scan3A_497, %scan3A_498 : i32
      %scan3A_500 = arith.constant 1 : i32
      %scan3A_501 = scf.for %scan3A_510 = %scan3A_497 to %scan3A_499 step %scan3A_500 iter_args(%scan3A_511 = %scan3A_496) -> (i32)  : i32 {
        %mul3A_512 = arith.constant 128 : i32
        %mul3A_513 = arith.muli %scan3A_510, %mul3A_512 : i32
        %mul3A_514 = arith.constant 2048 : i32
        %mul3A_515 = arith.muli %add3A_490, %mul3A_514 : i32
        %add3A_516 = arith.addi %mul3A_515, %mul3A_513 : i32
        %add3A_517 = arith.constant 0 : i32
        %add3A_518 = arith.addi %add3A_516, %add3A_517 : i32
        %get3A = arith.index_cast %add3A_518 : i32 to index
        %get3A_519 = tpu.vector_load %arg16[%get3A] {strides = array<i32>} : memref<16384xi32, #tpu.memory_space<vmem>>, vector<16xi32>,
        %gather3A = tpu.vector_load_idx %arg17[%get3A_519] : memref<100000xf32, #tpu.memory_space<vmem>>[vector<16xi32>], vector<16xf32>,
        %add3A_520 = arith.constant 0 : i32
        %add3A_521 = arith.addi %mul3A_513, %add3A_520 : i32
        %swap3A = arith.index_cast %add3A_521 : i32 to index
        %swap3A_522 = tpu.vector_load %arg19[%swap3A] {strides = array<i32>} : memref<2048xf32, #tpu.memory_space<vmem>>, vector<16xf32>,
        tpu.vector_store %arg19[%swap3A], %gather3A {strides = array<i32>} : memref<2048xf32, #tpu.memory_space<vmem>>, vector<16xf32>,
        %mul3A_523 = arith.constant 2048 : i32
        %mul3A_524 = arith.muli %add3A_490, %mul3A_523 : i32
        %add3A_525 = arith.addi %mul3A_524, %mul3A_513 : i32
        %add3A_526 = arith.constant 16 : i32
        %add3A_527 = arith.addi %add3A_525, %add3A_526 : i32
        %get3A_528 = arith.index_cast %add3A_527 : i32 to index
        %get3A_529 = tpu.vector_load %arg16[%get3A_528] {strides = array<i32>} : memref<16384xi32, #tpu.memory_space<vmem>>, vector<16xi32>,
        %gather3A_530 = tpu.vector_load_idx %arg17[%get3A_529] : memref<100000xf32, #tpu.memory_space<vmem>>[vector<16xi32>], vector<16xf32>,
        %add3A_531 = arith.constant 16 : i32
        %add3A_532 = arith.addi %mul3A_513, %add3A_531 : i32
        %swap3A_533 = arith.index_cast %add3A_532 : i32 to index
        %swap3A_534 = tpu.vector_load %arg19[%swap3A_533] {strides = array<i32>} : memref<2048xf32, #tpu.memory_space<vmem>>, vector<16xf32>,
        tpu.vector_store %arg19[%swap3A_533], %gather3A_530 {strides = array<i32>} : memref<2048xf32, #tpu.memory_space<vmem>>, vector<16xf32>,
        %mul3A_535 = arith.constant 2048 : i32
        %mul3A_536 = arith.muli %add3A_490, %mul3A_535 : i32
        %add3A_537 = arith.addi %mul3A_536, %mul3A_513 : i32
        %add3A_538 = arith.constant 32 : i32
        %add3A_539 = arith.addi %add3A_537, %add3A_538 : i32
        %get3A_540 = arith.index_cast %add3A_539 : i32 to index
        %get3A_541 = tpu.vector_load %arg16[%get3A_540] {strides = array<i32>} : memref<16384xi32, #tpu.memory_space<vmem>>, vector<16xi32>,
        %gather3A_542 = tpu.vector_load_idx %arg17[%get3A_541] : memref<100000xf32, #tpu.memory_space<vmem>>[vector<16xi32>], vector<16xf32>,
        %add3A_543 = arith.constant 32 : i32
        %add3A_544 = arith.addi %mul3A_513, %add3A_543 : i32
        %swap3A_545 = arith.index_cast %add3A_544 : i32 to index
        %swap3A_546 = tpu.vector_load %arg19[%swap3A_545] {strides = array<i32>} : memref<2048xf32, #tpu.memory_space<vmem>>, vector<16xf32>,
        tpu.vector_store %arg19[%swap3A_545], %gather3A_542 {strides = array<i32>} : memref<2048xf32, #tpu.memory_space<vmem>>, vector<16xf32>,
        %mul3A_547 = arith.constant 2048 : i32
        %mul3A_548 = arith.muli %add3A_490, %mul3A_547 : i32
        %add3A_549 = arith.addi %mul3A_548, %mul3A_513 : i32
        %add3A_550 = arith.constant 48 : i32
        %add3A_551 = arith.addi %add3A_549, %add3A_550 : i32
        %get3A_552 = arith.index_cast %add3A_551 : i32 to index
        %get3A_553 = tpu.vector_load %arg16[%get3A_552] {strides = array<i32>} : memref<16384xi32, #tpu.memory_space<vmem>>, vector<16xi32>,
        %gather3A_554 = tpu.vector_load_idx %arg17[%get3A_553] : memref<100000xf32, #tpu.memory_space<vmem>>[vector<16xi32>], vector<16xf32>,
        %add3A_555 = arith.constant 48 : i32
        %add3A_556 = arith.addi %mul3A_513, %add3A_555 : i32
        %swap3A_557 = arith.index_cast %add3A_556 : i32 to index
        %swap3A_558 = tpu.vector_load %arg19[%swap3A_557] {strides = array<i32>} : memref<2048xf32, #tpu.memory_space<vmem>>, vector<16xf32>,
        tpu.vector_store %arg19[%swap3A_557], %gather3A_554 {strides = array<i32>} : memref<2048xf32, #tpu.memory_space<vmem>>, vector<16xf32>,
        %mul3A_559 = arith.constant 2048 : i32
        %mul3A_560 = arith.muli %add3A_490, %mul3A_559 : i32
        %add3A_561 = arith.addi %mul3A_560, %mul3A_513 : i32
        %add3A_562 = arith.constant 64 : i32
        %add3A_563 = arith.addi %add3A_561, %add3A_562 : i32
        %get3A_564 = arith.index_cast %add3A_563 : i32 to index
        %get3A_565 = tpu.vector_load %arg16[%get3A_564] {strides = array<i32>} : memref<16384xi32, #tpu.memory_space<vmem>>, vector<16xi32>,
        %gather3A_566 = tpu.vector_load_idx %arg17[%get3A_565] : memref<100000xf32, #tpu.memory_space<vmem>>[vector<16xi32>], vector<16xf32>,
        %add3A_567 = arith.constant 64 : i32
        %add3A_568 = arith.addi %mul3A_513, %add3A_567 : i32
        %swap3A_569 = arith.index_cast %add3A_568 : i32 to index
        %swap3A_570 = tpu.vector_load %arg19[%swap3A_569] {strides = array<i32>} : memref<2048xf32, #tpu.memory_space<vmem>>, vector<16xf32>,
        tpu.vector_store %arg19[%swap3A_569], %gather3A_566 {strides = array<i32>} : memref<2048xf32, #tpu.memory_space<vmem>>, vector<16xf32>,
        %mul3A_571 = arith.constant 2048 : i32
        %mul3A_572 = arith.muli %add3A_490, %mul3A_571 : i32
        %add3A_573 = arith.addi %mul3A_572, %mul3A_513 : i32
        %add3A_574 = arith.constant 80 : i32
        %add3A_575 = arith.addi %add3A_573, %add3A_574 : i32
        %get3A_576 = arith.index_cast %add3A_575 : i32 to index
        %get3A_577 = tpu.vector_load %arg16[%get3A_576] {strides = array<i32>} : memref<16384xi32, #tpu.memory_space<vmem>>, vector<16xi32>,
        %gather3A_578 = tpu.vector_load_idx %arg17[%get3A_577] : memref<100000xf32, #tpu.memory_space<vmem>>[vector<16xi32>], vector<16xf32>,
        %add3A_579 = arith.constant 80 : i32
        %add3A_580 = arith.addi %mul3A_513, %add3A_579 : i32
        %swap3A_581 = arith.index_cast %add3A_580 : i32 to index
        %swap3A_582 = tpu.vector_load %arg19[%swap3A_581] {strides = array<i32>} : memref<2048xf32, #tpu.memory_space<vmem>>, vector<16xf32>,
        tpu.vector_store %arg19[%swap3A_581], %gather3A_578 {strides = array<i32>} : memref<2048xf32, #tpu.memory_space<vmem>>, vector<16xf32>,
        %mul3A_583 = arith.constant 2048 : i32
        %mul3A_584 = arith.muli %add3A_490, %mul3A_583 : i32
        %add3A_585 = arith.addi %mul3A_584, %mul3A_513 : i32
        %add3A_586 = arith.constant 96 : i32
        %add3A_587 = arith.addi %add3A_585, %add3A_586 : i32
        %get3A_588 = arith.index_cast %add3A_587 : i32 to index
        %get3A_589 = tpu.vector_load %arg16[%get3A_588] {strides = array<i32>} : memref<16384xi32, #tpu.memory_space<vmem>>, vector<16xi32>,
        %gather3A_590 = tpu.vector_load_idx %arg17[%get3A_589] : memref<100000xf32, #tpu.memory_space<vmem>>[vector<16xi32>], vector<16xf32>,
        %add3A_591 = arith.constant 96 : i32
        %add3A_592 = arith.addi %mul3A_513, %add3A_591 : i32
        %swap3A_593 = arith.index_cast %add3A_592 : i32 to index
        %swap3A_594 = tpu.vector_load %arg19[%swap3A_593] {strides = array<i32>} : memref<2048xf32, #tpu.memory_space<vmem>>, vector<16xf32>,
        tpu.vector_store %arg19[%swap3A_593], %gather3A_590 {strides = array<i32>} : memref<2048xf32, #tpu.memory_space<vmem>>, vector<16xf32>,
        %mul3A_595 = arith.constant 2048 : i32
        %mul3A_596 = arith.muli %add3A_490, %mul3A_595 : i32
        %add3A_597 = arith.addi %mul3A_596, %mul3A_513 : i32
        %add3A_598 = arith.constant 112 : i32
        %add3A_599 = arith.addi %add3A_597, %add3A_598 : i32
        %get3A_600 = arith.index_cast %add3A_599 : i32 to index
        %get3A_601 = tpu.vector_load %arg16[%get3A_600] {strides = array<i32>} : memref<16384xi32, #tpu.memory_space<vmem>>, vector<16xi32>,
        %gather3A_602 = tpu.vector_load_idx %arg17[%get3A_601] : memref<100000xf32, #tpu.memory_space<vmem>>[vector<16xi32>], vector<16xf32>,
        %add3A_603 = arith.constant 112 : i32
        %add3A_604 = arith.addi %mul3A_513, %add3A_603 : i32
        %swap3A_605 = arith.index_cast %add3A_604 : i32 to index
        %swap3A_606 = tpu.vector_load %arg19[%swap3A_605] {strides = array<i32>} : memref<2048xf32, #tpu.memory_space<vmem>>, vector<16xf32>,
        tpu.vector_store %arg19[%swap3A_605], %gather3A_602 {strides = array<i32>} : memref<2048xf32, #tpu.memory_space<vmem>>, vector<16xf32>,
        %scan3A_607 = arith.constant 0 : i32
        scf.yield %scan3A_607 : i32
      }
      %scan3A_502 = arith.constant 16 : i32
      %mul3A_503 = arith.constant 2048 : i32
      %mul3A_504 = arith.muli %add3A_490, %mul3A_503 : i32
      %dma_start3A_505 = tpu.memref_slice %arg14[%add3A_350, %mul3A_504] : memref<64x16384xf32, #tpu.memory_space<hbm>> -> memref<1x2048xf32, #tpu.memory_space<hbm>>
      %dma_start3A_506 = tpu.memref_squeeze %dma_start3A_505 : memref<1x2048xf32, #tpu.memory_space<hbm>> -> memref<2048xf32, #tpu.memory_space<hbm>>
      %dma_start3A_507 = tpu.memref_slice %arg14[%add3A_350, %mul3A_504] : memref<64x16384xf32, #tpu.memory_space<hbm>> -> memref<1x2048xf32, #tpu.memory_space<hbm>>
      %dma_start3A_508 = tpu.memref_squeeze %dma_start3A_507 : memref<1x2048xf32, #tpu.memory_space<hbm>> -> memref<2048xf32, #tpu.memory_space<hbm>>
      tpu.enqueue_dma source(%arg19 : memref<2048xf32, #tpu.memory_space<vmem>>) target(%dma_start3A_508 : memref<2048xf32, #tpu.memory_space<hbm>>) target_semaphore(%arg21 : memref<!tpu.dma_semaphore, #tpu.memory_space<semaphore_mem>>)
      %scan3A_509 = arith.constant 0 : i32
      scf.yield %scan3A_509 : i32
    }
    %scan3A_375 = arith.constant 4 : i32
    %mul3A_376 = arith.constant 2 : i32
    %mul3A_377 = arith.muli %add3A, %mul3A_376 : i32
    %add3A_378 = arith.constant 0 : i32
    %add3A_379 = arith.addi %mul3A_377, %add3A_378 : i32
    %dma_start3A_380 = arith.constant 0 : i32
    %dma_start3A_381 = tpu.memref_slice %arg9[%add3A_379, %dma_start3A_380] : memref<64x100000xf32, #tpu.memory_space<hbm>> -> memref<1x100000xf32, #tpu.memory_space<hbm>>
    %dma_start3A_382 = tpu.memref_squeeze %dma_start3A_381 : memref<1x100000xf32, #tpu.memory_space<hbm>> -> memref<100000xf32, #tpu.memory_space<hbm>>
    %dma_start3A_383 = arith.constant 0 : i32
    %dma_start3A_384 = tpu.memref_slice %arg9[%add3A_379, %dma_start3A_383] : memref<64x100000xf32, #tpu.memory_space<hbm>> -> memref<1x100000xf32, #tpu.memory_space<hbm>>
    %dma_start3A_385 = tpu.memref_squeeze %dma_start3A_384 : memref<1x100000xf32, #tpu.memory_space<hbm>> -> memref<100000xf32, #tpu.memory_space<hbm>>
    tpu.enqueue_dma source(%dma_start3A_385 : memref<100000xf32, #tpu.memory_space<hbm>>) target(%arg17 : memref<100000xf32, #tpu.memory_space<vmem>>) target_semaphore(%arg22 : memref<!tpu.dma_semaphore, #tpu.memory_space<semaphore_mem>>)
    %mul3A_386 = arith.constant 2 : i32
    %mul3A_387 = arith.muli %add3A, %mul3A_386 : i32
    %add3A_388 = arith.constant 0 : i32
    %add3A_389 = arith.addi %mul3A_387, %add3A_388 : i32
    %dma_wait3A_390 = arith.constant 0 : i32
    %dma_wait3A_391 = tpu.memref_slice %arg9[%add3A_379, %dma_wait3A_390] : memref<64x100000xf32, #tpu.memory_space<hbm>> -> memref<1x100000xf32, #tpu.memory_space<hbm>>
    %dma_wait3A_392 = tpu.memref_squeeze %dma_wait3A_391 : memref<1x100000xf32, #tpu.memory_space<hbm>> -> memref<100000xf32, #tpu.memory_space<hbm>>
    %dma_wait3A_393 = arith.constant 0 : i32
    %dma_wait3A_394 = tpu.memref_slice %arg9[%add3A_379, %dma_wait3A_393] : memref<64x100000xf32, #tpu.memory_space<hbm>> -> memref<1x100000xf32, #tpu.memory_space<hbm>>
    %dma_wait3A_395 = tpu.memref_squeeze %dma_wait3A_394 : memref<1x100000xf32, #tpu.memory_space<hbm>> -> memref<100000xf32, #tpu.memory_space<hbm>>
    tpu.wait_dma2 semaphore(%arg22 : memref<!tpu.dma_semaphore, #tpu.memory_space<semaphore_mem>>) src(%dma_wait3A_395 : memref<100000xf32, #tpu.memory_space<hbm>>) dst(%arg17 : memref<100000xf32, #tpu.memory_space<vmem>>)
    %dma_wait3A_396 = arith.constant 0 : i32
    %dma_wait3A_397 = tpu.memref_slice %arg14[%add3A_350, %dma_wait3A_396] : memref<64x16384xf32, #tpu.memory_space<hbm>> -> memref<1x2048xf32, #tpu.memory_space<hbm>>
    %dma_wait3A_398 = tpu.memref_squeeze %dma_wait3A_397 : memref<1x2048xf32, #tpu.memory_space<hbm>> -> memref<2048xf32, #tpu.memory_space<hbm>>
    %dma_wait3A_399 = arith.constant 0 : i32
    %dma_wait3A_400 = tpu.memref_slice %arg14[%add3A_350, %dma_wait3A_399] : memref<64x16384xf32, #tpu.memory_space<hbm>> -> memref<1x2048xf32, #tpu.memory_space<hbm>>
    %dma_wait3A_401 = tpu.memref_squeeze %dma_wait3A_400 : memref<1x2048xf32, #tpu.memory_space<hbm>> -> memref<2048xf32, #tpu.memory_space<hbm>>
    tpu.wait_dma2 semaphore(%arg20 : memref<!tpu.dma_semaphore, #tpu.memory_space<semaphore_mem>>) src(%arg18 : memref<2048xf32, #tpu.memory_space<vmem>>) dst(%dma_wait3A_401 : memref<2048xf32, #tpu.memory_space<hbm>>)
    %dma_wait3A_402 = arith.constant 0 : i32
    %dma_wait3A_403 = tpu.memref_slice %arg14[%add3A_350, %dma_wait3A_402] : memref<64x16384xf32, #tpu.memory_space<hbm>> -> memref<1x2048xf32, #tpu.memory_space<hbm>>
    %dma_wait3A_404 = tpu.memref_squeeze %dma_wait3A_403 : memref<1x2048xf32, #tpu.memory_space<hbm>> -> memref<2048xf32, #tpu.memory_space<hbm>>
    %dma_wait3A_405 = arith.constant 0 : i32
    %dma_wait3A_406 = tpu.memref_slice %arg14[%add3A_350, %dma_wait3A_405] : memref<64x16384xf32, #tpu.memory_space<hbm>> -> memref<1x2048xf32, #tpu.memory_space<hbm>>
    %dma_wait3A_407 = tpu.memref_squeeze %dma_wait3A_406 : memref<1x2048xf32, #tpu.memory_space<hbm>> -> memref<2048xf32, #tpu.memory_space<hbm>>
    tpu.wait_dma2 semaphore(%arg21 : memref<!tpu.dma_semaphore, #tpu.memory_space<semaphore_mem>>) src(%arg19 : memref<2048xf32, #tpu.memory_space<vmem>>) dst(%dma_wait3A_407 : memref<2048xf32, #tpu.memory_space<hbm>>)
    %scan3A_408 = arith.constant 0 : i32
    %scan3A_409 = arith.constant 0 : i32
    %scan3A_410 = arith.constant 4 : i32
    %scan3A_411 = arith.addi %scan3A_409, %scan3A_410 : i32
    %scan3A_412 = arith.constant 1 : i32
    %scan3A_413 = scf.for %scan3A_466 = %scan3A_409 to %scan3A_411 step %scan3A_412 iter_args(%scan3A_467 = %scan3A_408) -> (i32)  : i32 {
      %mul3A_468 = arith.constant 2 : i32
      %mul3A_469 = arith.muli %scan3A_466, %mul3A_468 : i32
      %add3A_470 = arith.constant 0 : i32
      %add3A_471 = arith.addi %mul3A_469, %add3A_470 : i32
      %gt3A = arith.constant 0 : i32
      %gt3A_472 = arith.cmpi sgt, %scan3A_466, %gt3A : i32
      %convert_element_type3A = arith.extui %gt3A_472 : i1 to i32
      %cond3A = arith.constant 0 : i32
      %cond3A_473 = arith.cmpi ne, %convert_element_type3A, %cond3A : i32
      scf.if %cond3A_473 {
        %dma_wait3A_510 = arith.constant 0 : i32
        %dma_wait3A_511 = tpu.memref_slice %arg15[%add3A_389, %dma_wait3A_510] : memref<64x16384xf32, #tpu.memory_space<hbm>> -> memref<1x2048xf32, #tpu.memory_space<hbm>>
        %dma_wait3A_512 = tpu.memref_squeeze %dma_wait3A_511 : memref<1x2048xf32, #tpu.memory_space<hbm>> -> memref<2048xf32, #tpu.memory_space<hbm>>
        %dma_wait3A_513 = arith.constant 0 : i32
        %dma_wait3A_514 = tpu.memref_slice %arg15[%add3A_389, %dma_wait3A_513] : memref<64x16384xf32, #tpu.memory_space<hbm>> -> memref<1x2048xf32, #tpu.memory_space<hbm>>
        %dma_wait3A_515 = tpu.memref_squeeze %dma_wait3A_514 : memref<1x2048xf32, #tpu.memory_space<hbm>> -> memref<2048xf32, #tpu.memory_space<hbm>>
        tpu.wait_dma2 semaphore(%arg20 : memref<!tpu.dma_semaphore, #tpu.memory_space<semaphore_mem>>) src(%arg18 : memref<2048xf32, #tpu.memory_space<vmem>>) dst(%dma_wait3A_515 : memref<2048xf32, #tpu.memory_space<hbm>>)
      } else {
      }
      %scan3A_474 = arith.constant 0 : i32
      %scan3A_475 = arith.constant 0 : i32
      %scan3A_476 = arith.constant 16 : i32
      %scan3A_477 = arith.addi %scan3A_475, %scan3A_476 : i32
      %scan3A_478 = arith.constant 1 : i32
      %scan3A_479 = scf.for %scan3A_510 = %scan3A_475 to %scan3A_477 step %scan3A_478 iter_args(%scan3A_511 = %scan3A_474) -> (i32)  : i32 {
        %mul3A_512 = arith.constant 128 : i32
        %mul3A_513 = arith.muli %scan3A_510, %mul3A_512 : i32
        %mul3A_514 = arith.constant 2048 : i32
        %mul3A_515 = arith.muli %add3A_471, %mul3A_514 : i32
        %add3A_516 = arith.addi %mul3A_515, %mul3A_513 : i32
        %add3A_517 = arith.constant 0 : i32
        %add3A_518 = arith.addi %add3A_516, %add3A_517 : i32
        %get3A = arith.index_cast %add3A_518 : i32 to index
        %get3A_519 = tpu.vector_load %arg16[%get3A] {strides = array<i32>} : memref<16384xi32, #tpu.memory_space<vmem>>, vector<16xi32>,
        %gather3A = tpu.vector_load_idx %arg17[%get3A_519] : memref<100000xf32, #tpu.memory_space<vmem>>[vector<16xi32>], vector<16xf32>,
        %add3A_520 = arith.constant 0 : i32
        %add3A_521 = arith.addi %mul3A_513, %add3A_520 : i32
        %swap3A = arith.index_cast %add3A_521 : i32 to index
        %swap3A_522 = tpu.vector_load %arg18[%swap3A] {strides = array<i32>} : memref<2048xf32, #tpu.memory_space<vmem>>, vector<16xf32>,
        tpu.vector_store %arg18[%swap3A], %gather3A {strides = array<i32>} : memref<2048xf32, #tpu.memory_space<vmem>>, vector<16xf32>,
        %mul3A_523 = arith.constant 2048 : i32
        %mul3A_524 = arith.muli %add3A_471, %mul3A_523 : i32
        %add3A_525 = arith.addi %mul3A_524, %mul3A_513 : i32
        %add3A_526 = arith.constant 16 : i32
        %add3A_527 = arith.addi %add3A_525, %add3A_526 : i32
        %get3A_528 = arith.index_cast %add3A_527 : i32 to index
        %get3A_529 = tpu.vector_load %arg16[%get3A_528] {strides = array<i32>} : memref<16384xi32, #tpu.memory_space<vmem>>, vector<16xi32>,
        %gather3A_530 = tpu.vector_load_idx %arg17[%get3A_529] : memref<100000xf32, #tpu.memory_space<vmem>>[vector<16xi32>], vector<16xf32>,
        %add3A_531 = arith.constant 16 : i32
        %add3A_532 = arith.addi %mul3A_513, %add3A_531 : i32
        %swap3A_533 = arith.index_cast %add3A_532 : i32 to index
        %swap3A_534 = tpu.vector_load %arg18[%swap3A_533] {strides = array<i32>} : memref<2048xf32, #tpu.memory_space<vmem>>, vector<16xf32>,
        tpu.vector_store %arg18[%swap3A_533], %gather3A_530 {strides = array<i32>} : memref<2048xf32, #tpu.memory_space<vmem>>, vector<16xf32>,
        %mul3A_535 = arith.constant 2048 : i32
        %mul3A_536 = arith.muli %add3A_471, %mul3A_535 : i32
        %add3A_537 = arith.addi %mul3A_536, %mul3A_513 : i32
        %add3A_538 = arith.constant 32 : i32
        %add3A_539 = arith.addi %add3A_537, %add3A_538 : i32
        %get3A_540 = arith.index_cast %add3A_539 : i32 to index
        %get3A_541 = tpu.vector_load %arg16[%get3A_540] {strides = array<i32>} : memref<16384xi32, #tpu.memory_space<vmem>>, vector<16xi32>,
        %gather3A_542 = tpu.vector_load_idx %arg17[%get3A_541] : memref<100000xf32, #tpu.memory_space<vmem>>[vector<16xi32>], vector<16xf32>,
        %add3A_543 = arith.constant 32 : i32
        %add3A_544 = arith.addi %mul3A_513, %add3A_543 : i32
        %swap3A_545 = arith.index_cast %add3A_544 : i32 to index
        %swap3A_546 = tpu.vector_load %arg18[%swap3A_545] {strides = array<i32>} : memref<2048xf32, #tpu.memory_space<vmem>>, vector<16xf32>,
        tpu.vector_store %arg18[%swap3A_545], %gather3A_542 {strides = array<i32>} : memref<2048xf32, #tpu.memory_space<vmem>>, vector<16xf32>,
        %mul3A_547 = arith.constant 2048 : i32
        %mul3A_548 = arith.muli %add3A_471, %mul3A_547 : i32
        %add3A_549 = arith.addi %mul3A_548, %mul3A_513 : i32
        %add3A_550 = arith.constant 48 : i32
        %add3A_551 = arith.addi %add3A_549, %add3A_550 : i32
        %get3A_552 = arith.index_cast %add3A_551 : i32 to index
        %get3A_553 = tpu.vector_load %arg16[%get3A_552] {strides = array<i32>} : memref<16384xi32, #tpu.memory_space<vmem>>, vector<16xi32>,
        %gather3A_554 = tpu.vector_load_idx %arg17[%get3A_553] : memref<100000xf32, #tpu.memory_space<vmem>>[vector<16xi32>], vector<16xf32>,
        %add3A_555 = arith.constant 48 : i32
        %add3A_556 = arith.addi %mul3A_513, %add3A_555 : i32
        %swap3A_557 = arith.index_cast %add3A_556 : i32 to index
        %swap3A_558 = tpu.vector_load %arg18[%swap3A_557] {strides = array<i32>} : memref<2048xf32, #tpu.memory_space<vmem>>, vector<16xf32>,
        tpu.vector_store %arg18[%swap3A_557], %gather3A_554 {strides = array<i32>} : memref<2048xf32, #tpu.memory_space<vmem>>, vector<16xf32>,
        %mul3A_559 = arith.constant 2048 : i32
        %mul3A_560 = arith.muli %add3A_471, %mul3A_559 : i32
        %add3A_561 = arith.addi %mul3A_560, %mul3A_513 : i32
        %add3A_562 = arith.constant 64 : i32
        %add3A_563 = arith.addi %add3A_561, %add3A_562 : i32
        %get3A_564 = arith.index_cast %add3A_563 : i32 to index
        %get3A_565 = tpu.vector_load %arg16[%get3A_564] {strides = array<i32>} : memref<16384xi32, #tpu.memory_space<vmem>>, vector<16xi32>,
        %gather3A_566 = tpu.vector_load_idx %arg17[%get3A_565] : memref<100000xf32, #tpu.memory_space<vmem>>[vector<16xi32>], vector<16xf32>,
        %add3A_567 = arith.constant 64 : i32
        %add3A_568 = arith.addi %mul3A_513, %add3A_567 : i32
        %swap3A_569 = arith.index_cast %add3A_568 : i32 to index
        %swap3A_570 = tpu.vector_load %arg18[%swap3A_569] {strides = array<i32>} : memref<2048xf32, #tpu.memory_space<vmem>>, vector<16xf32>,
        tpu.vector_store %arg18[%swap3A_569], %gather3A_566 {strides = array<i32>} : memref<2048xf32, #tpu.memory_space<vmem>>, vector<16xf32>,
        %mul3A_571 = arith.constant 2048 : i32
        %mul3A_572 = arith.muli %add3A_471, %mul3A_571 : i32
        %add3A_573 = arith.addi %mul3A_572, %mul3A_513 : i32
        %add3A_574 = arith.constant 80 : i32
        %add3A_575 = arith.addi %add3A_573, %add3A_574 : i32
        %get3A_576 = arith.index_cast %add3A_575 : i32 to index
        %get3A_577 = tpu.vector_load %arg16[%get3A_576] {strides = array<i32>} : memref<16384xi32, #tpu.memory_space<vmem>>, vector<16xi32>,
        %gather3A_578 = tpu.vector_load_idx %arg17[%get3A_577] : memref<100000xf32, #tpu.memory_space<vmem>>[vector<16xi32>], vector<16xf32>,
        %add3A_579 = arith.constant 80 : i32
        %add3A_580 = arith.addi %mul3A_513, %add3A_579 : i32
        %swap3A_581 = arith.index_cast %add3A_580 : i32 to index
        %swap3A_582 = tpu.vector_load %arg18[%swap3A_581] {strides = array<i32>} : memref<2048xf32, #tpu.memory_space<vmem>>, vector<16xf32>,
        tpu.vector_store %arg18[%swap3A_581], %gather3A_578 {strides = array<i32>} : memref<2048xf32, #tpu.memory_space<vmem>>, vector<16xf32>,
        %mul3A_583 = arith.constant 2048 : i32
        %mul3A_584 = arith.muli %add3A_471, %mul3A_583 : i32
        %add3A_585 = arith.addi %mul3A_584, %mul3A_513 : i32
        %add3A_586 = arith.constant 96 : i32
        %add3A_587 = arith.addi %add3A_585, %add3A_586 : i32
        %get3A_588 = arith.index_cast %add3A_587 : i32 to index
        %get3A_589 = tpu.vector_load %arg16[%get3A_588] {strides = array<i32>} : memref<16384xi32, #tpu.memory_space<vmem>>, vector<16xi32>,
        %gather3A_590 = tpu.vector_load_idx %arg17[%get3A_589] : memref<100000xf32, #tpu.memory_space<vmem>>[vector<16xi32>], vector<16xf32>,
        %add3A_591 = arith.constant 96 : i32
        %add3A_592 = arith.addi %mul3A_513, %add3A_591 : i32
        %swap3A_593 = arith.index_cast %add3A_592 : i32 to index
        %swap3A_594 = tpu.vector_load %arg18[%swap3A_593] {strides = array<i32>} : memref<2048xf32, #tpu.memory_space<vmem>>, vector<16xf32>,
        tpu.vector_store %arg18[%swap3A_593], %gather3A_590 {strides = array<i32>} : memref<2048xf32, #tpu.memory_space<vmem>>, vector<16xf32>,
        %mul3A_595 = arith.constant 2048 : i32
        %mul3A_596 = arith.muli %add3A_471, %mul3A_595 : i32
        %add3A_597 = arith.addi %mul3A_596, %mul3A_513 : i32
        %add3A_598 = arith.constant 112 : i32
        %add3A_599 = arith.addi %add3A_597, %add3A_598 : i32
        %get3A_600 = arith.index_cast %add3A_599 : i32 to index
        %get3A_601 = tpu.vector_load %arg16[%get3A_600] {strides = array<i32>} : memref<16384xi32, #tpu.memory_space<vmem>>, vector<16xi32>,
        %gather3A_602 = tpu.vector_load_idx %arg17[%get3A_601] : memref<100000xf32, #tpu.memory_space<vmem>>[vector<16xi32>], vector<16xf32>,
        %add3A_603 = arith.constant 112 : i32
        %add3A_604 = arith.addi %mul3A_513, %add3A_603 : i32
        %swap3A_605 = arith.index_cast %add3A_604 : i32 to index
        %swap3A_606 = tpu.vector_load %arg18[%swap3A_605] {strides = array<i32>} : memref<2048xf32, #tpu.memory_space<vmem>>, vector<16xf32>,
        tpu.vector_store %arg18[%swap3A_605], %gather3A_602 {strides = array<i32>} : memref<2048xf32, #tpu.memory_space<vmem>>, vector<16xf32>,
        %scan3A_607 = arith.constant 0 : i32
        scf.yield %scan3A_607 : i32
      }
      %scan3A_480 = arith.constant 16 : i32
      %mul3A_481 = arith.constant 2048 : i32
      %mul3A_482 = arith.muli %add3A_471, %mul3A_481 : i32
      %dma_start3A_483 = tpu.memref_slice %arg15[%add3A_389, %mul3A_482] : memref<64x16384xf32, #tpu.memory_space<hbm>> -> memref<1x2048xf32, #tpu.memory_space<hbm>>
      %dma_start3A_484 = tpu.memref_squeeze %dma_start3A_483 : memref<1x2048xf32, #tpu.memory_space<hbm>> -> memref<2048xf32, #tpu.memory_space<hbm>>
      %dma_start3A_485 = tpu.memref_slice %arg15[%add3A_389, %mul3A_482] : memref<64x16384xf32, #tpu.memory_space<hbm>> -> memref<1x2048xf32, #tpu.memory_space<hbm>>
      %dma_start3A_486 = tpu.memref_squeeze %dma_start3A_485 : memref<1x2048xf32, #tpu.memory_space<hbm>> -> memref<2048xf32, #tpu.memory_space<hbm>>
      tpu.enqueue_dma source(%arg18 : memref<2048xf32, #tpu.memory_space<vmem>>) target(%dma_start3A_486 : memref<2048xf32, #tpu.memory_space<hbm>>) target_semaphore(%arg20 : memref<!tpu.dma_semaphore, #tpu.memory_space<semaphore_mem>>)
      %mul3A_487 = arith.constant 2 : i32
      %mul3A_488 = arith.muli %scan3A_466, %mul3A_487 : i32
      %add3A_489 = arith.constant 1 : i32
      %add3A_490 = arith.addi %mul3A_488, %add3A_489 : i32
      %gt3A_491 = arith.constant 0 : i32
      %gt3A_492 = arith.cmpi sgt, %scan3A_466, %gt3A_491 : i32
      %convert_element_type3A_493 = arith.extui %gt3A_492 : i1 to i32
      %cond3A_494 = arith.constant 0 : i32
      %cond3A_495 = arith.cmpi ne, %convert_element_type3A_493, %cond3A_494 : i32
      scf.if %cond3A_495 {
        %dma_wait3A_510 = arith.constant 0 : i32
        %dma_wait3A_511 = tpu.memref_slice %arg15[%add3A_389, %dma_wait3A_510] : memref<64x16384xf32, #tpu.memory_space<hbm>> -> memref<1x2048xf32, #tpu.memory_space<hbm>>
        %dma_wait3A_512 = tpu.memref_squeeze %dma_wait3A_511 : memref<1x2048xf32, #tpu.memory_space<hbm>> -> memref<2048xf32, #tpu.memory_space<hbm>>
        %dma_wait3A_513 = arith.constant 0 : i32
        %dma_wait3A_514 = tpu.memref_slice %arg15[%add3A_389, %dma_wait3A_513] : memref<64x16384xf32, #tpu.memory_space<hbm>> -> memref<1x2048xf32, #tpu.memory_space<hbm>>
        %dma_wait3A_515 = tpu.memref_squeeze %dma_wait3A_514 : memref<1x2048xf32, #tpu.memory_space<hbm>> -> memref<2048xf32, #tpu.memory_space<hbm>>
        tpu.wait_dma2 semaphore(%arg21 : memref<!tpu.dma_semaphore, #tpu.memory_space<semaphore_mem>>) src(%arg19 : memref<2048xf32, #tpu.memory_space<vmem>>) dst(%dma_wait3A_515 : memref<2048xf32, #tpu.memory_space<hbm>>)
      } else {
      }
      %scan3A_496 = arith.constant 0 : i32
      %scan3A_497 = arith.constant 0 : i32
      %scan3A_498 = arith.constant 16 : i32
      %scan3A_499 = arith.addi %scan3A_497, %scan3A_498 : i32
      %scan3A_500 = arith.constant 1 : i32
      %scan3A_501 = scf.for %scan3A_510 = %scan3A_497 to %scan3A_499 step %scan3A_500 iter_args(%scan3A_511 = %scan3A_496) -> (i32)  : i32 {
        %mul3A_512 = arith.constant 128 : i32
        %mul3A_513 = arith.muli %scan3A_510, %mul3A_512 : i32
        %mul3A_514 = arith.constant 2048 : i32
        %mul3A_515 = arith.muli %add3A_490, %mul3A_514 : i32
        %add3A_516 = arith.addi %mul3A_515, %mul3A_513 : i32
        %add3A_517 = arith.constant 0 : i32
        %add3A_518 = arith.addi %add3A_516, %add3A_517 : i32
        %get3A = arith.index_cast %add3A_518 : i32 to index
        %get3A_519 = tpu.vector_load %arg16[%get3A] {strides = array<i32>} : memref<16384xi32, #tpu.memory_space<vmem>>, vector<16xi32>,
        %gather3A = tpu.vector_load_idx %arg17[%get3A_519] : memref<100000xf32, #tpu.memory_space<vmem>>[vector<16xi32>], vector<16xf32>,
        %add3A_520 = arith.constant 0 : i32
        %add3A_521 = arith.addi %mul3A_513, %add3A_520 : i32
        %swap3A = arith.index_cast %add3A_521 : i32 to index
        %swap3A_522 = tpu.vector_load %arg19[%swap3A] {strides = array<i32>} : memref<2048xf32, #tpu.memory_space<vmem>>, vector<16xf32>,
        tpu.vector_store %arg19[%swap3A], %gather3A {strides = array<i32>} : memref<2048xf32, #tpu.memory_space<vmem>>, vector<16xf32>,
        %mul3A_523 = arith.constant 2048 : i32
        %mul3A_524 = arith.muli %add3A_490, %mul3A_523 : i32
        %add3A_525 = arith.addi %mul3A_524, %mul3A_513 : i32
        %add3A_526 = arith.constant 16 : i32
        %add3A_527 = arith.addi %add3A_525, %add3A_526 : i32
        %get3A_528 = arith.index_cast %add3A_527 : i32 to index
        %get3A_529 = tpu.vector_load %arg16[%get3A_528] {strides = array<i32>} : memref<16384xi32, #tpu.memory_space<vmem>>, vector<16xi32>,
        %gather3A_530 = tpu.vector_load_idx %arg17[%get3A_529] : memref<100000xf32, #tpu.memory_space<vmem>>[vector<16xi32>], vector<16xf32>,
        %add3A_531 = arith.constant 16 : i32
        %add3A_532 = arith.addi %mul3A_513, %add3A_531 : i32
        %swap3A_533 = arith.index_cast %add3A_532 : i32 to index
        %swap3A_534 = tpu.vector_load %arg19[%swap3A_533] {strides = array<i32>} : memref<2048xf32, #tpu.memory_space<vmem>>, vector<16xf32>,
        tpu.vector_store %arg19[%swap3A_533], %gather3A_530 {strides = array<i32>} : memref<2048xf32, #tpu.memory_space<vmem>>, vector<16xf32>,
        %mul3A_535 = arith.constant 2048 : i32
        %mul3A_536 = arith.muli %add3A_490, %mul3A_535 : i32
        %add3A_537 = arith.addi %mul3A_536, %mul3A_513 : i32
        %add3A_538 = arith.constant 32 : i32
        %add3A_539 = arith.addi %add3A_537, %add3A_538 : i32
        %get3A_540 = arith.index_cast %add3A_539 : i32 to index
        %get3A_541 = tpu.vector_load %arg16[%get3A_540] {strides = array<i32>} : memref<16384xi32, #tpu.memory_space<vmem>>, vector<16xi32>,
        %gather3A_542 = tpu.vector_load_idx %arg17[%get3A_541] : memref<100000xf32, #tpu.memory_space<vmem>>[vector<16xi32>], vector<16xf32>,
        %add3A_543 = arith.constant 32 : i32
        %add3A_544 = arith.addi %mul3A_513, %add3A_543 : i32
        %swap3A_545 = arith.index_cast %add3A_544 : i32 to index
        %swap3A_546 = tpu.vector_load %arg19[%swap3A_545] {strides = array<i32>} : memref<2048xf32, #tpu.memory_space<vmem>>, vector<16xf32>,
        tpu.vector_store %arg19[%swap3A_545], %gather3A_542 {strides = array<i32>} : memref<2048xf32, #tpu.memory_space<vmem>>, vector<16xf32>,
        %mul3A_547 = arith.constant 2048 : i32
        %mul3A_548 = arith.muli %add3A_490, %mul3A_547 : i32
        %add3A_549 = arith.addi %mul3A_548, %mul3A_513 : i32
        %add3A_550 = arith.constant 48 : i32
        %add3A_551 = arith.addi %add3A_549, %add3A_550 : i32
        %get3A_552 = arith.index_cast %add3A_551 : i32 to index
        %get3A_553 = tpu.vector_load %arg16[%get3A_552] {strides = array<i32>} : memref<16384xi32, #tpu.memory_space<vmem>>, vector<16xi32>,
        %gather3A_554 = tpu.vector_load_idx %arg17[%get3A_553] : memref<100000xf32, #tpu.memory_space<vmem>>[vector<16xi32>], vector<16xf32>,
        %add3A_555 = arith.constant 48 : i32
        %add3A_556 = arith.addi %mul3A_513, %add3A_555 : i32
        %swap3A_557 = arith.index_cast %add3A_556 : i32 to index
        %swap3A_558 = tpu.vector_load %arg19[%swap3A_557] {strides = array<i32>} : memref<2048xf32, #tpu.memory_space<vmem>>, vector<16xf32>,
        tpu.vector_store %arg19[%swap3A_557], %gather3A_554 {strides = array<i32>} : memref<2048xf32, #tpu.memory_space<vmem>>, vector<16xf32>,
        %mul3A_559 = arith.constant 2048 : i32
        %mul3A_560 = arith.muli %add3A_490, %mul3A_559 : i32
        %add3A_561 = arith.addi %mul3A_560, %mul3A_513 : i32
        %add3A_562 = arith.constant 64 : i32
        %add3A_563 = arith.addi %add3A_561, %add3A_562 : i32
        %get3A_564 = arith.index_cast %add3A_563 : i32 to index
        %get3A_565 = tpu.vector_load %arg16[%get3A_564] {strides = array<i32>} : memref<16384xi32, #tpu.memory_space<vmem>>, vector<16xi32>,
        %gather3A_566 = tpu.vector_load_idx %arg17[%get3A_565] : memref<100000xf32, #tpu.memory_space<vmem>>[vector<16xi32>], vector<16xf32>,
        %add3A_567 = arith.constant 64 : i32
        %add3A_568 = arith.addi %mul3A_513, %add3A_567 : i32
        %swap3A_569 = arith.index_cast %add3A_568 : i32 to index
        %swap3A_570 = tpu.vector_load %arg19[%swap3A_569] {strides = array<i32>} : memref<2048xf32, #tpu.memory_space<vmem>>, vector<16xf32>,
        tpu.vector_store %arg19[%swap3A_569], %gather3A_566 {strides = array<i32>} : memref<2048xf32, #tpu.memory_space<vmem>>, vector<16xf32>,
        %mul3A_571 = arith.constant 2048 : i32
        %mul3A_572 = arith.muli %add3A_490, %mul3A_571 : i32
        %add3A_573 = arith.addi %mul3A_572, %mul3A_513 : i32
        %add3A_574 = arith.constant 80 : i32
        %add3A_575 = arith.addi %add3A_573, %add3A_574 : i32
        %get3A_576 = arith.index_cast %add3A_575 : i32 to index
        %get3A_577 = tpu.vector_load %arg16[%get3A_576] {strides = array<i32>} : memref<16384xi32, #tpu.memory_space<vmem>>, vector<16xi32>,
        %gather3A_578 = tpu.vector_load_idx %arg17[%get3A_577] : memref<100000xf32, #tpu.memory_space<vmem>>[vector<16xi32>], vector<16xf32>,
        %add3A_579 = arith.constant 80 : i32
        %add3A_580 = arith.addi %mul3A_513, %add3A_579 : i32
        %swap3A_581 = arith.index_cast %add3A_580 : i32 to index
        %swap3A_582 = tpu.vector_load %arg19[%swap3A_581] {strides = array<i32>} : memref<2048xf32, #tpu.memory_space<vmem>>, vector<16xf32>,
        tpu.vector_store %arg19[%swap3A_581], %gather3A_578 {strides = array<i32>} : memref<2048xf32, #tpu.memory_space<vmem>>, vector<16xf32>,
        %mul3A_583 = arith.constant 2048 : i32
        %mul3A_584 = arith.muli %add3A_490, %mul3A_583 : i32
        %add3A_585 = arith.addi %mul3A_584, %mul3A_513 : i32
        %add3A_586 = arith.constant 96 : i32
        %add3A_587 = arith.addi %add3A_585, %add3A_586 : i32
        %get3A_588 = arith.index_cast %add3A_587 : i32 to index
        %get3A_589 = tpu.vector_load %arg16[%get3A_588] {strides = array<i32>} : memref<16384xi32, #tpu.memory_space<vmem>>, vector<16xi32>,
        %gather3A_590 = tpu.vector_load_idx %arg17[%get3A_589] : memref<100000xf32, #tpu.memory_space<vmem>>[vector<16xi32>], vector<16xf32>,
        %add3A_591 = arith.constant 96 : i32
        %add3A_592 = arith.addi %mul3A_513, %add3A_591 : i32
        %swap3A_593 = arith.index_cast %add3A_592 : i32 to index
        %swap3A_594 = tpu.vector_load %arg19[%swap3A_593] {strides = array<i32>} : memref<2048xf32, #tpu.memory_space<vmem>>, vector<16xf32>,
        tpu.vector_store %arg19[%swap3A_593], %gather3A_590 {strides = array<i32>} : memref<2048xf32, #tpu.memory_space<vmem>>, vector<16xf32>,
        %mul3A_595 = arith.constant 2048 : i32
        %mul3A_596 = arith.muli %add3A_490, %mul3A_595 : i32
        %add3A_597 = arith.addi %mul3A_596, %mul3A_513 : i32
        %add3A_598 = arith.constant 112 : i32
        %add3A_599 = arith.addi %add3A_597, %add3A_598 : i32
        %get3A_600 = arith.index_cast %add3A_599 : i32 to index
        %get3A_601 = tpu.vector_load %arg16[%get3A_600] {strides = array<i32>} : memref<16384xi32, #tpu.memory_space<vmem>>, vector<16xi32>,
        %gather3A_602 = tpu.vector_load_idx %arg17[%get3A_601] : memref<100000xf32, #tpu.memory_space<vmem>>[vector<16xi32>], vector<16xf32>,
        %add3A_603 = arith.constant 112 : i32
        %add3A_604 = arith.addi %mul3A_513, %add3A_603 : i32
        %swap3A_605 = arith.index_cast %add3A_604 : i32 to index
        %swap3A_606 = tpu.vector_load %arg19[%swap3A_605] {strides = array<i32>} : memref<2048xf32, #tpu.memory_space<vmem>>, vector<16xf32>,
        tpu.vector_store %arg19[%swap3A_605], %gather3A_602 {strides = array<i32>} : memref<2048xf32, #tpu.memory_space<vmem>>, vector<16xf32>,
        %scan3A_607 = arith.constant 0 : i32
        scf.yield %scan3A_607 : i32
      }
      %scan3A_502 = arith.constant 16 : i32
      %mul3A_503 = arith.constant 2048 : i32
      %mul3A_504 = arith.muli %add3A_490, %mul3A_503 : i32
      %dma_start3A_505 = tpu.memref_slice %arg15[%add3A_389, %mul3A_504] : memref<64x16384xf32, #tpu.memory_space<hbm>> -> memref<1x2048xf32, #tpu.memory_space<hbm>>
      %dma_start3A_506 = tpu.memref_squeeze %dma_start3A_505 : memref<1x2048xf32, #tpu.memory_space<hbm>> -> memref<2048xf32, #tpu.memory_space<hbm>>
      %dma_start3A_507 = tpu.memref_slice %arg15[%add3A_389, %mul3A_504] : memref<64x16384xf32, #tpu.memory_space<hbm>> -> memref<1x2048xf32, #tpu.memory_space<hbm>>
      %dma_start3A_508 = tpu.memref_squeeze %dma_start3A_507 : memref<1x2048xf32, #tpu.memory_space<hbm>> -> memref<2048xf32, #tpu.memory_space<hbm>>
      tpu.enqueue_dma source(%arg19 : memref<2048xf32, #tpu.memory_space<vmem>>) target(%dma_start3A_508 : memref<2048xf32, #tpu.memory_space<hbm>>) target_semaphore(%arg21 : memref<!tpu.dma_semaphore, #tpu.memory_space<semaphore_mem>>)
      %scan3A_509 = arith.constant 0 : i32
      scf.yield %scan3A_509 : i32
    }
    %scan3A_414 = arith.constant 4 : i32
    %mul3A_415 = arith.constant 2 : i32
    %mul3A_416 = arith.muli %add3A, %mul3A_415 : i32
    %add3A_417 = arith.constant 1 : i32
    %add3A_418 = arith.addi %mul3A_416, %add3A_417 : i32
    %dma_start3A_419 = arith.constant 0 : i32
    %dma_start3A_420 = tpu.memref_slice %arg9[%add3A_418, %dma_start3A_419] : memref<64x100000xf32, #tpu.memory_space<hbm>> -> memref<1x100000xf32, #tpu.memory_space<hbm>>
    %dma_start3A_421 = tpu.memref_squeeze %dma_start3A_420 : memref<1x100000xf32, #tpu.memory_space<hbm>> -> memref<100000xf32, #tpu.memory_space<hbm>>
    %dma_start3A_422 = arith.constant 0 : i32
    %dma_start3A_423 = tpu.memref_slice %arg9[%add3A_418, %dma_start3A_422] : memref<64x100000xf32, #tpu.memory_space<hbm>> -> memref<1x100000xf32, #tpu.memory_space<hbm>>
    %dma_start3A_424 = tpu.memref_squeeze %dma_start3A_423 : memref<1x100000xf32, #tpu.memory_space<hbm>> -> memref<100000xf32, #tpu.memory_space<hbm>>
    tpu.enqueue_dma source(%dma_start3A_424 : memref<100000xf32, #tpu.memory_space<hbm>>) target(%arg17 : memref<100000xf32, #tpu.memory_space<vmem>>) target_semaphore(%arg22 : memref<!tpu.dma_semaphore, #tpu.memory_space<semaphore_mem>>)
    %mul3A_425 = arith.constant 2 : i32
    %mul3A_426 = arith.muli %add3A, %mul3A_425 : i32
    %add3A_427 = arith.constant 1 : i32
    %add3A_428 = arith.addi %mul3A_426, %add3A_427 : i32
    %dma_wait3A_429 = arith.constant 0 : i32
    %dma_wait3A_430 = tpu.memref_slice %arg9[%add3A_418, %dma_wait3A_429] : memref<64x100000xf32, #tpu.memory_space<hbm>> -> memref<1x100000xf32, #tpu.memory_space<hbm>>
    %dma_wait3A_431 = tpu.memref_squeeze %dma_wait3A_430 : memref<1x100000xf32, #tpu.memory_space<hbm>> -> memref<100000xf32, #tpu.memory_space<hbm>>
    %dma_wait3A_432 = arith.constant 0 : i32
    %dma_wait3A_433 = tpu.memref_slice %arg9[%add3A_418, %dma_wait3A_432] : memref<64x100000xf32, #tpu.memory_space<hbm>> -> memref<1x100000xf32, #tpu.memory_space<hbm>>
    %dma_wait3A_434 = tpu.memref_squeeze %dma_wait3A_433 : memref<1x100000xf32, #tpu.memory_space<hbm>> -> memref<100000xf32, #tpu.memory_space<hbm>>
    tpu.wait_dma2 semaphore(%arg22 : memref<!tpu.dma_semaphore, #tpu.memory_space<semaphore_mem>>) src(%dma_wait3A_434 : memref<100000xf32, #tpu.memory_space<hbm>>) dst(%arg17 : memref<100000xf32, #tpu.memory_space<vmem>>)
    %dma_wait3A_435 = arith.constant 0 : i32
    %dma_wait3A_436 = tpu.memref_slice %arg15[%add3A_389, %dma_wait3A_435] : memref<64x16384xf32, #tpu.memory_space<hbm>> -> memref<1x2048xf32, #tpu.memory_space<hbm>>
    %dma_wait3A_437 = tpu.memref_squeeze %dma_wait3A_436 : memref<1x2048xf32, #tpu.memory_space<hbm>> -> memref<2048xf32, #tpu.memory_space<hbm>>
    %dma_wait3A_438 = arith.constant 0 : i32
    %dma_wait3A_439 = tpu.memref_slice %arg15[%add3A_389, %dma_wait3A_438] : memref<64x16384xf32, #tpu.memory_space<hbm>> -> memref<1x2048xf32, #tpu.memory_space<hbm>>
    %dma_wait3A_440 = tpu.memref_squeeze %dma_wait3A_439 : memref<1x2048xf32, #tpu.memory_space<hbm>> -> memref<2048xf32, #tpu.memory_space<hbm>>
    tpu.wait_dma2 semaphore(%arg20 : memref<!tpu.dma_semaphore, #tpu.memory_space<semaphore_mem>>) src(%arg18 : memref<2048xf32, #tpu.memory_space<vmem>>) dst(%dma_wait3A_440 : memref<2048xf32, #tpu.memory_space<hbm>>)
    %dma_wait3A_441 = arith.constant 0 : i32
    %dma_wait3A_442 = tpu.memref_slice %arg15[%add3A_389, %dma_wait3A_441] : memref<64x16384xf32, #tpu.memory_space<hbm>> -> memref<1x2048xf32, #tpu.memory_space<hbm>>
    %dma_wait3A_443 = tpu.memref_squeeze %dma_wait3A_442 : memref<1x2048xf32, #tpu.memory_space<hbm>> -> memref<2048xf32, #tpu.memory_space<hbm>>
    %dma_wait3A_444 = arith.constant 0 : i32
    %dma_wait3A_445 = tpu.memref_slice %arg15[%add3A_389, %dma_wait3A_444] : memref<64x16384xf32, #tpu.memory_space<hbm>> -> memref<1x2048xf32, #tpu.memory_space<hbm>>
    %dma_wait3A_446 = tpu.memref_squeeze %dma_wait3A_445 : memref<1x2048xf32, #tpu.memory_space<hbm>> -> memref<2048xf32, #tpu.memory_space<hbm>>
    tpu.wait_dma2 semaphore(%arg21 : memref<!tpu.dma_semaphore, #tpu.memory_space<semaphore_mem>>) src(%arg19 : memref<2048xf32, #tpu.memory_space<vmem>>) dst(%dma_wait3A_446 : memref<2048xf32, #tpu.memory_space<hbm>>)
    %scan3A_447 = arith.constant 0 : i32
    %scan3A_448 = arith.constant 0 : i32
    %scan3A_449 = arith.constant 4 : i32
    %scan3A_450 = arith.addi %scan3A_448, %scan3A_449 : i32
    %scan3A_451 = arith.constant 1 : i32
    %scan3A_452 = scf.for %scan3A_466 = %scan3A_448 to %scan3A_450 step %scan3A_451 iter_args(%scan3A_467 = %scan3A_447) -> (i32)  : i32 {
      %mul3A_468 = arith.constant 2 : i32
      %mul3A_469 = arith.muli %scan3A_466, %mul3A_468 : i32
      %add3A_470 = arith.constant 0 : i32
      %add3A_471 = arith.addi %mul3A_469, %add3A_470 : i32
      %gt3A = arith.constant 0 : i32
      %gt3A_472 = arith.cmpi sgt, %scan3A_466, %gt3A : i32
      %convert_element_type3A = arith.extui %gt3A_472 : i1 to i32
      %cond3A = arith.constant 0 : i32
      %cond3A_473 = arith.cmpi ne, %convert_element_type3A, %cond3A : i32
      scf.if %cond3A_473 {
        %dma_wait3A_510 = arith.constant 0 : i32
        %dma_wait3A_511 = tpu.memref_slice %arg15[%add3A_428, %dma_wait3A_510] : memref<64x16384xf32, #tpu.memory_space<hbm>> -> memref<1x2048xf32, #tpu.memory_space<hbm>>
        %dma_wait3A_512 = tpu.memref_squeeze %dma_wait3A_511 : memref<1x2048xf32, #tpu.memory_space<hbm>> -> memref<2048xf32, #tpu.memory_space<hbm>>
        %dma_wait3A_513 = arith.constant 0 : i32
        %dma_wait3A_514 = tpu.memref_slice %arg15[%add3A_428, %dma_wait3A_513] : memref<64x16384xf32, #tpu.memory_space<hbm>> -> memref<1x2048xf32, #tpu.memory_space<hbm>>
        %dma_wait3A_515 = tpu.memref_squeeze %dma_wait3A_514 : memref<1x2048xf32, #tpu.memory_space<hbm>> -> memref<2048xf32, #tpu.memory_space<hbm>>
        tpu.wait_dma2 semaphore(%arg20 : memref<!tpu.dma_semaphore, #tpu.memory_space<semaphore_mem>>) src(%arg18 : memref<2048xf32, #tpu.memory_space<vmem>>) dst(%dma_wait3A_515 : memref<2048xf32, #tpu.memory_space<hbm>>)
      } else {
      }
      %scan3A_474 = arith.constant 0 : i32
      %scan3A_475 = arith.constant 0 : i32
      %scan3A_476 = arith.constant 16 : i32
      %scan3A_477 = arith.addi %scan3A_475, %scan3A_476 : i32
      %scan3A_478 = arith.constant 1 : i32
      %scan3A_479 = scf.for %scan3A_510 = %scan3A_475 to %scan3A_477 step %scan3A_478 iter_args(%scan3A_511 = %scan3A_474) -> (i32)  : i32 {
        %mul3A_512 = arith.constant 128 : i32
        %mul3A_513 = arith.muli %scan3A_510, %mul3A_512 : i32
        %mul3A_514 = arith.constant 2048 : i32
        %mul3A_515 = arith.muli %add3A_471, %mul3A_514 : i32
        %add3A_516 = arith.addi %mul3A_515, %mul3A_513 : i32
        %add3A_517 = arith.constant 0 : i32
        %add3A_518 = arith.addi %add3A_516, %add3A_517 : i32
        %get3A = arith.index_cast %add3A_518 : i32 to index
        %get3A_519 = tpu.vector_load %arg16[%get3A] {strides = array<i32>} : memref<16384xi32, #tpu.memory_space<vmem>>, vector<16xi32>,
        %gather3A = tpu.vector_load_idx %arg17[%get3A_519] : memref<100000xf32, #tpu.memory_space<vmem>>[vector<16xi32>], vector<16xf32>,
        %add3A_520 = arith.constant 0 : i32
        %add3A_521 = arith.addi %mul3A_513, %add3A_520 : i32
        %swap3A = arith.index_cast %add3A_521 : i32 to index
        %swap3A_522 = tpu.vector_load %arg18[%swap3A] {strides = array<i32>} : memref<2048xf32, #tpu.memory_space<vmem>>, vector<16xf32>,
        tpu.vector_store %arg18[%swap3A], %gather3A {strides = array<i32>} : memref<2048xf32, #tpu.memory_space<vmem>>, vector<16xf32>,
        %mul3A_523 = arith.constant 2048 : i32
        %mul3A_524 = arith.muli %add3A_471, %mul3A_523 : i32
        %add3A_525 = arith.addi %mul3A_524, %mul3A_513 : i32
        %add3A_526 = arith.constant 16 : i32
        %add3A_527 = arith.addi %add3A_525, %add3A_526 : i32
        %get3A_528 = arith.index_cast %add3A_527 : i32 to index
        %get3A_529 = tpu.vector_load %arg16[%get3A_528] {strides = array<i32>} : memref<16384xi32, #tpu.memory_space<vmem>>, vector<16xi32>,
        %gather3A_530 = tpu.vector_load_idx %arg17[%get3A_529] : memref<100000xf32, #tpu.memory_space<vmem>>[vector<16xi32>], vector<16xf32>,
        %add3A_531 = arith.constant 16 : i32
        %add3A_532 = arith.addi %mul3A_513, %add3A_531 : i32
        %swap3A_533 = arith.index_cast %add3A_532 : i32 to index
        %swap3A_534 = tpu.vector_load %arg18[%swap3A_533] {strides = array<i32>} : memref<2048xf32, #tpu.memory_space<vmem>>, vector<16xf32>,
        tpu.vector_store %arg18[%swap3A_533], %gather3A_530 {strides = array<i32>} : memref<2048xf32, #tpu.memory_space<vmem>>, vector<16xf32>,
        %mul3A_535 = arith.constant 2048 : i32
        %mul3A_536 = arith.muli %add3A_471, %mul3A_535 : i32
        %add3A_537 = arith.addi %mul3A_536, %mul3A_513 : i32
        %add3A_538 = arith.constant 32 : i32
        %add3A_539 = arith.addi %add3A_537, %add3A_538 : i32
        %get3A_540 = arith.index_cast %add3A_539 : i32 to index
        %get3A_541 = tpu.vector_load %arg16[%get3A_540] {strides = array<i32>} : memref<16384xi32, #tpu.memory_space<vmem>>, vector<16xi32>,
        %gather3A_542 = tpu.vector_load_idx %arg17[%get3A_541] : memref<100000xf32, #tpu.memory_space<vmem>>[vector<16xi32>], vector<16xf32>,
        %add3A_543 = arith.constant 32 : i32
        %add3A_544 = arith.addi %mul3A_513, %add3A_543 : i32
        %swap3A_545 = arith.index_cast %add3A_544 : i32 to index
        %swap3A_546 = tpu.vector_load %arg18[%swap3A_545] {strides = array<i32>} : memref<2048xf32, #tpu.memory_space<vmem>>, vector<16xf32>,
        tpu.vector_store %arg18[%swap3A_545], %gather3A_542 {strides = array<i32>} : memref<2048xf32, #tpu.memory_space<vmem>>, vector<16xf32>,
        %mul3A_547 = arith.constant 2048 : i32
        %mul3A_548 = arith.muli %add3A_471, %mul3A_547 : i32
        %add3A_549 = arith.addi %mul3A_548, %mul3A_513 : i32
        %add3A_550 = arith.constant 48 : i32
        %add3A_551 = arith.addi %add3A_549, %add3A_550 : i32
        %get3A_552 = arith.index_cast %add3A_551 : i32 to index
        %get3A_553 = tpu.vector_load %arg16[%get3A_552] {strides = array<i32>} : memref<16384xi32, #tpu.memory_space<vmem>>, vector<16xi32>,
        %gather3A_554 = tpu.vector_load_idx %arg17[%get3A_553] : memref<100000xf32, #tpu.memory_space<vmem>>[vector<16xi32>], vector<16xf32>,
        %add3A_555 = arith.constant 48 : i32
        %add3A_556 = arith.addi %mul3A_513, %add3A_555 : i32
        %swap3A_557 = arith.index_cast %add3A_556 : i32 to index
        %swap3A_558 = tpu.vector_load %arg18[%swap3A_557] {strides = array<i32>} : memref<2048xf32, #tpu.memory_space<vmem>>, vector<16xf32>,
        tpu.vector_store %arg18[%swap3A_557], %gather3A_554 {strides = array<i32>} : memref<2048xf32, #tpu.memory_space<vmem>>, vector<16xf32>,
        %mul3A_559 = arith.constant 2048 : i32
        %mul3A_560 = arith.muli %add3A_471, %mul3A_559 : i32
        %add3A_561 = arith.addi %mul3A_560, %mul3A_513 : i32
        %add3A_562 = arith.constant 64 : i32
        %add3A_563 = arith.addi %add3A_561, %add3A_562 : i32
        %get3A_564 = arith.index_cast %add3A_563 : i32 to index
        %get3A_565 = tpu.vector_load %arg16[%get3A_564] {strides = array<i32>} : memref<16384xi32, #tpu.memory_space<vmem>>, vector<16xi32>,
        %gather3A_566 = tpu.vector_load_idx %arg17[%get3A_565] : memref<100000xf32, #tpu.memory_space<vmem>>[vector<16xi32>], vector<16xf32>,
        %add3A_567 = arith.constant 64 : i32
        %add3A_568 = arith.addi %mul3A_513, %add3A_567 : i32
        %swap3A_569 = arith.index_cast %add3A_568 : i32 to index
        %swap3A_570 = tpu.vector_load %arg18[%swap3A_569] {strides = array<i32>} : memref<2048xf32, #tpu.memory_space<vmem>>, vector<16xf32>,
        tpu.vector_store %arg18[%swap3A_569], %gather3A_566 {strides = array<i32>} : memref<2048xf32, #tpu.memory_space<vmem>>, vector<16xf32>,
        %mul3A_571 = arith.constant 2048 : i32
        %mul3A_572 = arith.muli %add3A_471, %mul3A_571 : i32
        %add3A_573 = arith.addi %mul3A_572, %mul3A_513 : i32
        %add3A_574 = arith.constant 80 : i32
        %add3A_575 = arith.addi %add3A_573, %add3A_574 : i32
        %get3A_576 = arith.index_cast %add3A_575 : i32 to index
        %get3A_577 = tpu.vector_load %arg16[%get3A_576] {strides = array<i32>} : memref<16384xi32, #tpu.memory_space<vmem>>, vector<16xi32>,
        %gather3A_578 = tpu.vector_load_idx %arg17[%get3A_577] : memref<100000xf32, #tpu.memory_space<vmem>>[vector<16xi32>], vector<16xf32>,
        %add3A_579 = arith.constant 80 : i32
        %add3A_580 = arith.addi %mul3A_513, %add3A_579 : i32
        %swap3A_581 = arith.index_cast %add3A_580 : i32 to index
        %swap3A_582 = tpu.vector_load %arg18[%swap3A_581] {strides = array<i32>} : memref<2048xf32, #tpu.memory_space<vmem>>, vector<16xf32>,
        tpu.vector_store %arg18[%swap3A_581], %gather3A_578 {strides = array<i32>} : memref<2048xf32, #tpu.memory_space<vmem>>, vector<16xf32>,
        %mul3A_583 = arith.constant 2048 : i32
        %mul3A_584 = arith.muli %add3A_471, %mul3A_583 : i32
        %add3A_585 = arith.addi %mul3A_584, %mul3A_513 : i32
        %add3A_586 = arith.constant 96 : i32
        %add3A_587 = arith.addi %add3A_585, %add3A_586 : i32
        %get3A_588 = arith.index_cast %add3A_587 : i32 to index
        %get3A_589 = tpu.vector_load %arg16[%get3A_588] {strides = array<i32>} : memref<16384xi32, #tpu.memory_space<vmem>>, vector<16xi32>,
        %gather3A_590 = tpu.vector_load_idx %arg17[%get3A_589] : memref<100000xf32, #tpu.memory_space<vmem>>[vector<16xi32>], vector<16xf32>,
        %add3A_591 = arith.constant 96 : i32
        %add3A_592 = arith.addi %mul3A_513, %add3A_591 : i32
        %swap3A_593 = arith.index_cast %add3A_592 : i32 to index
        %swap3A_594 = tpu.vector_load %arg18[%swap3A_593] {strides = array<i32>} : memref<2048xf32, #tpu.memory_space<vmem>>, vector<16xf32>,
        tpu.vector_store %arg18[%swap3A_593], %gather3A_590 {strides = array<i32>} : memref<2048xf32, #tpu.memory_space<vmem>>, vector<16xf32>,
        %mul3A_595 = arith.constant 2048 : i32
        %mul3A_596 = arith.muli %add3A_471, %mul3A_595 : i32
        %add3A_597 = arith.addi %mul3A_596, %mul3A_513 : i32
        %add3A_598 = arith.constant 112 : i32
        %add3A_599 = arith.addi %add3A_597, %add3A_598 : i32
        %get3A_600 = arith.index_cast %add3A_599 : i32 to index
        %get3A_601 = tpu.vector_load %arg16[%get3A_600] {strides = array<i32>} : memref<16384xi32, #tpu.memory_space<vmem>>, vector<16xi32>,
        %gather3A_602 = tpu.vector_load_idx %arg17[%get3A_601] : memref<100000xf32, #tpu.memory_space<vmem>>[vector<16xi32>], vector<16xf32>,
        %add3A_603 = arith.constant 112 : i32
        %add3A_604 = arith.addi %mul3A_513, %add3A_603 : i32
        %swap3A_605 = arith.index_cast %add3A_604 : i32 to index
        %swap3A_606 = tpu.vector_load %arg18[%swap3A_605] {strides = array<i32>} : memref<2048xf32, #tpu.memory_space<vmem>>, vector<16xf32>,
        tpu.vector_store %arg18[%swap3A_605], %gather3A_602 {strides = array<i32>} : memref<2048xf32, #tpu.memory_space<vmem>>, vector<16xf32>,
        %scan3A_607 = arith.constant 0 : i32
        scf.yield %scan3A_607 : i32
      }
      %scan3A_480 = arith.constant 16 : i32
      %mul3A_481 = arith.constant 2048 : i32
      %mul3A_482 = arith.muli %add3A_471, %mul3A_481 : i32
      %dma_start3A_483 = tpu.memref_slice %arg15[%add3A_428, %mul3A_482] : memref<64x16384xf32, #tpu.memory_space<hbm>> -> memref<1x2048xf32, #tpu.memory_space<hbm>>
      %dma_start3A_484 = tpu.memref_squeeze %dma_start3A_483 : memref<1x2048xf32, #tpu.memory_space<hbm>> -> memref<2048xf32, #tpu.memory_space<hbm>>
      %dma_start3A_485 = tpu.memref_slice %arg15[%add3A_428, %mul3A_482] : memref<64x16384xf32, #tpu.memory_space<hbm>> -> memref<1x2048xf32, #tpu.memory_space<hbm>>
      %dma_start3A_486 = tpu.memref_squeeze %dma_start3A_485 : memref<1x2048xf32, #tpu.memory_space<hbm>> -> memref<2048xf32, #tpu.memory_space<hbm>>
      tpu.enqueue_dma source(%arg18 : memref<2048xf32, #tpu.memory_space<vmem>>) target(%dma_start3A_486 : memref<2048xf32, #tpu.memory_space<hbm>>) target_semaphore(%arg20 : memref<!tpu.dma_semaphore, #tpu.memory_space<semaphore_mem>>)
      %mul3A_487 = arith.constant 2 : i32
      %mul3A_488 = arith.muli %scan3A_466, %mul3A_487 : i32
      %add3A_489 = arith.constant 1 : i32
      %add3A_490 = arith.addi %mul3A_488, %add3A_489 : i32
      %gt3A_491 = arith.constant 0 : i32
      %gt3A_492 = arith.cmpi sgt, %scan3A_466, %gt3A_491 : i32
      %convert_element_type3A_493 = arith.extui %gt3A_492 : i1 to i32
      %cond3A_494 = arith.constant 0 : i32
      %cond3A_495 = arith.cmpi ne, %convert_element_type3A_493, %cond3A_494 : i32
      scf.if %cond3A_495 {
        %dma_wait3A_510 = arith.constant 0 : i32
        %dma_wait3A_511 = tpu.memref_slice %arg15[%add3A_428, %dma_wait3A_510] : memref<64x16384xf32, #tpu.memory_space<hbm>> -> memref<1x2048xf32, #tpu.memory_space<hbm>>
        %dma_wait3A_512 = tpu.memref_squeeze %dma_wait3A_511 : memref<1x2048xf32, #tpu.memory_space<hbm>> -> memref<2048xf32, #tpu.memory_space<hbm>>
        %dma_wait3A_513 = arith.constant 0 : i32
        %dma_wait3A_514 = tpu.memref_slice %arg15[%add3A_428, %dma_wait3A_513] : memref<64x16384xf32, #tpu.memory_space<hbm>> -> memref<1x2048xf32, #tpu.memory_space<hbm>>
        %dma_wait3A_515 = tpu.memref_squeeze %dma_wait3A_514 : memref<1x2048xf32, #tpu.memory_space<hbm>> -> memref<2048xf32, #tpu.memory_space<hbm>>
        tpu.wait_dma2 semaphore(%arg21 : memref<!tpu.dma_semaphore, #tpu.memory_space<semaphore_mem>>) src(%arg19 : memref<2048xf32, #tpu.memory_space<vmem>>) dst(%dma_wait3A_515 : memref<2048xf32, #tpu.memory_space<hbm>>)
      } else {
      }
      %scan3A_496 = arith.constant 0 : i32
      %scan3A_497 = arith.constant 0 : i32
      %scan3A_498 = arith.constant 16 : i32
      %scan3A_499 = arith.addi %scan3A_497, %scan3A_498 : i32
      %scan3A_500 = arith.constant 1 : i32
      %scan3A_501 = scf.for %scan3A_510 = %scan3A_497 to %scan3A_499 step %scan3A_500 iter_args(%scan3A_511 = %scan3A_496) -> (i32)  : i32 {
        %mul3A_512 = arith.constant 128 : i32
        %mul3A_513 = arith.muli %scan3A_510, %mul3A_512 : i32
        %mul3A_514 = arith.constant 2048 : i32
        %mul3A_515 = arith.muli %add3A_490, %mul3A_514 : i32
        %add3A_516 = arith.addi %mul3A_515, %mul3A_513 : i32
        %add3A_517 = arith.constant 0 : i32
        %add3A_518 = arith.addi %add3A_516, %add3A_517 : i32
        %get3A = arith.index_cast %add3A_518 : i32 to index
        %get3A_519 = tpu.vector_load %arg16[%get3A] {strides = array<i32>} : memref<16384xi32, #tpu.memory_space<vmem>>, vector<16xi32>,
        %gather3A = tpu.vector_load_idx %arg17[%get3A_519] : memref<100000xf32, #tpu.memory_space<vmem>>[vector<16xi32>], vector<16xf32>,
        %add3A_520 = arith.constant 0 : i32
        %add3A_521 = arith.addi %mul3A_513, %add3A_520 : i32
        %swap3A = arith.index_cast %add3A_521 : i32 to index
        %swap3A_522 = tpu.vector_load %arg19[%swap3A] {strides = array<i32>} : memref<2048xf32, #tpu.memory_space<vmem>>, vector<16xf32>,
        tpu.vector_store %arg19[%swap3A], %gather3A {strides = array<i32>} : memref<2048xf32, #tpu.memory_space<vmem>>, vector<16xf32>,
        %mul3A_523 = arith.constant 2048 : i32
        %mul3A_524 = arith.muli %add3A_490, %mul3A_523 : i32
        %add3A_525 = arith.addi %mul3A_524, %mul3A_513 : i32
        %add3A_526 = arith.constant 16 : i32
        %add3A_527 = arith.addi %add3A_525, %add3A_526 : i32
        %get3A_528 = arith.index_cast %add3A_527 : i32 to index
        %get3A_529 = tpu.vector_load %arg16[%get3A_528] {strides = array<i32>} : memref<16384xi32, #tpu.memory_space<vmem>>, vector<16xi32>,
        %gather3A_530 = tpu.vector_load_idx %arg17[%get3A_529] : memref<100000xf32, #tpu.memory_space<vmem>>[vector<16xi32>], vector<16xf32>,
        %add3A_531 = arith.constant 16 : i32
        %add3A_532 = arith.addi %mul3A_513, %add3A_531 : i32
        %swap3A_533 = arith.index_cast %add3A_532 : i32 to index
        %swap3A_534 = tpu.vector_load %arg19[%swap3A_533] {strides = array<i32>} : memref<2048xf32, #tpu.memory_space<vmem>>, vector<16xf32>,
        tpu.vector_store %arg19[%swap3A_533], %gather3A_530 {strides = array<i32>} : memref<2048xf32, #tpu.memory_space<vmem>>, vector<16xf32>,
        %mul3A_535 = arith.constant 2048 : i32
        %mul3A_536 = arith.muli %add3A_490, %mul3A_535 : i32
        %add3A_537 = arith.addi %mul3A_536, %mul3A_513 : i32
        %add3A_538 = arith.constant 32 : i32
        %add3A_539 = arith.addi %add3A_537, %add3A_538 : i32
        %get3A_540 = arith.index_cast %add3A_539 : i32 to index
        %get3A_541 = tpu.vector_load %arg16[%get3A_540] {strides = array<i32>} : memref<16384xi32, #tpu.memory_space<vmem>>, vector<16xi32>,
        %gather3A_542 = tpu.vector_load_idx %arg17[%get3A_541] : memref<100000xf32, #tpu.memory_space<vmem>>[vector<16xi32>], vector<16xf32>,
        %add3A_543 = arith.constant 32 : i32
        %add3A_544 = arith.addi %mul3A_513, %add3A_543 : i32
        %swap3A_545 = arith.index_cast %add3A_544 : i32 to index
        %swap3A_546 = tpu.vector_load %arg19[%swap3A_545] {strides = array<i32>} : memref<2048xf32, #tpu.memory_space<vmem>>, vector<16xf32>,
        tpu.vector_store %arg19[%swap3A_545], %gather3A_542 {strides = array<i32>} : memref<2048xf32, #tpu.memory_space<vmem>>, vector<16xf32>,
        %mul3A_547 = arith.constant 2048 : i32
        %mul3A_548 = arith.muli %add3A_490, %mul3A_547 : i32
        %add3A_549 = arith.addi %mul3A_548, %mul3A_513 : i32
        %add3A_550 = arith.constant 48 : i32
        %add3A_551 = arith.addi %add3A_549, %add3A_550 : i32
        %get3A_552 = arith.index_cast %add3A_551 : i32 to index
        %get3A_553 = tpu.vector_load %arg16[%get3A_552] {strides = array<i32>} : memref<16384xi32, #tpu.memory_space<vmem>>, vector<16xi32>,
        %gather3A_554 = tpu.vector_load_idx %arg17[%get3A_553] : memref<100000xf32, #tpu.memory_space<vmem>>[vector<16xi32>], vector<16xf32>,
        %add3A_555 = arith.constant 48 : i32
        %add3A_556 = arith.addi %mul3A_513, %add3A_555 : i32
        %swap3A_557 = arith.index_cast %add3A_556 : i32 to index
        %swap3A_558 = tpu.vector_load %arg19[%swap3A_557] {strides = array<i32>} : memref<2048xf32, #tpu.memory_space<vmem>>, vector<16xf32>,
        tpu.vector_store %arg19[%swap3A_557], %gather3A_554 {strides = array<i32>} : memref<2048xf32, #tpu.memory_space<vmem>>, vector<16xf32>,
        %mul3A_559 = arith.constant 2048 : i32
        %mul3A_560 = arith.muli %add3A_490, %mul3A_559 : i32
        %add3A_561 = arith.addi %mul3A_560, %mul3A_513 : i32
        %add3A_562 = arith.constant 64 : i32
        %add3A_563 = arith.addi %add3A_561, %add3A_562 : i32
        %get3A_564 = arith.index_cast %add3A_563 : i32 to index
        %get3A_565 = tpu.vector_load %arg16[%get3A_564] {strides = array<i32>} : memref<16384xi32, #tpu.memory_space<vmem>>, vector<16xi32>,
        %gather3A_566 = tpu.vector_load_idx %arg17[%get3A_565] : memref<100000xf32, #tpu.memory_space<vmem>>[vector<16xi32>], vector<16xf32>,
        %add3A_567 = arith.constant 64 : i32
        %add3A_568 = arith.addi %mul3A_513, %add3A_567 : i32
        %swap3A_569 = arith.index_cast %add3A_568 : i32 to index
        %swap3A_570 = tpu.vector_load %arg19[%swap3A_569] {strides = array<i32>} : memref<2048xf32, #tpu.memory_space<vmem>>, vector<16xf32>,
        tpu.vector_store %arg19[%swap3A_569], %gather3A_566 {strides = array<i32>} : memref<2048xf32, #tpu.memory_space<vmem>>, vector<16xf32>,
        %mul3A_571 = arith.constant 2048 : i32
        %mul3A_572 = arith.muli %add3A_490, %mul3A_571 : i32
        %add3A_573 = arith.addi %mul3A_572, %mul3A_513 : i32
        %add3A_574 = arith.constant 80 : i32
        %add3A_575 = arith.addi %add3A_573, %add3A_574 : i32
        %get3A_576 = arith.index_cast %add3A_575 : i32 to index
        %get3A_577 = tpu.vector_load %arg16[%get3A_576] {strides = array<i32>} : memref<16384xi32, #tpu.memory_space<vmem>>, vector<16xi32>,
        %gather3A_578 = tpu.vector_load_idx %arg17[%get3A_577] : memref<100000xf32, #tpu.memory_space<vmem>>[vector<16xi32>], vector<16xf32>,
        %add3A_579 = arith.constant 80 : i32
        %add3A_580 = arith.addi %mul3A_513, %add3A_579 : i32
        %swap3A_581 = arith.index_cast %add3A_580 : i32 to index
        %swap3A_582 = tpu.vector_load %arg19[%swap3A_581] {strides = array<i32>} : memref<2048xf32, #tpu.memory_space<vmem>>, vector<16xf32>,
        tpu.vector_store %arg19[%swap3A_581], %gather3A_578 {strides = array<i32>} : memref<2048xf32, #tpu.memory_space<vmem>>, vector<16xf32>,
        %mul3A_583 = arith.constant 2048 : i32
        %mul3A_584 = arith.muli %add3A_490, %mul3A_583 : i32
        %add3A_585 = arith.addi %mul3A_584, %mul3A_513 : i32
        %add3A_586 = arith.constant 96 : i32
        %add3A_587 = arith.addi %add3A_585, %add3A_586 : i32
        %get3A_588 = arith.index_cast %add3A_587 : i32 to index
        %get3A_589 = tpu.vector_load %arg16[%get3A_588] {strides = array<i32>} : memref<16384xi32, #tpu.memory_space<vmem>>, vector<16xi32>,
        %gather3A_590 = tpu.vector_load_idx %arg17[%get3A_589] : memref<100000xf32, #tpu.memory_space<vmem>>[vector<16xi32>], vector<16xf32>,
        %add3A_591 = arith.constant 96 : i32
        %add3A_592 = arith.addi %mul3A_513, %add3A_591 : i32
        %swap3A_593 = arith.index_cast %add3A_592 : i32 to index
        %swap3A_594 = tpu.vector_load %arg19[%swap3A_593] {strides = array<i32>} : memref<2048xf32, #tpu.memory_space<vmem>>, vector<16xf32>,
        tpu.vector_store %arg19[%swap3A_593], %gather3A_590 {strides = array<i32>} : memref<2048xf32, #tpu.memory_space<vmem>>, vector<16xf32>,
        %mul3A_595 = arith.constant 2048 : i32
        %mul3A_596 = arith.muli %add3A_490, %mul3A_595 : i32
        %add3A_597 = arith.addi %mul3A_596, %mul3A_513 : i32
        %add3A_598 = arith.constant 112 : i32
        %add3A_599 = arith.addi %add3A_597, %add3A_598 : i32
        %get3A_600 = arith.index_cast %add3A_599 : i32 to index
        %get3A_601 = tpu.vector_load %arg16[%get3A_600] {strides = array<i32>} : memref<16384xi32, #tpu.memory_space<vmem>>, vector<16xi32>,
        %gather3A_602 = tpu.vector_load_idx %arg17[%get3A_601] : memref<100000xf32, #tpu.memory_space<vmem>>[vector<16xi32>], vector<16xf32>,
        %add3A_603 = arith.constant 112 : i32
        %add3A_604 = arith.addi %mul3A_513, %add3A_603 : i32
        %swap3A_605 = arith.index_cast %add3A_604 : i32 to index
        %swap3A_606 = tpu.vector_load %arg19[%swap3A_605] {strides = array<i32>} : memref<2048xf32, #tpu.memory_space<vmem>>, vector<16xf32>,
        tpu.vector_store %arg19[%swap3A_605], %gather3A_602 {strides = array<i32>} : memref<2048xf32, #tpu.memory_space<vmem>>, vector<16xf32>,
        %scan3A_607 = arith.constant 0 : i32
        scf.yield %scan3A_607 : i32
      }
      %scan3A_502 = arith.constant 16 : i32
      %mul3A_503 = arith.constant 2048 : i32
      %mul3A_504 = arith.muli %add3A_490, %mul3A_503 : i32
      %dma_start3A_505 = tpu.memref_slice %arg15[%add3A_428, %mul3A_504] : memref<64x16384xf32, #tpu.memory_space<hbm>> -> memref<1x2048xf32, #tpu.memory_space<hbm>>
      %dma_start3A_506 = tpu.memref_squeeze %dma_start3A_505 : memref<1x2048xf32, #tpu.memory_space<hbm>> -> memref<2048xf32, #tpu.memory_space<hbm>>
      %dma_start3A_507 = tpu.memref_slice %arg15[%add3A_428, %mul3A_504] : memref<64x16384xf32, #tpu.memory_space<hbm>> -> memref<1x2048xf32, #tpu.memory_space<hbm>>
      %dma_start3A_508 = tpu.memref_squeeze %dma_start3A_507 : memref<1x2048xf32, #tpu.memory_space<hbm>> -> memref<2048xf32, #tpu.memory_space<hbm>>
      tpu.enqueue_dma source(%arg19 : memref<2048xf32, #tpu.memory_space<vmem>>) target(%dma_start3A_508 : memref<2048xf32, #tpu.memory_space<hbm>>) target_semaphore(%arg21 : memref<!tpu.dma_semaphore, #tpu.memory_space<semaphore_mem>>)
      %scan3A_509 = arith.constant 0 : i32
      scf.yield %scan3A_509 : i32
    }
    %scan3A_453 = arith.constant 4 : i32
    %dma_wait3A_454 = arith.constant 0 : i32
    %dma_wait3A_455 = tpu.memref_slice %arg15[%add3A_428, %dma_wait3A_454] : memref<64x16384xf32, #tpu.memory_space<hbm>> -> memref<1x2048xf32, #tpu.memory_space<hbm>>
    %dma_wait3A_456 = tpu.memref_squeeze %dma_wait3A_455 : memref<1x2048xf32, #tpu.memory_space<hbm>> -> memref<2048xf32, #tpu.memory_space<hbm>>
    %dma_wait3A_457 = arith.constant 0 : i32
    %dma_wait3A_458 = tpu.memref_slice %arg15[%add3A_428, %dma_wait3A_457] : memref<64x16384xf32, #tpu.memory_space<hbm>> -> memref<1x2048xf32, #tpu.memory_space<hbm>>
    %dma_wait3A_459 = tpu.memref_squeeze %dma_wait3A_458 : memref<1x2048xf32, #tpu.memory_space<hbm>> -> memref<2048xf32, #tpu.memory_space<hbm>>
    tpu.wait_dma2 semaphore(%arg20 : memref<!tpu.dma_semaphore, #tpu.memory_space<semaphore_mem>>) src(%arg18 : memref<2048xf32, #tpu.memory_space<vmem>>) dst(%dma_wait3A_459 : memref<2048xf32, #tpu.memory_space<hbm>>)
    %dma_wait3A_460 = arith.constant 0 : i32
    %dma_wait3A_461 = tpu.memref_slice %arg15[%add3A_428, %dma_wait3A_460] : memref<64x16384xf32, #tpu.memory_space<hbm>> -> memref<1x2048xf32, #tpu.memory_space<hbm>>
    %dma_wait3A_462 = tpu.memref_squeeze %dma_wait3A_461 : memref<1x2048xf32, #tpu.memory_space<hbm>> -> memref<2048xf32, #tpu.memory_space<hbm>>
    %dma_wait3A_463 = arith.constant 0 : i32
    %dma_wait3A_464 = tpu.memref_slice %arg15[%add3A_428, %dma_wait3A_463] : memref<64x16384xf32, #tpu.memory_space<hbm>> -> memref<1x2048xf32, #tpu.memory_space<hbm>>
    %dma_wait3A_465 = tpu.memref_squeeze %dma_wait3A_464 : memref<1x2048xf32, #tpu.memory_space<hbm>> -> memref<2048xf32, #tpu.memory_space<hbm>>
    tpu.wait_dma2 semaphore(%arg21 : memref<!tpu.dma_semaphore, #tpu.memory_space<semaphore_mem>>) src(%arg19 : memref<2048xf32, #tpu.memory_space<vmem>>) dst(%dma_wait3A_465 : memref<2048xf32, #tpu.memory_space<hbm>>)
    return
  }
}

module attributes {stable_mosaic.version = 14 : i64} {
  func.func @_tc_poster_body(%arg0: i32, %arg1: memref<1024x2048xf32, #tpu.memory_space<vmem>>, %arg2: memref<2048x512xf32, #tpu.memory_space<vmem>>, %arg3: memref<512x1xf32, #tpu.memory_space<vmem>>, %arg4: memref<512x64xf32, #tpu.memory_space<vmem>>, %arg5: memref<64x1xf32, #tpu.memory_space<vmem>>, %arg6: memref<64x1024xf32, #tpu.memory_space<vmem>>) attributes {dimension_semantics = [#tpu.dimension_semantics<arbitrary>], iteration_bounds = array<i64: 16>, scalar_prefetch = 0 : i64, scratch_operands = 0 : i64, tpu.core_type = #tpu.core_type<tc>, window_params = [{transform_indices = @transform_0, window_bounds = array<i64: 1024, 2048>}, {pipeline_mode = #tpu.pipeline_mode<synchronous>, transform_indices = @transform_1, window_bounds = array<i64: 2048, 512>}, {pipeline_mode = #tpu.pipeline_mode<synchronous>, transform_indices = @transform_2, window_bounds = array<i64: 512, 1>}, {pipeline_mode = #tpu.pipeline_mode<synchronous>, transform_indices = @transform_3, window_bounds = array<i64: 512, 64>}, {pipeline_mode = #tpu.pipeline_mode<synchronous>, transform_indices = @transform_4, window_bounds = array<i64: 64, 1>}, {transform_indices = @transform_5, window_bounds = array<i64: 64, 1024>}]} {
    %get3A = arith.constant 0 : index
    %get3A_0 = arith.constant 0 : index
    %get3A_1 = vector.load %arg2[%get3A, %get3A_0] : memref<2048x512xf32, #tpu.memory_space<vmem>>, vector<2048x512xf32>
    %get3A_2 = arith.constant 0 : index
    %get3A_3 = arith.constant 0 : index
    %get3A_4 = vector.load %arg1[%get3A_2, %get3A_3] : memref<1024x2048xf32, #tpu.memory_space<vmem>>, vector<1024x2048xf32>
    %dot_general3A = arith.constant dense<0.000000e+00> : vector<512x1024xf32>
    %dot_general3A_5 = tpu.matmul %get3A_1, %get3A_4, %dot_general3A {dimension_numbers = #tpu.dot_dimension_numbers<[0], [1], [1], [0], [0, 1, 1, 0], [], []>, transpose_lhs_hint = false} : vector<2048x512xf32>, vector<1024x2048xf32>, vector<512x1024xf32> -> vector<512x1024xf32>
    %get3A_6 = arith.constant 0 : index
    %get3A_7 = arith.constant 0 : index
    %get3A_8 = vector.load %arg3[%get3A_6, %get3A_7] : memref<512x1xf32, #tpu.memory_space<vmem>>, vector<512x1xf32>
    %add3A = vector.broadcast %get3A_8 : vector<512x1xf32> to vector<512x1024xf32>
    %add3A_9 = arith.addf %dot_general3A_5, %add3A : vector<512x1024xf32>
    %max3A = arith.constant 0.000000e+00 : f32
    %max3A_10 = vector.broadcast %max3A : f32 to vector<512x1024xf32>
    %max3A_11 = arith.maximumf %add3A_9, %max3A_10 : vector<512x1024xf32>
    %get3A_12 = arith.constant 0 : index
    %get3A_13 = arith.constant 0 : index
    %get3A_14 = vector.load %arg4[%get3A_12, %get3A_13] : memref<512x64xf32, #tpu.memory_space<vmem>>, vector<512x64xf32>
    %dot_general3A_15 = arith.constant dense<0.000000e+00> : vector<64x1024xf32>
    %dot_general3A_16 = tpu.matmul %get3A_14, %max3A_11, %dot_general3A_15 {dimension_numbers = #tpu.dot_dimension_numbers<[0], [0], [1], [1], [0, 1, 1, 1], [], []>, transpose_lhs_hint = false} : vector<512x64xf32>, vector<512x1024xf32>, vector<64x1024xf32> -> vector<64x1024xf32>
    %get3A_17 = arith.constant 0 : index
    %get3A_18 = arith.constant 0 : index
    %get3A_19 = vector.load %arg5[%get3A_17, %get3A_18] : memref<64x1xf32, #tpu.memory_space<vmem>>, vector<64x1xf32>
    %add3A_20 = vector.broadcast %get3A_19 : vector<64x1xf32> to vector<64x1024xf32>
    %add3A_21 = arith.addf %dot_general3A_16, %add3A_20 : vector<64x1024xf32>
    %swap3A = arith.constant 0 : index
    %swap3A_22 = arith.constant 0 : index
    %swap3A_23 = vector.load %arg6[%swap3A, %swap3A_22] : memref<64x1024xf32, #tpu.memory_space<vmem>>, vector<64x1024xf32>
    tpu.vector_store %arg6[%swap3A, %swap3A_22], %add3A_21 {strides = array<i32>} : memref<64x1024xf32, #tpu.memory_space<vmem>>, vector<64x1024xf32>,
    return
  }
  func.func @transform_0(%arg0: i32) -> (i32, i32) {
    %c0_i32 = arith.constant 0 : i32
    %c0_i32_0 = arith.constant 0 : i32
    return %arg0, %c0_i32 : i32, i32
  }
  func.func @transform_1(%arg0: i32) -> (i32, i32) {
    %c0_i32 = arith.constant 0 : i32
    %c0_i32_0 = arith.constant 0 : i32
    %c0_i32_1 = arith.constant 0 : i32
    return %c0_i32, %c0_i32_0 : i32, i32
  }
  func.func @transform_2(%arg0: i32) -> (i32, i32) {
    %c0_i32 = arith.constant 0 : i32
    %c0_i32_0 = arith.constant 0 : i32
    %c0_i32_1 = arith.constant 0 : i32
    return %c0_i32, %c0_i32_0 : i32, i32
  }
  func.func @transform_3(%arg0: i32) -> (i32, i32) {
    %c0_i32 = arith.constant 0 : i32
    %c0_i32_0 = arith.constant 0 : i32
    %c0_i32_1 = arith.constant 0 : i32
    return %c0_i32, %c0_i32_0 : i32, i32
  }
  func.func @transform_4(%arg0: i32) -> (i32, i32) {
    %c0_i32 = arith.constant 0 : i32
    %c0_i32_0 = arith.constant 0 : i32
    %c0_i32_1 = arith.constant 0 : i32
    return %c0_i32, %c0_i32_0 : i32, i32
  }
  func.func @transform_5(%arg0: i32) -> (i32, i32) {
    %c0_i32 = arith.constant 0 : i32
    %c0_i32_0 = arith.constant 0 : i32
    return %c0_i32, %arg0 : i32, i32
  }
}

module attributes {stable_mosaic.version = 14 : i64} {
  func.func @_tc_body(%arg0: i32, %arg1: memref<64x2048xf32, #tpu.memory_space<vmem>>, %arg2: memref<64x2048xf32, #tpu.memory_space<vmem>>, %arg3: memref<64x2048xf32, #tpu.memory_space<vmem>>, %arg4: memref<64x2048xf32, #tpu.memory_space<vmem>>, %arg5: memref<64x2048xf32, #tpu.memory_space<vmem>>, %arg6: memref<64x2048xf32, #tpu.memory_space<vmem>>, %arg7: memref<64x2048xf32, #tpu.memory_space<vmem>>, %arg8: memref<128x64xf32, #tpu.memory_space<vmem>>, %arg9: memref<64x1xf32, #tpu.memory_space<vmem>>, %arg10: memref<64x32xf32, #tpu.memory_space<vmem>>, %arg11: memref<32x1xf32, #tpu.memory_space<vmem>>, %arg12: memref<128x64xf32, #tpu.memory_space<vmem>>, %arg13: memref<64x1xf32, #tpu.memory_space<vmem>>, %arg14: memref<64x32xf32, #tpu.memory_space<vmem>>, %arg15: memref<32x1xf32, #tpu.memory_space<vmem>>, %arg16: memref<64x3xf32, #tpu.memory_space<vmem>>, %arg17: memref<3x1xf32, #tpu.memory_space<vmem>>, %arg18: memref<128x1xf32, #tpu.memory_space<vmem>>, %arg19: memref<1x1xf32, #tpu.memory_space<vmem>>, %arg20: memref<1x2048xf32, #tpu.memory_space<vmem>>) attributes {dimension_semantics = [#tpu.dimension_semantics<arbitrary>], iteration_bounds = array<i64: 8>, scalar_prefetch = 0 : i64, scratch_operands = 0 : i64, tpu.core_type = #tpu.core_type<tc>, window_params = [{transform_indices = @transform_0, window_bounds = array<i64: 64, 2048>}, {transform_indices = @transform_1, window_bounds = array<i64: 64, 2048>}, {transform_indices = @transform_2, window_bounds = array<i64: 64, 2048>}, {transform_indices = @transform_3, window_bounds = array<i64: 64, 2048>}, {transform_indices = @transform_4, window_bounds = array<i64: 64, 2048>}, {transform_indices = @transform_5, window_bounds = array<i64: 64, 2048>}, {transform_indices = @transform_6, window_bounds = array<i64: 64, 2048>}, {pipeline_mode = #tpu.pipeline_mode<synchronous>, transform_indices = @transform_7, window_bounds = array<i64: 128, 64>}, {pipeline_mode = #tpu.pipeline_mode<synchronous>, transform_indices = @transform_8, window_bounds = array<i64: 64, 1>}, {pipeline_mode = #tpu.pipeline_mode<synchronous>, transform_indices = @transform_9, window_bounds = array<i64: 64, 32>}, {pipeline_mode = #tpu.pipeline_mode<synchronous>, transform_indices = @transform_10, window_bounds = array<i64: 32, 1>}, {pipeline_mode = #tpu.pipeline_mode<synchronous>, transform_indices = @transform_11, window_bounds = array<i64: 128, 64>}, {pipeline_mode = #tpu.pipeline_mode<synchronous>, transform_indices = @transform_12, window_bounds = array<i64: 64, 1>}, {pipeline_mode = #tpu.pipeline_mode<synchronous>, transform_indices = @transform_13, window_bounds = array<i64: 64, 32>}, {pipeline_mode = #tpu.pipeline_mode<synchronous>, transform_indices = @transform_14, window_bounds = array<i64: 32, 1>}, {pipeline_mode = #tpu.pipeline_mode<synchronous>, transform_indices = @transform_15, window_bounds = array<i64: 64, 3>}, {pipeline_mode = #tpu.pipeline_mode<synchronous>, transform_indices = @transform_16, window_bounds = array<i64: 3, 1>}, {pipeline_mode = #tpu.pipeline_mode<synchronous>, transform_indices = @transform_17, window_bounds = array<i64: 128, 1>}, {pipeline_mode = #tpu.pipeline_mode<synchronous>, transform_indices = @transform_18, window_bounds = array<i64: 1, 1>}, {transform_indices = @transform_19, window_bounds = array<i64: 1, 2048>}]} {
    %get3A = arith.constant 0 : index
    %get3A_0 = arith.constant 0 : index
    %get3A_1 = vector.load %arg1[%get3A, %get3A_0] : memref<64x2048xf32, #tpu.memory_space<vmem>>, vector<64x2048xf32>
    %get3A_2 = arith.constant 0 : index
    %get3A_3 = arith.constant 0 : index
    %get3A_4 = vector.load %arg2[%get3A_2, %get3A_3] : memref<64x2048xf32, #tpu.memory_space<vmem>>, vector<64x2048xf32>
    %get3A_5 = arith.constant 0 : index
    %get3A_6 = arith.constant 0 : index
    %get3A_7 = vector.load %arg6[%get3A_5, %get3A_6] : memref<64x2048xf32, #tpu.memory_space<vmem>>, vector<64x2048xf32>
    %concatenate3A = tpu.concatenate %get3A_4, %get3A_7 in 0 : vector<64x2048xf32>, vector<64x2048xf32> -> vector<128x2048xf32>
    %get3A_8 = arith.constant 0 : index
    %get3A_9 = arith.constant 0 : index
    %get3A_10 = vector.load %arg8[%get3A_8, %get3A_9] : memref<128x64xf32, #tpu.memory_space<vmem>>, vector<128x64xf32>
    %dot_general3A = arith.constant dense<0.000000e+00> : vector<64x2048xf32>
    %dot_general3A_11 = tpu.matmul %get3A_10, %concatenate3A, %dot_general3A {dimension_numbers = #tpu.dot_dimension_numbers<[0], [0], [1], [1], [0, 1, 1, 1], [], []>, transpose_lhs_hint = false} : vector<128x64xf32>, vector<128x2048xf32>, vector<64x2048xf32> -> vector<64x2048xf32>
    %get3A_12 = arith.constant 0 : index
    %get3A_13 = arith.constant 0 : index
    %get3A_14 = vector.load %arg9[%get3A_12, %get3A_13] : memref<64x1xf32, #tpu.memory_space<vmem>>, vector<64x1xf32>
    %add3A = vector.broadcast %get3A_14 : vector<64x1xf32> to vector<64x2048xf32>
    %add3A_15 = arith.addf %dot_general3A_11, %add3A : vector<64x2048xf32>
    %max3A = arith.constant 0.000000e+00 : f32
    %max3A_16 = vector.broadcast %max3A : f32 to vector<64x2048xf32>
    %max3A_17 = arith.maximumf %add3A_15, %max3A_16 : vector<64x2048xf32>
    %get3A_18 = arith.constant 0 : index
    %get3A_19 = arith.constant 0 : index
    %get3A_20 = vector.load %arg10[%get3A_18, %get3A_19] : memref<64x32xf32, #tpu.memory_space<vmem>>, vector<64x32xf32>
    %dot_general3A_21 = arith.constant dense<0.000000e+00> : vector<32x2048xf32>
    %dot_general3A_22 = tpu.matmul %get3A_20, %max3A_17, %dot_general3A_21 {dimension_numbers = #tpu.dot_dimension_numbers<[0], [0], [1], [1], [0, 1, 1, 1], [], []>, transpose_lhs_hint = false} : vector<64x32xf32>, vector<64x2048xf32>, vector<32x2048xf32> -> vector<32x2048xf32>
    %get3A_23 = arith.constant 0 : index
    %get3A_24 = arith.constant 0 : index
    %get3A_25 = vector.load %arg11[%get3A_23, %get3A_24] : memref<32x1xf32, #tpu.memory_space<vmem>>, vector<32x1xf32>
    %add3A_26 = vector.broadcast %get3A_25 : vector<32x1xf32> to vector<32x2048xf32>
    %add3A_27 = arith.addf %dot_general3A_22, %add3A_26 : vector<32x2048xf32>
    %max3A_28 = arith.constant 0.000000e+00 : f32
    %max3A_29 = vector.broadcast %max3A_28 : f32 to vector<32x2048xf32>
    %max3A_30 = arith.maximumf %add3A_27, %max3A_29 : vector<32x2048xf32>
    %get3A_31 = arith.constant 0 : index
    %get3A_32 = arith.constant 0 : index
    %get3A_33 = vector.load %arg4[%get3A_31, %get3A_32] : memref<64x2048xf32, #tpu.memory_space<vmem>>, vector<64x2048xf32>
    %concatenate3A_34 = tpu.concatenate %get3A_33, %get3A_1 in 0 : vector<64x2048xf32>, vector<64x2048xf32> -> vector<128x2048xf32>
    %get3A_35 = arith.constant 0 : index
    %get3A_36 = arith.constant 0 : index
    %get3A_37 = vector.load %arg12[%get3A_35, %get3A_36] : memref<128x64xf32, #tpu.memory_space<vmem>>, vector<128x64xf32>
    %dot_general3A_38 = arith.constant dense<0.000000e+00> : vector<64x2048xf32>
    %dot_general3A_39 = tpu.matmul %get3A_37, %concatenate3A_34, %dot_general3A_38 {dimension_numbers = #tpu.dot_dimension_numbers<[0], [0], [1], [1], [0, 1, 1, 1], [], []>, transpose_lhs_hint = false} : vector<128x64xf32>, vector<128x2048xf32>, vector<64x2048xf32> -> vector<64x2048xf32>
    %get3A_40 = arith.constant 0 : index
    %get3A_41 = arith.constant 0 : index
    %get3A_42 = vector.load %arg13[%get3A_40, %get3A_41] : memref<64x1xf32, #tpu.memory_space<vmem>>, vector<64x1xf32>
    %add3A_43 = vector.broadcast %get3A_42 : vector<64x1xf32> to vector<64x2048xf32>
    %add3A_44 = arith.addf %dot_general3A_39, %add3A_43 : vector<64x2048xf32>
    %max3A_45 = arith.constant 0.000000e+00 : f32
    %max3A_46 = vector.broadcast %max3A_45 : f32 to vector<64x2048xf32>
    %max3A_47 = arith.maximumf %add3A_44, %max3A_46 : vector<64x2048xf32>
    %get3A_48 = arith.constant 0 : index
    %get3A_49 = arith.constant 0 : index
    %get3A_50 = vector.load %arg14[%get3A_48, %get3A_49] : memref<64x32xf32, #tpu.memory_space<vmem>>, vector<64x32xf32>
    %dot_general3A_51 = arith.constant dense<0.000000e+00> : vector<32x2048xf32>
    %dot_general3A_52 = tpu.matmul %get3A_50, %max3A_47, %dot_general3A_51 {dimension_numbers = #tpu.dot_dimension_numbers<[0], [0], [1], [1], [0, 1, 1, 1], [], []>, transpose_lhs_hint = false} : vector<64x32xf32>, vector<64x2048xf32>, vector<32x2048xf32> -> vector<32x2048xf32>
    %get3A_53 = arith.constant 0 : index
    %get3A_54 = arith.constant 0 : index
    %get3A_55 = vector.load %arg15[%get3A_53, %get3A_54] : memref<32x1xf32, #tpu.memory_space<vmem>>, vector<32x1xf32>
    %add3A_56 = vector.broadcast %get3A_55 : vector<32x1xf32> to vector<32x2048xf32>
    %add3A_57 = arith.addf %dot_general3A_52, %add3A_56 : vector<32x2048xf32>
    %max3A_58 = arith.constant 0.000000e+00 : f32
    %max3A_59 = vector.broadcast %max3A_58 : f32 to vector<32x2048xf32>
    %max3A_60 = arith.maximumf %add3A_57, %max3A_59 : vector<32x2048xf32>
    %get3A_61 = arith.constant 0 : index
    %get3A_62 = arith.constant 0 : index
    %get3A_63 = vector.load %arg16[%get3A_61, %get3A_62] : memref<64x3xf32, #tpu.memory_space<vmem>>, vector<64x3xf32>
    %get3A_64 = arith.constant 0 : index
    %get3A_65 = arith.constant 0 : index
    %get3A_66 = vector.load %arg5[%get3A_64, %get3A_65] : memref<64x2048xf32, #tpu.memory_space<vmem>>, vector<64x2048xf32>
    %max3A_67 = arith.constant 0.000000e+00 : f32
    %max3A_68 = vector.broadcast %max3A_67 : f32 to vector<64x2048xf32>
    %max3A_69 = arith.maximumf %get3A_66, %max3A_68 : vector<64x2048xf32>
    %dot_general3A_70 = arith.constant dense<0.000000e+00> : vector<3x2048xf32>
    %dot_general3A_71 = tpu.matmul %get3A_63, %max3A_69, %dot_general3A_70 {dimension_numbers = #tpu.dot_dimension_numbers<[0], [0], [1], [1], [0, 1, 1, 1], [], []>, transpose_lhs_hint = false} : vector<64x3xf32>, vector<64x2048xf32>, vector<3x2048xf32> -> vector<3x2048xf32>
    %get3A_72 = arith.constant 0 : index
    %get3A_73 = arith.constant 0 : index
    %get3A_74 = vector.load %arg17[%get3A_72, %get3A_73] : memref<3x1xf32, #tpu.memory_space<vmem>>, vector<3x1xf32>
    %add3A_75 = vector.broadcast %get3A_74 : vector<3x1xf32> to vector<3x2048xf32>
    %add3A_76 = arith.addf %dot_general3A_71, %add3A_75 : vector<3x2048xf32>
    %logistic3A = arith.negf %add3A_76 : vector<3x2048xf32>
    %logistic3A_77 = math.exp %logistic3A : vector<3x2048xf32>
    %logistic3A_78 = arith.constant 1.000000e+00 : f32
    %logistic3A_79 = vector.broadcast %logistic3A_78 : f32 to vector<3x2048xf32>
    %logistic3A_80 = arith.addf %logistic3A_79, %logistic3A_77 : vector<3x2048xf32>
    %logistic3A_81 = arith.divf %logistic3A_79, %logistic3A_80 : vector<3x2048xf32>
    %get3A_82 = arith.constant 0 : index
    %get3A_83 = arith.constant 0 : index
    %get3A_84 = vector.load %arg3[%get3A_82, %get3A_83] : memref<64x2048xf32, #tpu.memory_space<vmem>>, vector<64x2048xf32>
    %get3A_85 = arith.constant 0 : index
    %get3A_86 = arith.constant 0 : index
    %get3A_87 = vector.load %arg7[%get3A_85, %get3A_86] : memref<64x2048xf32, #tpu.memory_space<vmem>>, vector<64x2048xf32>
    %mul3A = arith.mulf %get3A_84, %get3A_87 : vector<64x2048xf32>
    %slice3A = vector.extract_strided_slice %logistic3A_81 {offsets = [0, 0], sizes = [1, 2048], strides = [1, 1]} : vector<3x2048xf32> to vector<1x2048xf32>
    %mul3A_88 = vector.broadcast %slice3A : vector<1x2048xf32> to vector<32x2048xf32>
    %mul3A_89 = arith.mulf %max3A_30, %mul3A_88 : vector<32x2048xf32>
    %slice3A_90 = vector.extract_strided_slice %logistic3A_81 {offsets = [1, 0], sizes = [1, 2048], strides = [1, 1]} : vector<3x2048xf32> to vector<1x2048xf32>
    %mul3A_91 = vector.broadcast %slice3A_90 : vector<1x2048xf32> to vector<64x2048xf32>
    %mul3A_92 = arith.mulf %mul3A, %mul3A_91 : vector<64x2048xf32>
    %slice3A_93 = vector.extract_strided_slice %logistic3A_81 {offsets = [2, 0], sizes = [1, 2048], strides = [1, 1]} : vector<3x2048xf32> to vector<1x2048xf32>
    %mul3A_94 = vector.broadcast %slice3A_93 : vector<1x2048xf32> to vector<32x2048xf32>
    %mul3A_95 = arith.mulf %max3A_60, %mul3A_94 : vector<32x2048xf32>
    %concatenate3A_96 = tpu.concatenate %mul3A_89, %mul3A_92, %mul3A_95 in 0 : vector<32x2048xf32>, vector<64x2048xf32>, vector<32x2048xf32> -> vector<128x2048xf32>
    %get3A_97 = arith.constant 0 : index
    %get3A_98 = arith.constant 0 : index
    %get3A_99 = vector.load %arg18[%get3A_97, %get3A_98] : memref<128x1xf32, #tpu.memory_space<vmem>>, vector<128x1xf32>
    %dot_general3A_100 = arith.constant dense<0.000000e+00> : vector<1x2048xf32>
    %dot_general3A_101 = tpu.matmul %get3A_99, %concatenate3A_96, %dot_general3A_100 {dimension_numbers = #tpu.dot_dimension_numbers<[0], [0], [1], [1], [0, 1, 1, 1], [], []>, transpose_lhs_hint = false} : vector<128x1xf32>, vector<128x2048xf32>, vector<1x2048xf32> -> vector<1x2048xf32>
    %get3A_102 = arith.constant 0 : index
    %get3A_103 = arith.constant 0 : index
    %get3A_104 = vector.load %arg19[%get3A_102, %get3A_103] : memref<1x1xf32, #tpu.memory_space<vmem>>, vector<1x1xf32>
    %add3A_105 = vector.broadcast %get3A_104 : vector<1x1xf32> to vector<1x2048xf32>
    %add3A_106 = arith.addf %dot_general3A_101, %add3A_105 : vector<1x2048xf32>
    %logistic3A_107 = arith.negf %add3A_106 : vector<1x2048xf32>
    %logistic3A_108 = math.exp %logistic3A_107 : vector<1x2048xf32>
    %logistic3A_109 = arith.constant 1.000000e+00 : f32
    %logistic3A_110 = vector.broadcast %logistic3A_109 : f32 to vector<1x2048xf32>
    %logistic3A_111 = arith.addf %logistic3A_110, %logistic3A_108 : vector<1x2048xf32>
    %logistic3A_112 = arith.divf %logistic3A_110, %logistic3A_111 : vector<1x2048xf32>
    %swap3A = arith.constant 0 : index
    %swap3A_113 = arith.constant 0 : index
    %swap3A_114 = vector.load %arg20[%swap3A, %swap3A_113] : memref<1x2048xf32, #tpu.memory_space<vmem>>, vector<1x2048xf32>
    tpu.vector_store %arg20[%swap3A, %swap3A_113], %logistic3A_112 {strides = array<i32>} : memref<1x2048xf32, #tpu.memory_space<vmem>>, vector<1x2048xf32>,
    return
  }
  func.func @transform_0(%arg0: i32) -> (i32, i32) {
    %c0_i32 = arith.constant 0 : i32
    %c0_i32_0 = arith.constant 0 : i32
    return %c0_i32, %arg0 : i32, i32
  }
  func.func @transform_1(%arg0: i32) -> (i32, i32) {
    %c0_i32 = arith.constant 0 : i32
    %c0_i32_0 = arith.constant 0 : i32
    return %c0_i32, %arg0 : i32, i32
  }
  func.func @transform_2(%arg0: i32) -> (i32, i32) {
    %c0_i32 = arith.constant 0 : i32
    %c0_i32_0 = arith.constant 0 : i32
    return %c0_i32, %arg0 : i32, i32
  }
  func.func @transform_3(%arg0: i32) -> (i32, i32) {
    %c0_i32 = arith.constant 0 : i32
    %c0_i32_0 = arith.constant 0 : i32
    return %c0_i32, %arg0 : i32, i32
  }
  func.func @transform_4(%arg0: i32) -> (i32, i32) {
    %c0_i32 = arith.constant 0 : i32
    %c0_i32_0 = arith.constant 0 : i32
    return %c0_i32, %arg0 : i32, i32
  }
  func.func @transform_5(%arg0: i32) -> (i32, i32) {
    %c0_i32 = arith.constant 0 : i32
    %c0_i32_0 = arith.constant 0 : i32
    return %c0_i32, %arg0 : i32, i32
  }
  func.func @transform_6(%arg0: i32) -> (i32, i32) {
    %c0_i32 = arith.constant 0 : i32
    %c0_i32_0 = arith.constant 0 : i32
    return %c0_i32, %arg0 : i32, i32
  }
  func.func @transform_7(%arg0: i32) -> (i32, i32) {
    %c0_i32 = arith.constant 0 : i32
    %c0_i32_0 = arith.constant 0 : i32
    %c0_i32_1 = arith.constant 0 : i32
    return %c0_i32, %c0_i32_0 : i32, i32
  }
  func.func @transform_8(%arg0: i32) -> (i32, i32) {
    %c0_i32 = arith.constant 0 : i32
    %c0_i32_0 = arith.constant 0 : i32
    %c0_i32_1 = arith.constant 0 : i32
    return %c0_i32, %c0_i32_0 : i32, i32
  }
  func.func @transform_9(%arg0: i32) -> (i32, i32) {
    %c0_i32 = arith.constant 0 : i32
    %c0_i32_0 = arith.constant 0 : i32
    %c0_i32_1 = arith.constant 0 : i32
    return %c0_i32, %c0_i32_0 : i32, i32
  }
  func.func @transform_10(%arg0: i32) -> (i32, i32) {
    %c0_i32 = arith.constant 0 : i32
    %c0_i32_0 = arith.constant 0 : i32
    %c0_i32_1 = arith.constant 0 : i32
    return %c0_i32, %c0_i32_0 : i32, i32
  }
  func.func @transform_11(%arg0: i32) -> (i32, i32) {
    %c0_i32 = arith.constant 0 : i32
    %c0_i32_0 = arith.constant 0 : i32
    %c0_i32_1 = arith.constant 0 : i32
    return %c0_i32, %c0_i32_0 : i32, i32
  }
  func.func @transform_12(%arg0: i32) -> (i32, i32) {
    %c0_i32 = arith.constant 0 : i32
    %c0_i32_0 = arith.constant 0 : i32
    %c0_i32_1 = arith.constant 0 : i32
    return %c0_i32, %c0_i32_0 : i32, i32
  }
  func.func @transform_13(%arg0: i32) -> (i32, i32) {
    %c0_i32 = arith.constant 0 : i32
    %c0_i32_0 = arith.constant 0 : i32
    %c0_i32_1 = arith.constant 0 : i32
    return %c0_i32, %c0_i32_0 : i32, i32
  }
  func.func @transform_14(%arg0: i32) -> (i32, i32) {
    %c0_i32 = arith.constant 0 : i32
    %c0_i32_0 = arith.constant 0 : i32
    %c0_i32_1 = arith.constant 0 : i32
    return %c0_i32, %c0_i32_0 : i32, i32
  }
  func.func @transform_15(%arg0: i32) -> (i32, i32) {
    %c0_i32 = arith.constant 0 : i32
    %c0_i32_0 = arith.constant 0 : i32
    %c0_i32_1 = arith.constant 0 : i32
    return %c0_i32, %c0_i32_0 : i32, i32
  }
  func.func @transform_16(%arg0: i32) -> (i32, i32) {
    %c0_i32 = arith.constant 0 : i32
    %c0_i32_0 = arith.constant 0 : i32
    %c0_i32_1 = arith.constant 0 : i32
    return %c0_i32, %c0_i32_0 : i32, i32
  }
  func.func @transform_17(%arg0: i32) -> (i32, i32) {
    %c0_i32 = arith.constant 0 : i32
    %c0_i32_0 = arith.constant 0 : i32
    %c0_i32_1 = arith.constant 0 : i32
    return %c0_i32, %c0_i32_0 : i32, i32
  }
  func.func @transform_18(%arg0: i32) -> (i32, i32) {
    %c0_i32 = arith.constant 0 : i32
    %c0_i32_0 = arith.constant 0 : i32
    %c0_i32_1 = arith.constant 0 : i32
    return %c0_i32, %c0_i32_0 : i32, i32
  }
  func.func @transform_19(%arg0: i32) -> (i32, i32) {
    %c0_i32 = arith.constant 0 : i32
    %c0_i32_0 = arith.constant 0 : i32
    return %c0_i32, %arg0 : i32, i32
  }
}

</mosaic_0001>

<sc_bundles>
// kernel: kernel.5.cloned.1.call-start
scs
__scs_entry_jumppad:
0x0: {  	(pc) =	sbr.rel $0x88, $3  }
0x1: {  	(tag) =	ssettag $0x0;
	lr =	simm.s32 $0x1  }
0x2: {  	[smem:$0x3F88] =	sst lr;
	_ =	strace $0xD0000000  }
0x3: {  	_ = 	snop  }
0x4: {  	_ = 	snop  }
0x5: {  	_ = 	snop  }
0x6: {  	_ = 	snop  }
0x7: {  	_ = 	snop  }
__scs_overlays_trampoline_lowered:
0x8: {  	[smem:$0x3F97] =	sst s0  }
0x9: {  	[smem:$0x3F98] =	sst s1  }
0xa: {  	[smem:$0x3F99] =	sst s2  }
0xb: {  	[smem:$0x3F9A] =	sst s3  }
0xc: {  	[smem:$0x3F9B] =	sst s4  }
0xd: {  	[smem:$0x3F9C] =	sst s5  }
0xe: {  	[smem:$0x3F9D] =	sst s6  }
0xf: {  	[smem:$0x3F9E] =	sst s7  }
0x10: {  	[smem:$0x3F9F] =	sst s8  }
0x11: {  	[smem:$0x3FA0] =	sst s9;
	s0 =	simm.s32 @!p0 $0x0  }
0x12: {  	s1 =	sld [smem:$0x3F86];
	s0 =	simm.s32 @p0 $0x1  }
0x13: {  	[smem:$0x3FA1] =	sst s0;
	s0 =	simm.s32 @!p1 $0x0  }
0x14: {  	s2 =	sld [smem:$0x3F85];
	s0 =	simm.s32 @p1 $0x1  }
0x15: {  	[smem:$0x3FA2] =	sst s0;
	s0 =	simm.s32 @!p2 $0x0  }
0x16: {  	s3 =	sld [smem:$0x3FDB];
	s0 =	simm.s32 @p2 $0x1  }
0x17: {  	s4 =	simm.s32 $0x1BF5;
	[smem:$0x3FA4] =	sst s0  }
0x18: {  	s0 =	sld [smem:$0x3F87];
	_ =	swait.ge [sflag:s4], $0x0  }
0x19: {  	s7 =	sld [smem:$0x3F88]  }
0x1a: {  	s8 =	sadd.s32 $0xFFFFE003, lr  }
0x1b: {  	s9 =	sadd.s32 $0xFFFFFEF7, lr;
	s5 =	simm.s32 $0xFFFFFFFF;
	p2 =	slt.u32 s8, $0xFFFFF086  }
0x1c: {  	p1 =	slt.u32 s9, $0xF7A;
	s5 =	simm.s32 @!p2 $0x0  }
0x1d: {  	s5 =	simm.s32 @p1 $0x1;
	p0 =	seq.s32 s7, s2  }
0x1e: {  	s7 =	smul.u32 @!p0 $0xF7A, s2;
	p2 =	seq.s32 @!p0 s5, $0x0  }
0x1f: {  	s9 =	smul.u32 $0xF7A, s1;
	s8 =	simm.s32 @!p0 $0x1BF5;
	p2 =	por !p2, p0  }
0x20: {  	[sflag:s8] =	ssyncset.s32 @!p0 $0xFFFFF086;
	s6 =	sadd.s32 @!p0 s3, s7;
	s7 =	simm.s32 @!p0 $0x108  }
0x21: {  	s3 =	sadd.s32 s3, s9;
	s6 =	sadd.s32 @!p0 $0x88, s6;
	s7 =	simm.s32 @p2 $0x1082  }
0x22: {  	[simem:s7], [sflag:s8] =	dma.local @!p0 [hbm:s6], $0xF7A  }
0x23: {  	s9 =	sor.u32 $0xD0000000, s2;
	s6 =	simm.s32 $0x108;
	_ =	swait.ge @!p0 [sflag:s8], $0x0  }
0x24: {  	s3 =	sadd.s32 $0x88, s3;
	s6 =	simm.s32 @!p1 $0x1082;
	[sflag:s4] =	ssyncset.s32 $0xFFFFF086  }
0x25: {  	[simem:s6], [sflag:s4] =	dma.local [hbm:s3], $0xF7A  }
0x26: {  	[smem:$0x3F88] =	sst s1;
	(tag) =	ssettag s2;
	_ =	strace s9  }
0x27: {  	s1 =	sld [smem:$0x3F98]  }
0x28: {  	s2 =	sld [smem:$0x3F99]  }
0x29: {  	s4 =	sld [smem:$0x3F9B]  }
0x2a: {  	p0 =	seq.s32 s5, $0x0;
	s5 =	sld [smem:$0x3F9C]  }
0x2b: {  	s6 =	sld [smem:$0x3F9D]  }
0x2c: {  	s7 =	sld [smem:$0x3F9E]  }
0x2d: {  	s3 =	simm.s32 $0x108;
	s8 =	sld [smem:$0x3F9F]  }
0x2e: {  	s3 =	simm.s32 @!p0 $0x1082;
	s9 =	sld [smem:$0x3FA0]  }
0x2f: {  	lr =	sadd.s32 s0, s3;
	s0 =	sld [smem:$0x3F97]  }
0x30: {  	s3 =	sld [smem:$0x3F9A]  }
0x31: {  	[smem:$0x3FA3] =	sst s10  }
0x32: {  	s10 =	sld [smem:$0x3FA1];
	_ =	sdelay $0x3  }
0x33: {  	p0 =	seq.s32 s10, $0x1;
	s10 =	sld [smem:$0x3FA3];
	_ =	sdelay $0x3  }
0x34: {  	[smem:$0x3FA3] =	sst s10  }
0x35: {  	s10 =	sld [smem:$0x3FA2];
	_ =	sdelay $0x3  }
0x36: {  	p1 =	seq.s32 s10, $0x1;
	s10 =	sld [smem:$0x3FA3];
	_ =	sdelay $0x3  }
0x37: {  	[smem:$0x3FA3] =	sst s10  }
0x38: {  	s10 =	sld [smem:$0x3FA4]  }
0x39: {  	_ = 	snop;
	(pc) =	sbr.ind lr, $3  }
0x3a: {  	_ = 	snop  }
0x3b: {  	_ = 	snop  }
0x3c: {  	p2 =	seq.s32 s10, $0x1;
	s10 =	sld [smem:$0x3FA3]  }
0x3d: {  	_ =	shalt  }
0x3e: {  	_ =	shalt  }
0x3f: {  	_ =	shalt  }
0x40: {  	_ =	shalt  }
0x41: {  	_ =	shalt  }
0x42: {  	_ =	shalt  }
0x43: {  	_ =	shalt  }
0x44: {  	_ =	shalt  }
0x45: {  	_ =	shalt  }
0x46: {  	_ =	shalt  }
0x47: {  	_ =	shalt  }
0x48: {  	_ =	shalt  }
0x49: {  	_ =	shalt  }
0x4a: {  	_ =	shalt  }
0x4b: {  	_ =	shalt  }
0x4c: {  	_ =	shalt  }
0x4d: {  	_ =	shalt  }
0x4e: {  	_ =	shalt  }
0x4f: {  	_ =	shalt  }
0x50: {  	_ =	shalt  }
0x51: {  	_ =	shalt  }
0x52: {  	_ =	shalt  }
0x53: {  	_ =	shalt  }
0x54: {  	_ =	shalt  }
0x55: {  	_ =	shalt  }
0x56: {  	_ =	shalt  }
0x57: {  	_ =	shalt  }
0x58: {  	_ =	shalt  }
0x59: {  	_ =	shalt  }
0x5a: {  	_ =	shalt  }
0x5b: {  	_ =	shalt  }
0x5c: {  	_ =	shalt  }
0x5d: {  	_ =	shalt  }
0x5e: {  	_ =	shalt  }
0x5f: {  	_ =	shalt  }
0x60: {  	_ =	shalt  }
0x61: {  	_ =	shalt  }
0x62: {  	_ =	shalt  }
0x63: {  	_ =	shalt  }
0x64: {  	_ =	shalt  }
0x65: {  	_ =	shalt  }
0x66: {  	_ =	shalt  }
0x67: {  	_ =	shalt  }
0x68: {  	_ =	shalt  }
0x69: {  	_ =	shalt  }
0x6a: {  	_ =	shalt  }
0x6b: {  	_ =	shalt  }
0x6c: {  	_ =	shalt  }
0x6d: {  	_ =	shalt  }
0x6e: {  	_ =	shalt  }
0x6f: {  	_ =	shalt  }
0x70: {  	_ =	shalt  }
0x71: {  	_ =	shalt  }
0x72: {  	_ =	shalt  }
0x73: {  	_ =	shalt  }
0x74: {  	_ =	shalt  }
0x75: {  	_ =	shalt  }
0x76: {  	_ =	shalt  }
0x77: {  	_ =	shalt  }
0x78: {  	_ =	shalt  }
0x79: {  	_ =	shalt  }
0x7a: {  	_ =	shalt  }
0x7b: {  	_ =	shalt  }
0x7c: {  	_ =	shalt  }
0x7d: {  	_ =	shalt  }
0x7e: {  	_ =	shalt  }
0x7f: {  	_ =	shalt  }
0x80: {  	_ =	shalt  }
0x81: {  	_ =	shalt  }
0x82: {  	_ =	shalt  }
0x83: {  	_ =	shalt  }
0x84: {  	_ =	shalt  }
0x85: {  	_ =	shalt  }
0x86: {  	_ =	shalt  }
0x87: {  	_ =	shalt  }
.Lfunc_end0:
.L_simem_size_0:
called_computation_lowered:
.L_overlay_start_0:
0x88: {  	s2 =	sld [smem:$0x3FD9]  }
0x89: {  	s3 =	sld [smem:$0x3FFE];
	_ =	sdelay $0x1  }
0x8a: {  	s1 =	srdreg.scid  }
0x8b: {  	s0 =	sand.u32 $0x1, s1  }
0x8c: {  	s17 =	sshll.u32 s0, $0xA;
	s2 =	sadd.s32 s3, s2  }
0x8d: {  	s2 =	sadd.s32 s2, s17  }
0x8e: {  	[smem:$0x3FAF] =	sst s2  }
0x8f: {  	_ = 	snop  }
0x90: {  	s2 =	sld [smem:$0x3FC9]  }
0x91: {  	s18 =	sld [smem:$0x3FC8]  }
0x92: {  	s4 =	sld [smem:$0x3FC6]  }
0x93: {  	s5 =	sld [smem:$0x3FC5]  }
0x94: {  	s6 =	sld [smem:$0x3FC4]  }
0x95: {  	s7 =	sld [smem:$0x3FC3]  }
0x96: {  	s8 =	sld [smem:$0x3FC2]  }
0x97: {  	s9 =	sld [smem:$0x3FC1];
	(tm) =	ssettm $0x1  }
0x98: {  	s10 =	sld [smem:$0x3FFB];
	_ =	sdelay $0x3  }
0x99: {  	_ =	strace s10  }
0x9a: {  	s10 =	sld [smem:$0x3FFC];
	_ =	sdelay $0x3  }
0x9b: {  	_ =	strace s10  }
0x9c: {  	s10 =	sld [smem:$0x3FFD];
	_ =	sdelay $0x3  }
0x9d: {  	_ =	strace s10  }
0x9e: {  	_ =	strace $0x8FFFFFFF  }
0x9f: {  	s19 =	sld [smem:$0x3FDB];
	_ =	sdelay $0x1  }
0xa0: {  	s11 =	simm.s32 $_scs_section_size  }
0xa1: {  	s12 =	simm.s32 $_size__tile_overlayer_lowered;
	s13 =	simm.s32 $_tile_overlayer_lowered  }
0xa2: {  	s22 =	simm.s32 $0x1BFF;
	s21 =	sshll.u32 s13, $0x1;
	s10 =	sadd.s32 s11, s19  }
0xa3: {  	s14 =	simm.s32 $0x0;
	s20 =	sshll.u32 s12, $0x1;
	s12 =	sadd.s32 s21, s10  }
0xa4: {  	[timem:s14], [sflag:s22] =	dma.local [hbm:s12], s20  }
0xa5: {  	_ =	swait.ge [sflag:s22], s20  }
0xa6: {  	s11 =	ssub.s32 $0x0, s20;
	[sflag:s22] =	ssyncset.done $0x0  }
0xa7: {  	[sflag:s22] =	ssyncadd.s32 s11;
	_ =	sdelay $0x1  }
0xa8: {  	s23 =	simm.s32 $0x1B8B  }
0xa9: {  	_ =	swait.ge [sflag:s23], $0x1  }
0xaa: {  	[sflag:s23] =	ssyncset.done $0x0  }
0xab: {  	s25 =	simm.s32 $0x1B8E;
	s24 =	sld [smem:$0x3FFE];
	[sflag:s23] =	ssyncadd.s32 $0xFFFFFFFF  }
0xac: {  	s26 =	simm.s32 $execute0_lowered;
	[smem:$0x3FD2] =	sst s25  }
0xad: {  	s12 =	sshll.u32 s26, $0x1;
	_ =	strace $0x80000046;
	[dreg:$0x1] =	wrdreg $0xFFFFFFFF  }
0xae: {  	s28 =	simm.s32 $_size_execute0_lowered;
	s10 =	sadd.s32 s10, s12;
	[dreg:$0x0] =	wrdreg $0x0  }
0xaf: {  	s12 =	sshll.u32 s28, $0x1;
	[dreg:$0x2] =	wrdreg s10  }
0xb0: {  	[dreg:$0x3] =	wrdreg s12  }
0xb1: {  	[dreg:$0x4] =	wrdreg $0xC0  }
0xb2: {  	_ =	task [dreg:s14], $0x5FFFF  }
0xb3: {  	[dreg:$0x1] =	wrdreg $0xFFFFFFFF  }
0xb4: {  	[dreg:$0x0] =	wrdreg $0x60  }
0xb5: {  	[dreg:$0x2] =	wrdreg s2  }
0xb6: {  	[dreg:$0x3] =	wrdreg s18  }
0xb7: {  	[dreg:$0x4] =	wrdreg s4  }
0xb8: {  	[dreg:$0x5] =	wrdreg s6  }
0xb9: {  	[dreg:$0x6] =	wrdreg s8  }
0xba: {  	[dreg:$0x7] =	wrdreg s9  }
0xbb: {  	[dreg:$0x8] =	wrdreg s5  }
0xbc: {  	[dreg:$0x9] =	wrdreg s7  }
0xbd: {  	[dreg:$0xa] =	wrdreg s24  }
0xbe: {  	[dreg:$0xb] =	wrdreg $0x9  }
0xbf: {  	_ =	task.clear_ibuf [dreg:s14], $0xCFFFF;
	_ =	strace $0x90000046  }
0xc0: {  	s29 =	simm.s32 $0x9;
	_ =	strace $0x80000048  }
0xc1: {  	_ =	swait.ge [sflag:s29], $0x1  }
0xc2: {  	[sflag:s29] =	ssyncadd.s32 $0xFFFFFFFF  }
0xc3: {  	_ =	strace $0x90000048  }
0xc4: {  	_ =	sfence  }
0xc5: {  	s30 =	sld [smem:$0x0];
	_ =	sdelay $0x2  }
0xc6: {  	s31 =	sshll.u32 s1, $0xD;
	s1 =	sshrl.u32 s1, $0x2  }
0xc7: {  	s3 =	sand.u32 $0x4000, s31;
	s1 =	sadd.s32 s1, s30  }
0xc8: {  	s0 =	sor.u32 s3, s0;
	s1 =	sshll.u32 s1, $0x11  }
0xc9: {  	s0 =	sor.u32 s1, s0  }
0xca: {  	s0 =	sadd.s32 $0x8F2B, s0  }
0xcb: {  	[sflag:s0] =	ssyncadd.remote.s32 $0x1  }
0xcc: {  	_ =	sfence.sel $0xFFFF  }
0xcd: {  	[dreg:$0x0] =	wrdreg $0xFFFFFFFF;
	(pc) =	sbr.abs _section_cstart, $3  }
0xce: {  	[dreg:$0x1] =	wrdreg $0xFFFFFFFF  }
0xcf: {  	_ =	task.clear_ibuf [dreg:s14], $0x2FFFF;
	_ =	strace $0x9FFFFFFF  }
0xd0: {  	(tm) =	ssettm $0x7FFFFFFF  }
0xd1: {  	_ =	shalt  }
tec
execute0_lowered:
.L_overlay_start_1:
0x0: {  	(tag) =	ssettag $0x1  }
0x1: {  	s0 =	rddreg [dreg:$0x2]  }
0x2: {  	s1 =	rddreg [dreg:$0x3]  }
0x3: {  	s2 =	rddreg [dreg:$0x4]  }
0x4: {  	s3 =	rddreg [dreg:$0x5]  }
0x5: {  	s4 =	rddreg [dreg:$0x6]  }
0x6: {  	s9 =	rddreg [dreg:$0x7]  }
0x7: {  	s11 =	rddreg [dreg:$0x8];
	s5 =	simm.s32 $0x0  }
0x8: {  	s8 =	srdreg.scid;
	s13 =	stileid.u32;
	s28 =	simm.s32 $0x80  }
0x9: {  	s29 =	simm.s32 $0x400;
	s30 =	simm.s32 $0x4000;
	s31 =	simm.s32 $0x3  }
0xa: {  	[smem:$0x7FF] =	sst s5;
	s5 =	sadd.s32 $0x2E00, s11;
	s6 =	sadd.s32 $0x22E00, s11  }
0xb: {  	s7 =	sadd.s32 $0x42E00, s11;
	s8 =	sand.u32 $0x1, s8;
	s10 =	sshll.u32 s13, $0x9  }
0xc: {  	s13 =	sshrl.u32 s13, $0x1;
	_ =	strace $0x80000047;
	s12 =	sshll.u32 s8, $0x8  }
0xd: {  	s10 =	sand.u32 $0x200, s10;
	s14 =	ssub.s32 $0x2, s8;
	s19 =	smul.u32 $0xC3800, s13  }
0xe: {  	s8 =	sadd.s32 $0x62E00, s11;
	s13 =	sshll.u32 s13, $0x11;
	s10 =	sor.u32 s12, s10  }
0xf: {  	s15 =	sshrl.u32 s14, $0x1;
	s16 =	sor.u32 $0x80, s10;
	s20 =	sor.u32 s19, s10  }
0x10: {  	s14 =	ssub.s32 s14, s15;
	s12 =	sor.u32 s19, s16;
	s15 =	sshrl.u32 s20, $0x3  }
0x11: {  	s10 =	sor.u32 s10, s13;
	s22 =	sshrl.u32 s12, $0x3;
	s21 =	sadd.s32 s0, s15  }
0x12: {  	s12 =	sor.u32 s16, s13;
	s23 =	sadd.s32 s1, s15;
	s25 =	sadd.s32 s2, s15  }
0x13: {  	s17 =	sadd.s32 s3, s15;
	s19 =	sadd.s32 s4, s15;
	[dreg:$0xa] =	wrdreg s21  }
0x14: {  	s0 =	sadd.s32 s0, s22;
	[dreg:$0xc] =	wrdreg s23;
	s24 =	sadd.s32 s1, s22  }
0x15: {  	[dreg:$0xe] =	wrdreg s25;
	s26 =	sadd.s32 s2, s22;
	s18 =	sadd.s32 s3, s22  }
0x16: {  	s20 =	sadd.s32 s4, s22;
	s21 =	sadd.s32 s9, s15;
	s22 =	sadd.s32 s9, s22  }
0x17: {  	s23 =	sadd.s32 $0x82E00, s11;
	s25 =	smax.u32 s14, $0x1;
	[dreg:$0xb] =	wrdreg s0  }
0x18: {  	s2 =	simm.s32 $0x1C700;
	s4 =	simm.s32 $0x1CF00;
	[dreg:$0xd] =	wrdreg s24  }
0x19: {  	s1 =	simm.s32 $0x2;
	s3 =	simm.s32 $0x0;
	[dreg:$0xf] =	wrdreg s26  }
0x1a: {  	s24 =	sadd.s32 $0xA2E00, s11;
	s26 =	simm.s32 $0x4;
	s0 =	simm.s32 $0x1  }
.LBB2_1:
0x1b: {  	s9 =	rddreg [dreg:$0x0];
	s11 =	simm.s32 $0x0  }
0x1c: {  	[tilespmem:s11], [sflag:$0x4] =	stream.linear.gather [hbm4b:s9+s11], $0x4000, $0x38;
	[tilespmem:$0x1D700] =	vst v63  }
0x1d: {  	_ =	swait.ge [sflag:s26], $0x4000  }
0x1e: {  	[sflag:s26] =	ssyncset.done $0x0  }
0x1f: {  	s16 =	rddreg [dreg:$0xa];
	[sflag:s26] =	ssyncadd.s32 $0xFFFFC000  }
0x20: {  	[tilespmem:s30], [sflag:$0x3] =	stream.strided.gather [hbm4b:s16+s28], $0x18700, s29, s28, $0x38;
	[tilespmem:$0x1D700] =	vst v63  }
0x21: {  	_ =	swait.ge [sflag:s31], $0x18700  }
0x22: {  	s13 =	simm.s32 $0x0;
	[sflag:s31] =	ssyncset.done $0x0  }
0x23: {  	s9 =	simm.s32 $0x70;
	s11 =	simm.s32 $0x870;
	[sflag:s31] =	ssyncadd.s32 $0xFFFE7900  }
.LBB2_2:
0x24: {  	p0 =	seq.s32 s13, $0x0  }
0x25: {  	v0 =	vmov s9;
	s14 =	simm.s32 @!p0 $0x1  }
0x26: {  	_ =	swait.ge @!p0 [sflag:s14], $0x800  }
0x27: {  	[sflag:s14] =	ssyncset.done @!p0 $0x0  }
0x28: {  	[sflag:s14] =	ssyncadd.s32 @!p0 $0xFFFFF800;
	s14 =	simm.s32 $0x0  }
.LBB2_3:
0x29: {  	s15 =	sshra.s32 s14, $0x2  }
0x2a: {  	v1 =	vld.idx.msk [tilespmem:v0+s15+$0xFFFFFF90 ss:$0x1], $0xffff;
	_ =	sdelay $0x7  }
0x2b: {  	v1 =	vld.idx.msk [tilespmem:v1+s30+$0x0], $0xffff;
	_ =	sdelay $0x4  }
0x2c: {  	[tilespmem:s15+$0x1C700] =	vst v1  }
0x2d: {  	v1 =	vld.idx.msk [tilespmem:v0+s15+$0xFFFFFFA0 ss:$0x1], $0xffff;
	_ =	sdelay $0x7  }
0x2e: {  	v1 =	vld.idx.msk [tilespmem:v1+s30+$0x0], $0xffff;
	_ =	sdelay $0x4  }
0x2f: {  	[tilespmem:s15+$0x1C710] =	vst v1  }
0x30: {  	v1 =	vld.idx.msk [tilespmem:v0+s15+$0xFFFFFFB0 ss:$0x1], $0xffff;
	_ =	sdelay $0x7  }
0x31: {  	v1 =	vld.idx.msk [tilespmem:v1+s30+$0x0], $0xffff;
	_ =	sdelay $0x4  }
0x32: {  	[tilespmem:s15+$0x1C720] =	vst v1  }
0x33: {  	v1 =	vld.idx.msk [tilespmem:v0+s15+$0xFFFFFFC0 ss:$0x1], $0xffff;
	_ =	sdelay $0x7  }
0x34: {  	v1 =	vld.idx.msk [tilespmem:v1+s30+$0x0], $0xffff;
	_ =	sdelay $0x4  }
0x35: {  	[tilespmem:s15+$0x1C730] =	vst v1  }
0x36: {  	v1 =	vld.idx.msk [tilespmem:v0+s15+$0xFFFFFFD0 ss:$0x1], $0xffff;
	_ =	sdelay $0x7  }
0x37: {  	v1 =	vld.idx.msk [tilespmem:v1+s30+$0x0], $0xffff;
	_ =	sdelay $0x4  }
0x38: {  	[tilespmem:s15+$0x1C740] =	vst v1  }
0x39: {  	v1 =	vld.idx.msk [tilespmem:v0+s15+$0xFFFFFFE0 ss:$0x1], $0xffff;
	_ =	sdelay $0x7  }
0x3a: {  	v1 =	vld.idx.msk [tilespmem:v1+s30+$0x0], $0xffff;
	_ =	sdelay $0x4  }
0x3b: {  	[tilespmem:s15+$0x1C750] =	vst v1  }
0x3c: {  	v1 =	vld.idx.msk [tilespmem:v0+s15+$0xFFFFFFF0 ss:$0x1], $0xffff;
	_ =	sdelay $0x7  }
0x3d: {  	v1 =	vld.idx.msk [tilespmem:v1+s30+$0x0], $0xffff;
	_ =	sdelay $0x4  }
0x3e: {  	[tilespmem:s15+$0x1C760] =	vst v1  }
0x3f: {  	v1 =	vld.idx.msk [tilespmem:v0+s15+$0x0 ss:$0x1], $0xffff;
	_ =	sdelay $0x7  }
0x40: {  	p1 =	sne.s32 s14, $0x1E00;
	v1 =	vld.idx.msk [tilespmem:v1+s30+$0x0], $0xffff  }
.Ltmp0:
0x41: {  	_ = 	snop;
	(pc) =	sbr.rel @p1 .LBB2_3-.Ltmp0, $2  }
0x42: {  	_ =	sdelay $0x2  }
0x43: {  	s14 =	sadd.s32 $0x200, s14;
	[tilespmem:s15+$0x1C770] =	vst v1  }
0x44: {  	s14 =	sshll.u32 s13, $0xF  }
0x45: {  	s14 =	sadd.s32 s10, s14  }
0x46: {  	s14 =	sshrl.u32 s14, $0x3  }
0x47: {  	s15 =	simm.s32 @!p0 $0x2;
	s14 =	sadd.s32 s5, s14  }
0x48: {  	v0 =	vmov s11;
	[hbm4b:s14+s28] =	stream.strided.scatter [tilespmem:s2], [sflag:$0x1], $0x800, s29, s28, $0x38;
	[tilespmem:$0x1D700] =	vst v63  }
0x49: {  	_ =	swait.ge @!p0 [sflag:s15], $0x800  }
0x4a: {  	[sflag:s15] =	ssyncset.done @!p0 $0x0  }
0x4b: {  	s14 =	sshllo.u32 s13, $0x1;
	[sflag:s15] =	ssyncadd.s32 @!p0 $0xFFFFF800;
	s15 =	simm.s32 $0x0  }
.LBB2_5:
0x4c: {  	s16 =	sshra.s32 s15, $0x2  }
0x4d: {  	v1 =	vld.idx.msk [tilespmem:v0+s16+$0xFFFFFF90 ss:$0x1], $0xffff;
	_ =	sdelay $0x7  }
0x4e: {  	v1 =	vld.idx.msk [tilespmem:v1+s30+$0x0], $0xffff;
	_ =	sdelay $0x4  }
0x4f: {  	[tilespmem:s16+$0x1CF00] =	vst v1  }
0x50: {  	v1 =	vld.idx.msk [tilespmem:v0+s16+$0xFFFFFFA0 ss:$0x1], $0xffff;
	_ =	sdelay $0x7  }
0x51: {  	v1 =	vld.idx.msk [tilespmem:v1+s30+$0x0], $0xffff;
	_ =	sdelay $0x4  }
0x52: {  	[tilespmem:s16+$0x1CF10] =	vst v1  }
0x53: {  	v1 =	vld.idx.msk [tilespmem:v0+s16+$0xFFFFFFB0 ss:$0x1], $0xffff;
	_ =	sdelay $0x7  }
0x54: {  	v1 =	vld.idx.msk [tilespmem:v1+s30+$0x0], $0xffff;
	_ =	sdelay $0x4  }
0x55: {  	[tilespmem:s16+$0x1CF20] =	vst v1  }
0x56: {  	v1 =	vld.idx.msk [tilespmem:v0+s16+$0xFFFFFFC0 ss:$0x1], $0xffff;
	_ =	sdelay $0x7  }
0x57: {  	v1 =	vld.idx.msk [tilespmem:v1+s30+$0x0], $0xffff;
	_ =	sdelay $0x4  }
0x58: {  	[tilespmem:s16+$0x1CF30] =	vst v1  }
0x59: {  	v1 =	vld.idx.msk [tilespmem:v0+s16+$0xFFFFFFD0 ss:$0x1], $0xffff;
	_ =	sdelay $0x7  }
0x5a: {  	v1 =	vld.idx.msk [tilespmem:v1+s30+$0x0], $0xffff;
	_ =	sdelay $0x4  }
0x5b: {  	[tilespmem:s16+$0x1CF40] =	vst v1  }
0x5c: {  	v1 =	vld.idx.msk [tilespmem:v0+s16+$0xFFFFFFE0 ss:$0x1], $0xffff;
	_ =	sdelay $0x7  }
0x5d: {  	v1 =	vld.idx.msk [tilespmem:v1+s30+$0x0], $0xffff;
	_ =	sdelay $0x4  }
0x5e: {  	[tilespmem:s16+$0x1CF50] =	vst v1  }
0x5f: {  	v1 =	vld.idx.msk [tilespmem:v0+s16+$0xFFFFFFF0 ss:$0x1], $0xffff;
	_ =	sdelay $0x7  }
0x60: {  	v1 =	vld.idx.msk [tilespmem:v1+s30+$0x0], $0xffff;
	_ =	sdelay $0x4  }
0x61: {  	[tilespmem:s16+$0x1CF60] =	vst v1  }
0x62: {  	v1 =	vld.idx.msk [tilespmem:v0+s16+$0x0 ss:$0x1], $0xffff;
	_ =	sdelay $0x7  }
0x63: {  	p0 =	sne.s32 s15, $0x1E00;
	v1 =	vld.idx.msk [tilespmem:v1+s30+$0x0], $0xffff  }
.Ltmp1:
0x64: {  	_ = 	snop;
	(pc) =	sbr.rel @p0 .LBB2_5-.Ltmp1, $2  }
0x65: {  	_ =	sdelay $0x2  }
0x66: {  	s15 =	sadd.s32 $0x200, s15;
	[tilespmem:s16+$0x1CF70] =	vst v1  }
0x67: {  	s13 =	sadd.s32 $0x1, s13  }
0x68: {  	p0 =	sne.s32 s13, $0x4  }
.Ltmp2:
0x69: {  	s14 =	sshll.u32 s14, $0xE;
	(pc) =	sbr.rel @p0 .LBB2_2-.Ltmp2, $4  }
0x6a: {  	s14 =	sadd.s32 s10, s14  }
0x6b: {  	s14 =	sshrl.u32 s14, $0x3  }
0x6c: {  	s9 =	sadd.s32 $0x1000, s9;
	s11 =	sadd.s32 $0x1000, s11;
	s14 =	sadd.s32 s5, s14  }
0x6d: {  	[hbm4b:s14+s28] =	stream.strided.scatter [tilespmem:s4], [sflag:$0x2], $0x800, s29, s28, $0x38;
	[tilespmem:$0x1D700] =	vst v63  }
0x6e: {  	s9 =	rddreg [dreg:$0xb]  }
0x6f: {  	[tilespmem:s30], [sflag:$0x3] =	stream.strided.gather [hbm4b:s9+s28], $0x18700, s29, s28, $0x38;
	[tilespmem:$0x1D700] =	vst v63  }
0x70: {  	_ =	swait.ge [sflag:s31], $0x18700  }
0x71: {  	[sflag:s31] =	ssyncset.done $0x0  }
0x72: {  	[sflag:s31] =	ssyncadd.s32 $0xFFFE7900  }
0x73: {  	_ =	swait.ge [sflag:s0], $0x800  }
0x74: {  	[sflag:s0] =	ssyncset.done $0x0  }
0x75: {  	[sflag:s0] =	ssyncadd.s32 $0xFFFFF800  }
0x76: {  	_ =	swait.ge [sflag:s1], $0x800  }
0x77: {  	s11 =	simm.s32 $0x70;
	[sflag:s1] =	ssyncset.done $0x0  }
0x78: {  	s13 =	simm.s32 $0x870;
	s9 =	simm.s32 $0x0;
	[sflag:s1] =	ssyncadd.s32 $0xFFFFF800  }
.LBB2_8:
0x79: {  	p0 =	seq.s32 s9, $0x0  }
0x7a: {  	v0 =	vmov s11;
	s14 =	simm.s32 @!p0 $0x1  }
0x7b: {  	_ =	swait.ge @!p0 [sflag:s14], $0x800  }
0x7c: {  	[sflag:s14] =	ssyncset.done @!p0 $0x0  }
0x7d: {  	[sflag:s14] =	ssyncadd.s32 @!p0 $0xFFFFF800;
	s14 =	simm.s32 $0x0  }
.LBB2_9:
0x7e: {  	s15 =	sshra.s32 s14, $0x2  }
0x7f: {  	v1 =	vld.idx.msk [tilespmem:v0+s15+$0xFFFFFF90 ss:$0x1], $0xffff;
	_ =	sdelay $0x7  }
0x80: {  	v1 =	vld.idx.msk [tilespmem:v1+s30+$0x0], $0xffff;
	_ =	sdelay $0x4  }
0x81: {  	[tilespmem:s15+$0x1C700] =	vst v1  }
0x82: {  	v1 =	vld.idx.msk [tilespmem:v0+s15+$0xFFFFFFA0 ss:$0x1], $0xffff;
	_ =	sdelay $0x7  }
0x83: {  	v1 =	vld.idx.msk [tilespmem:v1+s30+$0x0], $0xffff;
	_ =	sdelay $0x4  }
0x84: {  	[tilespmem:s15+$0x1C710] =	vst v1  }
0x85: {  	v1 =	vld.idx.msk [tilespmem:v0+s15+$0xFFFFFFB0 ss:$0x1], $0xffff;
	_ =	sdelay $0x7  }
0x86: {  	v1 =	vld.idx.msk [tilespmem:v1+s30+$0x0], $0xffff;
	_ =	sdelay $0x4  }
0x87: {  	[tilespmem:s15+$0x1C720] =	vst v1  }
0x88: {  	v1 =	vld.idx.msk [tilespmem:v0+s15+$0xFFFFFFC0 ss:$0x1], $0xffff;
	_ =	sdelay $0x7  }
0x89: {  	v1 =	vld.idx.msk [tilespmem:v1+s30+$0x0], $0xffff;
	_ =	sdelay $0x4  }
0x8a: {  	[tilespmem:s15+$0x1C730] =	vst v1  }
0x8b: {  	v1 =	vld.idx.msk [tilespmem:v0+s15+$0xFFFFFFD0 ss:$0x1], $0xffff;
	_ =	sdelay $0x7  }
0x8c: {  	v1 =	vld.idx.msk [tilespmem:v1+s30+$0x0], $0xffff;
	_ =	sdelay $0x4  }
0x8d: {  	[tilespmem:s15+$0x1C740] =	vst v1  }
0x8e: {  	v1 =	vld.idx.msk [tilespmem:v0+s15+$0xFFFFFFE0 ss:$0x1], $0xffff;
	_ =	sdelay $0x7  }
0x8f: {  	v1 =	vld.idx.msk [tilespmem:v1+s30+$0x0], $0xffff;
	_ =	sdelay $0x4  }
0x90: {  	[tilespmem:s15+$0x1C750] =	vst v1  }
0x91: {  	v1 =	vld.idx.msk [tilespmem:v0+s15+$0xFFFFFFF0 ss:$0x1], $0xffff;
	_ =	sdelay $0x7  }
0x92: {  	v1 =	vld.idx.msk [tilespmem:v1+s30+$0x0], $0xffff;
	_ =	sdelay $0x4  }
0x93: {  	[tilespmem:s15+$0x1C760] =	vst v1  }
0x94: {  	v1 =	vld.idx.msk [tilespmem:v0+s15+$0x0 ss:$0x1], $0xffff;
	_ =	sdelay $0x7  }
0x95: {  	p1 =	sne.s32 s14, $0x1E00;
	v1 =	vld.idx.msk [tilespmem:v1+s30+$0x0], $0xffff  }
.Ltmp3:
0x96: {  	_ = 	snop;
	(pc) =	sbr.rel @p1 .LBB2_9-.Ltmp3, $2  }
0x97: {  	_ =	sdelay $0x2  }
0x98: {  	s14 =	sadd.s32 $0x200, s14;
	[tilespmem:s15+$0x1C770] =	vst v1  }
0x99: {  	s14 =	sshll.u32 s9, $0xF  }
0x9a: {  	s14 =	sadd.s32 s12, s14  }
0x9b: {  	s14 =	sshrl.u32 s14, $0x3  }
0x9c: {  	s15 =	simm.s32 @!p0 $0x2;
	s14 =	sadd.s32 s5, s14  }
0x9d: {  	v0 =	vmov s13;
	[hbm4b:s14+s28] =	stream.strided.scatter [tilespmem:s2], [sflag:$0x1], $0x800, s29, s28, $0x38;
	[tilespmem:$0x1D700] =	vst v63  }
0x9e: {  	_ =	swait.ge @!p0 [sflag:s15], $0x800  }
0x9f: {  	[sflag:s15] =	ssyncset.done @!p0 $0x0  }
0xa0: {  	s14 =	sshllo.u32 s9, $0x1;
	[sflag:s15] =	ssyncadd.s32 @!p0 $0xFFFFF800;
	s15 =	simm.s32 $0x0  }
.LBB2_11:
0xa1: {  	s16 =	sshra.s32 s15, $0x2  }
0xa2: {  	v1 =	vld.idx.msk [tilespmem:v0+s16+$0xFFFFFF90 ss:$0x1], $0xffff;
	_ =	sdelay $0x7  }
0xa3: {  	v1 =	vld.idx.msk [tilespmem:v1+s30+$0x0], $0xffff;
	_ =	sdelay $0x4  }
0xa4: {  	[tilespmem:s16+$0x1CF00] =	vst v1  }
0xa5: {  	v1 =	vld.idx.msk [tilespmem:v0+s16+$0xFFFFFFA0 ss:$0x1], $0xffff;
	_ =	sdelay $0x7  }
0xa6: {  	v1 =	vld.idx.msk [tilespmem:v1+s30+$0x0], $0xffff;
	_ =	sdelay $0x4  }
0xa7: {  	[tilespmem:s16+$0x1CF10] =	vst v1  }
0xa8: {  	v1 =	vld.idx.msk [tilespmem:v0+s16+$0xFFFFFFB0 ss:$0x1], $0xffff;
	_ =	sdelay $0x7  }
0xa9: {  	v1 =	vld.idx.msk [tilespmem:v1+s30+$0x0], $0xffff;
	_ =	sdelay $0x4  }
0xaa: {  	[tilespmem:s16+$0x1CF20] =	vst v1  }
0xab: {  	v1 =	vld.idx.msk [tilespmem:v0+s16+$0xFFFFFFC0 ss:$0x1], $0xffff;
	_ =	sdelay $0x7  }
0xac: {  	v1 =	vld.idx.msk [tilespmem:v1+s30+$0x0], $0xffff;
	_ =	sdelay $0x4  }
0xad: {  	[tilespmem:s16+$0x1CF30] =	vst v1  }
0xae: {  	v1 =	vld.idx.msk [tilespmem:v0+s16+$0xFFFFFFD0 ss:$0x1], $0xffff;
	_ =	sdelay $0x7  }
0xaf: {  	v1 =	vld.idx.msk [tilespmem:v1+s30+$0x0], $0xffff;
	_ =	sdelay $0x4  }
0xb0: {  	[tilespmem:s16+$0x1CF40] =	vst v1  }
0xb1: {  	v1 =	vld.idx.msk [tilespmem:v0+s16+$0xFFFFFFE0 ss:$0x1], $0xffff;
	_ =	sdelay $0x7  }
0xb2: {  	v1 =	vld.idx.msk [tilespmem:v1+s30+$0x0], $0xffff;
	_ =	sdelay $0x4  }
0xb3: {  	[tilespmem:s16+$0x1CF50] =	vst v1  }
0xb4: {  	v1 =	vld.idx.msk [tilespmem:v0+s16+$0xFFFFFFF0 ss:$0x1], $0xffff;
	_ =	sdelay $0x7  }
0xb5: {  	v1 =	vld.idx.msk [tilespmem:v1+s30+$0x0], $0xffff;
	_ =	sdelay $0x4  }
0xb6: {  	[tilespmem:s16+$0x1CF60] =	vst v1  }
0xb7: {  	v1 =	vld.idx.msk [tilespmem:v0+s16+$0x0 ss:$0x1], $0xffff;
	_ =	sdelay $0x7  }
0xb8: {  	p0 =	sne.s32 s15, $0x1E00;
	v1 =	vld.idx.msk [tilespmem:v1+s30+$0x0], $0xffff  }
.Ltmp4:
0xb9: {  	_ = 	snop;
	(pc) =	sbr.rel @p0 .LBB2_11-.Ltmp4, $2  }
0xba: {  	_ =	sdelay $0x2  }
0xbb: {  	s15 =	sadd.s32 $0x200, s15;
	[tilespmem:s16+$0x1CF70] =	vst v1  }
0xbc: {  	s9 =	sadd.s32 $0x1, s9  }
0xbd: {  	p0 =	sne.s32 s9, $0x4  }
.Ltmp5:
0xbe: {  	s14 =	sshll.u32 s14, $0xE;
	(pc) =	sbr.rel @p0 .LBB2_8-.Ltmp5, $4  }
0xbf: {  	s14 =	sadd.s32 s12, s14  }
0xc0: {  	s14 =	sshrl.u32 s14, $0x3  }
0xc1: {  	s11 =	sadd.s32 $0x1000, s11;
	s13 =	sadd.s32 $0x1000, s13;
	s14 =	sadd.s32 s5, s14  }
0xc2: {  	[hbm4b:s14+s28] =	stream.strided.scatter [tilespmem:s4], [sflag:$0x2], $0x800, s29, s28, $0x38;
	[tilespmem:$0x1D700] =	vst v63  }
0xc3: {  	s9 =	rddreg [dreg:$0xc]  }
0xc4: {  	[tilespmem:s30], [sflag:$0x3] =	stream.strided.gather [hbm4b:s9+s28], $0x18700, s29, s28, $0x38;
	[tilespmem:$0x1D700] =	vst v63  }
0xc5: {  	_ =	swait.ge [sflag:s31], $0x18700  }
0xc6: {  	[sflag:s31] =	ssyncset.done $0x0  }
0xc7: {  	[sflag:s31] =	ssyncadd.s32 $0xFFFE7900  }
0xc8: {  	_ =	swait.ge [sflag:s0], $0x800  }
0xc9: {  	[sflag:s0] =	ssyncset.done $0x0  }
0xca: {  	[sflag:s0] =	ssyncadd.s32 $0xFFFFF800  }
0xcb: {  	_ =	swait.ge [sflag:s1], $0x800  }
0xcc: {  	s11 =	simm.s32 $0x70;
	[sflag:s1] =	ssyncset.done $0x0  }
0xcd: {  	s13 =	simm.s32 $0x870;
	s9 =	simm.s32 $0x0;
	[sflag:s1] =	ssyncadd.s32 $0xFFFFF800  }
.LBB2_14:
0xce: {  	p0 =	seq.s32 s9, $0x0  }
0xcf: {  	v0 =	vmov s11;
	s14 =	simm.s32 @!p0 $0x1  }
0xd0: {  	_ =	swait.ge @!p0 [sflag:s14], $0x800  }
0xd1: {  	[sflag:s14] =	ssyncset.done @!p0 $0x0  }
0xd2: {  	[sflag:s14] =	ssyncadd.s32 @!p0 $0xFFFFF800;
	s14 =	simm.s32 $0x0  }
.LBB2_15:
0xd3: {  	s15 =	sshra.s32 s14, $0x2  }
0xd4: {  	v1 =	vld.idx.msk [tilespmem:v0+s15+$0xFFFFFF90 ss:$0x1], $0xffff;
	_ =	sdelay $0x7  }
0xd5: {  	v1 =	vld.idx.msk [tilespmem:v1+s30+$0x0], $0xffff;
	_ =	sdelay $0x4  }
0xd6: {  	[tilespmem:s15+$0x1C700] =	vst v1  }
0xd7: {  	v1 =	vld.idx.msk [tilespmem:v0+s15+$0xFFFFFFA0 ss:$0x1], $0xffff;
	_ =	sdelay $0x7  }
0xd8: {  	v1 =	vld.idx.msk [tilespmem:v1+s30+$0x0], $0xffff;
	_ =	sdelay $0x4  }
0xd9: {  	[tilespmem:s15+$0x1C710] =	vst v1  }
0xda: {  	v1 =	vld.idx.msk [tilespmem:v0+s15+$0xFFFFFFB0 ss:$0x1], $0xffff;
	_ =	sdelay $0x7  }
0xdb: {  	v1 =	vld.idx.msk [tilespmem:v1+s30+$0x0], $0xffff;
	_ =	sdelay $0x4  }
0xdc: {  	[tilespmem:s15+$0x1C720] =	vst v1  }
0xdd: {  	v1 =	vld.idx.msk [tilespmem:v0+s15+$0xFFFFFFC0 ss:$0x1], $0xffff;
	_ =	sdelay $0x7  }
0xde: {  	v1 =	vld.idx.msk [tilespmem:v1+s30+$0x0], $0xffff;
	_ =	sdelay $0x4  }
0xdf: {  	[tilespmem:s15+$0x1C730] =	vst v1  }
0xe0: {  	v1 =	vld.idx.msk [tilespmem:v0+s15+$0xFFFFFFD0 ss:$0x1], $0xffff;
	_ =	sdelay $0x7  }
0xe1: {  	v1 =	vld.idx.msk [tilespmem:v1+s30+$0x0], $0xffff;
	_ =	sdelay $0x4  }
0xe2: {  	[tilespmem:s15+$0x1C740] =	vst v1  }
0xe3: {  	v1 =	vld.idx.msk [tilespmem:v0+s15+$0xFFFFFFE0 ss:$0x1], $0xffff;
	_ =	sdelay $0x7  }
0xe4: {  	v1 =	vld.idx.msk [tilespmem:v1+s30+$0x0], $0xffff;
	_ =	sdelay $0x4  }
0xe5: {  	[tilespmem:s15+$0x1C750] =	vst v1  }
0xe6: {  	v1 =	vld.idx.msk [tilespmem:v0+s15+$0xFFFFFFF0 ss:$0x1], $0xffff;
	_ =	sdelay $0x7  }
0xe7: {  	v1 =	vld.idx.msk [tilespmem:v1+s30+$0x0], $0xffff;
	_ =	sdelay $0x4  }
0xe8: {  	[tilespmem:s15+$0x1C760] =	vst v1  }
0xe9: {  	v1 =	vld.idx.msk [tilespmem:v0+s15+$0x0 ss:$0x1], $0xffff;
	_ =	sdelay $0x7  }
0xea: {  	p1 =	sne.s32 s14, $0x1E00;
	v1 =	vld.idx.msk [tilespmem:v1+s30+$0x0], $0xffff  }
.Ltmp6:
0xeb: {  	_ = 	snop;
	(pc) =	sbr.rel @p1 .LBB2_15-.Ltmp6, $2  }
0xec: {  	_ =	sdelay $0x2  }
0xed: {  	s14 =	sadd.s32 $0x200, s14;
	[tilespmem:s15+$0x1C770] =	vst v1  }
0xee: {  	s14 =	sshll.u32 s9, $0xF  }
0xef: {  	s14 =	sadd.s32 s10, s14  }
0xf0: {  	s14 =	sshrl.u32 s14, $0x3  }
0xf1: {  	s15 =	simm.s32 @!p0 $0x2;
	s14 =	sadd.s32 s6, s14  }
0xf2: {  	v0 =	vmov s13;
	[hbm4b:s14+s28] =	stream.strided.scatter [tilespmem:s2], [sflag:$0x1], $0x800, s29, s28, $0x38;
	[tilespmem:$0x1D700] =	vst v63  }
0xf3: {  	_ =	swait.ge @!p0 [sflag:s15], $0x800  }
0xf4: {  	[sflag:s15] =	ssyncset.done @!p0 $0x0  }
0xf5: {  	s14 =	sshllo.u32 s9, $0x1;
	[sflag:s15] =	ssyncadd.s32 @!p0 $0xFFFFF800;
	s15 =	simm.s32 $0x0  }
.LBB2_17:
0xf6: {  	s16 =	sshra.s32 s15, $0x2  }
0xf7: {  	v1 =	vld.idx.msk [tilespmem:v0+s16+$0xFFFFFF90 ss:$0x1], $0xffff;
	_ =	sdelay $0x7  }
0xf8: {  	v1 =	vld.idx.msk [tilespmem:v1+s30+$0x0], $0xffff;
	_ =	sdelay $0x4  }
0xf9: {  	[tilespmem:s16+$0x1CF00] =	vst v1  }
0xfa: {  	v1 =	vld.idx.msk [tilespmem:v0+s16+$0xFFFFFFA0 ss:$0x1], $0xffff;
	_ =	sdelay $0x7  }
0xfb: {  	v1 =	vld.idx.msk [tilespmem:v1+s30+$0x0], $0xffff;
	_ =	sdelay $0x4  }
0xfc: {  	[tilespmem:s16+$0x1CF10] =	vst v1  }
0xfd: {  	v1 =	vld.idx.msk [tilespmem:v0+s16+$0xFFFFFFB0 ss:$0x1], $0xffff;
	_ =	sdelay $0x7  }
0xfe: {  	v1 =	vld.idx.msk [tilespmem:v1+s30+$0x0], $0xffff;
	_ =	sdelay $0x4  }
0xff: {  	[tilespmem:s16+$0x1CF20] =	vst v1  }
0x100: {  	v1 =	vld.idx.msk [tilespmem:v0+s16+$0xFFFFFFC0 ss:$0x1], $0xffff;
	_ =	sdelay $0x7  }
0x101: {  	v1 =	vld.idx.msk [tilespmem:v1+s30+$0x0], $0xffff;
	_ =	sdelay $0x4  }
0x102: {  	[tilespmem:s16+$0x1CF30] =	vst v1  }
0x103: {  	v1 =	vld.idx.msk [tilespmem:v0+s16+$0xFFFFFFD0 ss:$0x1], $0xffff;
	_ =	sdelay $0x7  }
0x104: {  	v1 =	vld.idx.msk [tilespmem:v1+s30+$0x0], $0xffff;
	_ =	sdelay $0x4  }
0x105: {  	[tilespmem:s16+$0x1CF40] =	vst v1  }
0x106: {  	v1 =	vld.idx.msk [tilespmem:v0+s16+$0xFFFFFFE0 ss:$0x1], $0xffff;
	_ =	sdelay $0x7  }
0x107: {  	v1 =	vld.idx.msk [tilespmem:v1+s30+$0x0], $0xffff;
	_ =	sdelay $0x4  }
0x108: {  	[tilespmem:s16+$0x1CF50] =	vst v1  }
0x109: {  	v1 =	vld.idx.msk [tilespmem:v0+s16+$0xFFFFFFF0 ss:$0x1], $0xffff;
	_ =	sdelay $0x7  }
0x10a: {  	v1 =	vld.idx.msk [tilespmem:v1+s30+$0x0], $0xffff;
	_ =	sdelay $0x4  }
0x10b: {  	[tilespmem:s16+$0x1CF60] =	vst v1  }
0x10c: {  	v1 =	vld.idx.msk [tilespmem:v0+s16+$0x0 ss:$0x1], $0xffff;
	_ =	sdelay $0x7  }
0x10d: {  	p0 =	sne.s32 s15, $0x1E00;
	v1 =	vld.idx.msk [tilespmem:v1+s30+$0x0], $0xffff  }
.Ltmp7:
0x10e: {  	_ = 	snop;
	(pc) =	sbr.rel @p0 .LBB2_17-.Ltmp7, $2  }
0x10f: {  	_ =	sdelay $0x2  }
0x110: {  	s15 =	sadd.s32 $0x200, s15;
	[tilespmem:s16+$0x1CF70] =	vst v1  }
0x111: {  	s9 =	sadd.s32 $0x1, s9  }
0x112: {  	p0 =	sne.s32 s9, $0x4  }
.Ltmp8:
0x113: {  	s14 =	sshll.u32 s14, $0xE;
	(pc) =	sbr.rel @p0 .LBB2_14-.Ltmp8, $4  }
0x114: {  	s14 =	sadd.s32 s10, s14  }
0x115: {  	s14 =	sshrl.u32 s14, $0x3  }
0x116: {  	s11 =	sadd.s32 $0x1000, s11;
	s13 =	sadd.s32 $0x1000, s13;
	s14 =	sadd.s32 s6, s14  }
0x117: {  	[hbm4b:s14+s28] =	stream.strided.scatter [tilespmem:s4], [sflag:$0x2], $0x800, s29, s28, $0x38;
	[tilespmem:$0x1D700] =	vst v63  }
0x118: {  	s9 =	rddreg [dreg:$0xd]  }
0x119: {  	[tilespmem:s30], [sflag:$0x3] =	stream.strided.gather [hbm4b:s9+s28], $0x18700, s29, s28, $0x38;
	[tilespmem:$0x1D700] =	vst v63  }
0x11a: {  	_ =	swait.ge [sflag:s31], $0x18700  }
0x11b: {  	[sflag:s31] =	ssyncset.done $0x0  }
0x11c: {  	[sflag:s31] =	ssyncadd.s32 $0xFFFE7900  }
0x11d: {  	_ =	swait.ge [sflag:s0], $0x800  }
0x11e: {  	[sflag:s0] =	ssyncset.done $0x0  }
0x11f: {  	[sflag:s0] =	ssyncadd.s32 $0xFFFFF800  }
0x120: {  	_ =	swait.ge [sflag:s1], $0x800  }
0x121: {  	s11 =	simm.s32 $0x70;
	[sflag:s1] =	ssyncset.done $0x0  }
0x122: {  	s13 =	simm.s32 $0x870;
	s9 =	simm.s32 $0x0;
	[sflag:s1] =	ssyncadd.s32 $0xFFFFF800  }
.LBB2_20:
0x123: {  	p0 =	seq.s32 s9, $0x0  }
0x124: {  	v0 =	vmov s11;
	s14 =	simm.s32 @!p0 $0x1  }
0x125: {  	_ =	swait.ge @!p0 [sflag:s14], $0x800  }
0x126: {  	[sflag:s14] =	ssyncset.done @!p0 $0x0  }
0x127: {  	[sflag:s14] =	ssyncadd.s32 @!p0 $0xFFFFF800;
	s14 =	simm.s32 $0x0  }
.LBB2_21:
0x128: {  	s15 =	sshra.s32 s14, $0x2  }
0x129: {  	v1 =	vld.idx.msk [tilespmem:v0+s15+$0xFFFFFF90 ss:$0x1], $0xffff;
	_ =	sdelay $0x7  }
0x12a: {  	v1 =	vld.idx.msk [tilespmem:v1+s30+$0x0], $0xffff;
	_ =	sdelay $0x4  }
0x12b: {  	[tilespmem:s15+$0x1C700] =	vst v1  }
0x12c: {  	v1 =	vld.idx.msk [tilespmem:v0+s15+$0xFFFFFFA0 ss:$0x1], $0xffff;
	_ =	sdelay $0x7  }
0x12d: {  	v1 =	vld.idx.msk [tilespmem:v1+s30+$0x0], $0xffff;
	_ =	sdelay $0x4  }
0x12e: {  	[tilespmem:s15+$0x1C710] =	vst v1  }
0x12f: {  	v1 =	vld.idx.msk [tilespmem:v0+s15+$0xFFFFFFB0 ss:$0x1], $0xffff;
	_ =	sdelay $0x7  }
0x130: {  	v1 =	vld.idx.msk [tilespmem:v1+s30+$0x0], $0xffff;
	_ =	sdelay $0x4  }
0x131: {  	[tilespmem:s15+$0x1C720] =	vst v1  }
0x132: {  	v1 =	vld.idx.msk [tilespmem:v0+s15+$0xFFFFFFC0 ss:$0x1], $0xffff;
	_ =	sdelay $0x7  }
0x133: {  	v1 =	vld.idx.msk [tilespmem:v1+s30+$0x0], $0xffff;
	_ =	sdelay $0x4  }
0x134: {  	[tilespmem:s15+$0x1C730] =	vst v1  }
0x135: {  	v1 =	vld.idx.msk [tilespmem:v0+s15+$0xFFFFFFD0 ss:$0x1], $0xffff;
	_ =	sdelay $0x7  }
0x136: {  	v1 =	vld.idx.msk [tilespmem:v1+s30+$0x0], $0xffff;
	_ =	sdelay $0x4  }
0x137: {  	[tilespmem:s15+$0x1C740] =	vst v1  }
0x138: {  	v1 =	vld.idx.msk [tilespmem:v0+s15+$0xFFFFFFE0 ss:$0x1], $0xffff;
	_ =	sdelay $0x7  }
0x139: {  	v1 =	vld.idx.msk [tilespmem:v1+s30+$0x0], $0xffff;
	_ =	sdelay $0x4  }
0x13a: {  	[tilespmem:s15+$0x1C750] =	vst v1  }
0x13b: {  	v1 =	vld.idx.msk [tilespmem:v0+s15+$0xFFFFFFF0 ss:$0x1], $0xffff;
	_ =	sdelay $0x7  }
0x13c: {  	v1 =	vld.idx.msk [tilespmem:v1+s30+$0x0], $0xffff;
	_ =	sdelay $0x4  }
0x13d: {  	[tilespmem:s15+$0x1C760] =	vst v1  }
0x13e: {  	v1 =	vld.idx.msk [tilespmem:v0+s15+$0x0 ss:$0x1], $0xffff;
	_ =	sdelay $0x7  }
0x13f: {  	p1 =	sne.s32 s14, $0x1E00;
	v1 =	vld.idx.msk [tilespmem:v1+s30+$0x0], $0xffff  }
.Ltmp9:
0x140: {  	_ = 	snop;
	(pc) =	sbr.rel @p1 .LBB2_21-.Ltmp9, $2  }
0x141: {  	_ =	sdelay $0x2  }
0x142: {  	s14 =	sadd.s32 $0x200, s14;
	[tilespmem:s15+$0x1C770] =	vst v1  }
0x143: {  	s14 =	sshll.u32 s9, $0xF  }
0x144: {  	s14 =	sadd.s32 s12, s14  }
0x145: {  	s14 =	sshrl.u32 s14, $0x3  }
0x146: {  	s15 =	simm.s32 @!p0 $0x2;
	s14 =	sadd.s32 s6, s14  }
0x147: {  	v0 =	vmov s13;
	[hbm4b:s14+s28] =	stream.strided.scatter [tilespmem:s2], [sflag:$0x1], $0x800, s29, s28, $0x38;
	[tilespmem:$0x1D700] =	vst v63  }
0x148: {  	_ =	swait.ge @!p0 [sflag:s15], $0x800  }
0x149: {  	[sflag:s15] =	ssyncset.done @!p0 $0x0  }
0x14a: {  	s14 =	sshllo.u32 s9, $0x1;
	[sflag:s15] =	ssyncadd.s32 @!p0 $0xFFFFF800;
	s15 =	simm.s32 $0x0  }
.LBB2_23:
0x14b: {  	s16 =	sshra.s32 s15, $0x2  }
0x14c: {  	v1 =	vld.idx.msk [tilespmem:v0+s16+$0xFFFFFF90 ss:$0x1], $0xffff;
	_ =	sdelay $0x7  }
0x14d: {  	v1 =	vld.idx.msk [tilespmem:v1+s30+$0x0], $0xffff;
	_ =	sdelay $0x4  }
0x14e: {  	[tilespmem:s16+$0x1CF00] =	vst v1  }
0x14f: {  	v1 =	vld.idx.msk [tilespmem:v0+s16+$0xFFFFFFA0 ss:$0x1], $0xffff;
	_ =	sdelay $0x7  }
0x150: {  	v1 =	vld.idx.msk [tilespmem:v1+s30+$0x0], $0xffff;
	_ =	sdelay $0x4  }
0x151: {  	[tilespmem:s16+$0x1CF10] =	vst v1  }
0x152: {  	v1 =	vld.idx.msk [tilespmem:v0+s16+$0xFFFFFFB0 ss:$0x1], $0xffff;
	_ =	sdelay $0x7  }
0x153: {  	v1 =	vld.idx.msk [tilespmem:v1+s30+$0x0], $0xffff;
	_ =	sdelay $0x4  }
0x154: {  	[tilespmem:s16+$0x1CF20] =	vst v1  }
0x155: {  	v1 =	vld.idx.msk [tilespmem:v0+s16+$0xFFFFFFC0 ss:$0x1], $0xffff;
	_ =	sdelay $0x7  }
0x156: {  	v1 =	vld.idx.msk [tilespmem:v1+s30+$0x0], $0xffff;
	_ =	sdelay $0x4  }
0x157: {  	[tilespmem:s16+$0x1CF30] =	vst v1  }
0x158: {  	v1 =	vld.idx.msk [tilespmem:v0+s16+$0xFFFFFFD0 ss:$0x1], $0xffff;
	_ =	sdelay $0x7  }
0x159: {  	v1 =	vld.idx.msk [tilespmem:v1+s30+$0x0], $0xffff;
	_ =	sdelay $0x4  }
0x15a: {  	[tilespmem:s16+$0x1CF40] =	vst v1  }
0x15b: {  	v1 =	vld.idx.msk [tilespmem:v0+s16+$0xFFFFFFE0 ss:$0x1], $0xffff;
	_ =	sdelay $0x7  }
0x15c: {  	v1 =	vld.idx.msk [tilespmem:v1+s30+$0x0], $0xffff;
	_ =	sdelay $0x4  }
0x15d: {  	[tilespmem:s16+$0x1CF50] =	vst v1  }
0x15e: {  	v1 =	vld.idx.msk [tilespmem:v0+s16+$0xFFFFFFF0 ss:$0x1], $0xffff;
	_ =	sdelay $0x7  }
0x15f: {  	v1 =	vld.idx.msk [tilespmem:v1+s30+$0x0], $0xffff;
	_ =	sdelay $0x4  }
0x160: {  	[tilespmem:s16+$0x1CF60] =	vst v1  }
0x161: {  	v1 =	vld.idx.msk [tilespmem:v0+s16+$0x0 ss:$0x1], $0xffff;
	_ =	sdelay $0x7  }
0x162: {  	p0 =	sne.s32 s15, $0x1E00;
	v1 =	vld.idx.msk [tilespmem:v1+s30+$0x0], $0xffff  }
.Ltmp10:
0x163: {  	_ = 	snop;
	(pc) =	sbr.rel @p0 .LBB2_23-.Ltmp10, $2  }
0x164: {  	_ =	sdelay $0x2  }
0x165: {  	s15 =	sadd.s32 $0x200, s15;
	[tilespmem:s16+$0x1CF70] =	vst v1  }
0x166: {  	s9 =	sadd.s32 $0x1, s9  }
0x167: {  	p0 =	sne.s32 s9, $0x4  }
.Ltmp11:
0x168: {  	s14 =	sshll.u32 s14, $0xE;
	(pc) =	sbr.rel @p0 .LBB2_20-.Ltmp11, $4  }
0x169: {  	s14 =	sadd.s32 s12, s14  }
0x16a: {  	s14 =	sshrl.u32 s14, $0x3  }
0x16b: {  	s11 =	sadd.s32 $0x1000, s11;
	s13 =	sadd.s32 $0x1000, s13;
	s14 =	sadd.s32 s6, s14  }
0x16c: {  	[hbm4b:s14+s28] =	stream.strided.scatter [tilespmem:s4], [sflag:$0x2], $0x800, s29, s28, $0x38;
	[tilespmem:$0x1D700] =	vst v63  }
0x16d: {  	s9 =	rddreg [dreg:$0xe]  }
0x16e: {  	[tilespmem:s30], [sflag:$0x3] =	stream.strided.gather [hbm4b:s9+s28], $0x18700, s29, s28, $0x38;
	[tilespmem:$0x1D700] =	vst v63  }
0x16f: {  	_ =	swait.ge [sflag:s31], $0x18700  }
0x170: {  	[sflag:s31] =	ssyncset.done $0x0  }
0x171: {  	[sflag:s31] =	ssyncadd.s32 $0xFFFE7900  }
0x172: {  	_ =	swait.ge [sflag:s0], $0x800  }
0x173: {  	[sflag:s0] =	ssyncset.done $0x0  }
0x174: {  	[sflag:s0] =	ssyncadd.s32 $0xFFFFF800  }
0x175: {  	_ =	swait.ge [sflag:s1], $0x800  }
0x176: {  	s11 =	simm.s32 $0x70;
	[sflag:s1] =	ssyncset.done $0x0  }
0x177: {  	s13 =	simm.s32 $0x870;
	s9 =	simm.s32 $0x0;
	[sflag:s1] =	ssyncadd.s32 $0xFFFFF800  }
.LBB2_26:
0x178: {  	p0 =	seq.s32 s9, $0x0  }
0x179: {  	v0 =	vmov s11;
	s14 =	simm.s32 @!p0 $0x1  }
0x17a: {  	_ =	swait.ge @!p0 [sflag:s14], $0x800  }
0x17b: {  	[sflag:s14] =	ssyncset.done @!p0 $0x0  }
0x17c: {  	[sflag:s14] =	ssyncadd.s32 @!p0 $0xFFFFF800;
	s14 =	simm.s32 $0x0  }
.LBB2_27:
0x17d: {  	s15 =	sshra.s32 s14, $0x2  }
0x17e: {  	v1 =	vld.idx.msk [tilespmem:v0+s15+$0xFFFFFF90 ss:$0x1], $0xffff;
	_ =	sdelay $0x7  }
0x17f: {  	v1 =	vld.idx.msk [tilespmem:v1+s30+$0x0], $0xffff;
	_ =	sdelay $0x4  }
0x180: {  	[tilespmem:s15+$0x1C700] =	vst v1  }
0x181: {  	v1 =	vld.idx.msk [tilespmem:v0+s15+$0xFFFFFFA0 ss:$0x1], $0xffff;
	_ =	sdelay $0x7  }
0x182: {  	v1 =	vld.idx.msk [tilespmem:v1+s30+$0x0], $0xffff;
	_ =	sdelay $0x4  }
0x183: {  	[tilespmem:s15+$0x1C710] =	vst v1  }
0x184: {  	v1 =	vld.idx.msk [tilespmem:v0+s15+$0xFFFFFFB0 ss:$0x1], $0xffff;
	_ =	sdelay $0x7  }
0x185: {  	v1 =	vld.idx.msk [tilespmem:v1+s30+$0x0], $0xffff;
	_ =	sdelay $0x4  }
0x186: {  	[tilespmem:s15+$0x1C720] =	vst v1  }
0x187: {  	v1 =	vld.idx.msk [tilespmem:v0+s15+$0xFFFFFFC0 ss:$0x1], $0xffff;
	_ =	sdelay $0x7  }
0x188: {  	v1 =	vld.idx.msk [tilespmem:v1+s30+$0x0], $0xffff;
	_ =	sdelay $0x4  }
0x189: {  	[tilespmem:s15+$0x1C730] =	vst v1  }
0x18a: {  	v1 =	vld.idx.msk [tilespmem:v0+s15+$0xFFFFFFD0 ss:$0x1], $0xffff;
	_ =	sdelay $0x7  }
0x18b: {  	v1 =	vld.idx.msk [tilespmem:v1+s30+$0x0], $0xffff;
	_ =	sdelay $0x4  }
0x18c: {  	[tilespmem:s15+$0x1C740] =	vst v1  }
0x18d: {  	v1 =	vld.idx.msk [tilespmem:v0+s15+$0xFFFFFFE0 ss:$0x1], $0xffff;
	_ =	sdelay $0x7  }
0x18e: {  	v1 =	vld.idx.msk [tilespmem:v1+s30+$0x0], $0xffff;
	_ =	sdelay $0x4  }
0x18f: {  	[tilespmem:s15+$0x1C750] =	vst v1  }
0x190: {  	v1 =	vld.idx.msk [tilespmem:v0+s15+$0xFFFFFFF0 ss:$0x1], $0xffff;
	_ =	sdelay $0x7  }
0x191: {  	v1 =	vld.idx.msk [tilespmem:v1+s30+$0x0], $0xffff;
	_ =	sdelay $0x4  }
0x192: {  	[tilespmem:s15+$0x1C760] =	vst v1  }
0x193: {  	v1 =	vld.idx.msk [tilespmem:v0+s15+$0x0 ss:$0x1], $0xffff;
	_ =	sdelay $0x7  }
0x194: {  	p1 =	sne.s32 s14, $0x1E00;
	v1 =	vld.idx.msk [tilespmem:v1+s30+$0x0], $0xffff  }
.Ltmp12:
0x195: {  	_ = 	snop;
	(pc) =	sbr.rel @p1 .LBB2_27-.Ltmp12, $2  }
0x196: {  	_ =	sdelay $0x2  }
0x197: {  	s14 =	sadd.s32 $0x200, s14;
	[tilespmem:s15+$0x1C770] =	vst v1  }
0x198: {  	s14 =	sshll.u32 s9, $0xF  }
0x199: {  	s14 =	sadd.s32 s10, s14  }
0x19a: {  	s14 =	sshrl.u32 s14, $0x3  }
0x19b: {  	s15 =	simm.s32 @!p0 $0x2;
	s14 =	sadd.s32 s7, s14  }
0x19c: {  	v0 =	vmov s13;
	[hbm4b:s14+s28] =	stream.strided.scatter [tilespmem:s2], [sflag:$0x1], $0x800, s29, s28, $0x38;
	[tilespmem:$0x1D700] =	vst v63  }
0x19d: {  	_ =	swait.ge @!p0 [sflag:s15], $0x800  }
0x19e: {  	[sflag:s15] =	ssyncset.done @!p0 $0x0  }
0x19f: {  	s14 =	sshllo.u32 s9, $0x1;
	[sflag:s15] =	ssyncadd.s32 @!p0 $0xFFFFF800;
	s15 =	simm.s32 $0x0  }
.LBB2_29:
0x1a0: {  	s16 =	sshra.s32 s15, $0x2  }
0x1a1: {  	v1 =	vld.idx.msk [tilespmem:v0+s16+$0xFFFFFF90 ss:$0x1], $0xffff;
	_ =	sdelay $0x7  }
0x1a2: {  	v1 =	vld.idx.msk [tilespmem:v1+s30+$0x0], $0xffff;
	_ =	sdelay $0x4  }
0x1a3: {  	[tilespmem:s16+$0x1CF00] =	vst v1  }
0x1a4: {  	v1 =	vld.idx.msk [tilespmem:v0+s16+$0xFFFFFFA0 ss:$0x1], $0xffff;
	_ =	sdelay $0x7  }
0x1a5: {  	v1 =	vld.idx.msk [tilespmem:v1+s30+$0x0], $0xffff;
	_ =	sdelay $0x4  }
0x1a6: {  	[tilespmem:s16+$0x1CF10] =	vst v1  }
0x1a7: {  	v1 =	vld.idx.msk [tilespmem:v0+s16+$0xFFFFFFB0 ss:$0x1], $0xffff;
	_ =	sdelay $0x7  }
0x1a8: {  	v1 =	vld.idx.msk [tilespmem:v1+s30+$0x0], $0xffff;
	_ =	sdelay $0x4  }
0x1a9: {  	[tilespmem:s16+$0x1CF20] =	vst v1  }
0x1aa: {  	v1 =	vld.idx.msk [tilespmem:v0+s16+$0xFFFFFFC0 ss:$0x1], $0xffff;
	_ =	sdelay $0x7  }
0x1ab: {  	v1 =	vld.idx.msk [tilespmem:v1+s30+$0x0], $0xffff;
	_ =	sdelay $0x4  }
0x1ac: {  	[tilespmem:s16+$0x1CF30] =	vst v1  }
0x1ad: {  	v1 =	vld.idx.msk [tilespmem:v0+s16+$0xFFFFFFD0 ss:$0x1], $0xffff;
	_ =	sdelay $0x7  }
0x1ae: {  	v1 =	vld.idx.msk [tilespmem:v1+s30+$0x0], $0xffff;
	_ =	sdelay $0x4  }
0x1af: {  	[tilespmem:s16+$0x1CF40] =	vst v1  }
0x1b0: {  	v1 =	vld.idx.msk [tilespmem:v0+s16+$0xFFFFFFE0 ss:$0x1], $0xffff;
	_ =	sdelay $0x7  }
0x1b1: {  	v1 =	vld.idx.msk [tilespmem:v1+s30+$0x0], $0xffff;
	_ =	sdelay $0x4  }
0x1b2: {  	[tilespmem:s16+$0x1CF50] =	vst v1  }
0x1b3: {  	v1 =	vld.idx.msk [tilespmem:v0+s16+$0xFFFFFFF0 ss:$0x1], $0xffff;
	_ =	sdelay $0x7  }
0x1b4: {  	v1 =	vld.idx.msk [tilespmem:v1+s30+$0x0], $0xffff;
	_ =	sdelay $0x4  }
0x1b5: {  	[tilespmem:s16+$0x1CF60] =	vst v1  }
0x1b6: {  	v1 =	vld.idx.msk [tilespmem:v0+s16+$0x0 ss:$0x1], $0xffff;
	_ =	sdelay $0x7  }
0x1b7: {  	p0 =	sne.s32 s15, $0x1E00;
	v1 =	vld.idx.msk [tilespmem:v1+s30+$0x0], $0xffff  }
.Ltmp13:
0x1b8: {  	_ = 	snop;
	(pc) =	sbr.rel @p0 .LBB2_29-.Ltmp13, $2  }
0x1b9: {  	_ =	sdelay $0x2  }
0x1ba: {  	s15 =	sadd.s32 $0x200, s15;
	[tilespmem:s16+$0x1CF70] =	vst v1  }
0x1bb: {  	s9 =	sadd.s32 $0x1, s9  }
0x1bc: {  	p0 =	sne.s32 s9, $0x4  }
.Ltmp14:
0x1bd: {  	s14 =	sshll.u32 s14, $0xE;
	(pc) =	sbr.rel @p0 .LBB2_26-.Ltmp14, $4  }
0x1be: {  	s14 =	sadd.s32 s10, s14  }
0x1bf: {  	s14 =	sshrl.u32 s14, $0x3  }
0x1c0: {  	s11 =	sadd.s32 $0x1000, s11;
	s13 =	sadd.s32 $0x1000, s13;
	s14 =	sadd.s32 s7, s14  }
0x1c1: {  	[hbm4b:s14+s28] =	stream.strided.scatter [tilespmem:s4], [sflag:$0x2], $0x800, s29, s28, $0x38;
	[tilespmem:$0x1D700] =	vst v63  }
0x1c2: {  	s9 =	rddreg [dreg:$0xf]  }
0x1c3: {  	[tilespmem:s30], [sflag:$0x3] =	stream.strided.gather [hbm4b:s9+s28], $0x18700, s29, s28, $0x38;
	[tilespmem:$0x1D700] =	vst v63  }
0x1c4: {  	_ =	swait.ge [sflag:s31], $0x18700  }
0x1c5: {  	[sflag:s31] =	ssyncset.done $0x0  }
0x1c6: {  	[sflag:s31] =	ssyncadd.s32 $0xFFFE7900  }
0x1c7: {  	_ =	swait.ge [sflag:s0], $0x800  }
0x1c8: {  	[sflag:s0] =	ssyncset.done $0x0  }
0x1c9: {  	[sflag:s0] =	ssyncadd.s32 $0xFFFFF800  }
0x1ca: {  	_ =	swait.ge [sflag:s1], $0x800  }
0x1cb: {  	s11 =	simm.s32 $0x70;
	[sflag:s1] =	ssyncset.done $0x0  }
0x1cc: {  	s13 =	simm.s32 $0x870;
	s9 =	simm.s32 $0x0;
	[sflag:s1] =	ssyncadd.s32 $0xFFFFF800  }
.LBB2_32:
0x1cd: {  	p0 =	seq.s32 s9, $0x0  }
0x1ce: {  	v0 =	vmov s11;
	s14 =	simm.s32 @!p0 $0x1  }
0x1cf: {  	_ =	swait.ge @!p0 [sflag:s14], $0x800  }
0x1d0: {  	[sflag:s14] =	ssyncset.done @!p0 $0x0  }
0x1d1: {  	[sflag:s14] =	ssyncadd.s32 @!p0 $0xFFFFF800;
	s14 =	simm.s32 $0x0  }
.LBB2_33:
0x1d2: {  	s15 =	sshra.s32 s14, $0x2  }
0x1d3: {  	v1 =	vld.idx.msk [tilespmem:v0+s15+$0xFFFFFF90 ss:$0x1], $0xffff;
	_ =	sdelay $0x7  }
0x1d4: {  	v1 =	vld.idx.msk [tilespmem:v1+s30+$0x0], $0xffff;
	_ =	sdelay $0x4  }
0x1d5: {  	[tilespmem:s15+$0x1C700] =	vst v1  }
0x1d6: {  	v1 =	vld.idx.msk [tilespmem:v0+s15+$0xFFFFFFA0 ss:$0x1], $0xffff;
	_ =	sdelay $0x7  }
0x1d7: {  	v1 =	vld.idx.msk [tilespmem:v1+s30+$0x0], $0xffff;
	_ =	sdelay $0x4  }
0x1d8: {  	[tilespmem:s15+$0x1C710] =	vst v1  }
0x1d9: {  	v1 =	vld.idx.msk [tilespmem:v0+s15+$0xFFFFFFB0 ss:$0x1], $0xffff;
	_ =	sdelay $0x7  }
0x1da: {  	v1 =	vld.idx.msk [tilespmem:v1+s30+$0x0], $0xffff;
	_ =	sdelay $0x4  }
0x1db: {  	[tilespmem:s15+$0x1C720] =	vst v1  }
0x1dc: {  	v1 =	vld.idx.msk [tilespmem:v0+s15+$0xFFFFFFC0 ss:$0x1], $0xffff;
	_ =	sdelay $0x7  }
0x1dd: {  	v1 =	vld.idx.msk [tilespmem:v1+s30+$0x0], $0xffff;
	_ =	sdelay $0x4  }
0x1de: {  	[tilespmem:s15+$0x1C730] =	vst v1  }
0x1df: {  	v1 =	vld.idx.msk [tilespmem:v0+s15+$0xFFFFFFD0 ss:$0x1], $0xffff;
	_ =	sdelay $0x7  }
0x1e0: {  	v1 =	vld.idx.msk [tilespmem:v1+s30+$0x0], $0xffff;
	_ =	sdelay $0x4  }
0x1e1: {  	[tilespmem:s15+$0x1C740] =	vst v1  }
0x1e2: {  	v1 =	vld.idx.msk [tilespmem:v0+s15+$0xFFFFFFE0 ss:$0x1], $0xffff;
	_ =	sdelay $0x7  }
0x1e3: {  	v1 =	vld.idx.msk [tilespmem:v1+s30+$0x0], $0xffff;
	_ =	sdelay $0x4  }
0x1e4: {  	[tilespmem:s15+$0x1C750] =	vst v1  }
0x1e5: {  	v1 =	vld.idx.msk [tilespmem:v0+s15+$0xFFFFFFF0 ss:$0x1], $0xffff;
	_ =	sdelay $0x7  }
0x1e6: {  	v1 =	vld.idx.msk [tilespmem:v1+s30+$0x0], $0xffff;
	_ =	sdelay $0x4  }
0x1e7: {  	[tilespmem:s15+$0x1C760] =	vst v1  }
0x1e8: {  	v1 =	vld.idx.msk [tilespmem:v0+s15+$0x0 ss:$0x1], $0xffff;
	_ =	sdelay $0x7  }
0x1e9: {  	p1 =	sne.s32 s14, $0x1E00;
	v1 =	vld.idx.msk [tilespmem:v1+s30+$0x0], $0xffff  }
.Ltmp15:
0x1ea: {  	_ = 	snop;
	(pc) =	sbr.rel @p1 .LBB2_33-.Ltmp15, $2  }
0x1eb: {  	_ =	sdelay $0x2  }
0x1ec: {  	s14 =	sadd.s32 $0x200, s14;
	[tilespmem:s15+$0x1C770] =	vst v1  }
0x1ed: {  	s14 =	sshll.u32 s9, $0xF  }
0x1ee: {  	s14 =	sadd.s32 s12, s14  }
0x1ef: {  	s14 =	sshrl.u32 s14, $0x3  }
0x1f0: {  	s15 =	simm.s32 @!p0 $0x2;
	s14 =	sadd.s32 s7, s14  }
0x1f1: {  	v0 =	vmov s13;
	[hbm4b:s14+s28] =	stream.strided.scatter [tilespmem:s2], [sflag:$0x1], $0x800, s29, s28, $0x38;
	[tilespmem:$0x1D700] =	vst v63  }
0x1f2: {  	_ =	swait.ge @!p0 [sflag:s15], $0x800  }
0x1f3: {  	[sflag:s15] =	ssyncset.done @!p0 $0x0  }
0x1f4: {  	s14 =	sshllo.u32 s9, $0x1;
	[sflag:s15] =	ssyncadd.s32 @!p0 $0xFFFFF800;
	s15 =	simm.s32 $0x0  }
.LBB2_35:
0x1f5: {  	s16 =	sshra.s32 s15, $0x2  }
0x1f6: {  	v1 =	vld.idx.msk [tilespmem:v0+s16+$0xFFFFFF90 ss:$0x1], $0xffff;
	_ =	sdelay $0x7  }
0x1f7: {  	v1 =	vld.idx.msk [tilespmem:v1+s30+$0x0], $0xffff;
	_ =	sdelay $0x4  }
0x1f8: {  	[tilespmem:s16+$0x1CF00] =	vst v1  }
0x1f9: {  	v1 =	vld.idx.msk [tilespmem:v0+s16+$0xFFFFFFA0 ss:$0x1], $0xffff;
	_ =	sdelay $0x7  }
0x1fa: {  	v1 =	vld.idx.msk [tilespmem:v1+s30+$0x0], $0xffff;
	_ =	sdelay $0x4  }
0x1fb: {  	[tilespmem:s16+$0x1CF10] =	vst v1  }
0x1fc: {  	v1 =	vld.idx.msk [tilespmem:v0+s16+$0xFFFFFFB0 ss:$0x1], $0xffff;
	_ =	sdelay $0x7  }
0x1fd: {  	v1 =	vld.idx.msk [tilespmem:v1+s30+$0x0], $0xffff;
	_ =	sdelay $0x4  }
0x1fe: {  	[tilespmem:s16+$0x1CF20] =	vst v1  }
0x1ff: {  	v1 =	vld.idx.msk [tilespmem:v0+s16+$0xFFFFFFC0 ss:$0x1], $0xffff;
	_ =	sdelay $0x7  }
0x200: {  	v1 =	vld.idx.msk [tilespmem:v1+s30+$0x0], $0xffff;
	_ =	sdelay $0x4  }
0x201: {  	[tilespmem:s16+$0x1CF30] =	vst v1  }
0x202: {  	v1 =	vld.idx.msk [tilespmem:v0+s16+$0xFFFFFFD0 ss:$0x1], $0xffff;
	_ =	sdelay $0x7  }
0x203: {  	v1 =	vld.idx.msk [tilespmem:v1+s30+$0x0], $0xffff;
	_ =	sdelay $0x4  }
0x204: {  	[tilespmem:s16+$0x1CF40] =	vst v1  }
0x205: {  	v1 =	vld.idx.msk [tilespmem:v0+s16+$0xFFFFFFE0 ss:$0x1], $0xffff;
	_ =	sdelay $0x7  }
0x206: {  	v1 =	vld.idx.msk [tilespmem:v1+s30+$0x0], $0xffff;
	_ =	sdelay $0x4  }
0x207: {  	[tilespmem:s16+$0x1CF50] =	vst v1  }
0x208: {  	v1 =	vld.idx.msk [tilespmem:v0+s16+$0xFFFFFFF0 ss:$0x1], $0xffff;
	_ =	sdelay $0x7  }
0x209: {  	v1 =	vld.idx.msk [tilespmem:v1+s30+$0x0], $0xffff;
	_ =	sdelay $0x4  }
0x20a: {  	[tilespmem:s16+$0x1CF60] =	vst v1  }
0x20b: {  	v1 =	vld.idx.msk [tilespmem:v0+s16+$0x0 ss:$0x1], $0xffff;
	_ =	sdelay $0x7  }
0x20c: {  	p0 =	sne.s32 s15, $0x1E00;
	v1 =	vld.idx.msk [tilespmem:v1+s30+$0x0], $0xffff  }
.Ltmp16:
0x20d: {  	_ = 	snop;
	(pc) =	sbr.rel @p0 .LBB2_35-.Ltmp16, $2  }
0x20e: {  	_ =	sdelay $0x2  }
0x20f: {  	s15 =	sadd.s32 $0x200, s15;
	[tilespmem:s16+$0x1CF70] =	vst v1  }
0x210: {  	s9 =	sadd.s32 $0x1, s9  }
0x211: {  	p0 =	sne.s32 s9, $0x4  }
.Ltmp17:
0x212: {  	s14 =	sshll.u32 s14, $0xE;
	(pc) =	sbr.rel @p0 .LBB2_32-.Ltmp17, $4  }
0x213: {  	s14 =	sadd.s32 s12, s14  }
0x214: {  	s14 =	sshrl.u32 s14, $0x3  }
0x215: {  	s11 =	sadd.s32 $0x1000, s11;
	s13 =	sadd.s32 $0x1000, s13;
	s14 =	sadd.s32 s7, s14  }
0x216: {  	[hbm4b:s14+s28] =	stream.strided.scatter [tilespmem:s4], [sflag:$0x2], $0x800, s29, s28, $0x38;
	[tilespmem:$0x1D700] =	vst v63  }
0x217: {  	[tilespmem:s30], [sflag:$0x3] =	stream.strided.gather [hbm4b:s17+s28], $0x18700, s29, s28, $0x38;
	[tilespmem:$0x1D700] =	vst v63  }
0x218: {  	_ =	swait.ge [sflag:s31], $0x18700  }
0x219: {  	[sflag:s31] =	ssyncset.done $0x0  }
0x21a: {  	[sflag:s31] =	ssyncadd.s32 $0xFFFE7900  }
0x21b: {  	_ =	swait.ge [sflag:s0], $0x800  }
0x21c: {  	[sflag:s0] =	ssyncset.done $0x0  }
0x21d: {  	[sflag:s0] =	ssyncadd.s32 $0xFFFFF800  }
0x21e: {  	_ =	swait.ge [sflag:s1], $0x800  }
0x21f: {  	s9 =	simm.s32 $0x0;
	[sflag:s1] =	ssyncset.done $0x0  }
0x220: {  	s11 =	simm.s32 $0x70;
	s13 =	simm.s32 $0x870;
	[sflag:s1] =	ssyncadd.s32 $0xFFFFF800  }
.LBB2_38:
0x221: {  	p0 =	seq.s32 s9, $0x0  }
0x222: {  	v0 =	vmov s11;
	s14 =	simm.s32 @!p0 $0x1  }
0x223: {  	_ =	swait.ge @!p0 [sflag:s14], $0x800  }
0x224: {  	[sflag:s14] =	ssyncset.done @!p0 $0x0  }
0x225: {  	[sflag:s14] =	ssyncadd.s32 @!p0 $0xFFFFF800;
	s14 =	simm.s32 $0x0  }
.LBB2_39:
0x226: {  	s15 =	sshra.s32 s14, $0x2  }
0x227: {  	v1 =	vld.idx.msk [tilespmem:v0+s15+$0xFFFFFF90 ss:$0x1], $0xffff;
	_ =	sdelay $0x7  }
0x228: {  	v1 =	vld.idx.msk [tilespmem:v1+s30+$0x0], $0xffff;
	_ =	sdelay $0x4  }
0x229: {  	[tilespmem:s15+$0x1C700] =	vst v1  }
0x22a: {  	v1 =	vld.idx.msk [tilespmem:v0+s15+$0xFFFFFFA0 ss:$0x1], $0xffff;
	_ =	sdelay $0x7  }
0x22b: {  	v1 =	vld.idx.msk [tilespmem:v1+s30+$0x0], $0xffff;
	_ =	sdelay $0x4  }
0x22c: {  	[tilespmem:s15+$0x1C710] =	vst v1  }
0x22d: {  	v1 =	vld.idx.msk [tilespmem:v0+s15+$0xFFFFFFB0 ss:$0x1], $0xffff;
	_ =	sdelay $0x7  }
0x22e: {  	v1 =	vld.idx.msk [tilespmem:v1+s30+$0x0], $0xffff;
	_ =	sdelay $0x4  }
0x22f: {  	[tilespmem:s15+$0x1C720] =	vst v1  }
0x230: {  	v1 =	vld.idx.msk [tilespmem:v0+s15+$0xFFFFFFC0 ss:$0x1], $0xffff;
	_ =	sdelay $0x7  }
0x231: {  	v1 =	vld.idx.msk [tilespmem:v1+s30+$0x0], $0xffff;
	_ =	sdelay $0x4  }
0x232: {  	[tilespmem:s15+$0x1C730] =	vst v1  }
0x233: {  	v1 =	vld.idx.msk [tilespmem:v0+s15+$0xFFFFFFD0 ss:$0x1], $0xffff;
	_ =	sdelay $0x7  }
0x234: {  	v1 =	vld.idx.msk [tilespmem:v1+s30+$0x0], $0xffff;
	_ =	sdelay $0x4  }
0x235: {  	[tilespmem:s15+$0x1C740] =	vst v1  }
0x236: {  	v1 =	vld.idx.msk [tilespmem:v0+s15+$0xFFFFFFE0 ss:$0x1], $0xffff;
	_ =	sdelay $0x7  }
0x237: {  	v1 =	vld.idx.msk [tilespmem:v1+s30+$0x0], $0xffff;
	_ =	sdelay $0x4  }
0x238: {  	[tilespmem:s15+$0x1C750] =	vst v1  }
0x239: {  	v1 =	vld.idx.msk [tilespmem:v0+s15+$0xFFFFFFF0 ss:$0x1], $0xffff;
	_ =	sdelay $0x7  }
0x23a: {  	v1 =	vld.idx.msk [tilespmem:v1+s30+$0x0], $0xffff;
	_ =	sdelay $0x4  }
0x23b: {  	[tilespmem:s15+$0x1C760] =	vst v1  }
0x23c: {  	v1 =	vld.idx.msk [tilespmem:v0+s15+$0x0 ss:$0x1], $0xffff;
	_ =	sdelay $0x7  }
0x23d: {  	p1 =	sne.s32 s14, $0x1E00;
	v1 =	vld.idx.msk [tilespmem:v1+s30+$0x0], $0xffff  }
.Ltmp18:
0x23e: {  	_ = 	snop;
	(pc) =	sbr.rel @p1 .LBB2_39-.Ltmp18, $2  }
0x23f: {  	_ =	sdelay $0x2  }
0x240: {  	s14 =	sadd.s32 $0x200, s14;
	[tilespmem:s15+$0x1C770] =	vst v1  }
0x241: {  	s14 =	sshll.u32 s9, $0xF  }
0x242: {  	s14 =	sadd.s32 s10, s14  }
0x243: {  	s14 =	sshrl.u32 s14, $0x3  }
0x244: {  	s15 =	simm.s32 @!p0 $0x2;
	s14 =	sadd.s32 s8, s14  }
0x245: {  	v0 =	vmov s13;
	[hbm4b:s14+s28] =	stream.strided.scatter [tilespmem:s2], [sflag:$0x1], $0x800, s29, s28, $0x38;
	[tilespmem:$0x1D700] =	vst v63  }
0x246: {  	_ =	swait.ge @!p0 [sflag:s15], $0x800  }
0x247: {  	[sflag:s15] =	ssyncset.done @!p0 $0x0  }
0x248: {  	s14 =	sshllo.u32 s9, $0x1;
	[sflag:s15] =	ssyncadd.s32 @!p0 $0xFFFFF800;
	s15 =	simm.s32 $0x0  }
.LBB2_41:
0x249: {  	s16 =	sshra.s32 s15, $0x2  }
0x24a: {  	v1 =	vld.idx.msk [tilespmem:v0+s16+$0xFFFFFF90 ss:$0x1], $0xffff;
	_ =	sdelay $0x7  }
0x24b: {  	v1 =	vld.idx.msk [tilespmem:v1+s30+$0x0], $0xffff;
	_ =	sdelay $0x4  }
0x24c: {  	[tilespmem:s16+$0x1CF00] =	vst v1  }
0x24d: {  	v1 =	vld.idx.msk [tilespmem:v0+s16+$0xFFFFFFA0 ss:$0x1], $0xffff;
	_ =	sdelay $0x7  }
0x24e: {  	v1 =	vld.idx.msk [tilespmem:v1+s30+$0x0], $0xffff;
	_ =	sdelay $0x4  }
0x24f: {  	[tilespmem:s16+$0x1CF10] =	vst v1  }
0x250: {  	v1 =	vld.idx.msk [tilespmem:v0+s16+$0xFFFFFFB0 ss:$0x1], $0xffff;
	_ =	sdelay $0x7  }
0x251: {  	v1 =	vld.idx.msk [tilespmem:v1+s30+$0x0], $0xffff;
	_ =	sdelay $0x4  }
0x252: {  	[tilespmem:s16+$0x1CF20] =	vst v1  }
0x253: {  	v1 =	vld.idx.msk [tilespmem:v0+s16+$0xFFFFFFC0 ss:$0x1], $0xffff;
	_ =	sdelay $0x7  }
0x254: {  	v1 =	vld.idx.msk [tilespmem:v1+s30+$0x0], $0xffff;
	_ =	sdelay $0x4  }
0x255: {  	[tilespmem:s16+$0x1CF30] =	vst v1  }
0x256: {  	v1 =	vld.idx.msk [tilespmem:v0+s16+$0xFFFFFFD0 ss:$0x1], $0xffff;
	_ =	sdelay $0x7  }
0x257: {  	v1 =	vld.idx.msk [tilespmem:v1+s30+$0x0], $0xffff;
	_ =	sdelay $0x4  }
0x258: {  	[tilespmem:s16+$0x1CF40] =	vst v1  }
0x259: {  	v1 =	vld.idx.msk [tilespmem:v0+s16+$0xFFFFFFE0 ss:$0x1], $0xffff;
	_ =	sdelay $0x7  }
0x25a: {  	v1 =	vld.idx.msk [tilespmem:v1+s30+$0x0], $0xffff;
	_ =	sdelay $0x4  }
0x25b: {  	[tilespmem:s16+$0x1CF50] =	vst v1  }
0x25c: {  	v1 =	vld.idx.msk [tilespmem:v0+s16+$0xFFFFFFF0 ss:$0x1], $0xffff;
	_ =	sdelay $0x7  }
0x25d: {  	v1 =	vld.idx.msk [tilespmem:v1+s30+$0x0], $0xffff;
	_ =	sdelay $0x4  }
0x25e: {  	[tilespmem:s16+$0x1CF60] =	vst v1  }
0x25f: {  	v1 =	vld.idx.msk [tilespmem:v0+s16+$0x0 ss:$0x1], $0xffff;
	_ =	sdelay $0x7  }
0x260: {  	p0 =	sne.s32 s15, $0x1E00;
	v1 =	vld.idx.msk [tilespmem:v1+s30+$0x0], $0xffff  }
.Ltmp19:
0x261: {  	_ = 	snop;
	(pc) =	sbr.rel @p0 .LBB2_41-.Ltmp19, $2  }
0x262: {  	_ =	sdelay $0x2  }
0x263: {  	s15 =	sadd.s32 $0x200, s15;
	[tilespmem:s16+$0x1CF70] =	vst v1  }
0x264: {  	s9 =	sadd.s32 $0x1, s9  }
0x265: {  	p0 =	sne.s32 s9, $0x4  }
.Ltmp20:
0x266: {  	s14 =	sshll.u32 s14, $0xE;
	(pc) =	sbr.rel @p0 .LBB2_38-.Ltmp20, $4  }
0x267: {  	s14 =	sadd.s32 s10, s14  }
0x268: {  	s14 =	sshrl.u32 s14, $0x3  }
0x269: {  	s11 =	sadd.s32 $0x1000, s11;
	s13 =	sadd.s32 $0x1000, s13;
	s14 =	sadd.s32 s8, s14  }
0x26a: {  	[hbm4b:s14+s28] =	stream.strided.scatter [tilespmem:s4], [sflag:$0x2], $0x800, s29, s28, $0x38;
	[tilespmem:$0x1D700] =	vst v63  }
0x26b: {  	[tilespmem:s30], [sflag:$0x3] =	stream.strided.gather [hbm4b:s18+s28], $0x18700, s29, s28, $0x38;
	[tilespmem:$0x1D700] =	vst v63  }
0x26c: {  	_ =	swait.ge [sflag:s31], $0x18700  }
0x26d: {  	[sflag:s31] =	ssyncset.done $0x0  }
0x26e: {  	[sflag:s31] =	ssyncadd.s32 $0xFFFE7900  }
0x26f: {  	_ =	swait.ge [sflag:s0], $0x800  }
0x270: {  	[sflag:s0] =	ssyncset.done $0x0  }
0x271: {  	[sflag:s0] =	ssyncadd.s32 $0xFFFFF800  }
0x272: {  	_ =	swait.ge [sflag:s1], $0x800  }
0x273: {  	s9 =	simm.s32 $0x0;
	[sflag:s1] =	ssyncset.done $0x0  }
0x274: {  	s11 =	simm.s32 $0x70;
	s13 =	simm.s32 $0x870;
	[sflag:s1] =	ssyncadd.s32 $0xFFFFF800  }
.LBB2_44:
0x275: {  	p0 =	seq.s32 s9, $0x0  }
0x276: {  	v0 =	vmov s11;
	s14 =	simm.s32 @!p0 $0x1  }
0x277: {  	_ =	swait.ge @!p0 [sflag:s14], $0x800  }
0x278: {  	[sflag:s14] =	ssyncset.done @!p0 $0x0  }
0x279: {  	[sflag:s14] =	ssyncadd.s32 @!p0 $0xFFFFF800;
	s14 =	simm.s32 $0x0  }
.LBB2_45:
0x27a: {  	s15 =	sshra.s32 s14, $0x2  }
0x27b: {  	v1 =	vld.idx.msk [tilespmem:v0+s15+$0xFFFFFF90 ss:$0x1], $0xffff;
	_ =	sdelay $0x7  }
0x27c: {  	v1 =	vld.idx.msk [tilespmem:v1+s30+$0x0], $0xffff;
	_ =	sdelay $0x4  }
0x27d: {  	[tilespmem:s15+$0x1C700] =	vst v1  }
0x27e: {  	v1 =	vld.idx.msk [tilespmem:v0+s15+$0xFFFFFFA0 ss:$0x1], $0xffff;
	_ =	sdelay $0x7  }
0x27f: {  	v1 =	vld.idx.msk [tilespmem:v1+s30+$0x0], $0xffff;
	_ =	sdelay $0x4  }
0x280: {  	[tilespmem:s15+$0x1C710] =	vst v1  }
0x281: {  	v1 =	vld.idx.msk [tilespmem:v0+s15+$0xFFFFFFB0 ss:$0x1], $0xffff;
	_ =	sdelay $0x7  }
0x282: {  	v1 =	vld.idx.msk [tilespmem:v1+s30+$0x0], $0xffff;
	_ =	sdelay $0x4  }
0x283: {  	[tilespmem:s15+$0x1C720] =	vst v1  }
0x284: {  	v1 =	vld.idx.msk [tilespmem:v0+s15+$0xFFFFFFC0 ss:$0x1], $0xffff;
	_ =	sdelay $0x7  }
0x285: {  	v1 =	vld.idx.msk [tilespmem:v1+s30+$0x0], $0xffff;
	_ =	sdelay $0x4  }
0x286: {  	[tilespmem:s15+$0x1C730] =	vst v1  }
0x287: {  	v1 =	vld.idx.msk [tilespmem:v0+s15+$0xFFFFFFD0 ss:$0x1], $0xffff;
	_ =	sdelay $0x7  }
0x288: {  	v1 =	vld.idx.msk [tilespmem:v1+s30+$0x0], $0xffff;
	_ =	sdelay $0x4  }
0x289: {  	[tilespmem:s15+$0x1C740] =	vst v1  }
0x28a: {  	v1 =	vld.idx.msk [tilespmem:v0+s15+$0xFFFFFFE0 ss:$0x1], $0xffff;
	_ =	sdelay $0x7  }
0x28b: {  	v1 =	vld.idx.msk [tilespmem:v1+s30+$0x0], $0xffff;
	_ =	sdelay $0x4  }
0x28c: {  	[tilespmem:s15+$0x1C750] =	vst v1  }
0x28d: {  	v1 =	vld.idx.msk [tilespmem:v0+s15+$0xFFFFFFF0 ss:$0x1], $0xffff;
	_ =	sdelay $0x7  }
0x28e: {  	v1 =	vld.idx.msk [tilespmem:v1+s30+$0x0], $0xffff;
	_ =	sdelay $0x4  }
0x28f: {  	[tilespmem:s15+$0x1C760] =	vst v1  }
0x290: {  	v1 =	vld.idx.msk [tilespmem:v0+s15+$0x0 ss:$0x1], $0xffff;
	_ =	sdelay $0x7  }
0x291: {  	p1 =	sne.s32 s14, $0x1E00;
	v1 =	vld.idx.msk [tilespmem:v1+s30+$0x0], $0xffff  }
.Ltmp21:
0x292: {  	_ = 	snop;
	(pc) =	sbr.rel @p1 .LBB2_45-.Ltmp21, $2  }
0x293: {  	_ =	sdelay $0x2  }
0x294: {  	s14 =	sadd.s32 $0x200, s14;
	[tilespmem:s15+$0x1C770] =	vst v1  }
0x295: {  	s14 =	sshll.u32 s9, $0xF  }
0x296: {  	s14 =	sadd.s32 s12, s14  }
0x297: {  	s14 =	sshrl.u32 s14, $0x3  }
0x298: {  	s15 =	simm.s32 @!p0 $0x2;
	s14 =	sadd.s32 s8, s14  }
0x299: {  	v0 =	vmov s13;
	[hbm4b:s14+s28] =	stream.strided.scatter [tilespmem:s2], [sflag:$0x1], $0x800, s29, s28, $0x38;
	[tilespmem:$0x1D700] =	vst v63  }
0x29a: {  	_ =	swait.ge @!p0 [sflag:s15], $0x800  }
0x29b: {  	[sflag:s15] =	ssyncset.done @!p0 $0x0  }
0x29c: {  	s14 =	sshllo.u32 s9, $0x1;
	[sflag:s15] =	ssyncadd.s32 @!p0 $0xFFFFF800;
	s15 =	simm.s32 $0x0  }
.LBB2_47:
0x29d: {  	s16 =	sshra.s32 s15, $0x2  }
0x29e: {  	v1 =	vld.idx.msk [tilespmem:v0+s16+$0xFFFFFF90 ss:$0x1], $0xffff;
	_ =	sdelay $0x7  }
0x29f: {  	v1 =	vld.idx.msk [tilespmem:v1+s30+$0x0], $0xffff;
	_ =	sdelay $0x4  }
0x2a0: {  	[tilespmem:s16+$0x1CF00] =	vst v1  }
0x2a1: {  	v1 =	vld.idx.msk [tilespmem:v0+s16+$0xFFFFFFA0 ss:$0x1], $0xffff;
	_ =	sdelay $0x7  }
0x2a2: {  	v1 =	vld.idx.msk [tilespmem:v1+s30+$0x0], $0xffff;
	_ =	sdelay $0x4  }
0x2a3: {  	[tilespmem:s16+$0x1CF10] =	vst v1  }
0x2a4: {  	v1 =	vld.idx.msk [tilespmem:v0+s16+$0xFFFFFFB0 ss:$0x1], $0xffff;
	_ =	sdelay $0x7  }
0x2a5: {  	v1 =	vld.idx.msk [tilespmem:v1+s30+$0x0], $0xffff;
	_ =	sdelay $0x4  }
0x2a6: {  	[tilespmem:s16+$0x1CF20] =	vst v1  }
0x2a7: {  	v1 =	vld.idx.msk [tilespmem:v0+s16+$0xFFFFFFC0 ss:$0x1], $0xffff;
	_ =	sdelay $0x7  }
0x2a8: {  	v1 =	vld.idx.msk [tilespmem:v1+s30+$0x0], $0xffff;
	_ =	sdelay $0x4  }
0x2a9: {  	[tilespmem:s16+$0x1CF30] =	vst v1  }
0x2aa: {  	v1 =	vld.idx.msk [tilespmem:v0+s16+$0xFFFFFFD0 ss:$0x1], $0xffff;
	_ =	sdelay $0x7  }
0x2ab: {  	v1 =	vld.idx.msk [tilespmem:v1+s30+$0x0], $0xffff;
	_ =	sdelay $0x4  }
0x2ac: {  	[tilespmem:s16+$0x1CF40] =	vst v1  }
0x2ad: {  	v1 =	vld.idx.msk [tilespmem:v0+s16+$0xFFFFFFE0 ss:$0x1], $0xffff;
	_ =	sdelay $0x7  }
0x2ae: {  	v1 =	vld.idx.msk [tilespmem:v1+s30+$0x0], $0xffff;
	_ =	sdelay $0x4  }
0x2af: {  	[tilespmem:s16+$0x1CF50] =	vst v1  }
0x2b0: {  	v1 =	vld.idx.msk [tilespmem:v0+s16+$0xFFFFFFF0 ss:$0x1], $0xffff;
	_ =	sdelay $0x7  }
0x2b1: {  	v1 =	vld.idx.msk [tilespmem:v1+s30+$0x0], $0xffff;
	_ =	sdelay $0x4  }
0x2b2: {  	[tilespmem:s16+$0x1CF60] =	vst v1  }
0x2b3: {  	v1 =	vld.idx.msk [tilespmem:v0+s16+$0x0 ss:$0x1], $0xffff;
	_ =	sdelay $0x7  }
0x2b4: {  	p0 =	sne.s32 s15, $0x1E00;
	v1 =	vld.idx.msk [tilespmem:v1+s30+$0x0], $0xffff  }
.Ltmp22:
0x2b5: {  	_ = 	snop;
	(pc) =	sbr.rel @p0 .LBB2_47-.Ltmp22, $2  }
0x2b6: {  	_ =	sdelay $0x2  }
0x2b7: {  	s15 =	sadd.s32 $0x200, s15;
	[tilespmem:s16+$0x1CF70] =	vst v1  }
0x2b8: {  	s9 =	sadd.s32 $0x1, s9  }
0x2b9: {  	p0 =	sne.s32 s9, $0x4  }
.Ltmp23:
0x2ba: {  	s14 =	sshll.u32 s14, $0xE;
	(pc) =	sbr.rel @p0 .LBB2_44-.Ltmp23, $4  }
0x2bb: {  	s14 =	sadd.s32 s12, s14  }
0x2bc: {  	s14 =	sshrl.u32 s14, $0x3  }
0x2bd: {  	s11 =	sadd.s32 $0x1000, s11;
	s13 =	sadd.s32 $0x1000, s13;
	s14 =	sadd.s32 s8, s14  }
0x2be: {  	[hbm4b:s14+s28] =	stream.strided.scatter [tilespmem:s4], [sflag:$0x2], $0x800, s29, s28, $0x38;
	[tilespmem:$0x1D700] =	vst v63  }
0x2bf: {  	[tilespmem:s30], [sflag:$0x3] =	stream.strided.gather [hbm4b:s19+s28], $0x18700, s29, s28, $0x38;
	[tilespmem:$0x1D700] =	vst v63  }
0x2c0: {  	s9 =	simm.s32 $0x0;
	s11 =	rddreg [dreg:$0x1]  }
0x2c1: {  	[tilespmem:s9], [sflag:$0x4] =	stream.linear.gather [hbm4b:s11+s9], $0x4000, $0x38;
	[tilespmem:$0x1D700] =	vst v63  }
0x2c2: {  	_ =	swait.ge [sflag:s26], $0x4000  }
0x2c3: {  	[sflag:s26] =	ssyncset.done $0x0  }
0x2c4: {  	[sflag:s26] =	ssyncadd.s32 $0xFFFFC000  }
0x2c5: {  	_ =	swait.ge [sflag:s31], $0x18700  }
0x2c6: {  	[sflag:s31] =	ssyncset.done $0x0  }
0x2c7: {  	[sflag:s31] =	ssyncadd.s32 $0xFFFE7900  }
0x2c8: {  	_ =	swait.ge [sflag:s0], $0x800  }
0x2c9: {  	[sflag:s0] =	ssyncset.done $0x0  }
0x2ca: {  	[sflag:s0] =	ssyncadd.s32 $0xFFFFF800  }
0x2cb: {  	_ =	swait.ge [sflag:s1], $0x800  }
0x2cc: {  	[sflag:s1] =	ssyncset.done $0x0  }
0x2cd: {  	s13 =	simm.s32 $0x870;
	s11 =	simm.s32 $0x70;
	[sflag:s1] =	ssyncadd.s32 $0xFFFFF800  }
.LBB2_50:
0x2ce: {  	p0 =	seq.s32 s9, $0x0  }
0x2cf: {  	v0 =	vmov s11;
	s14 =	simm.s32 @!p0 $0x1  }
0x2d0: {  	_ =	swait.ge @!p0 [sflag:s14], $0x800  }
0x2d1: {  	[sflag:s14] =	ssyncset.done @!p0 $0x0  }
0x2d2: {  	[sflag:s14] =	ssyncadd.s32 @!p0 $0xFFFFF800;
	s14 =	simm.s32 $0x0  }
.LBB2_51:
0x2d3: {  	s15 =	sshra.s32 s14, $0x2  }
0x2d4: {  	v1 =	vld.idx.msk [tilespmem:v0+s15+$0xFFFFFF90 ss:$0x1], $0xffff;
	_ =	sdelay $0x7  }
0x2d5: {  	v1 =	vld.idx.msk [tilespmem:v1+s30+$0x0], $0xffff;
	_ =	sdelay $0x4  }
0x2d6: {  	[tilespmem:s15+$0x1C700] =	vst v1  }
0x2d7: {  	v1 =	vld.idx.msk [tilespmem:v0+s15+$0xFFFFFFA0 ss:$0x1], $0xffff;
	_ =	sdelay $0x7  }
0x2d8: {  	v1 =	vld.idx.msk [tilespmem:v1+s30+$0x0], $0xffff;
	_ =	sdelay $0x4  }
0x2d9: {  	[tilespmem:s15+$0x1C710] =	vst v1  }
0x2da: {  	v1 =	vld.idx.msk [tilespmem:v0+s15+$0xFFFFFFB0 ss:$0x1], $0xffff;
	_ =	sdelay $0x7  }
0x2db: {  	v1 =	vld.idx.msk [tilespmem:v1+s30+$0x0], $0xffff;
	_ =	sdelay $0x4  }
0x2dc: {  	[tilespmem:s15+$0x1C720] =	vst v1  }
0x2dd: {  	v1 =	vld.idx.msk [tilespmem:v0+s15+$0xFFFFFFC0 ss:$0x1], $0xffff;
	_ =	sdelay $0x7  }
0x2de: {  	v1 =	vld.idx.msk [tilespmem:v1+s30+$0x0], $0xffff;
	_ =	sdelay $0x4  }
0x2df: {  	[tilespmem:s15+$0x1C730] =	vst v1  }
0x2e0: {  	v1 =	vld.idx.msk [tilespmem:v0+s15+$0xFFFFFFD0 ss:$0x1], $0xffff;
	_ =	sdelay $0x7  }
0x2e1: {  	v1 =	vld.idx.msk [tilespmem:v1+s30+$0x0], $0xffff;
	_ =	sdelay $0x4  }
0x2e2: {  	[tilespmem:s15+$0x1C740] =	vst v1  }
0x2e3: {  	v1 =	vld.idx.msk [tilespmem:v0+s15+$0xFFFFFFE0 ss:$0x1], $0xffff;
	_ =	sdelay $0x7  }
0x2e4: {  	v1 =	vld.idx.msk [tilespmem:v1+s30+$0x0], $0xffff;
	_ =	sdelay $0x4  }
0x2e5: {  	[tilespmem:s15+$0x1C750] =	vst v1  }
0x2e6: {  	v1 =	vld.idx.msk [tilespmem:v0+s15+$0xFFFFFFF0 ss:$0x1], $0xffff;
	_ =	sdelay $0x7  }
0x2e7: {  	v1 =	vld.idx.msk [tilespmem:v1+s30+$0x0], $0xffff;
	_ =	sdelay $0x4  }
0x2e8: {  	[tilespmem:s15+$0x1C760] =	vst v1  }
0x2e9: {  	v1 =	vld.idx.msk [tilespmem:v0+s15+$0x0 ss:$0x1], $0xffff;
	_ =	sdelay $0x7  }
0x2ea: {  	p1 =	sne.s32 s14, $0x1E00;
	v1 =	vld.idx.msk [tilespmem:v1+s30+$0x0], $0xffff  }
.Ltmp24:
0x2eb: {  	_ = 	snop;
	(pc) =	sbr.rel @p1 .LBB2_51-.Ltmp24, $2  }
0x2ec: {  	_ =	sdelay $0x2  }
0x2ed: {  	s14 =	sadd.s32 $0x200, s14;
	[tilespmem:s15+$0x1C770] =	vst v1  }
0x2ee: {  	s14 =	sshll.u32 s9, $0xF  }
0x2ef: {  	s14 =	sadd.s32 s10, s14  }
0x2f0: {  	s14 =	sshrl.u32 s14, $0x3  }
0x2f1: {  	s15 =	simm.s32 @!p0 $0x2;
	s14 =	sadd.s32 s23, s14  }
0x2f2: {  	v0 =	vmov s13;
	[hbm4b:s14+s28] =	stream.strided.scatter [tilespmem:s2], [sflag:$0x1], $0x800, s29, s28, $0x38;
	[tilespmem:$0x1D700] =	vst v63  }
0x2f3: {  	_ =	swait.ge @!p0 [sflag:s15], $0x800  }
0x2f4: {  	[sflag:s15] =	ssyncset.done @!p0 $0x0  }
0x2f5: {  	s14 =	sshllo.u32 s9, $0x1;
	[sflag:s15] =	ssyncadd.s32 @!p0 $0xFFFFF800;
	s15 =	simm.s32 $0x0  }
.LBB2_53:
0x2f6: {  	s16 =	sshra.s32 s15, $0x2  }
0x2f7: {  	v1 =	vld.idx.msk [tilespmem:v0+s16+$0xFFFFFF90 ss:$0x1], $0xffff;
	_ =	sdelay $0x7  }
0x2f8: {  	v1 =	vld.idx.msk [tilespmem:v1+s30+$0x0], $0xffff;
	_ =	sdelay $0x4  }
0x2f9: {  	[tilespmem:s16+$0x1CF00] =	vst v1  }
0x2fa: {  	v1 =	vld.idx.msk [tilespmem:v0+s16+$0xFFFFFFA0 ss:$0x1], $0xffff;
	_ =	sdelay $0x7  }
0x2fb: {  	v1 =	vld.idx.msk [tilespmem:v1+s30+$0x0], $0xffff;
	_ =	sdelay $0x4  }
0x2fc: {  	[tilespmem:s16+$0x1CF10] =	vst v1  }
0x2fd: {  	v1 =	vld.idx.msk [tilespmem:v0+s16+$0xFFFFFFB0 ss:$0x1], $0xffff;
	_ =	sdelay $0x7  }
0x2fe: {  	v1 =	vld.idx.msk [tilespmem:v1+s30+$0x0], $0xffff;
	_ =	sdelay $0x4  }
0x2ff: {  	[tilespmem:s16+$0x1CF20] =	vst v1  }
0x300: {  	v1 =	vld.idx.msk [tilespmem:v0+s16+$0xFFFFFFC0 ss:$0x1], $0xffff;
	_ =	sdelay $0x7  }
0x301: {  	v1 =	vld.idx.msk [tilespmem:v1+s30+$0x0], $0xffff;
	_ =	sdelay $0x4  }
0x302: {  	[tilespmem:s16+$0x1CF30] =	vst v1  }
0x303: {  	v1 =	vld.idx.msk [tilespmem:v0+s16+$0xFFFFFFD0 ss:$0x1], $0xffff;
	_ =	sdelay $0x7  }
0x304: {  	v1 =	vld.idx.msk [tilespmem:v1+s30+$0x0], $0xffff;
	_ =	sdelay $0x4  }
0x305: {  	[tilespmem:s16+$0x1CF40] =	vst v1  }
0x306: {  	v1 =	vld.idx.msk [tilespmem:v0+s16+$0xFFFFFFE0 ss:$0x1], $0xffff;
	_ =	sdelay $0x7  }
0x307: {  	v1 =	vld.idx.msk [tilespmem:v1+s30+$0x0], $0xffff;
	_ =	sdelay $0x4  }
0x308: {  	[tilespmem:s16+$0x1CF50] =	vst v1  }
0x309: {  	v1 =	vld.idx.msk [tilespmem:v0+s16+$0xFFFFFFF0 ss:$0x1], $0xffff;
	_ =	sdelay $0x7  }
0x30a: {  	v1 =	vld.idx.msk [tilespmem:v1+s30+$0x0], $0xffff;
	_ =	sdelay $0x4  }
0x30b: {  	[tilespmem:s16+$0x1CF60] =	vst v1  }
0x30c: {  	v1 =	vld.idx.msk [tilespmem:v0+s16+$0x0 ss:$0x1], $0xffff;
	_ =	sdelay $0x7  }
0x30d: {  	p0 =	sne.s32 s15, $0x1E00;
	v1 =	vld.idx.msk [tilespmem:v1+s30+$0x0], $0xffff  }
.Ltmp25:
0x30e: {  	_ = 	snop;
	(pc) =	sbr.rel @p0 .LBB2_53-.Ltmp25, $2  }
0x30f: {  	_ =	sdelay $0x2  }
0x310: {  	s15 =	sadd.s32 $0x200, s15;
	[tilespmem:s16+$0x1CF70] =	vst v1  }
0x311: {  	s9 =	sadd.s32 $0x1, s9  }
0x312: {  	p0 =	sne.s32 s9, $0x4  }
.Ltmp26:
0x313: {  	s14 =	sshll.u32 s14, $0xE;
	(pc) =	sbr.rel @p0 .LBB2_50-.Ltmp26, $4  }
0x314: {  	s14 =	sadd.s32 s10, s14  }
0x315: {  	s14 =	sshrl.u32 s14, $0x3  }
0x316: {  	s11 =	sadd.s32 $0x1000, s11;
	s13 =	sadd.s32 $0x1000, s13;
	s14 =	sadd.s32 s23, s14  }
0x317: {  	[hbm4b:s14+s28] =	stream.strided.scatter [tilespmem:s4], [sflag:$0x2], $0x800, s29, s28, $0x38;
	[tilespmem:$0x1D700] =	vst v63  }
0x318: {  	[tilespmem:s30], [sflag:$0x3] =	stream.strided.gather [hbm4b:s20+s28], $0x18700, s29, s28, $0x38;
	[tilespmem:$0x1D700] =	vst v63  }
0x319: {  	_ =	swait.ge [sflag:s31], $0x18700  }
0x31a: {  	[sflag:s31] =	ssyncset.done $0x0  }
0x31b: {  	[sflag:s31] =	ssyncadd.s32 $0xFFFE7900  }
0x31c: {  	_ =	swait.ge [sflag:s0], $0x800  }
0x31d: {  	[sflag:s0] =	ssyncset.done $0x0  }
0x31e: {  	[sflag:s0] =	ssyncadd.s32 $0xFFFFF800  }
0x31f: {  	_ =	swait.ge [sflag:s1], $0x800  }
0x320: {  	s9 =	simm.s32 $0x0;
	[sflag:s1] =	ssyncset.done $0x0  }
0x321: {  	s11 =	simm.s32 $0x70;
	s13 =	simm.s32 $0x870;
	[sflag:s1] =	ssyncadd.s32 $0xFFFFF800  }
.LBB2_56:
0x322: {  	p0 =	seq.s32 s9, $0x0  }
0x323: {  	v0 =	vmov s11;
	s14 =	simm.s32 @!p0 $0x1  }
0x324: {  	_ =	swait.ge @!p0 [sflag:s14], $0x800  }
0x325: {  	[sflag:s14] =	ssyncset.done @!p0 $0x0  }
0x326: {  	[sflag:s14] =	ssyncadd.s32 @!p0 $0xFFFFF800;
	s14 =	simm.s32 $0x0  }
.LBB2_57:
0x327: {  	s15 =	sshra.s32 s14, $0x2  }
0x328: {  	v1 =	vld.idx.msk [tilespmem:v0+s15+$0xFFFFFF90 ss:$0x1], $0xffff;
	_ =	sdelay $0x7  }
0x329: {  	v1 =	vld.idx.msk [tilespmem:v1+s30+$0x0], $0xffff;
	_ =	sdelay $0x4  }
0x32a: {  	[tilespmem:s15+$0x1C700] =	vst v1  }
0x32b: {  	v1 =	vld.idx.msk [tilespmem:v0+s15+$0xFFFFFFA0 ss:$0x1], $0xffff;
	_ =	sdelay $0x7  }
0x32c: {  	v1 =	vld.idx.msk [tilespmem:v1+s30+$0x0], $0xffff;
	_ =	sdelay $0x4  }
0x32d: {  	[tilespmem:s15+$0x1C710] =	vst v1  }
0x32e: {  	v1 =	vld.idx.msk [tilespmem:v0+s15+$0xFFFFFFB0 ss:$0x1], $0xffff;
	_ =	sdelay $0x7  }
0x32f: {  	v1 =	vld.idx.msk [tilespmem:v1+s30+$0x0], $0xffff;
	_ =	sdelay $0x4  }
0x330: {  	[tilespmem:s15+$0x1C720] =	vst v1  }
0x331: {  	v1 =	vld.idx.msk [tilespmem:v0+s15+$0xFFFFFFC0 ss:$0x1], $0xffff;
	_ =	sdelay $0x7  }
0x332: {  	v1 =	vld.idx.msk [tilespmem:v1+s30+$0x0], $0xffff;
	_ =	sdelay $0x4  }
0x333: {  	[tilespmem:s15+$0x1C730] =	vst v1  }
0x334: {  	v1 =	vld.idx.msk [tilespmem:v0+s15+$0xFFFFFFD0 ss:$0x1], $0xffff;
	_ =	sdelay $0x7  }
0x335: {  	v1 =	vld.idx.msk [tilespmem:v1+s30+$0x0], $0xffff;
	_ =	sdelay $0x4  }
0x336: {  	[tilespmem:s15+$0x1C740] =	vst v1  }
0x337: {  	v1 =	vld.idx.msk [tilespmem:v0+s15+$0xFFFFFFE0 ss:$0x1], $0xffff;
	_ =	sdelay $0x7  }
0x338: {  	v1 =	vld.idx.msk [tilespmem:v1+s30+$0x0], $0xffff;
	_ =	sdelay $0x4  }
0x339: {  	[tilespmem:s15+$0x1C750] =	vst v1  }
0x33a: {  	v1 =	vld.idx.msk [tilespmem:v0+s15+$0xFFFFFFF0 ss:$0x1], $0xffff;
	_ =	sdelay $0x7  }
0x33b: {  	v1 =	vld.idx.msk [tilespmem:v1+s30+$0x0], $0xffff;
	_ =	sdelay $0x4  }
0x33c: {  	[tilespmem:s15+$0x1C760] =	vst v1  }
0x33d: {  	v1 =	vld.idx.msk [tilespmem:v0+s15+$0x0 ss:$0x1], $0xffff;
	_ =	sdelay $0x7  }
0x33e: {  	p1 =	sne.s32 s14, $0x1E00;
	v1 =	vld.idx.msk [tilespmem:v1+s30+$0x0], $0xffff  }
.Ltmp27:
0x33f: {  	_ = 	snop;
	(pc) =	sbr.rel @p1 .LBB2_57-.Ltmp27, $2  }
0x340: {  	_ =	sdelay $0x2  }
0x341: {  	s14 =	sadd.s32 $0x200, s14;
	[tilespmem:s15+$0x1C770] =	vst v1  }
0x342: {  	s14 =	sshll.u32 s9, $0xF  }
0x343: {  	s14 =	sadd.s32 s12, s14  }
0x344: {  	s14 =	sshrl.u32 s14, $0x3  }
0x345: {  	s15 =	simm.s32 @!p0 $0x2;
	s14 =	sadd.s32 s23, s14  }
0x346: {  	v0 =	vmov s13;
	[hbm4b:s14+s28] =	stream.strided.scatter [tilespmem:s2], [sflag:$0x1], $0x800, s29, s28, $0x38;
	[tilespmem:$0x1D700] =	vst v63  }
0x347: {  	_ =	swait.ge @!p0 [sflag:s15], $0x800  }
0x348: {  	[sflag:s15] =	ssyncset.done @!p0 $0x0  }
0x349: {  	s14 =	sshllo.u32 s9, $0x1;
	[sflag:s15] =	ssyncadd.s32 @!p0 $0xFFFFF800;
	s15 =	simm.s32 $0x0  }
.LBB2_59:
0x34a: {  	s16 =	sshra.s32 s15, $0x2  }
0x34b: {  	v1 =	vld.idx.msk [tilespmem:v0+s16+$0xFFFFFF90 ss:$0x1], $0xffff;
	_ =	sdelay $0x7  }
0x34c: {  	v1 =	vld.idx.msk [tilespmem:v1+s30+$0x0], $0xffff;
	_ =	sdelay $0x4  }
0x34d: {  	[tilespmem:s16+$0x1CF00] =	vst v1  }
0x34e: {  	v1 =	vld.idx.msk [tilespmem:v0+s16+$0xFFFFFFA0 ss:$0x1], $0xffff;
	_ =	sdelay $0x7  }
0x34f: {  	v1 =	vld.idx.msk [tilespmem:v1+s30+$0x0], $0xffff;
	_ =	sdelay $0x4  }
0x350: {  	[tilespmem:s16+$0x1CF10] =	vst v1  }
0x351: {  	v1 =	vld.idx.msk [tilespmem:v0+s16+$0xFFFFFFB0 ss:$0x1], $0xffff;
	_ =	sdelay $0x7  }
0x352: {  	v1 =	vld.idx.msk [tilespmem:v1+s30+$0x0], $0xffff;
	_ =	sdelay $0x4  }
0x353: {  	[tilespmem:s16+$0x1CF20] =	vst v1  }
0x354: {  	v1 =	vld.idx.msk [tilespmem:v0+s16+$0xFFFFFFC0 ss:$0x1], $0xffff;
	_ =	sdelay $0x7  }
0x355: {  	v1 =	vld.idx.msk [tilespmem:v1+s30+$0x0], $0xffff;
	_ =	sdelay $0x4  }
0x356: {  	[tilespmem:s16+$0x1CF30] =	vst v1  }
0x357: {  	v1 =	vld.idx.msk [tilespmem:v0+s16+$0xFFFFFFD0 ss:$0x1], $0xffff;
	_ =	sdelay $0x7  }
0x358: {  	v1 =	vld.idx.msk [tilespmem:v1+s30+$0x0], $0xffff;
	_ =	sdelay $0x4  }
0x359: {  	[tilespmem:s16+$0x1CF40] =	vst v1  }
0x35a: {  	v1 =	vld.idx.msk [tilespmem:v0+s16+$0xFFFFFFE0 ss:$0x1], $0xffff;
	_ =	sdelay $0x7  }
0x35b: {  	v1 =	vld.idx.msk [tilespmem:v1+s30+$0x0], $0xffff;
	_ =	sdelay $0x4  }
0x35c: {  	[tilespmem:s16+$0x1CF50] =	vst v1  }
0x35d: {  	v1 =	vld.idx.msk [tilespmem:v0+s16+$0xFFFFFFF0 ss:$0x1], $0xffff;
	_ =	sdelay $0x7  }
0x35e: {  	v1 =	vld.idx.msk [tilespmem:v1+s30+$0x0], $0xffff;
	_ =	sdelay $0x4  }
0x35f: {  	[tilespmem:s16+$0x1CF60] =	vst v1  }
0x360: {  	v1 =	vld.idx.msk [tilespmem:v0+s16+$0x0 ss:$0x1], $0xffff;
	_ =	sdelay $0x7  }
0x361: {  	p0 =	sne.s32 s15, $0x1E00;
	v1 =	vld.idx.msk [tilespmem:v1+s30+$0x0], $0xffff  }
.Ltmp28:
0x362: {  	_ = 	snop;
	(pc) =	sbr.rel @p0 .LBB2_59-.Ltmp28, $2  }
0x363: {  	_ =	sdelay $0x2  }
0x364: {  	s15 =	sadd.s32 $0x200, s15;
	[tilespmem:s16+$0x1CF70] =	vst v1  }
0x365: {  	s9 =	sadd.s32 $0x1, s9  }
0x366: {  	p0 =	sne.s32 s9, $0x4  }
.Ltmp29:
0x367: {  	s14 =	sshll.u32 s14, $0xE;
	(pc) =	sbr.rel @p0 .LBB2_56-.Ltmp29, $4  }
0x368: {  	s14 =	sadd.s32 s12, s14  }
0x369: {  	s14 =	sshrl.u32 s14, $0x3  }
0x36a: {  	s11 =	sadd.s32 $0x1000, s11;
	s13 =	sadd.s32 $0x1000, s13;
	s14 =	sadd.s32 s23, s14  }
0x36b: {  	[hbm4b:s14+s28] =	stream.strided.scatter [tilespmem:s4], [sflag:$0x2], $0x800, s29, s28, $0x38;
	[tilespmem:$0x1D700] =	vst v63  }
0x36c: {  	[tilespmem:s30], [sflag:$0x3] =	stream.strided.gather [hbm4b:s21+s28], $0x18700, s29, s28, $0x38;
	[tilespmem:$0x1D700] =	vst v63  }
0x36d: {  	_ =	swait.ge [sflag:s31], $0x18700  }
0x36e: {  	[sflag:s31] =	ssyncset.done $0x0  }
0x36f: {  	[sflag:s31] =	ssyncadd.s32 $0xFFFE7900  }
0x370: {  	_ =	swait.ge [sflag:s0], $0x800  }
0x371: {  	[sflag:s0] =	ssyncset.done $0x0  }
0x372: {  	[sflag:s0] =	ssyncadd.s32 $0xFFFFF800  }
0x373: {  	_ =	swait.ge [sflag:s1], $0x800  }
0x374: {  	s9 =	simm.s32 $0x0;
	[sflag:s1] =	ssyncset.done $0x0  }
0x375: {  	s11 =	simm.s32 $0x70;
	s13 =	simm.s32 $0x870;
	[sflag:s1] =	ssyncadd.s32 $0xFFFFF800  }
.LBB2_62:
0x376: {  	p0 =	seq.s32 s9, $0x0  }
0x377: {  	v0 =	vmov s11;
	s14 =	simm.s32 @!p0 $0x1  }
0x378: {  	_ =	swait.ge @!p0 [sflag:s14], $0x800  }
0x379: {  	[sflag:s14] =	ssyncset.done @!p0 $0x0  }
0x37a: {  	[sflag:s14] =	ssyncadd.s32 @!p0 $0xFFFFF800;
	s14 =	simm.s32 $0x0  }
.LBB2_63:
0x37b: {  	s15 =	sshra.s32 s14, $0x2  }
0x37c: {  	v1 =	vld.idx.msk [tilespmem:v0+s15+$0xFFFFFF90 ss:$0x1], $0xffff;
	_ =	sdelay $0x7  }
0x37d: {  	v1 =	vld.idx.msk [tilespmem:v1+s30+$0x0], $0xffff;
	_ =	sdelay $0x4  }
0x37e: {  	[tilespmem:s15+$0x1C700] =	vst v1  }
0x37f: {  	v1 =	vld.idx.msk [tilespmem:v0+s15+$0xFFFFFFA0 ss:$0x1], $0xffff;
	_ =	sdelay $0x7  }
0x380: {  	v1 =	vld.idx.msk [tilespmem:v1+s30+$0x0], $0xffff;
	_ =	sdelay $0x4  }
0x381: {  	[tilespmem:s15+$0x1C710] =	vst v1  }
0x382: {  	v1 =	vld.idx.msk [tilespmem:v0+s15+$0xFFFFFFB0 ss:$0x1], $0xffff;
	_ =	sdelay $0x7  }
0x383: {  	v1 =	vld.idx.msk [tilespmem:v1+s30+$0x0], $0xffff;
	_ =	sdelay $0x4  }
0x384: {  	[tilespmem:s15+$0x1C720] =	vst v1  }
0x385: {  	v1 =	vld.idx.msk [tilespmem:v0+s15+$0xFFFFFFC0 ss:$0x1], $0xffff;
	_ =	sdelay $0x7  }
0x386: {  	v1 =	vld.idx.msk [tilespmem:v1+s30+$0x0], $0xffff;
	_ =	sdelay $0x4  }
0x387: {  	[tilespmem:s15+$0x1C730] =	vst v1  }
0x388: {  	v1 =	vld.idx.msk [tilespmem:v0+s15+$0xFFFFFFD0 ss:$0x1], $0xffff;
	_ =	sdelay $0x7  }
0x389: {  	v1 =	vld.idx.msk [tilespmem:v1+s30+$0x0], $0xffff;
	_ =	sdelay $0x4  }
0x38a: {  	[tilespmem:s15+$0x1C740] =	vst v1  }
0x38b: {  	v1 =	vld.idx.msk [tilespmem:v0+s15+$0xFFFFFFE0 ss:$0x1], $0xffff;
	_ =	sdelay $0x7  }
0x38c: {  	v1 =	vld.idx.msk [tilespmem:v1+s30+$0x0], $0xffff;
	_ =	sdelay $0x4  }
0x38d: {  	[tilespmem:s15+$0x1C750] =	vst v1  }
0x38e: {  	v1 =	vld.idx.msk [tilespmem:v0+s15+$0xFFFFFFF0 ss:$0x1], $0xffff;
	_ =	sdelay $0x7  }
0x38f: {  	v1 =	vld.idx.msk [tilespmem:v1+s30+$0x0], $0xffff;
	_ =	sdelay $0x4  }
0x390: {  	[tilespmem:s15+$0x1C760] =	vst v1  }
0x391: {  	v1 =	vld.idx.msk [tilespmem:v0+s15+$0x0 ss:$0x1], $0xffff;
	_ =	sdelay $0x7  }
0x392: {  	p1 =	sne.s32 s14, $0x1E00;
	v1 =	vld.idx.msk [tilespmem:v1+s30+$0x0], $0xffff  }
.Ltmp30:
0x393: {  	_ = 	snop;
	(pc) =	sbr.rel @p1 .LBB2_63-.Ltmp30, $2  }
0x394: {  	_ =	sdelay $0x2  }
0x395: {  	s14 =	sadd.s32 $0x200, s14;
	[tilespmem:s15+$0x1C770] =	vst v1  }
0x396: {  	s14 =	sshll.u32 s9, $0xF  }
0x397: {  	s14 =	sadd.s32 s10, s14  }
0x398: {  	s14 =	sshrl.u32 s14, $0x3  }
0x399: {  	s15 =	simm.s32 @!p0 $0x2;
	s14 =	sadd.s32 s24, s14  }
0x39a: {  	v0 =	vmov s13;
	[hbm4b:s14+s28] =	stream.strided.scatter [tilespmem:s2], [sflag:$0x1], $0x800, s29, s28, $0x38;
	[tilespmem:$0x1D700] =	vst v63  }
0x39b: {  	_ =	swait.ge @!p0 [sflag:s15], $0x800  }
0x39c: {  	[sflag:s15] =	ssyncset.done @!p0 $0x0  }
0x39d: {  	s14 =	sshllo.u32 s9, $0x1;
	[sflag:s15] =	ssyncadd.s32 @!p0 $0xFFFFF800;
	s15 =	simm.s32 $0x0  }
.LBB2_65:
0x39e: {  	s16 =	sshra.s32 s15, $0x2  }
0x39f: {  	v1 =	vld.idx.msk [tilespmem:v0+s16+$0xFFFFFF90 ss:$0x1], $0xffff;
	_ =	sdelay $0x7  }
0x3a0: {  	v1 =	vld.idx.msk [tilespmem:v1+s30+$0x0], $0xffff;
	_ =	sdelay $0x4  }
0x3a1: {  	[tilespmem:s16+$0x1CF00] =	vst v1  }
0x3a2: {  	v1 =	vld.idx.msk [tilespmem:v0+s16+$0xFFFFFFA0 ss:$0x1], $0xffff;
	_ =	sdelay $0x7  }
0x3a3: {  	v1 =	vld.idx.msk [tilespmem:v1+s30+$0x0], $0xffff;
	_ =	sdelay $0x4  }
0x3a4: {  	[tilespmem:s16+$0x1CF10] =	vst v1  }
0x3a5: {  	v1 =	vld.idx.msk [tilespmem:v0+s16+$0xFFFFFFB0 ss:$0x1], $0xffff;
	_ =	sdelay $0x7  }
0x3a6: {  	v1 =	vld.idx.msk [tilespmem:v1+s30+$0x0], $0xffff;
	_ =	sdelay $0x4  }
0x3a7: {  	[tilespmem:s16+$0x1CF20] =	vst v1  }
0x3a8: {  	v1 =	vld.idx.msk [tilespmem:v0+s16+$0xFFFFFFC0 ss:$0x1], $0xffff;
	_ =	sdelay $0x7  }
0x3a9: {  	v1 =	vld.idx.msk [tilespmem:v1+s30+$0x0], $0xffff;
	_ =	sdelay $0x4  }
0x3aa: {  	[tilespmem:s16+$0x1CF30] =	vst v1  }
0x3ab: {  	v1 =	vld.idx.msk [tilespmem:v0+s16+$0xFFFFFFD0 ss:$0x1], $0xffff;
	_ =	sdelay $0x7  }
0x3ac: {  	v1 =	vld.idx.msk [tilespmem:v1+s30+$0x0], $0xffff;
	_ =	sdelay $0x4  }
0x3ad: {  	[tilespmem:s16+$0x1CF40] =	vst v1  }
0x3ae: {  	v1 =	vld.idx.msk [tilespmem:v0+s16+$0xFFFFFFE0 ss:$0x1], $0xffff;
	_ =	sdelay $0x7  }
0x3af: {  	v1 =	vld.idx.msk [tilespmem:v1+s30+$0x0], $0xffff;
	_ =	sdelay $0x4  }
0x3b0: {  	[tilespmem:s16+$0x1CF50] =	vst v1  }
0x3b1: {  	v1 =	vld.idx.msk [tilespmem:v0+s16+$0xFFFFFFF0 ss:$0x1], $0xffff;
	_ =	sdelay $0x7  }
0x3b2: {  	v1 =	vld.idx.msk [tilespmem:v1+s30+$0x0], $0xffff;
	_ =	sdelay $0x4  }
0x3b3: {  	[tilespmem:s16+$0x1CF60] =	vst v1  }
0x3b4: {  	v1 =	vld.idx.msk [tilespmem:v0+s16+$0x0 ss:$0x1], $0xffff;
	_ =	sdelay $0x7  }
0x3b5: {  	p0 =	sne.s32 s15, $0x1E00;
	v1 =	vld.idx.msk [tilespmem:v1+s30+$0x0], $0xffff  }
.Ltmp31:
0x3b6: {  	_ = 	snop;
	(pc) =	sbr.rel @p0 .LBB2_65-.Ltmp31, $2  }
0x3b7: {  	_ =	sdelay $0x2  }
0x3b8: {  	s15 =	sadd.s32 $0x200, s15;
	[tilespmem:s16+$0x1CF70] =	vst v1  }
0x3b9: {  	s9 =	sadd.s32 $0x1, s9  }
0x3ba: {  	p0 =	sne.s32 s9, $0x4  }
.Ltmp32:
0x3bb: {  	s14 =	sshll.u32 s14, $0xE;
	(pc) =	sbr.rel @p0 .LBB2_62-.Ltmp32, $4  }
0x3bc: {  	s14 =	sadd.s32 s10, s14  }
0x3bd: {  	s14 =	sshrl.u32 s14, $0x3  }
0x3be: {  	s11 =	sadd.s32 $0x1000, s11;
	s13 =	sadd.s32 $0x1000, s13;
	s14 =	sadd.s32 s24, s14  }
0x3bf: {  	[hbm4b:s14+s28] =	stream.strided.scatter [tilespmem:s4], [sflag:$0x2], $0x800, s29, s28, $0x38;
	[tilespmem:$0x1D700] =	vst v63  }
0x3c0: {  	[tilespmem:s30], [sflag:$0x3] =	stream.strided.gather [hbm4b:s22+s28], $0x18700, s29, s28, $0x38;
	[tilespmem:$0x1D700] =	vst v63  }
0x3c1: {  	_ =	swait.ge [sflag:s31], $0x18700  }
0x3c2: {  	[sflag:s31] =	ssyncset.done $0x0  }
0x3c3: {  	[sflag:s31] =	ssyncadd.s32 $0xFFFE7900  }
0x3c4: {  	_ =	swait.ge [sflag:s0], $0x800  }
0x3c5: {  	[sflag:s0] =	ssyncset.done $0x0  }
0x3c6: {  	[sflag:s0] =	ssyncadd.s32 $0xFFFFF800  }
0x3c7: {  	_ =	swait.ge [sflag:s1], $0x800  }
0x3c8: {  	s9 =	simm.s32 $0x0;
	[sflag:s1] =	ssyncset.done $0x0  }
0x3c9: {  	s11 =	simm.s32 $0x70;
	s13 =	simm.s32 $0x870;
	[sflag:s1] =	ssyncadd.s32 $0xFFFFF800  }
.LBB2_68:
0x3ca: {  	p0 =	seq.s32 s9, $0x0  }
0x3cb: {  	v0 =	vmov s11;
	s14 =	simm.s32 @!p0 $0x1  }
0x3cc: {  	_ =	swait.ge @!p0 [sflag:s14], $0x800  }
0x3cd: {  	[sflag:s14] =	ssyncset.done @!p0 $0x0  }
0x3ce: {  	[sflag:s14] =	ssyncadd.s32 @!p0 $0xFFFFF800;
	s14 =	simm.s32 $0x0  }
.LBB2_69:
0x3cf: {  	s15 =	sshra.s32 s14, $0x2  }
0x3d0: {  	v1 =	vld.idx.msk [tilespmem:v0+s15+$0xFFFFFF90 ss:$0x1], $0xffff;
	_ =	sdelay $0x7  }
0x3d1: {  	v1 =	vld.idx.msk [tilespmem:v1+s30+$0x0], $0xffff;
	_ =	sdelay $0x4  }
0x3d2: {  	[tilespmem:s15+$0x1C700] =	vst v1  }
0x3d3: {  	v1 =	vld.idx.msk [tilespmem:v0+s15+$0xFFFFFFA0 ss:$0x1], $0xffff;
	_ =	sdelay $0x7  }
0x3d4: {  	v1 =	vld.idx.msk [tilespmem:v1+s30+$0x0], $0xffff;
	_ =	sdelay $0x4  }
0x3d5: {  	[tilespmem:s15+$0x1C710] =	vst v1  }
0x3d6: {  	v1 =	vld.idx.msk [tilespmem:v0+s15+$0xFFFFFFB0 ss:$0x1], $0xffff;
	_ =	sdelay $0x7  }
0x3d7: {  	v1 =	vld.idx.msk [tilespmem:v1+s30+$0x0], $0xffff;
	_ =	sdelay $0x4  }
0x3d8: {  	[tilespmem:s15+$0x1C720] =	vst v1  }
0x3d9: {  	v1 =	vld.idx.msk [tilespmem:v0+s15+$0xFFFFFFC0 ss:$0x1], $0xffff;
	_ =	sdelay $0x7  }
0x3da: {  	v1 =	vld.idx.msk [tilespmem:v1+s30+$0x0], $0xffff;
	_ =	sdelay $0x4  }
0x3db: {  	[tilespmem:s15+$0x1C730] =	vst v1  }
0x3dc: {  	v1 =	vld.idx.msk [tilespmem:v0+s15+$0xFFFFFFD0 ss:$0x1], $0xffff;
	_ =	sdelay $0x7  }
0x3dd: {  	v1 =	vld.idx.msk [tilespmem:v1+s30+$0x0], $0xffff;
	_ =	sdelay $0x4  }
0x3de: {  	[tilespmem:s15+$0x1C740] =	vst v1  }
0x3df: {  	v1 =	vld.idx.msk [tilespmem:v0+s15+$0xFFFFFFE0 ss:$0x1], $0xffff;
	_ =	sdelay $0x7  }
0x3e0: {  	v1 =	vld.idx.msk [tilespmem:v1+s30+$0x0], $0xffff;
	_ =	sdelay $0x4  }
0x3e1: {  	[tilespmem:s15+$0x1C750] =	vst v1  }
0x3e2: {  	v1 =	vld.idx.msk [tilespmem:v0+s15+$0xFFFFFFF0 ss:$0x1], $0xffff;
	_ =	sdelay $0x7  }
0x3e3: {  	v1 =	vld.idx.msk [tilespmem:v1+s30+$0x0], $0xffff;
	_ =	sdelay $0x4  }
0x3e4: {  	[tilespmem:s15+$0x1C760] =	vst v1  }
0x3e5: {  	v1 =	vld.idx.msk [tilespmem:v0+s15+$0x0 ss:$0x1], $0xffff;
	_ =	sdelay $0x7  }
0x3e6: {  	p1 =	sne.s32 s14, $0x1E00;
	v1 =	vld.idx.msk [tilespmem:v1+s30+$0x0], $0xffff  }
.Ltmp33:
0x3e7: {  	_ = 	snop;
	(pc) =	sbr.rel @p1 .LBB2_69-.Ltmp33, $2  }
0x3e8: {  	_ =	sdelay $0x2  }
0x3e9: {  	s14 =	sadd.s32 $0x200, s14;
	[tilespmem:s15+$0x1C770] =	vst v1  }
0x3ea: {  	s14 =	sshll.u32 s9, $0xF  }
0x3eb: {  	s14 =	sadd.s32 s12, s14  }
0x3ec: {  	s14 =	sshrl.u32 s14, $0x3  }
0x3ed: {  	s15 =	simm.s32 @!p0 $0x2;
	s14 =	sadd.s32 s24, s14  }
0x3ee: {  	v0 =	vmov s13;
	[hbm4b:s14+s28] =	stream.strided.scatter [tilespmem:s2], [sflag:$0x1], $0x800, s29, s28, $0x38;
	[tilespmem:$0x1D700] =	vst v63  }
0x3ef: {  	_ =	swait.ge @!p0 [sflag:s15], $0x800  }
0x3f0: {  	[sflag:s15] =	ssyncset.done @!p0 $0x0  }
0x3f1: {  	s14 =	sshllo.u32 s9, $0x1;
	[sflag:s15] =	ssyncadd.s32 @!p0 $0xFFFFF800;
	s15 =	simm.s32 $0x0  }
.LBB2_71:
0x3f2: {  	s16 =	sshra.s32 s15, $0x2  }
0x3f3: {  	v1 =	vld.idx.msk [tilespmem:v0+s16+$0xFFFFFF90 ss:$0x1], $0xffff;
	_ =	sdelay $0x7  }
0x3f4: {  	v1 =	vld.idx.msk [tilespmem:v1+s30+$0x0], $0xffff;
	_ =	sdelay $0x4  }
0x3f5: {  	[tilespmem:s16+$0x1CF00] =	vst v1  }
0x3f6: {  	v1 =	vld.idx.msk [tilespmem:v0+s16+$0xFFFFFFA0 ss:$0x1], $0xffff;
	_ =	sdelay $0x7  }
0x3f7: {  	v1 =	vld.idx.msk [tilespmem:v1+s30+$0x0], $0xffff;
	_ =	sdelay $0x4  }
0x3f8: {  	[tilespmem:s16+$0x1CF10] =	vst v1  }
0x3f9: {  	v1 =	vld.idx.msk [tilespmem:v0+s16+$0xFFFFFFB0 ss:$0x1], $0xffff;
	_ =	sdelay $0x7  }
0x3fa: {  	v1 =	vld.idx.msk [tilespmem:v1+s30+$0x0], $0xffff;
	_ =	sdelay $0x4  }
0x3fb: {  	[tilespmem:s16+$0x1CF20] =	vst v1  }
0x3fc: {  	v1 =	vld.idx.msk [tilespmem:v0+s16+$0xFFFFFFC0 ss:$0x1], $0xffff;
	_ =	sdelay $0x7  }
0x3fd: {  	v1 =	vld.idx.msk [tilespmem:v1+s30+$0x0], $0xffff;
	_ =	sdelay $0x4  }
0x3fe: {  	[tilespmem:s16+$0x1CF30] =	vst v1  }
0x3ff: {  	v1 =	vld.idx.msk [tilespmem:v0+s16+$0xFFFFFFD0 ss:$0x1], $0xffff;
	_ =	sdelay $0x7  }
0x400: {  	v1 =	vld.idx.msk [tilespmem:v1+s30+$0x0], $0xffff;
	_ =	sdelay $0x4  }
0x401: {  	[tilespmem:s16+$0x1CF40] =	vst v1  }
0x402: {  	v1 =	vld.idx.msk [tilespmem:v0+s16+$0xFFFFFFE0 ss:$0x1], $0xffff;
	_ =	sdelay $0x7  }
0x403: {  	v1 =	vld.idx.msk [tilespmem:v1+s30+$0x0], $0xffff;
	_ =	sdelay $0x4  }
0x404: {  	[tilespmem:s16+$0x1CF50] =	vst v1  }
0x405: {  	v1 =	vld.idx.msk [tilespmem:v0+s16+$0xFFFFFFF0 ss:$0x1], $0xffff;
	_ =	sdelay $0x7  }
0x406: {  	v1 =	vld.idx.msk [tilespmem:v1+s30+$0x0], $0xffff;
	_ =	sdelay $0x4  }
0x407: {  	[tilespmem:s16+$0x1CF60] =	vst v1  }
0x408: {  	v1 =	vld.idx.msk [tilespmem:v0+s16+$0x0 ss:$0x1], $0xffff;
	_ =	sdelay $0x7  }
0x409: {  	p0 =	sne.s32 s15, $0x1E00;
	v1 =	vld.idx.msk [tilespmem:v1+s30+$0x0], $0xffff  }
.Ltmp34:
0x40a: {  	_ = 	snop;
	(pc) =	sbr.rel @p0 .LBB2_71-.Ltmp34, $2  }
0x40b: {  	_ =	sdelay $0x2  }
0x40c: {  	s15 =	sadd.s32 $0x200, s15;
	[tilespmem:s16+$0x1CF70] =	vst v1  }
0x40d: {  	s9 =	sadd.s32 $0x1, s9  }
0x40e: {  	p0 =	sne.s32 s9, $0x4  }
.Ltmp35:
0x40f: {  	s14 =	sshll.u32 s14, $0xE;
	(pc) =	sbr.rel @p0 .LBB2_68-.Ltmp35, $4  }
0x410: {  	s14 =	sadd.s32 s12, s14  }
0x411: {  	s14 =	sshrl.u32 s14, $0x3  }
0x412: {  	s11 =	sadd.s32 $0x1000, s11;
	s13 =	sadd.s32 $0x1000, s13;
	s14 =	sadd.s32 s24, s14  }
0x413: {  	[hbm4b:s14+s28] =	stream.strided.scatter [tilespmem:s4], [sflag:$0x2], $0x800, s29, s28, $0x38;
	[tilespmem:$0x1D700] =	vst v63  }
0x414: {  	s3 =	sadd.s32 $0x1, s3  }
0x415: {  	_ =	swait.ge [sflag:s0], $0x800;
	p0 =	sne.s32 s3, s25  }
.Ltmp36:
0x416: {  	[sflag:s0] =	ssyncset.done $0x0;
	(pc) =	sbr.rel @p0 .LBB2_1-.Ltmp36, $4  }
0x417: {  	[sflag:s0] =	ssyncadd.s32 $0xFFFFF800  }
0x418: {  	_ =	swait.ge [sflag:s1], $0x800  }
0x419: {  	[sflag:s1] =	ssyncset.done $0x0  }
0x41a: {  	[sflag:s1] =	ssyncadd.s32 $0xFFFFF800  }
0x41b: {  	_ =	sfence.sel $0x180000  }
0x41c: {  	[bflag:$0x0] =	sbarrier.arrive $0xFFFF  }
0x41d: {  	_ =	strace $0x90000047  }
0x41e: {  	s0 =	stileid.u32;
	[bflag:$0x2] =	sbarrier.arrive $0xFFFF  }
0x41f: {  	p0 =	sne.s32 s0, $0x0;
	s0 =	rddreg [dreg:$0x9]  }
0x420: {  	s0 =	sadd.s32 @!p0 $0x100000, s0  }
0x421: {  	[sflag:s0] =	ssyncadd.tile.s32 @!p0 $0x1;
	_ =	shalt  }
.Lfunc_end2:
_tile_overlayer_lowered:
.L_overlay_start_2:
0x422: {  	(tag) =	ssettag $0x2  }
0x423: {  	s0 =	rddreg [dreg:$0x0];
	s2 =	stileid.u32  }
0x424: {  	s1 =	rddreg [dreg:$0x1];
	p0 =	sne.s32 s2, $0x0  }
0x425: {  	s3 =	rddreg [dreg:$0x2];
	[bflag:$0x3] =	sbarrier.arrive $0xFFFF;
	s2 =	simm.s32 @!p0 $0x1C04  }
0x426: {  	[timem:s3], [sflag:s2] =	dma.local @!p0 [hbm:s0], s1  }
0x427: {  	s0 =	simm.s32 @!p0 $0x4  }
0x428: {  	_ =	swait.ge @!p0 [sflag:s0], s1  }
0x429: {  	s1 =	ssub.s32 @!p0 $0x0, s1;
	[sflag:s0] =	ssyncset.done @!p0 $0x0  }
0x42a: {  	[sflag:s0] =	ssyncadd.s32 @!p0 s1  }
0x42b: {  	[bflag:$0x3] =	sbarrier.arrive $0xFFFF  }
0x42c: {  	_ =	shalt  }

</sc_bundles>
